<compile_context>
chip_gen: v7x
topology: tpu7x:2x2x1
jax: 0.10.2.dev20260603
libtpu: 0.0.44.dev20260713+nightly
codegen_flags: <defaults>
</compile_context>

<pallas_src>
import functools

import jax
import jax.numpy as jnp
from jax import lax
from jax.experimental import pallas as pl
from jax.experimental.pallas import tpu as pltpu
from jax.experimental.pallas import tpu_sc as plsc

D = 128
ROW_BLK = 5000
N_PAD_SC = 10240
NC = 2
NS = 16
NW = NC * NS
WIN = 128



def _worker_span(wid, tw):
    q4 = tw // 4
    base = q4 // NW
    extra = q4 - NW * base
    w0 = 4 * (wid * base + jnp.minimum(wid, extra))
    nwin = 4 * (base + (wid < extra).astype(jnp.int32))
    return w0, nwin


def _sc_degree(n, n_pad, tw):
    rows_per_sub = n_pad // NS
    mesh = plsc.VectorSubcoreMesh(core_axis_name="c", subcore_axis_name="s")

    @functools.partial(
        pl.kernel,
        mesh=mesh,
        out_type=jax.ShapeDtypeStruct((NC, n_pad), jnp.float32),
        scratch_types=[
            pltpu.VMEM((4, 2, WIN), jnp.int32),
            pltpu.VMEM((WIN,), jnp.float32),
            pltpu.VMEM((n_pad // NS,), jnp.float32),
            pltpu.SemaphoreType.DMA,
            pltpu.VMEM_SHARED((n_pad,), jnp.float32),
        ],
    )
    def deg_kernel(edges_hbm, out_hbm, exi, ones_v, zeros_v, sem_x, acc):
        cid = lax.axis_index("c")
        sid = lax.axis_index("s")
        wid = sid * NC + cid
        w0, nwin = _worker_span(wid, tw)

        def load_w(g, slot):
            pltpu.async_copy(
                edges_hbm.at[:, pl.ds((w0 + g) * WIN, WIN)], exi.at[slot],
                sem_x)

        def wait_w(g, slot):
            pltpu.make_async_copy(
                edges_hbm.at[:, pl.ds((w0 + g) * WIN, WIN)], exi.at[slot],
                sem_x).wait()

        one = jnp.full((16,), 1.0, dtype=jnp.float32)
        zero = jnp.zeros((16,), dtype=jnp.float32)
        for i in range(WIN // 16):
            ones_v[pl.ds(i * 16, 16)] = one

        def fill_zero(i, _):
            zeros_v[pl.ds(i * 16, 16)] = zero
            return _

        lax.fori_loop(0, rows_per_sub // 16, fill_zero, None)
        for k in range(4):
            load_w(k, k)
        pltpu.sync_copy(zeros_v, acc.at[pl.ds(sid * rows_per_sub, rows_per_sub)])
        plsc.subcore_barrier()

        def body(t, _):
            for k in range(4):
                j = t * 4 + k
                wait_w(j, k)
                pltpu.sync_copy(ones_v, acc.at[exi.at[k, 1]], add=True)

                @pl.when(j + 4 < nwin)
                def _pref():
                    load_w(j + 4, k)
            return _

        lax.fori_loop(0, nwin // 4, body, None)
        plsc.subcore_barrier()
        pltpu.sync_copy(
            acc.at[pl.ds(sid * rows_per_sub, rows_per_sub)],
            out_hbm.at[cid, pl.ds(sid * rows_per_sub, rows_per_sub)],
        )

    return deg_kernel


def _sc_aggregate(n, n_pad, tw):
    row_chunk = (n // NS) & ~7
    row_rem = n - NS * row_chunk
    mesh = plsc.VectorSubcoreMesh(core_axis_name="c", subcore_axis_name="s")

    @functools.partial(
        pl.kernel,
        mesh=mesh,
        out_type=[jax.ShapeDtypeStruct((n, D), jnp.float32)] * NC,
        scratch_types=[
            pltpu.VMEM((4, 2, WIN), jnp.int32),
            pltpu.VMEM((WIN, D), jnp.float32),
            pltpu.VMEM((WIN, D), jnp.float32),
            pltpu.SemaphoreType.DMA,
            pltpu.SemaphoreType.DMA,
            pltpu.SemaphoreType.DMA,
            pltpu.VMEM_SHARED((n_pad, D), jnp.float32),
        ],
    )
    def agg_kernel(xt_hbm, edges_hbm, out0_hbm, out1_hbm,
                   exi, buf0, buf1, sem_g, sem_x, sem_i, acc):
        bufs = (buf0, buf1)
        cid = lax.axis_index("c")
        sid = lax.axis_index("s")
        wid = sid * NC + cid
        w0, nwin = _worker_span(wid, tw)
        base = sid * row_chunk
        init = pltpu.async_copy(xt_hbm.at[pl.ds(base, row_chunk)],
                                acc.at[pl.ds(base, row_chunk)], sem_i)
        if row_rem:
            @pl.when(sid == NS - 1)
            def _init_tail():
                pltpu.sync_copy(xt_hbm.at[pl.ds(NS * row_chunk, row_rem)],
                                acc.at[pl.ds(NS * row_chunk, row_rem)])

        def load_w(g, slot):
            pltpu.async_copy(
                edges_hbm.at[:, pl.ds((w0 + g) * WIN, WIN)], exi.at[slot],
                sem_x)

        def wait_w(g, slot):
            pltpu.make_async_copy(
                edges_hbm.at[:, pl.ds((w0 + g) * WIN, WIN)], exi.at[slot],
                sem_x).wait()

        def gather(slot, b):
            pltpu.async_copy(xt_hbm.at[exi.at[slot, 0]], bufs[b], sem_g)

        def wait_gather(slot, b):
            pltpu.make_async_copy(xt_hbm.at[exi.at[slot, 0]], bufs[b],
                                  sem_g).wait()

        load_w(0, 0)
        load_w(1, 1)
        wait_w(0, 0)
        gather(0, 0)
        load_w(2, 2)
        wait_w(1, 1)
        gather(1, 1)
        load_w(3, 3)
        init.wait()
        plsc.subcore_barrier()

        def body(t, _):
            for k in range(4):
                j = t * 4 + k
                b = k % 2
                wait_gather(k, b)
                pltpu.sync_copy(bufs[b], acc.at[exi.at[k, 1]], add=True)

                @pl.when(j + 4 < nwin)
                def _pref_idx():
                    load_w(j + 4, k)

                @pl.when(j + 2 < nwin)
                def _pref_gather():
                    k2 = (k + 2) % 4
                    wait_w(j + 2, k2)
                    gather(k2, b)
            return _

        lax.fori_loop(0, nwin // 4, body, None)
        plsc.subcore_barrier()

        def emit(out_hbm):
            pltpu.sync_copy(acc.at[pl.ds(base, row_chunk)],
                            out_hbm.at[pl.ds(base, row_chunk)])
            if row_rem:
                @pl.when(sid == NS - 1)
                def _tail():
                    pltpu.sync_copy(acc.at[pl.ds(NS * row_chunk, row_rem)],
                                    out_hbm.at[pl.ds(NS * row_chunk, row_rem)])

        @pl.when(cid == 0)
        def _out0():
            emit(out0_hbm)

        @pl.when(cid == 1)
        def _out1():
            emit(out1_hbm)

    return agg_kernel



def _tc_first(n):
    grid = (n // ROW_BLK,)

    def body(x_ref, w_ref, degp_ref, xt_ref, dis_ref):
        deg = degp_ref[:, 0:1] + degp_ref[:, 1:2] + 1.0
        dis = lax.rsqrt(deg)
        xw = jnp.dot(x_ref[...], w_ref[...], preferred_element_type=jnp.float32)
        xt_ref[...] = dis * xw
        dis_ref[...] = dis

    return pl.pallas_call(
        body,
        grid=grid,
        in_specs=[
            pl.BlockSpec((ROW_BLK, D), lambda i: (i, 0)),
            pl.BlockSpec((D, D), lambda i: (0, 0)),
            pl.BlockSpec((ROW_BLK, NC), lambda i: (i, 0)),
        ],
        out_specs=[
            pl.BlockSpec((ROW_BLK, D), lambda i: (i, 0)),
            pl.BlockSpec((ROW_BLK, 1), lambda i: (i, 0)),
        ],
        out_shape=[
            jax.ShapeDtypeStruct((n, D), jnp.float32),
            jax.ShapeDtypeStruct((n, 1), jnp.float32),
        ],
    )


def _tc_mid(n, relu, want_pre):
    grid = (n // ROW_BLK,)

    def body(a0_ref, a1_ref, xt_ref, dis_ref, b_ref, w_ref, *outs):
        s = a0_ref[...] + a1_ref[...] - xt_ref[...]
        pre = dis_ref[...] * s + b_ref[...]
        if relu:
            pre = jnp.maximum(pre, 0.0)
        nxt = dis_ref[...] * jnp.dot(
            pre, w_ref[...], preferred_element_type=jnp.float32)
        if want_pre:
            outs[0][...] = pre
            outs[1][...] = nxt
        else:
            outs[0][...] = nxt

    n_out = 2 if want_pre else 1
    return pl.pallas_call(
        body,
        grid=grid,
        in_specs=[
            pl.BlockSpec((ROW_BLK, D), lambda i: (i, 0)),
            pl.BlockSpec((ROW_BLK, D), lambda i: (i, 0)),
            pl.BlockSpec((ROW_BLK, D), lambda i: (i, 0)),
            pl.BlockSpec((ROW_BLK, 1), lambda i: (i, 0)),
            pl.BlockSpec((1, D), lambda i: (0, 0)),
            pl.BlockSpec((D, D), lambda i: (0, 0)),
        ],
        out_specs=[pl.BlockSpec((ROW_BLK, D), lambda i: (i, 0))] * n_out,
        out_shape=[jax.ShapeDtypeStruct((n, D), jnp.float32)] * n_out,
    )


def _tc_last(n):
    grid = (n // ROW_BLK,)

    def body(a0_ref, a1_ref, xt_ref, dis_ref, b_ref, xtemp_ref, out_ref):
        s = a0_ref[...] + a1_ref[...] - xt_ref[...]
        h = jnp.maximum(dis_ref[...] * s + b_ref[...], 0.0)
        out_ref[...] = h + xtemp_ref[...]

    return pl.pallas_call(
        body,
        grid=grid,
        in_specs=[
            pl.BlockSpec((ROW_BLK, D), lambda i: (i, 0)),
            pl.BlockSpec((ROW_BLK, D), lambda i: (i, 0)),
            pl.BlockSpec((ROW_BLK, D), lambda i: (i, 0)),
            pl.BlockSpec((ROW_BLK, 1), lambda i: (i, 0)),
            pl.BlockSpec((1, D), lambda i: (0, 0)),
            pl.BlockSpec((ROW_BLK, D), lambda i: (i, 0)),
        ],
        out_specs=pl.BlockSpec((ROW_BLK, D), lambda i: (i, 0)),
        out_shape=jax.ShapeDtypeStruct((n, D), jnp.float32),
    )



def kernel(x, edge_index, W0, b0, W1, b1, W2, b2):
    n = x.shape[0]
    e = edge_index.shape[1]
    n_pad = N_PAD_SC
    assert n % ROW_BLK == 0 and n % NS == 0 and n < n_pad and n_pad % NS == 0
    assert e % (4 * WIN) == 0
    tw = e // WIN
    edges = edge_index.astype(jnp.int32)

    degp = _sc_degree(n, n_pad, tw)(edges)
    degp_t = degp.T

    agg = _sc_aggregate(n, n_pad, tw)
    xt0, dis = _tc_first(n)(x, W0, degp_t)
    a0, a1 = agg(xt0, edges)
    x_temp, xt1 = _tc_mid(n, relu=False, want_pre=True)(
        a0, a1, xt0, dis, b0.reshape(1, D), W1)
    a0, a1 = agg(xt1, edges)
    (xt2,) = _tc_mid(n, relu=True, want_pre=False)(
        a0, a1, xt1, dis, b1.reshape(1, D), W2)
    a0, a1 = agg(xt2, edges)
    return _tc_last(n)(a0, a1, xt2, dis, b2.reshape(1, D), x_temp)

# --- scband reference (transcript-rebuilt; emitter-appended) ---
"""Pipeline reference for scband-gcnblock-1254130450890 (READ-ONLY COPY).

The authoritative reference and input builder live on the scoring server;
editing this copy changes nothing except your own understanding.
"""

import jax, jax.numpy as jnp
import numpy as np

N_NODES = 10000
D = 128
N_EDGES = 320000


def gcn_conv(x, edge_index, W, b):
    """Faithful PyG GCNConv: add self-loops, symmetric normalization, linear, scatter-add, bias."""
    N = x.shape[0]
    loop = jnp.arange(N, dtype=edge_index.dtype)
    src = jnp.concatenate([edge_index[0], loop])
    dst = jnp.concatenate([edge_index[1], loop])
    # degree on destination nodes with unit edge weights
    deg = jnp.zeros((N,), dtype=x.dtype).at[dst].add(1.0)
    deg_inv_sqrt = jnp.where(deg > 0, deg ** -0.5, 0.0)
    norm = deg_inv_sqrt[src] * deg_inv_sqrt[dst]
    xw = x @ W
    msgs = jnp.take(xw, src, axis=0) * norm[:, None]
    out = jnp.zeros_like(xw).at[dst].add(msgs)
    return out + b


def setup_inputs(seed: int = 0) -> dict:
    key = jax.random.key(seed)
    ks = jax.random.split(key, 8)
    x = jax.random.normal(ks[0], (N_NODES, D), dtype=jnp.float32)
    edge_index = jax.random.randint(ks[1], (2, N_EDGES), 0, N_NODES, dtype=jnp.int64)
    scale = 1.0 / np.sqrt(D)
    W0 = jax.random.normal(ks[2], (D, D), dtype=jnp.float32) * scale
    b0 = jnp.zeros((D,), dtype=jnp.float32)
    W1 = jax.random.normal(ks[3], (D, D), dtype=jnp.float32) * scale
    b1 = jnp.zeros((D,), dtype=jnp.float32)
    W2 = jax.random.normal(ks[4], (D, D), dtype=jnp.float32) * scale
    b2 = jnp.zeros((D,), dtype=jnp.float32)
    return {"x": x, "edge_index": edge_index, "W0": W0, "b0": b0, "W1": W1, "b1": b1, "W2": W2, "b2": b2}


def reference(x, edge_index, W0, b0, W1, b1, W2, b2):
    # GCNBlock.forward with n_layers=3, sum_res=True, act=relu
    x_temp = gcn_conv(x, edge_index, W0, b0)
    h = x_temp
    h = gcn_conv(h, edge_index, W1, b1)
    h = jax.nn.relu(h)
    h = gcn_conv(h, edge_index, W2, b2)
    h = jax.nn.relu(h)
    return h + x_temp

if __name__ == "__main__":
    import jax
    _d = setup_inputs()
    print(jax.jit(kernel)(*tuple(_d.values())))

</pallas_src>

<mosaic_0001>
#map = affine_map<(d0, d1) -> (0, 0)>
module attributes {stable_mosaic.version = 14 : i64} {
  func.func @agg_kernel(%arg0: i32, %arg1: i32, %arg2: memref<10000x128xf32, #tpu.memory_space<hbm>>, %arg3: memref<2x320000xi32, #tpu.memory_space<hbm>>, %arg4: memref<10000x128xf32, #tpu.memory_space<hbm>>, %arg5: memref<10000x128xf32, #tpu.memory_space<hbm>>, %arg6: memref<4x2x128xi32, #tpu.memory_space<vmem>>, %arg7: memref<128x128xf32, #tpu.memory_space<vmem>>, %arg8: memref<128x128xf32, #tpu.memory_space<vmem>>, %arg9: memref<!tpu.dma_semaphore, #tpu.memory_space<semaphore_mem>>, %arg10: memref<!tpu.dma_semaphore, #tpu.memory_space<semaphore_mem>>, %arg11: memref<!tpu.dma_semaphore, #tpu.memory_space<semaphore_mem>>, %arg12: memref<10240x128xf32, #tpu.memory_space<vmem_shared>>) attributes {dimension_semantics = [#tpu.dimension_semantics<core_parallel>, #tpu.dimension_semantics<subcore_parallel>], iteration_bounds = array<i64: 2, 16>, scalar_prefetch = 0 : i64, scratch_operands = 7 : i64, tpu.core_type = #tpu.core_type<sc_vector_subcore>, window_params = [{transform_indices = #map}, {transform_indices = #map}, {transform_indices = #map}, {transform_indices = #map}]} {
    %mul3A = arith.constant 2 : i32
    %mul3A_0 = arith.muli %arg1, %mul3A : i32
    %add3A = arith.addi %mul3A_0, %arg0 : i32
    %mul3A_1 = arith.constant 19 : i32
    %mul3A_2 = arith.muli %add3A, %mul3A_1 : i32
    %min3A = arith.constant 17 : i32
    %min3A_3 = arith.minsi %add3A, %min3A : i32
    %add3A_4 = arith.addi %mul3A_2, %min3A_3 : i32
    %mul3A_5 = arith.constant 4 : i32
    %mul3A_6 = arith.muli %mul3A_5, %add3A_4 : i32
    %lt3A = arith.constant 17 : i32
    %lt3A_7 = arith.cmpi slt, %add3A, %lt3A : i32
    %convert_element_type3A = arith.extui %lt3A_7 : i1 to i32
    %add3A_8 = arith.constant 19 : i32
    %add3A_9 = arith.addi %add3A_8, %convert_element_type3A : i32
    %mul3A_10 = arith.constant 4 : i32
    %mul3A_11 = arith.muli %mul3A_10, %add3A_9 : i32
    %mul3A_12 = arith.constant 624 : i32
    %mul3A_13 = arith.muli %arg1, %mul3A_12 : i32
    %dma_start3A = arith.constant 0 : i32
    %dma_start3A_14 = tpu.memref_slice %arg12[%mul3A_13, %dma_start3A] : memref<10240x128xf32, #tpu.memory_space<vmem_shared>> -> memref<624x128xf32, #tpu.memory_space<vmem_shared>>
    %dma_start3A_15 = arith.constant 0 : i32
    %dma_start3A_16 = tpu.memref_slice %arg2[%mul3A_13, %dma_start3A_15] : memref<10000x128xf32, #tpu.memory_space<hbm>> -> memref<624x128xf32, #tpu.memory_space<hbm>>
    tpu.enqueue_dma source(%dma_start3A_16 : memref<624x128xf32, #tpu.memory_space<hbm>>) target(%dma_start3A_14 : memref<624x128xf32, #tpu.memory_space<vmem_shared>>) target_semaphore(%arg11 : memref<!tpu.dma_semaphore, #tpu.memory_space<semaphore_mem>>)
    %eq3A = arith.constant 15 : i32
    %eq3A_17 = arith.cmpi eq, %arg1, %eq3A : i32
    %convert_element_type3A_18 = arith.extui %eq3A_17 : i1 to i32
    %cond3A = arith.constant 0 : i32
    %cond3A_19 = arith.cmpi ne, %convert_element_type3A_18, %cond3A : i32
    scf.if %cond3A_19 {
      "tpu.region"() ({
        %run_scoped3A = tpu.sem_alloc : memref<!tpu.dma_semaphore, #tpu.memory_space<semaphore_mem>>
        %dma_start3A_176 = arith.constant 9984 : i32
        %dma_start3A_177 = arith.constant 0 : i32
        %dma_start3A_178 = tpu.memref_slice %arg12[%dma_start3A_176, %dma_start3A_177] : memref<10240x128xf32, #tpu.memory_space<vmem_shared>> -> memref<16x128xf32, #tpu.memory_space<vmem_shared>>
        %dma_start3A_179 = arith.constant 9984 : i32
        %dma_start3A_180 = arith.constant 0 : i32
        %dma_start3A_181 = tpu.memref_slice %arg2[%dma_start3A_179, %dma_start3A_180] : memref<10000x128xf32, #tpu.memory_space<hbm>> -> memref<16x128xf32, #tpu.memory_space<hbm>>
        tpu.enqueue_dma source(%dma_start3A_181 : memref<16x128xf32, #tpu.memory_space<hbm>>) target(%dma_start3A_178 : memref<16x128xf32, #tpu.memory_space<vmem_shared>>) target_semaphore(%run_scoped3A : memref<!tpu.dma_semaphore, #tpu.memory_space<semaphore_mem>>)
        %dma_wait3A_182 = arith.constant 9984 : i32
        %dma_wait3A_183 = arith.constant 0 : i32
        %dma_wait3A_184 = tpu.memref_slice %arg12[%dma_wait3A_182, %dma_wait3A_183] : memref<10240x128xf32, #tpu.memory_space<vmem_shared>> -> memref<16x128xf32, #tpu.memory_space<vmem_shared>>
        %dma_wait3A_185 = arith.constant 9984 : i32
        %dma_wait3A_186 = arith.constant 0 : i32
        %dma_wait3A_187 = tpu.memref_slice %arg2[%dma_wait3A_185, %dma_wait3A_186] : memref<10000x128xf32, #tpu.memory_space<hbm>> -> memref<16x128xf32, #tpu.memory_space<hbm>>
        tpu.wait_dma2 semaphore(%run_scoped3A : memref<!tpu.dma_semaphore, #tpu.memory_space<semaphore_mem>>) src(%dma_wait3A_187 : memref<16x128xf32, #tpu.memory_space<hbm>>) dst(%dma_wait3A_184 : memref<16x128xf32, #tpu.memory_space<vmem_shared>>)
        tpu.yield
      }) : () -> ()
    } else {
    }
    %add3A_20 = arith.constant 0 : i32
    %add3A_21 = arith.addi %mul3A_6, %add3A_20 : i32
    %mul3A_22 = arith.constant 128 : i32
    %mul3A_23 = arith.muli %add3A_21, %mul3A_22 : i32
    %dma_start3A_24 = arith.constant 0 : i32
    %dma_start3A_25 = arith.constant 0 : i32
    %dma_start3A_26 = arith.constant 0 : i32
    %dma_start3A_27 = tpu.memref_slice %arg6[%dma_start3A_24, %dma_start3A_25, %dma_start3A_26] : memref<4x2x128xi32, #tpu.memory_space<vmem>> -> memref<1x2x128xi32, #tpu.memory_space<vmem>>
    %dma_start3A_28 = tpu.memref_squeeze %dma_start3A_27 : memref<1x2x128xi32, #tpu.memory_space<vmem>> -> memref<2x128xi32, #tpu.memory_space<vmem>>
    %dma_start3A_29 = arith.constant 0 : i32
    %dma_start3A_30 = tpu.memref_slice %arg3[%dma_start3A_29, %mul3A_23] : memref<2x320000xi32, #tpu.memory_space<hbm>> -> memref<2x128xi32, #tpu.memory_space<hbm>>
    %dma_start3A_31 = arith.constant 0 : i32
    %dma_start3A_32 = arith.constant 0 : i32
    %dma_start3A_33 = tpu.memref_slice %arg6[%dma_start3A_24, %dma_start3A_31, %dma_start3A_32] : memref<4x2x128xi32, #tpu.memory_space<vmem>> -> memref<1x2x128xi32, #tpu.memory_space<vmem>>
    %dma_start3A_34 = tpu.memref_squeeze %dma_start3A_33 : memref<1x2x128xi32, #tpu.memory_space<vmem>> -> memref<2x128xi32, #tpu.memory_space<vmem>>
    %dma_start3A_35 = arith.constant 0 : i32
    %dma_start3A_36 = tpu.memref_slice %arg3[%dma_start3A_35, %mul3A_23] : memref<2x320000xi32, #tpu.memory_space<hbm>> -> memref<2x128xi32, #tpu.memory_space<hbm>>
    tpu.enqueue_dma source(%dma_start3A_36 : memref<2x128xi32, #tpu.memory_space<hbm>>) target(%dma_start3A_34 : memref<2x128xi32, #tpu.memory_space<vmem>>) target_semaphore(%arg10 : memref<!tpu.dma_semaphore, #tpu.memory_space<semaphore_mem>>)
    %add3A_37 = arith.constant 1 : i32
    %add3A_38 = arith.addi %mul3A_6, %add3A_37 : i32
    %mul3A_39 = arith.constant 128 : i32
    %mul3A_40 = arith.muli %add3A_38, %mul3A_39 : i32
    %dma_start3A_41 = arith.constant 1 : i32
    %dma_start3A_42 = arith.constant 0 : i32
    %dma_start3A_43 = arith.constant 0 : i32
    %dma_start3A_44 = tpu.memref_slice %arg6[%dma_start3A_41, %dma_start3A_42, %dma_start3A_43] : memref<4x2x128xi32, #tpu.memory_space<vmem>> -> memref<1x2x128xi32, #tpu.memory_space<vmem>>
    %dma_start3A_45 = tpu.memref_squeeze %dma_start3A_44 : memref<1x2x128xi32, #tpu.memory_space<vmem>> -> memref<2x128xi32, #tpu.memory_space<vmem>>
    %dma_start3A_46 = arith.constant 0 : i32
    %dma_start3A_47 = tpu.memref_slice %arg3[%dma_start3A_46, %mul3A_40] : memref<2x320000xi32, #tpu.memory_space<hbm>> -> memref<2x128xi32, #tpu.memory_space<hbm>>
    %dma_start3A_48 = arith.constant 0 : i32
    %dma_start3A_49 = arith.constant 0 : i32
    %dma_start3A_50 = tpu.memref_slice %arg6[%dma_start3A_41, %dma_start3A_48, %dma_start3A_49] : memref<4x2x128xi32, #tpu.memory_space<vmem>> -> memref<1x2x128xi32, #tpu.memory_space<vmem>>
    %dma_start3A_51 = tpu.memref_squeeze %dma_start3A_50 : memref<1x2x128xi32, #tpu.memory_space<vmem>> -> memref<2x128xi32, #tpu.memory_space<vmem>>
    %dma_start3A_52 = arith.constant 0 : i32
    %dma_start3A_53 = tpu.memref_slice %arg3[%dma_start3A_52, %mul3A_40] : memref<2x320000xi32, #tpu.memory_space<hbm>> -> memref<2x128xi32, #tpu.memory_space<hbm>>
    tpu.enqueue_dma source(%dma_start3A_53 : memref<2x128xi32, #tpu.memory_space<hbm>>) target(%dma_start3A_51 : memref<2x128xi32, #tpu.memory_space<vmem>>) target_semaphore(%arg10 : memref<!tpu.dma_semaphore, #tpu.memory_space<semaphore_mem>>)
    %add3A_54 = arith.constant 0 : i32
    %add3A_55 = arith.addi %mul3A_6, %add3A_54 : i32
    %mul3A_56 = arith.constant 128 : i32
    %mul3A_57 = arith.muli %add3A_55, %mul3A_56 : i32
    %dma_wait3A = arith.constant 0 : i32
    %dma_wait3A_58 = arith.constant 0 : i32
    %dma_wait3A_59 = arith.constant 0 : i32
    %dma_wait3A_60 = tpu.memref_slice %arg6[%dma_wait3A, %dma_wait3A_58, %dma_wait3A_59] : memref<4x2x128xi32, #tpu.memory_space<vmem>> -> memref<1x2x128xi32, #tpu.memory_space<vmem>>
    %dma_wait3A_61 = tpu.memref_squeeze %dma_wait3A_60 : memref<1x2x128xi32, #tpu.memory_space<vmem>> -> memref<2x128xi32, #tpu.memory_space<vmem>>
    %dma_wait3A_62 = arith.constant 0 : i32
    %dma_wait3A_63 = tpu.memref_slice %arg3[%dma_wait3A_62, %mul3A_57] : memref<2x320000xi32, #tpu.memory_space<hbm>> -> memref<2x128xi32, #tpu.memory_space<hbm>>
    %dma_wait3A_64 = arith.constant 0 : i32
    %dma_wait3A_65 = arith.constant 0 : i32
    %dma_wait3A_66 = tpu.memref_slice %arg6[%dma_wait3A, %dma_wait3A_64, %dma_wait3A_65] : memref<4x2x128xi32, #tpu.memory_space<vmem>> -> memref<1x2x128xi32, #tpu.memory_space<vmem>>
    %dma_wait3A_67 = tpu.memref_squeeze %dma_wait3A_66 : memref<1x2x128xi32, #tpu.memory_space<vmem>> -> memref<2x128xi32, #tpu.memory_space<vmem>>
    %dma_wait3A_68 = arith.constant 0 : i32
    %dma_wait3A_69 = tpu.memref_slice %arg3[%dma_wait3A_68, %mul3A_57] : memref<2x320000xi32, #tpu.memory_space<hbm>> -> memref<2x128xi32, #tpu.memory_space<hbm>>
    tpu.wait_dma2 semaphore(%arg10 : memref<!tpu.dma_semaphore, #tpu.memory_space<semaphore_mem>>) src(%dma_wait3A_69 : memref<2x128xi32, #tpu.memory_space<hbm>>) dst(%dma_wait3A_67 : memref<2x128xi32, #tpu.memory_space<vmem>>)
    %dma_start3A_70 = arith.constant 0 : i32
    %dma_start3A_71 = arith.constant 0 : i32
    %dma_start3A_72 = arith.constant 0 : i32
    %dma_start3A_73 = tpu.memref_slice %arg6[%dma_start3A_70, %dma_start3A_71, %dma_start3A_72] : memref<4x2x128xi32, #tpu.memory_space<vmem>> -> memref<1x1x128xi32, #tpu.memory_space<vmem>>
    %dma_start3A_74 = tpu.memref_squeeze %dma_start3A_73 : memref<1x1x128xi32, #tpu.memory_space<vmem>> -> memref<128xi32, #tpu.memory_space<vmem>>
    %dma_start3A_75 = arith.constant 0 : i32
    %dma_start3A_76 = arith.constant 0 : i32
    %dma_start3A_77 = tpu.memref_slice %arg2[%dma_start3A_75, %dma_start3A_76] : memref<10000x128xf32, #tpu.memory_space<hbm>> -> memref<10000x128xf32, #tpu.memory_space<hbm>>
    tpu.enqueue_indirect_dma source(%dma_start3A_77 : memref<10000x128xf32, #tpu.memory_space<hbm>>) target(%arg7 : memref<128x128xf32, #tpu.memory_space<vmem>>) offsets(%dma_start3A_74 : memref<128xi32, #tpu.memory_space<vmem>>) semaphore(%arg9 : memref<!tpu.dma_semaphore, #tpu.memory_space<semaphore_mem>>)
    %add3A_78 = arith.constant 2 : i32
    %add3A_79 = arith.addi %mul3A_6, %add3A_78 : i32
    %mul3A_80 = arith.constant 128 : i32
    %mul3A_81 = arith.muli %add3A_79, %mul3A_80 : i32
    %dma_start3A_82 = arith.constant 2 : i32
    %dma_start3A_83 = arith.constant 0 : i32
    %dma_start3A_84 = arith.constant 0 : i32
    %dma_start3A_85 = tpu.memref_slice %arg6[%dma_start3A_82, %dma_start3A_83, %dma_start3A_84] : memref<4x2x128xi32, #tpu.memory_space<vmem>> -> memref<1x2x128xi32, #tpu.memory_space<vmem>>
    %dma_start3A_86 = tpu.memref_squeeze %dma_start3A_85 : memref<1x2x128xi32, #tpu.memory_space<vmem>> -> memref<2x128xi32, #tpu.memory_space<vmem>>
    %dma_start3A_87 = arith.constant 0 : i32
    %dma_start3A_88 = tpu.memref_slice %arg3[%dma_start3A_87, %mul3A_81] : memref<2x320000xi32, #tpu.memory_space<hbm>> -> memref<2x128xi32, #tpu.memory_space<hbm>>
    %dma_start3A_89 = arith.constant 0 : i32
    %dma_start3A_90 = arith.constant 0 : i32
    %dma_start3A_91 = tpu.memref_slice %arg6[%dma_start3A_82, %dma_start3A_89, %dma_start3A_90] : memref<4x2x128xi32, #tpu.memory_space<vmem>> -> memref<1x2x128xi32, #tpu.memory_space<vmem>>
    %dma_start3A_92 = tpu.memref_squeeze %dma_start3A_91 : memref<1x2x128xi32, #tpu.memory_space<vmem>> -> memref<2x128xi32, #tpu.memory_space<vmem>>
    %dma_start3A_93 = arith.constant 0 : i32
    %dma_start3A_94 = tpu.memref_slice %arg3[%dma_start3A_93, %mul3A_81] : memref<2x320000xi32, #tpu.memory_space<hbm>> -> memref<2x128xi32, #tpu.memory_space<hbm>>
    tpu.enqueue_dma source(%dma_start3A_94 : memref<2x128xi32, #tpu.memory_space<hbm>>) target(%dma_start3A_92 : memref<2x128xi32, #tpu.memory_space<vmem>>) target_semaphore(%arg10 : memref<!tpu.dma_semaphore, #tpu.memory_space<semaphore_mem>>)
    %add3A_95 = arith.constant 1 : i32
    %add3A_96 = arith.addi %mul3A_6, %add3A_95 : i32
    %mul3A_97 = arith.constant 128 : i32
    %mul3A_98 = arith.muli %add3A_96, %mul3A_97 : i32
    %dma_wait3A_99 = arith.constant 1 : i32
    %dma_wait3A_100 = arith.constant 0 : i32
    %dma_wait3A_101 = arith.constant 0 : i32
    %dma_wait3A_102 = tpu.memref_slice %arg6[%dma_wait3A_99, %dma_wait3A_100, %dma_wait3A_101] : memref<4x2x128xi32, #tpu.memory_space<vmem>> -> memref<1x2x128xi32, #tpu.memory_space<vmem>>
    %dma_wait3A_103 = tpu.memref_squeeze %dma_wait3A_102 : memref<1x2x128xi32, #tpu.memory_space<vmem>> -> memref<2x128xi32, #tpu.memory_space<vmem>>
    %dma_wait3A_104 = arith.constant 0 : i32
    %dma_wait3A_105 = tpu.memref_slice %arg3[%dma_wait3A_104, %mul3A_98] : memref<2x320000xi32, #tpu.memory_space<hbm>> -> memref<2x128xi32, #tpu.memory_space<hbm>>
    %dma_wait3A_106 = arith.constant 0 : i32
    %dma_wait3A_107 = arith.constant 0 : i32
    %dma_wait3A_108 = tpu.memref_slice %arg6[%dma_wait3A_99, %dma_wait3A_106, %dma_wait3A_107] : memref<4x2x128xi32, #tpu.memory_space<vmem>> -> memref<1x2x128xi32, #tpu.memory_space<vmem>>
    %dma_wait3A_109 = tpu.memref_squeeze %dma_wait3A_108 : memref<1x2x128xi32, #tpu.memory_space<vmem>> -> memref<2x128xi32, #tpu.memory_space<vmem>>
    %dma_wait3A_110 = arith.constant 0 : i32
    %dma_wait3A_111 = tpu.memref_slice %arg3[%dma_wait3A_110, %mul3A_98] : memref<2x320000xi32, #tpu.memory_space<hbm>> -> memref<2x128xi32, #tpu.memory_space<hbm>>
    tpu.wait_dma2 semaphore(%arg10 : memref<!tpu.dma_semaphore, #tpu.memory_space<semaphore_mem>>) src(%dma_wait3A_111 : memref<2x128xi32, #tpu.memory_space<hbm>>) dst(%dma_wait3A_109 : memref<2x128xi32, #tpu.memory_space<vmem>>)
    %dma_start3A_112 = arith.constant 1 : i32
    %dma_start3A_113 = arith.constant 0 : i32
    %dma_start3A_114 = arith.constant 0 : i32
    %dma_start3A_115 = tpu.memref_slice %arg6[%dma_start3A_112, %dma_start3A_113, %dma_start3A_114] : memref<4x2x128xi32, #tpu.memory_space<vmem>> -> memref<1x1x128xi32, #tpu.memory_space<vmem>>
    %dma_start3A_116 = tpu.memref_squeeze %dma_start3A_115 : memref<1x1x128xi32, #tpu.memory_space<vmem>> -> memref<128xi32, #tpu.memory_space<vmem>>
    %dma_start3A_117 = arith.constant 0 : i32
    %dma_start3A_118 = arith.constant 0 : i32
    %dma_start3A_119 = tpu.memref_slice %arg2[%dma_start3A_117, %dma_start3A_118] : memref<10000x128xf32, #tpu.memory_space<hbm>> -> memref<10000x128xf32, #tpu.memory_space<hbm>>
    tpu.enqueue_indirect_dma source(%dma_start3A_119 : memref<10000x128xf32, #tpu.memory_space<hbm>>) target(%arg8 : memref<128x128xf32, #tpu.memory_space<vmem>>) offsets(%dma_start3A_116 : memref<128xi32, #tpu.memory_space<vmem>>) semaphore(%arg9 : memref<!tpu.dma_semaphore, #tpu.memory_space<semaphore_mem>>)
    %add3A_120 = arith.constant 3 : i32
    %add3A_121 = arith.addi %mul3A_6, %add3A_120 : i32
    %mul3A_122 = arith.constant 128 : i32
    %mul3A_123 = arith.muli %add3A_121, %mul3A_122 : i32
    %dma_start3A_124 = arith.constant 3 : i32
    %dma_start3A_125 = arith.constant 0 : i32
    %dma_start3A_126 = arith.constant 0 : i32
    %dma_start3A_127 = tpu.memref_slice %arg6[%dma_start3A_124, %dma_start3A_125, %dma_start3A_126] : memref<4x2x128xi32, #tpu.memory_space<vmem>> -> memref<1x2x128xi32, #tpu.memory_space<vmem>>
    %dma_start3A_128 = tpu.memref_squeeze %dma_start3A_127 : memref<1x2x128xi32, #tpu.memory_space<vmem>> -> memref<2x128xi32, #tpu.memory_space<vmem>>
    %dma_start3A_129 = arith.constant 0 : i32
    %dma_start3A_130 = tpu.memref_slice %arg3[%dma_start3A_129, %mul3A_123] : memref<2x320000xi32, #tpu.memory_space<hbm>> -> memref<2x128xi32, #tpu.memory_space<hbm>>
    %dma_start3A_131 = arith.constant 0 : i32
    %dma_start3A_132 = arith.constant 0 : i32
    %dma_start3A_133 = tpu.memref_slice %arg6[%dma_start3A_124, %dma_start3A_131, %dma_start3A_132] : memref<4x2x128xi32, #tpu.memory_space<vmem>> -> memref<1x2x128xi32, #tpu.memory_space<vmem>>
    %dma_start3A_134 = tpu.memref_squeeze %dma_start3A_133 : memref<1x2x128xi32, #tpu.memory_space<vmem>> -> memref<2x128xi32, #tpu.memory_space<vmem>>
    %dma_start3A_135 = arith.constant 0 : i32
    %dma_start3A_136 = tpu.memref_slice %arg3[%dma_start3A_135, %mul3A_123] : memref<2x320000xi32, #tpu.memory_space<hbm>> -> memref<2x128xi32, #tpu.memory_space<hbm>>
    tpu.enqueue_dma source(%dma_start3A_136 : memref<2x128xi32, #tpu.memory_space<hbm>>) target(%dma_start3A_134 : memref<2x128xi32, #tpu.memory_space<vmem>>) target_semaphore(%arg10 : memref<!tpu.dma_semaphore, #tpu.memory_space<semaphore_mem>>)
    %dma_wait3A_137 = arith.constant 0 : i32
    %dma_wait3A_138 = tpu.memref_slice %arg12[%mul3A_13, %dma_wait3A_137] : memref<10240x128xf32, #tpu.memory_space<vmem_shared>> -> memref<624x128xf32, #tpu.memory_space<vmem_shared>>
    %dma_wait3A_139 = arith.constant 0 : i32
    %dma_wait3A_140 = tpu.memref_slice %arg2[%mul3A_13, %dma_wait3A_139] : memref<10000x128xf32, #tpu.memory_space<hbm>> -> memref<624x128xf32, #tpu.memory_space<hbm>>
    tpu.wait_dma2 semaphore(%arg11 : memref<!tpu.dma_semaphore, #tpu.memory_space<semaphore_mem>>) src(%dma_wait3A_140 : memref<624x128xf32, #tpu.memory_space<hbm>>) dst(%dma_wait3A_138 : memref<624x128xf32, #tpu.memory_space<vmem_shared>>)
    %barrier3A = arith.constant 0 : index
    tpu.barrier barrier_id(%barrier3A)
    %jit3A = arith.constant 4 : i32
    %div3A = arith.divsi %mul3A_11, %jit3A : i32
    %sign3A = arith.constant 0 : i32
    %sign3A_141 = arith.cmpi sgt, %mul3A_11, %sign3A : i32
    %sign3A_142 = arith.extui %sign3A_141 : i1 to i32
    %sign3A_143 = arith.constant 0 : i32
    %sign3A_144 = arith.cmpi slt, %mul3A_11, %sign3A_143 : i32
    %sign3A_145 = arith.extui %sign3A_144 : i1 to i32
    %sign3A_146 = arith.subi %sign3A_142, %sign3A_145 : i32
    %sign3A_147 = arith.constant 0 : i32
    %sign3A_148 = arith.cmpi sgt, %jit3A, %sign3A_147 : i32
    %sign3A_149 = arith.extui %sign3A_148 : i1 to i32
    %sign3A_150 = arith.constant 0 : i32
    %sign3A_151 = arith.cmpi slt, %jit3A, %sign3A_150 : i32
    %sign3A_152 = arith.extui %sign3A_151 : i1 to i32
    %sign3A_153 = arith.subi %sign3A_149, %sign3A_152 : i32
    %ne3A = arith.cmpi ne, %sign3A_146, %sign3A_153 : i32
    %rem3A = arith.remsi %mul3A_11, %jit3A : i32
    %ne3A_154 = arith.constant 0 : i32
    %ne3A_155 = arith.cmpi ne, %rem3A, %ne3A_154 : i32
    %and3A = arith.andi %ne3A, %ne3A_155 : i1
    %sub3A = arith.constant 1 : i32
    %sub3A_156 = arith.subi %div3A, %sub3A : i32
    %select_n3A = arith.select %and3A, %sub3A_156, %div3A : i32
    %while3A = arith.constant 0 : i32
    %while3A_157 = arith.subi %select_n3A, %while3A : i32
    %while3A_158 = arith.addi %while3A, %while3A_157 : i32
    %while3A_159 = arith.constant 1 : i32
    %while3A_160 = arith.divsi %while3A_157, %while3A_159 : i32
    %while3A_161 = arith.muli %while3A_160, %while3A_159 : i32
    %while3A_162 = arith.addi %while3A, %while3A_161 : i32
    %while3A_163 = arith.constant 1 : i32
    scf.for %while3A_176 = %while3A to %while3A_162 step %while3A_163  : i32 {
      %mul3A_177 = arith.constant 4 : i32
      %mul3A_178 = arith.muli %while3A_176, %mul3A_177 : i32
      %add3A_179 = arith.constant 0 : i32
      %add3A_180 = arith.addi %mul3A_178, %add3A_179 : i32
      %dma_wait3A_181 = arith.constant 0 : i32
      %dma_wait3A_182 = arith.constant 0 : i32
      %dma_wait3A_183 = arith.constant 0 : i32
      %dma_wait3A_184 = tpu.memref_slice %arg6[%dma_wait3A_181, %dma_wait3A_182, %dma_wait3A_183] : memref<4x2x128xi32, #tpu.memory_space<vmem>> -> memref<1x1x128xi32, #tpu.memory_space<vmem>>
      %dma_wait3A_185 = tpu.memref_squeeze %dma_wait3A_184 : memref<1x1x128xi32, #tpu.memory_space<vmem>> -> memref<128xi32, #tpu.memory_space<vmem>>
      %dma_wait3A_186 = arith.constant 0 : i32
      %dma_wait3A_187 = arith.constant 0 : i32
      %dma_wait3A_188 = tpu.memref_slice %arg2[%dma_wait3A_186, %dma_wait3A_187] : memref<10000x128xf32, #tpu.memory_space<hbm>> -> memref<10000x128xf32, #tpu.memory_space<hbm>>
      tpu.wait_indirect_dma semaphore(%arg9 : memref<!tpu.dma_semaphore, #tpu.memory_space<semaphore_mem>>) src(%dma_wait3A_188 : memref<10000x128xf32, #tpu.memory_space<hbm>>) dst(%arg7 : memref<128x128xf32, #tpu.memory_space<vmem>>)
      %run_scoped3A = arith.constant 0 : i32
      %run_scoped3A_189 = arith.constant 1 : i32
      "tpu.region"() ({
        %run_scoped3A_280 = tpu.sem_alloc : memref<!tpu.dma_semaphore, #tpu.memory_space<semaphore_mem>>
        %dma_start3A_281 = arith.constant 0 : i32
        %dma_start3A_282 = tpu.memref_slice %arg6[%run_scoped3A, %run_scoped3A_189, %dma_start3A_281] : memref<4x2x128xi32, #tpu.memory_space<vmem>> -> memref<1x1x128xi32, #tpu.memory_space<vmem>>
        %dma_start3A_283 = tpu.memref_squeeze %dma_start3A_282 : memref<1x1x128xi32, #tpu.memory_space<vmem>> -> memref<128xi32, #tpu.memory_space<vmem>>
        %dma_start3A_284 = arith.constant 0 : i32
        %dma_start3A_285 = arith.constant 0 : i32
        %dma_start3A_286 = tpu.memref_slice %arg12[%dma_start3A_284, %dma_start3A_285] : memref<10240x128xf32, #tpu.memory_space<vmem_shared>> -> memref<10240x128xf32, #tpu.memory_space<vmem_shared>>
        tpu.enqueue_indirect_dma source(%arg7 : memref<128x128xf32, #tpu.memory_space<vmem>>) target(%dma_start3A_286 : memref<10240x128xf32, #tpu.memory_space<vmem_shared>>) offsets(%dma_start3A_283 : memref<128xi32, #tpu.memory_space<vmem>>) semaphore(%run_scoped3A_280 : memref<!tpu.dma_semaphore, #tpu.memory_space<semaphore_mem>>) {add = true}
        %dma_wait3A_287 = arith.constant 0 : i32
        %dma_wait3A_288 = tpu.memref_slice %arg6[%run_scoped3A, %run_scoped3A_189, %dma_wait3A_287] : memref<4x2x128xi32, #tpu.memory_space<vmem>> -> memref<1x1x128xi32, #tpu.memory_space<vmem>>
        %dma_wait3A_289 = tpu.memref_squeeze %dma_wait3A_288 : memref<1x1x128xi32, #tpu.memory_space<vmem>> -> memref<128xi32, #tpu.memory_space<vmem>>
        %dma_wait3A_290 = arith.constant 0 : i32
        %dma_wait3A_291 = arith.constant 0 : i32
        %dma_wait3A_292 = tpu.memref_slice %arg12[%dma_wait3A_290, %dma_wait3A_291] : memref<10240x128xf32, #tpu.memory_space<vmem_shared>> -> memref<10240x128xf32, #tpu.memory_space<vmem_shared>>
        tpu.wait_indirect_dma semaphore(%run_scoped3A_280 : memref<!tpu.dma_semaphore, #tpu.memory_space<semaphore_mem>>) src(%arg7 : memref<128x128xf32, #tpu.memory_space<vmem>>) dst(%dma_wait3A_292 : memref<10240x128xf32, #tpu.memory_space<vmem_shared>>)
        tpu.yield
      }) : () -> ()
      %add3A_190 = arith.constant 4 : i32
      %add3A_191 = arith.addi %add3A_180, %add3A_190 : i32
      %lt3A_192 = arith.cmpi slt, %add3A_191, %mul3A_11 : i32
      %convert_element_type3A_193 = arith.extui %lt3A_192 : i1 to i32
      %cond3A_194 = arith.constant 0 : i32
      %cond3A_195 = arith.cmpi ne, %convert_element_type3A_193, %cond3A_194 : i32
      scf.if %cond3A_195 {
        %add3A_280 = arith.constant 4 : i32
        %add3A_281 = arith.addi %add3A_180, %add3A_280 : i32
        %add3A_282 = arith.addi %mul3A_6, %add3A_281 : i32
        %mul3A_283 = arith.constant 128 : i32
        %mul3A_284 = arith.muli %add3A_282, %mul3A_283 : i32
        %dma_start3A_285 = arith.constant 0 : i32
        %dma_start3A_286 = arith.constant 0 : i32
        %dma_start3A_287 = arith.constant 0 : i32
        %dma_start3A_288 = tpu.memref_slice %arg6[%dma_start3A_285, %dma_start3A_286, %dma_start3A_287] : memref<4x2x128xi32, #tpu.memory_space<vmem>> -> memref<1x2x128xi32, #tpu.memory_space<vmem>>
        %dma_start3A_289 = tpu.memref_squeeze %dma_start3A_288 : memref<1x2x128xi32, #tpu.memory_space<vmem>> -> memref<2x128xi32, #tpu.memory_space<vmem>>
        %dma_start3A_290 = arith.constant 0 : i32
        %dma_start3A_291 = tpu.memref_slice %arg3[%dma_start3A_290, %mul3A_284] : memref<2x320000xi32, #tpu.memory_space<hbm>> -> memref<2x128xi32, #tpu.memory_space<hbm>>
        %dma_start3A_292 = arith.constant 0 : i32
        %dma_start3A_293 = arith.constant 0 : i32
        %dma_start3A_294 = tpu.memref_slice %arg6[%dma_start3A_285, %dma_start3A_292, %dma_start3A_293] : memref<4x2x128xi32, #tpu.memory_space<vmem>> -> memref<1x2x128xi32, #tpu.memory_space<vmem>>
        %dma_start3A_295 = tpu.memref_squeeze %dma_start3A_294 : memref<1x2x128xi32, #tpu.memory_space<vmem>> -> memref<2x128xi32, #tpu.memory_space<vmem>>
        %dma_start3A_296 = arith.constant 0 : i32
        %dma_start3A_297 = tpu.memref_slice %arg3[%dma_start3A_296, %mul3A_284] : memref<2x320000xi32, #tpu.memory_space<hbm>> -> memref<2x128xi32, #tpu.memory_space<hbm>>
        tpu.enqueue_dma source(%dma_start3A_297 : memref<2x128xi32, #tpu.memory_space<hbm>>) target(%dma_start3A_295 : memref<2x128xi32, #tpu.memory_space<vmem>>) target_semaphore(%arg10 : memref<!tpu.dma_semaphore, #tpu.memory_space<semaphore_mem>>)
      } else {
      }
      %add3A_196 = arith.constant 2 : i32
      %add3A_197 = arith.addi %add3A_180, %add3A_196 : i32
      %lt3A_198 = arith.cmpi slt, %add3A_197, %mul3A_11 : i32
      %convert_element_type3A_199 = arith.extui %lt3A_198 : i1 to i32
      %cond3A_200 = arith.constant 0 : i32
      %cond3A_201 = arith.cmpi ne, %convert_element_type3A_199, %cond3A_200 : i32
      scf.if %cond3A_201 {
        %add3A_280 = arith.constant 2 : i32
        %add3A_281 = arith.addi %add3A_180, %add3A_280 : i32
        %add3A_282 = arith.addi %mul3A_6, %add3A_281 : i32
        %mul3A_283 = arith.constant 128 : i32
        %mul3A_284 = arith.muli %add3A_282, %mul3A_283 : i32
        %dma_wait3A_285 = arith.constant 2 : i32
        %dma_wait3A_286 = arith.constant 0 : i32
        %dma_wait3A_287 = arith.constant 0 : i32
        %dma_wait3A_288 = tpu.memref_slice %arg6[%dma_wait3A_285, %dma_wait3A_286, %dma_wait3A_287] : memref<4x2x128xi32, #tpu.memory_space<vmem>> -> memref<1x2x128xi32, #tpu.memory_space<vmem>>
        %dma_wait3A_289 = tpu.memref_squeeze %dma_wait3A_288 : memref<1x2x128xi32, #tpu.memory_space<vmem>> -> memref<2x128xi32, #tpu.memory_space<vmem>>
        %dma_wait3A_290 = arith.constant 0 : i32
        %dma_wait3A_291 = tpu.memref_slice %arg3[%dma_wait3A_290, %mul3A_284] : memref<2x320000xi32, #tpu.memory_space<hbm>> -> memref<2x128xi32, #tpu.memory_space<hbm>>
        %dma_wait3A_292 = arith.constant 0 : i32
        %dma_wait3A_293 = arith.constant 0 : i32
        %dma_wait3A_294 = tpu.memref_slice %arg6[%dma_wait3A_285, %dma_wait3A_292, %dma_wait3A_293] : memref<4x2x128xi32, #tpu.memory_space<vmem>> -> memref<1x2x128xi32, #tpu.memory_space<vmem>>
        %dma_wait3A_295 = tpu.memref_squeeze %dma_wait3A_294 : memref<1x2x128xi32, #tpu.memory_space<vmem>> -> memref<2x128xi32, #tpu.memory_space<vmem>>
        %dma_wait3A_296 = arith.constant 0 : i32
        %dma_wait3A_297 = tpu.memref_slice %arg3[%dma_wait3A_296, %mul3A_284] : memref<2x320000xi32, #tpu.memory_space<hbm>> -> memref<2x128xi32, #tpu.memory_space<hbm>>
        tpu.wait_dma2 semaphore(%arg10 : memref<!tpu.dma_semaphore, #tpu.memory_space<semaphore_mem>>) src(%dma_wait3A_297 : memref<2x128xi32, #tpu.memory_space<hbm>>) dst(%dma_wait3A_295 : memref<2x128xi32, #tpu.memory_space<vmem>>)
        %dma_start3A_298 = arith.constant 2 : i32
        %dma_start3A_299 = arith.constant 0 : i32
        %dma_start3A_300 = arith.constant 0 : i32
        %dma_start3A_301 = tpu.memref_slice %arg6[%dma_start3A_298, %dma_start3A_299, %dma_start3A_300] : memref<4x2x128xi32, #tpu.memory_space<vmem>> -> memref<1x1x128xi32, #tpu.memory_space<vmem>>
        %dma_start3A_302 = tpu.memref_squeeze %dma_start3A_301 : memref<1x1x128xi32, #tpu.memory_space<vmem>> -> memref<128xi32, #tpu.memory_space<vmem>>
        %dma_start3A_303 = arith.constant 0 : i32
        %dma_start3A_304 = arith.constant 0 : i32
        %dma_start3A_305 = tpu.memref_slice %arg2[%dma_start3A_303, %dma_start3A_304] : memref<10000x128xf32, #tpu.memory_space<hbm>> -> memref<10000x128xf32, #tpu.memory_space<hbm>>
        tpu.enqueue_indirect_dma source(%dma_start3A_305 : memref<10000x128xf32, #tpu.memory_space<hbm>>) target(%arg7 : memref<128x128xf32, #tpu.memory_space<vmem>>) offsets(%dma_start3A_302 : memref<128xi32, #tpu.memory_space<vmem>>) semaphore(%arg9 : memref<!tpu.dma_semaphore, #tpu.memory_space<semaphore_mem>>)
      } else {
      }
      %mul3A_202 = arith.constant 4 : i32
      %mul3A_203 = arith.muli %while3A_176, %mul3A_202 : i32
      %add3A_204 = arith.constant 1 : i32
      %add3A_205 = arith.addi %mul3A_203, %add3A_204 : i32
      %dma_wait3A_206 = arith.constant 1 : i32
      %dma_wait3A_207 = arith.constant 0 : i32
      %dma_wait3A_208 = arith.constant 0 : i32
      %dma_wait3A_209 = tpu.memref_slice %arg6[%dma_wait3A_206, %dma_wait3A_207, %dma_wait3A_208] : memref<4x2x128xi32, #tpu.memory_space<vmem>> -> memref<1x1x128xi32, #tpu.memory_space<vmem>>
      %dma_wait3A_210 = tpu.memref_squeeze %dma_wait3A_209 : memref<1x1x128xi32, #tpu.memory_space<vmem>> -> memref<128xi32, #tpu.memory_space<vmem>>
      %dma_wait3A_211 = arith.constant 0 : i32
      %dma_wait3A_212 = arith.constant 0 : i32
      %dma_wait3A_213 = tpu.memref_slice %arg2[%dma_wait3A_211, %dma_wait3A_212] : memref<10000x128xf32, #tpu.memory_space<hbm>> -> memref<10000x128xf32, #tpu.memory_space<hbm>>
      tpu.wait_indirect_dma semaphore(%arg9 : memref<!tpu.dma_semaphore, #tpu.memory_space<semaphore_mem>>) src(%dma_wait3A_213 : memref<10000x128xf32, #tpu.memory_space<hbm>>) dst(%arg8 : memref<128x128xf32, #tpu.memory_space<vmem>>)
      %run_scoped3A_214 = arith.constant 1 : i32
      %run_scoped3A_215 = arith.constant 1 : i32
      "tpu.region"() ({
        %run_scoped3A_280 = tpu.sem_alloc : memref<!tpu.dma_semaphore, #tpu.memory_space<semaphore_mem>>
        %dma_start3A_281 = arith.constant 0 : i32
        %dma_start3A_282 = tpu.memref_slice %arg6[%run_scoped3A_214, %run_scoped3A_215, %dma_start3A_281] : memref<4x2x128xi32, #tpu.memory_space<vmem>> -> memref<1x1x128xi32, #tpu.memory_space<vmem>>
        %dma_start3A_283 = tpu.memref_squeeze %dma_start3A_282 : memref<1x1x128xi32, #tpu.memory_space<vmem>> -> memref<128xi32, #tpu.memory_space<vmem>>
        %dma_start3A_284 = arith.constant 0 : i32
        %dma_start3A_285 = arith.constant 0 : i32
        %dma_start3A_286 = tpu.memref_slice %arg12[%dma_start3A_284, %dma_start3A_285] : memref<10240x128xf32, #tpu.memory_space<vmem_shared>> -> memref<10240x128xf32, #tpu.memory_space<vmem_shared>>
        tpu.enqueue_indirect_dma source(%arg8 : memref<128x128xf32, #tpu.memory_space<vmem>>) target(%dma_start3A_286 : memref<10240x128xf32, #tpu.memory_space<vmem_shared>>) offsets(%dma_start3A_283 : memref<128xi32, #tpu.memory_space<vmem>>) semaphore(%run_scoped3A_280 : memref<!tpu.dma_semaphore, #tpu.memory_space<semaphore_mem>>) {add = true}
        %dma_wait3A_287 = arith.constant 0 : i32
        %dma_wait3A_288 = tpu.memref_slice %arg6[%run_scoped3A_214, %run_scoped3A_215, %dma_wait3A_287] : memref<4x2x128xi32, #tpu.memory_space<vmem>> -> memref<1x1x128xi32, #tpu.memory_space<vmem>>
        %dma_wait3A_289 = tpu.memref_squeeze %dma_wait3A_288 : memref<1x1x128xi32, #tpu.memory_space<vmem>> -> memref<128xi32, #tpu.memory_space<vmem>>
        %dma_wait3A_290 = arith.constant 0 : i32
        %dma_wait3A_291 = arith.constant 0 : i32
        %dma_wait3A_292 = tpu.memref_slice %arg12[%dma_wait3A_290, %dma_wait3A_291] : memref<10240x128xf32, #tpu.memory_space<vmem_shared>> -> memref<10240x128xf32, #tpu.memory_space<vmem_shared>>
        tpu.wait_indirect_dma semaphore(%run_scoped3A_280 : memref<!tpu.dma_semaphore, #tpu.memory_space<semaphore_mem>>) src(%arg8 : memref<128x128xf32, #tpu.memory_space<vmem>>) dst(%dma_wait3A_292 : memref<10240x128xf32, #tpu.memory_space<vmem_shared>>)
        tpu.yield
      }) : () -> ()
      %add3A_216 = arith.constant 4 : i32
      %add3A_217 = arith.addi %add3A_205, %add3A_216 : i32
      %lt3A_218 = arith.cmpi slt, %add3A_217, %mul3A_11 : i32
      %convert_element_type3A_219 = arith.extui %lt3A_218 : i1 to i32
      %cond3A_220 = arith.constant 0 : i32
      %cond3A_221 = arith.cmpi ne, %convert_element_type3A_219, %cond3A_220 : i32
      scf.if %cond3A_221 {
        %add3A_280 = arith.constant 4 : i32
        %add3A_281 = arith.addi %add3A_205, %add3A_280 : i32
        %add3A_282 = arith.addi %mul3A_6, %add3A_281 : i32
        %mul3A_283 = arith.constant 128 : i32
        %mul3A_284 = arith.muli %add3A_282, %mul3A_283 : i32
        %dma_start3A_285 = arith.constant 1 : i32
        %dma_start3A_286 = arith.constant 0 : i32
        %dma_start3A_287 = arith.constant 0 : i32
        %dma_start3A_288 = tpu.memref_slice %arg6[%dma_start3A_285, %dma_start3A_286, %dma_start3A_287] : memref<4x2x128xi32, #tpu.memory_space<vmem>> -> memref<1x2x128xi32, #tpu.memory_space<vmem>>
        %dma_start3A_289 = tpu.memref_squeeze %dma_start3A_288 : memref<1x2x128xi32, #tpu.memory_space<vmem>> -> memref<2x128xi32, #tpu.memory_space<vmem>>
        %dma_start3A_290 = arith.constant 0 : i32
        %dma_start3A_291 = tpu.memref_slice %arg3[%dma_start3A_290, %mul3A_284] : memref<2x320000xi32, #tpu.memory_space<hbm>> -> memref<2x128xi32, #tpu.memory_space<hbm>>
        %dma_start3A_292 = arith.constant 0 : i32
        %dma_start3A_293 = arith.constant 0 : i32
        %dma_start3A_294 = tpu.memref_slice %arg6[%dma_start3A_285, %dma_start3A_292, %dma_start3A_293] : memref<4x2x128xi32, #tpu.memory_space<vmem>> -> memref<1x2x128xi32, #tpu.memory_space<vmem>>
        %dma_start3A_295 = tpu.memref_squeeze %dma_start3A_294 : memref<1x2x128xi32, #tpu.memory_space<vmem>> -> memref<2x128xi32, #tpu.memory_space<vmem>>
        %dma_start3A_296 = arith.constant 0 : i32
        %dma_start3A_297 = tpu.memref_slice %arg3[%dma_start3A_296, %mul3A_284] : memref<2x320000xi32, #tpu.memory_space<hbm>> -> memref<2x128xi32, #tpu.memory_space<hbm>>
        tpu.enqueue_dma source(%dma_start3A_297 : memref<2x128xi32, #tpu.memory_space<hbm>>) target(%dma_start3A_295 : memref<2x128xi32, #tpu.memory_space<vmem>>) target_semaphore(%arg10 : memref<!tpu.dma_semaphore, #tpu.memory_space<semaphore_mem>>)
      } else {
      }
      %add3A_222 = arith.constant 2 : i32
      %add3A_223 = arith.addi %add3A_205, %add3A_222 : i32
      %lt3A_224 = arith.cmpi slt, %add3A_223, %mul3A_11 : i32
      %convert_element_type3A_225 = arith.extui %lt3A_224 : i1 to i32
      %cond3A_226 = arith.constant 0 : i32
      %cond3A_227 = arith.cmpi ne, %convert_element_type3A_225, %cond3A_226 : i32
      scf.if %cond3A_227 {
        %add3A_280 = arith.constant 2 : i32
        %add3A_281 = arith.addi %add3A_205, %add3A_280 : i32
        %add3A_282 = arith.addi %mul3A_6, %add3A_281 : i32
        %mul3A_283 = arith.constant 128 : i32
        %mul3A_284 = arith.muli %add3A_282, %mul3A_283 : i32
        %dma_wait3A_285 = arith.constant 3 : i32
        %dma_wait3A_286 = arith.constant 0 : i32
        %dma_wait3A_287 = arith.constant 0 : i32
        %dma_wait3A_288 = tpu.memref_slice %arg6[%dma_wait3A_285, %dma_wait3A_286, %dma_wait3A_287] : memref<4x2x128xi32, #tpu.memory_space<vmem>> -> memref<1x2x128xi32, #tpu.memory_space<vmem>>
        %dma_wait3A_289 = tpu.memref_squeeze %dma_wait3A_288 : memref<1x2x128xi32, #tpu.memory_space<vmem>> -> memref<2x128xi32, #tpu.memory_space<vmem>>
        %dma_wait3A_290 = arith.constant 0 : i32
        %dma_wait3A_291 = tpu.memref_slice %arg3[%dma_wait3A_290, %mul3A_284] : memref<2x320000xi32, #tpu.memory_space<hbm>> -> memref<2x128xi32, #tpu.memory_space<hbm>>
        %dma_wait3A_292 = arith.constant 0 : i32
        %dma_wait3A_293 = arith.constant 0 : i32
        %dma_wait3A_294 = tpu.memref_slice %arg6[%dma_wait3A_285, %dma_wait3A_292, %dma_wait3A_293] : memref<4x2x128xi32, #tpu.memory_space<vmem>> -> memref<1x2x128xi32, #tpu.memory_space<vmem>>
        %dma_wait3A_295 = tpu.memref_squeeze %dma_wait3A_294 : memref<1x2x128xi32, #tpu.memory_space<vmem>> -> memref<2x128xi32, #tpu.memory_space<vmem>>
        %dma_wait3A_296 = arith.constant 0 : i32
        %dma_wait3A_297 = tpu.memref_slice %arg3[%dma_wait3A_296, %mul3A_284] : memref<2x320000xi32, #tpu.memory_space<hbm>> -> memref<2x128xi32, #tpu.memory_space<hbm>>
        tpu.wait_dma2 semaphore(%arg10 : memref<!tpu.dma_semaphore, #tpu.memory_space<semaphore_mem>>) src(%dma_wait3A_297 : memref<2x128xi32, #tpu.memory_space<hbm>>) dst(%dma_wait3A_295 : memref<2x128xi32, #tpu.memory_space<vmem>>)
        %dma_start3A_298 = arith.constant 3 : i32
        %dma_start3A_299 = arith.constant 0 : i32
        %dma_start3A_300 = arith.constant 0 : i32
        %dma_start3A_301 = tpu.memref_slice %arg6[%dma_start3A_298, %dma_start3A_299, %dma_start3A_300] : memref<4x2x128xi32, #tpu.memory_space<vmem>> -> memref<1x1x128xi32, #tpu.memory_space<vmem>>
        %dma_start3A_302 = tpu.memref_squeeze %dma_start3A_301 : memref<1x1x128xi32, #tpu.memory_space<vmem>> -> memref<128xi32, #tpu.memory_space<vmem>>
        %dma_start3A_303 = arith.constant 0 : i32
        %dma_start3A_304 = arith.constant 0 : i32
        %dma_start3A_305 = tpu.memref_slice %arg2[%dma_start3A_303, %dma_start3A_304] : memref<10000x128xf32, #tpu.memory_space<hbm>> -> memref<10000x128xf32, #tpu.memory_space<hbm>>
        tpu.enqueue_indirect_dma source(%dma_start3A_305 : memref<10000x128xf32, #tpu.memory_space<hbm>>) target(%arg8 : memref<128x128xf32, #tpu.memory_space<vmem>>) offsets(%dma_start3A_302 : memref<128xi32, #tpu.memory_space<vmem>>) semaphore(%arg9 : memref<!tpu.dma_semaphore, #tpu.memory_space<semaphore_mem>>)
      } else {
      }
      %mul3A_228 = arith.constant 4 : i32
      %mul3A_229 = arith.muli %while3A_176, %mul3A_228 : i32
      %add3A_230 = arith.constant 2 : i32
      %add3A_231 = arith.addi %mul3A_229, %add3A_230 : i32
      %dma_wait3A_232 = arith.constant 2 : i32
      %dma_wait3A_233 = arith.constant 0 : i32
      %dma_wait3A_234 = arith.constant 0 : i32
      %dma_wait3A_235 = tpu.memref_slice %arg6[%dma_wait3A_232, %dma_wait3A_233, %dma_wait3A_234] : memref<4x2x128xi32, #tpu.memory_space<vmem>> -> memref<1x1x128xi32, #tpu.memory_space<vmem>>
      %dma_wait3A_236 = tpu.memref_squeeze %dma_wait3A_235 : memref<1x1x128xi32, #tpu.memory_space<vmem>> -> memref<128xi32, #tpu.memory_space<vmem>>
      %dma_wait3A_237 = arith.constant 0 : i32
      %dma_wait3A_238 = arith.constant 0 : i32
      %dma_wait3A_239 = tpu.memref_slice %arg2[%dma_wait3A_237, %dma_wait3A_238] : memref<10000x128xf32, #tpu.memory_space<hbm>> -> memref<10000x128xf32, #tpu.memory_space<hbm>>
      tpu.wait_indirect_dma semaphore(%arg9 : memref<!tpu.dma_semaphore, #tpu.memory_space<semaphore_mem>>) src(%dma_wait3A_239 : memref<10000x128xf32, #tpu.memory_space<hbm>>) dst(%arg7 : memref<128x128xf32, #tpu.memory_space<vmem>>)
      %run_scoped3A_240 = arith.constant 2 : i32
      %run_scoped3A_241 = arith.constant 1 : i32
      "tpu.region"() ({
        %run_scoped3A_280 = tpu.sem_alloc : memref<!tpu.dma_semaphore, #tpu.memory_space<semaphore_mem>>
        %dma_start3A_281 = arith.constant 0 : i32
        %dma_start3A_282 = tpu.memref_slice %arg6[%run_scoped3A_240, %run_scoped3A_241, %dma_start3A_281] : memref<4x2x128xi32, #tpu.memory_space<vmem>> -> memref<1x1x128xi32, #tpu.memory_space<vmem>>
        %dma_start3A_283 = tpu.memref_squeeze %dma_start3A_282 : memref<1x1x128xi32, #tpu.memory_space<vmem>> -> memref<128xi32, #tpu.memory_space<vmem>>
        %dma_start3A_284 = arith.constant 0 : i32
        %dma_start3A_285 = arith.constant 0 : i32
        %dma_start3A_286 = tpu.memref_slice %arg12[%dma_start3A_284, %dma_start3A_285] : memref<10240x128xf32, #tpu.memory_space<vmem_shared>> -> memref<10240x128xf32, #tpu.memory_space<vmem_shared>>
        tpu.enqueue_indirect_dma source(%arg7 : memref<128x128xf32, #tpu.memory_space<vmem>>) target(%dma_start3A_286 : memref<10240x128xf32, #tpu.memory_space<vmem_shared>>) offsets(%dma_start3A_283 : memref<128xi32, #tpu.memory_space<vmem>>) semaphore(%run_scoped3A_280 : memref<!tpu.dma_semaphore, #tpu.memory_space<semaphore_mem>>) {add = true}
        %dma_wait3A_287 = arith.constant 0 : i32
        %dma_wait3A_288 = tpu.memref_slice %arg6[%run_scoped3A_240, %run_scoped3A_241, %dma_wait3A_287] : memref<4x2x128xi32, #tpu.memory_space<vmem>> -> memref<1x1x128xi32, #tpu.memory_space<vmem>>
        %dma_wait3A_289 = tpu.memref_squeeze %dma_wait3A_288 : memref<1x1x128xi32, #tpu.memory_space<vmem>> -> memref<128xi32, #tpu.memory_space<vmem>>
        %dma_wait3A_290 = arith.constant 0 : i32
        %dma_wait3A_291 = arith.constant 0 : i32
        %dma_wait3A_292 = tpu.memref_slice %arg12[%dma_wait3A_290, %dma_wait3A_291] : memref<10240x128xf32, #tpu.memory_space<vmem_shared>> -> memref<10240x128xf32, #tpu.memory_space<vmem_shared>>
        tpu.wait_indirect_dma semaphore(%run_scoped3A_280 : memref<!tpu.dma_semaphore, #tpu.memory_space<semaphore_mem>>) src(%arg7 : memref<128x128xf32, #tpu.memory_space<vmem>>) dst(%dma_wait3A_292 : memref<10240x128xf32, #tpu.memory_space<vmem_shared>>)
        tpu.yield
      }) : () -> ()
      %add3A_242 = arith.constant 4 : i32
      %add3A_243 = arith.addi %add3A_231, %add3A_242 : i32
      %lt3A_244 = arith.cmpi slt, %add3A_243, %mul3A_11 : i32
      %convert_element_type3A_245 = arith.extui %lt3A_244 : i1 to i32
      %cond3A_246 = arith.constant 0 : i32
      %cond3A_247 = arith.cmpi ne, %convert_element_type3A_245, %cond3A_246 : i32
      scf.if %cond3A_247 {
        %add3A_280 = arith.constant 4 : i32
        %add3A_281 = arith.addi %add3A_231, %add3A_280 : i32
        %add3A_282 = arith.addi %mul3A_6, %add3A_281 : i32
        %mul3A_283 = arith.constant 128 : i32
        %mul3A_284 = arith.muli %add3A_282, %mul3A_283 : i32
        %dma_start3A_285 = arith.constant 2 : i32
        %dma_start3A_286 = arith.constant 0 : i32
        %dma_start3A_287 = arith.constant 0 : i32
        %dma_start3A_288 = tpu.memref_slice %arg6[%dma_start3A_285, %dma_start3A_286, %dma_start3A_287] : memref<4x2x128xi32, #tpu.memory_space<vmem>> -> memref<1x2x128xi32, #tpu.memory_space<vmem>>
        %dma_start3A_289 = tpu.memref_squeeze %dma_start3A_288 : memref<1x2x128xi32, #tpu.memory_space<vmem>> -> memref<2x128xi32, #tpu.memory_space<vmem>>
        %dma_start3A_290 = arith.constant 0 : i32
        %dma_start3A_291 = tpu.memref_slice %arg3[%dma_start3A_290, %mul3A_284] : memref<2x320000xi32, #tpu.memory_space<hbm>> -> memref<2x128xi32, #tpu.memory_space<hbm>>
        %dma_start3A_292 = arith.constant 0 : i32
        %dma_start3A_293 = arith.constant 0 : i32
        %dma_start3A_294 = tpu.memref_slice %arg6[%dma_start3A_285, %dma_start3A_292, %dma_start3A_293] : memref<4x2x128xi32, #tpu.memory_space<vmem>> -> memref<1x2x128xi32, #tpu.memory_space<vmem>>
        %dma_start3A_295 = tpu.memref_squeeze %dma_start3A_294 : memref<1x2x128xi32, #tpu.memory_space<vmem>> -> memref<2x128xi32, #tpu.memory_space<vmem>>
        %dma_start3A_296 = arith.constant 0 : i32
        %dma_start3A_297 = tpu.memref_slice %arg3[%dma_start3A_296, %mul3A_284] : memref<2x320000xi32, #tpu.memory_space<hbm>> -> memref<2x128xi32, #tpu.memory_space<hbm>>
        tpu.enqueue_dma source(%dma_start3A_297 : memref<2x128xi32, #tpu.memory_space<hbm>>) target(%dma_start3A_295 : memref<2x128xi32, #tpu.memory_space<vmem>>) target_semaphore(%arg10 : memref<!tpu.dma_semaphore, #tpu.memory_space<semaphore_mem>>)
      } else {
      }
      %add3A_248 = arith.constant 2 : i32
      %add3A_249 = arith.addi %add3A_231, %add3A_248 : i32
      %lt3A_250 = arith.cmpi slt, %add3A_249, %mul3A_11 : i32
      %convert_element_type3A_251 = arith.extui %lt3A_250 : i1 to i32
      %cond3A_252 = arith.constant 0 : i32
      %cond3A_253 = arith.cmpi ne, %convert_element_type3A_251, %cond3A_252 : i32
      scf.if %cond3A_253 {
        %add3A_280 = arith.constant 2 : i32
        %add3A_281 = arith.addi %add3A_231, %add3A_280 : i32
        %add3A_282 = arith.addi %mul3A_6, %add3A_281 : i32
        %mul3A_283 = arith.constant 128 : i32
        %mul3A_284 = arith.muli %add3A_282, %mul3A_283 : i32
        %dma_wait3A_285 = arith.constant 0 : i32
        %dma_wait3A_286 = arith.constant 0 : i32
        %dma_wait3A_287 = arith.constant 0 : i32
        %dma_wait3A_288 = tpu.memref_slice %arg6[%dma_wait3A_285, %dma_wait3A_286, %dma_wait3A_287] : memref<4x2x128xi32, #tpu.memory_space<vmem>> -> memref<1x2x128xi32, #tpu.memory_space<vmem>>
        %dma_wait3A_289 = tpu.memref_squeeze %dma_wait3A_288 : memref<1x2x128xi32, #tpu.memory_space<vmem>> -> memref<2x128xi32, #tpu.memory_space<vmem>>
        %dma_wait3A_290 = arith.constant 0 : i32
        %dma_wait3A_291 = tpu.memref_slice %arg3[%dma_wait3A_290, %mul3A_284] : memref<2x320000xi32, #tpu.memory_space<hbm>> -> memref<2x128xi32, #tpu.memory_space<hbm>>
        %dma_wait3A_292 = arith.constant 0 : i32
        %dma_wait3A_293 = arith.constant 0 : i32
        %dma_wait3A_294 = tpu.memref_slice %arg6[%dma_wait3A_285, %dma_wait3A_292, %dma_wait3A_293] : memref<4x2x128xi32, #tpu.memory_space<vmem>> -> memref<1x2x128xi32, #tpu.memory_space<vmem>>
        %dma_wait3A_295 = tpu.memref_squeeze %dma_wait3A_294 : memref<1x2x128xi32, #tpu.memory_space<vmem>> -> memref<2x128xi32, #tpu.memory_space<vmem>>
        %dma_wait3A_296 = arith.constant 0 : i32
        %dma_wait3A_297 = tpu.memref_slice %arg3[%dma_wait3A_296, %mul3A_284] : memref<2x320000xi32, #tpu.memory_space<hbm>> -> memref<2x128xi32, #tpu.memory_space<hbm>>
        tpu.wait_dma2 semaphore(%arg10 : memref<!tpu.dma_semaphore, #tpu.memory_space<semaphore_mem>>) src(%dma_wait3A_297 : memref<2x128xi32, #tpu.memory_space<hbm>>) dst(%dma_wait3A_295 : memref<2x128xi32, #tpu.memory_space<vmem>>)
        %dma_start3A_298 = arith.constant 0 : i32
        %dma_start3A_299 = arith.constant 0 : i32
        %dma_start3A_300 = arith.constant 0 : i32
        %dma_start3A_301 = tpu.memref_slice %arg6[%dma_start3A_298, %dma_start3A_299, %dma_start3A_300] : memref<4x2x128xi32, #tpu.memory_space<vmem>> -> memref<1x1x128xi32, #tpu.memory_space<vmem>>
        %dma_start3A_302 = tpu.memref_squeeze %dma_start3A_301 : memref<1x1x128xi32, #tpu.memory_space<vmem>> -> memref<128xi32, #tpu.memory_space<vmem>>
        %dma_start3A_303 = arith.constant 0 : i32
        %dma_start3A_304 = arith.constant 0 : i32
        %dma_start3A_305 = tpu.memref_slice %arg2[%dma_start3A_303, %dma_start3A_304] : memref<10000x128xf32, #tpu.memory_space<hbm>> -> memref<10000x128xf32, #tpu.memory_space<hbm>>
        tpu.enqueue_indirect_dma source(%dma_start3A_305 : memref<10000x128xf32, #tpu.memory_space<hbm>>) target(%arg7 : memref<128x128xf32, #tpu.memory_space<vmem>>) offsets(%dma_start3A_302 : memref<128xi32, #tpu.memory_space<vmem>>) semaphore(%arg9 : memref<!tpu.dma_semaphore, #tpu.memory_space<semaphore_mem>>)
      } else {
      }
      %mul3A_254 = arith.constant 4 : i32
      %mul3A_255 = arith.muli %while3A_176, %mul3A_254 : i32
      %add3A_256 = arith.constant 3 : i32
      %add3A_257 = arith.addi %mul3A_255, %add3A_256 : i32
      %dma_wait3A_258 = arith.constant 3 : i32
      %dma_wait3A_259 = arith.constant 0 : i32
      %dma_wait3A_260 = arith.constant 0 : i32
      %dma_wait3A_261 = tpu.memref_slice %arg6[%dma_wait3A_258, %dma_wait3A_259, %dma_wait3A_260] : memref<4x2x128xi32, #tpu.memory_space<vmem>> -> memref<1x1x128xi32, #tpu.memory_space<vmem>>
      %dma_wait3A_262 = tpu.memref_squeeze %dma_wait3A_261 : memref<1x1x128xi32, #tpu.memory_space<vmem>> -> memref<128xi32, #tpu.memory_space<vmem>>
      %dma_wait3A_263 = arith.constant 0 : i32
      %dma_wait3A_264 = arith.constant 0 : i32
      %dma_wait3A_265 = tpu.memref_slice %arg2[%dma_wait3A_263, %dma_wait3A_264] : memref<10000x128xf32, #tpu.memory_space<hbm>> -> memref<10000x128xf32, #tpu.memory_space<hbm>>
      tpu.wait_indirect_dma semaphore(%arg9 : memref<!tpu.dma_semaphore, #tpu.memory_space<semaphore_mem>>) src(%dma_wait3A_265 : memref<10000x128xf32, #tpu.memory_space<hbm>>) dst(%arg8 : memref<128x128xf32, #tpu.memory_space<vmem>>)
      %run_scoped3A_266 = arith.constant 3 : i32
      %run_scoped3A_267 = arith.constant 1 : i32
      "tpu.region"() ({
        %run_scoped3A_280 = tpu.sem_alloc : memref<!tpu.dma_semaphore, #tpu.memory_space<semaphore_mem>>
        %dma_start3A_281 = arith.constant 0 : i32
        %dma_start3A_282 = tpu.memref_slice %arg6[%run_scoped3A_266, %run_scoped3A_267, %dma_start3A_281] : memref<4x2x128xi32, #tpu.memory_space<vmem>> -> memref<1x1x128xi32, #tpu.memory_space<vmem>>
        %dma_start3A_283 = tpu.memref_squeeze %dma_start3A_282 : memref<1x1x128xi32, #tpu.memory_space<vmem>> -> memref<128xi32, #tpu.memory_space<vmem>>
        %dma_start3A_284 = arith.constant 0 : i32
        %dma_start3A_285 = arith.constant 0 : i32
        %dma_start3A_286 = tpu.memref_slice %arg12[%dma_start3A_284, %dma_start3A_285] : memref<10240x128xf32, #tpu.memory_space<vmem_shared>> -> memref<10240x128xf32, #tpu.memory_space<vmem_shared>>
        tpu.enqueue_indirect_dma source(%arg8 : memref<128x128xf32, #tpu.memory_space<vmem>>) target(%dma_start3A_286 : memref<10240x128xf32, #tpu.memory_space<vmem_shared>>) offsets(%dma_start3A_283 : memref<128xi32, #tpu.memory_space<vmem>>) semaphore(%run_scoped3A_280 : memref<!tpu.dma_semaphore, #tpu.memory_space<semaphore_mem>>) {add = true}
        %dma_wait3A_287 = arith.constant 0 : i32
        %dma_wait3A_288 = tpu.memref_slice %arg6[%run_scoped3A_266, %run_scoped3A_267, %dma_wait3A_287] : memref<4x2x128xi32, #tpu.memory_space<vmem>> -> memref<1x1x128xi32, #tpu.memory_space<vmem>>
        %dma_wait3A_289 = tpu.memref_squeeze %dma_wait3A_288 : memref<1x1x128xi32, #tpu.memory_space<vmem>> -> memref<128xi32, #tpu.memory_space<vmem>>
        %dma_wait3A_290 = arith.constant 0 : i32
        %dma_wait3A_291 = arith.constant 0 : i32
        %dma_wait3A_292 = tpu.memref_slice %arg12[%dma_wait3A_290, %dma_wait3A_291] : memref<10240x128xf32, #tpu.memory_space<vmem_shared>> -> memref<10240x128xf32, #tpu.memory_space<vmem_shared>>
        tpu.wait_indirect_dma semaphore(%run_scoped3A_280 : memref<!tpu.dma_semaphore, #tpu.memory_space<semaphore_mem>>) src(%arg8 : memref<128x128xf32, #tpu.memory_space<vmem>>) dst(%dma_wait3A_292 : memref<10240x128xf32, #tpu.memory_space<vmem_shared>>)
        tpu.yield
      }) : () -> ()
      %add3A_268 = arith.constant 4 : i32
      %add3A_269 = arith.addi %add3A_257, %add3A_268 : i32
      %lt3A_270 = arith.cmpi slt, %add3A_269, %mul3A_11 : i32
      %convert_element_type3A_271 = arith.extui %lt3A_270 : i1 to i32
      %cond3A_272 = arith.constant 0 : i32
      %cond3A_273 = arith.cmpi ne, %convert_element_type3A_271, %cond3A_272 : i32
      scf.if %cond3A_273 {
        %add3A_280 = arith.constant 4 : i32
        %add3A_281 = arith.addi %add3A_257, %add3A_280 : i32
        %add3A_282 = arith.addi %mul3A_6, %add3A_281 : i32
        %mul3A_283 = arith.constant 128 : i32
        %mul3A_284 = arith.muli %add3A_282, %mul3A_283 : i32
        %dma_start3A_285 = arith.constant 3 : i32
        %dma_start3A_286 = arith.constant 0 : i32
        %dma_start3A_287 = arith.constant 0 : i32
        %dma_start3A_288 = tpu.memref_slice %arg6[%dma_start3A_285, %dma_start3A_286, %dma_start3A_287] : memref<4x2x128xi32, #tpu.memory_space<vmem>> -> memref<1x2x128xi32, #tpu.memory_space<vmem>>
        %dma_start3A_289 = tpu.memref_squeeze %dma_start3A_288 : memref<1x2x128xi32, #tpu.memory_space<vmem>> -> memref<2x128xi32, #tpu.memory_space<vmem>>
        %dma_start3A_290 = arith.constant 0 : i32
        %dma_start3A_291 = tpu.memref_slice %arg3[%dma_start3A_290, %mul3A_284] : memref<2x320000xi32, #tpu.memory_space<hbm>> -> memref<2x128xi32, #tpu.memory_space<hbm>>
        %dma_start3A_292 = arith.constant 0 : i32
        %dma_start3A_293 = arith.constant 0 : i32
        %dma_start3A_294 = tpu.memref_slice %arg6[%dma_start3A_285, %dma_start3A_292, %dma_start3A_293] : memref<4x2x128xi32, #tpu.memory_space<vmem>> -> memref<1x2x128xi32, #tpu.memory_space<vmem>>
        %dma_start3A_295 = tpu.memref_squeeze %dma_start3A_294 : memref<1x2x128xi32, #tpu.memory_space<vmem>> -> memref<2x128xi32, #tpu.memory_space<vmem>>
        %dma_start3A_296 = arith.constant 0 : i32
        %dma_start3A_297 = tpu.memref_slice %arg3[%dma_start3A_296, %mul3A_284] : memref<2x320000xi32, #tpu.memory_space<hbm>> -> memref<2x128xi32, #tpu.memory_space<hbm>>
        tpu.enqueue_dma source(%dma_start3A_297 : memref<2x128xi32, #tpu.memory_space<hbm>>) target(%dma_start3A_295 : memref<2x128xi32, #tpu.memory_space<vmem>>) target_semaphore(%arg10 : memref<!tpu.dma_semaphore, #tpu.memory_space<semaphore_mem>>)
      } else {
      }
      %add3A_274 = arith.constant 2 : i32
      %add3A_275 = arith.addi %add3A_257, %add3A_274 : i32
      %lt3A_276 = arith.cmpi slt, %add3A_275, %mul3A_11 : i32
      %convert_element_type3A_277 = arith.extui %lt3A_276 : i1 to i32
      %cond3A_278 = arith.constant 0 : i32
      %cond3A_279 = arith.cmpi ne, %convert_element_type3A_277, %cond3A_278 : i32
      scf.if %cond3A_279 {
        %add3A_280 = arith.constant 2 : i32
        %add3A_281 = arith.addi %add3A_257, %add3A_280 : i32
        %add3A_282 = arith.addi %mul3A_6, %add3A_281 : i32
        %mul3A_283 = arith.constant 128 : i32
        %mul3A_284 = arith.muli %add3A_282, %mul3A_283 : i32
        %dma_wait3A_285 = arith.constant 1 : i32
        %dma_wait3A_286 = arith.constant 0 : i32
        %dma_wait3A_287 = arith.constant 0 : i32
        %dma_wait3A_288 = tpu.memref_slice %arg6[%dma_wait3A_285, %dma_wait3A_286, %dma_wait3A_287] : memref<4x2x128xi32, #tpu.memory_space<vmem>> -> memref<1x2x128xi32, #tpu.memory_space<vmem>>
        %dma_wait3A_289 = tpu.memref_squeeze %dma_wait3A_288 : memref<1x2x128xi32, #tpu.memory_space<vmem>> -> memref<2x128xi32, #tpu.memory_space<vmem>>
        %dma_wait3A_290 = arith.constant 0 : i32
        %dma_wait3A_291 = tpu.memref_slice %arg3[%dma_wait3A_290, %mul3A_284] : memref<2x320000xi32, #tpu.memory_space<hbm>> -> memref<2x128xi32, #tpu.memory_space<hbm>>
        %dma_wait3A_292 = arith.constant 0 : i32
        %dma_wait3A_293 = arith.constant 0 : i32
        %dma_wait3A_294 = tpu.memref_slice %arg6[%dma_wait3A_285, %dma_wait3A_292, %dma_wait3A_293] : memref<4x2x128xi32, #tpu.memory_space<vmem>> -> memref<1x2x128xi32, #tpu.memory_space<vmem>>
        %dma_wait3A_295 = tpu.memref_squeeze %dma_wait3A_294 : memref<1x2x128xi32, #tpu.memory_space<vmem>> -> memref<2x128xi32, #tpu.memory_space<vmem>>
        %dma_wait3A_296 = arith.constant 0 : i32
        %dma_wait3A_297 = tpu.memref_slice %arg3[%dma_wait3A_296, %mul3A_284] : memref<2x320000xi32, #tpu.memory_space<hbm>> -> memref<2x128xi32, #tpu.memory_space<hbm>>
        tpu.wait_dma2 semaphore(%arg10 : memref<!tpu.dma_semaphore, #tpu.memory_space<semaphore_mem>>) src(%dma_wait3A_297 : memref<2x128xi32, #tpu.memory_space<hbm>>) dst(%dma_wait3A_295 : memref<2x128xi32, #tpu.memory_space<vmem>>)
        %dma_start3A_298 = arith.constant 1 : i32
        %dma_start3A_299 = arith.constant 0 : i32
        %dma_start3A_300 = arith.constant 0 : i32
        %dma_start3A_301 = tpu.memref_slice %arg6[%dma_start3A_298, %dma_start3A_299, %dma_start3A_300] : memref<4x2x128xi32, #tpu.memory_space<vmem>> -> memref<1x1x128xi32, #tpu.memory_space<vmem>>
        %dma_start3A_302 = tpu.memref_squeeze %dma_start3A_301 : memref<1x1x128xi32, #tpu.memory_space<vmem>> -> memref<128xi32, #tpu.memory_space<vmem>>
        %dma_start3A_303 = arith.constant 0 : i32
        %dma_start3A_304 = arith.constant 0 : i32
        %dma_start3A_305 = tpu.memref_slice %arg2[%dma_start3A_303, %dma_start3A_304] : memref<10000x128xf32, #tpu.memory_space<hbm>> -> memref<10000x128xf32, #tpu.memory_space<hbm>>
        tpu.enqueue_indirect_dma source(%dma_start3A_305 : memref<10000x128xf32, #tpu.memory_space<hbm>>) target(%arg8 : memref<128x128xf32, #tpu.memory_space<vmem>>) offsets(%dma_start3A_302 : memref<128xi32, #tpu.memory_space<vmem>>) semaphore(%arg9 : memref<!tpu.dma_semaphore, #tpu.memory_space<semaphore_mem>>)
      } else {
      }
    }
    %while3A_164 = arith.constant 1 : i32
    scf.for %while3A_176 = %while3A_162 to %while3A_158 step %while3A_164  : i32 {
      %mul3A_177 = arith.constant 4 : i32
      %mul3A_178 = arith.muli %while3A_176, %mul3A_177 : i32
      %add3A_179 = arith.constant 0 : i32
      %add3A_180 = arith.addi %mul3A_178, %add3A_179 : i32
      %dma_wait3A_181 = arith.constant 0 : i32
      %dma_wait3A_182 = arith.constant 0 : i32
      %dma_wait3A_183 = arith.constant 0 : i32
      %dma_wait3A_184 = tpu.memref_slice %arg6[%dma_wait3A_181, %dma_wait3A_182, %dma_wait3A_183] : memref<4x2x128xi32, #tpu.memory_space<vmem>> -> memref<1x1x128xi32, #tpu.memory_space<vmem>>
      %dma_wait3A_185 = tpu.memref_squeeze %dma_wait3A_184 : memref<1x1x128xi32, #tpu.memory_space<vmem>> -> memref<128xi32, #tpu.memory_space<vmem>>
      %dma_wait3A_186 = arith.constant 0 : i32
      %dma_wait3A_187 = arith.constant 0 : i32
      %dma_wait3A_188 = tpu.memref_slice %arg2[%dma_wait3A_186, %dma_wait3A_187] : memref<10000x128xf32, #tpu.memory_space<hbm>> -> memref<10000x128xf32, #tpu.memory_space<hbm>>
      tpu.wait_indirect_dma semaphore(%arg9 : memref<!tpu.dma_semaphore, #tpu.memory_space<semaphore_mem>>) src(%dma_wait3A_188 : memref<10000x128xf32, #tpu.memory_space<hbm>>) dst(%arg7 : memref<128x128xf32, #tpu.memory_space<vmem>>)
      %run_scoped3A = arith.constant 0 : i32
      %run_scoped3A_189 = arith.constant 1 : i32
      "tpu.region"() ({
        %run_scoped3A_280 = tpu.sem_alloc : memref<!tpu.dma_semaphore, #tpu.memory_space<semaphore_mem>>
        %dma_start3A_281 = arith.constant 0 : i32
        %dma_start3A_282 = tpu.memref_slice %arg6[%run_scoped3A, %run_scoped3A_189, %dma_start3A_281] : memref<4x2x128xi32, #tpu.memory_space<vmem>> -> memref<1x1x128xi32, #tpu.memory_space<vmem>>
        %dma_start3A_283 = tpu.memref_squeeze %dma_start3A_282 : memref<1x1x128xi32, #tpu.memory_space<vmem>> -> memref<128xi32, #tpu.memory_space<vmem>>
        %dma_start3A_284 = arith.constant 0 : i32
        %dma_start3A_285 = arith.constant 0 : i32
        %dma_start3A_286 = tpu.memref_slice %arg12[%dma_start3A_284, %dma_start3A_285] : memref<10240x128xf32, #tpu.memory_space<vmem_shared>> -> memref<10240x128xf32, #tpu.memory_space<vmem_shared>>
        tpu.enqueue_indirect_dma source(%arg7 : memref<128x128xf32, #tpu.memory_space<vmem>>) target(%dma_start3A_286 : memref<10240x128xf32, #tpu.memory_space<vmem_shared>>) offsets(%dma_start3A_283 : memref<128xi32, #tpu.memory_space<vmem>>) semaphore(%run_scoped3A_280 : memref<!tpu.dma_semaphore, #tpu.memory_space<semaphore_mem>>) {add = true}
        %dma_wait3A_287 = arith.constant 0 : i32
        %dma_wait3A_288 = tpu.memref_slice %arg6[%run_scoped3A, %run_scoped3A_189, %dma_wait3A_287] : memref<4x2x128xi32, #tpu.memory_space<vmem>> -> memref<1x1x128xi32, #tpu.memory_space<vmem>>
        %dma_wait3A_289 = tpu.memref_squeeze %dma_wait3A_288 : memref<1x1x128xi32, #tpu.memory_space<vmem>> -> memref<128xi32, #tpu.memory_space<vmem>>
        %dma_wait3A_290 = arith.constant 0 : i32
        %dma_wait3A_291 = arith.constant 0 : i32
        %dma_wait3A_292 = tpu.memref_slice %arg12[%dma_wait3A_290, %dma_wait3A_291] : memref<10240x128xf32, #tpu.memory_space<vmem_shared>> -> memref<10240x128xf32, #tpu.memory_space<vmem_shared>>
        tpu.wait_indirect_dma semaphore(%run_scoped3A_280 : memref<!tpu.dma_semaphore, #tpu.memory_space<semaphore_mem>>) src(%arg7 : memref<128x128xf32, #tpu.memory_space<vmem>>) dst(%dma_wait3A_292 : memref<10240x128xf32, #tpu.memory_space<vmem_shared>>)
        tpu.yield
      }) : () -> ()
      %add3A_190 = arith.constant 4 : i32
      %add3A_191 = arith.addi %add3A_180, %add3A_190 : i32
      %lt3A_192 = arith.cmpi slt, %add3A_191, %mul3A_11 : i32
      %convert_element_type3A_193 = arith.extui %lt3A_192 : i1 to i32
      %cond3A_194 = arith.constant 0 : i32
      %cond3A_195 = arith.cmpi ne, %convert_element_type3A_193, %cond3A_194 : i32
      scf.if %cond3A_195 {
        %add3A_280 = arith.constant 4 : i32
        %add3A_281 = arith.addi %add3A_180, %add3A_280 : i32
        %add3A_282 = arith.addi %mul3A_6, %add3A_281 : i32
        %mul3A_283 = arith.constant 128 : i32
        %mul3A_284 = arith.muli %add3A_282, %mul3A_283 : i32
        %dma_start3A_285 = arith.constant 0 : i32
        %dma_start3A_286 = arith.constant 0 : i32
        %dma_start3A_287 = arith.constant 0 : i32
        %dma_start3A_288 = tpu.memref_slice %arg6[%dma_start3A_285, %dma_start3A_286, %dma_start3A_287] : memref<4x2x128xi32, #tpu.memory_space<vmem>> -> memref<1x2x128xi32, #tpu.memory_space<vmem>>
        %dma_start3A_289 = tpu.memref_squeeze %dma_start3A_288 : memref<1x2x128xi32, #tpu.memory_space<vmem>> -> memref<2x128xi32, #tpu.memory_space<vmem>>
        %dma_start3A_290 = arith.constant 0 : i32
        %dma_start3A_291 = tpu.memref_slice %arg3[%dma_start3A_290, %mul3A_284] : memref<2x320000xi32, #tpu.memory_space<hbm>> -> memref<2x128xi32, #tpu.memory_space<hbm>>
        %dma_start3A_292 = arith.constant 0 : i32
        %dma_start3A_293 = arith.constant 0 : i32
        %dma_start3A_294 = tpu.memref_slice %arg6[%dma_start3A_285, %dma_start3A_292, %dma_start3A_293] : memref<4x2x128xi32, #tpu.memory_space<vmem>> -> memref<1x2x128xi32, #tpu.memory_space<vmem>>
        %dma_start3A_295 = tpu.memref_squeeze %dma_start3A_294 : memref<1x2x128xi32, #tpu.memory_space<vmem>> -> memref<2x128xi32, #tpu.memory_space<vmem>>
        %dma_start3A_296 = arith.constant 0 : i32
        %dma_start3A_297 = tpu.memref_slice %arg3[%dma_start3A_296, %mul3A_284] : memref<2x320000xi32, #tpu.memory_space<hbm>> -> memref<2x128xi32, #tpu.memory_space<hbm>>
        tpu.enqueue_dma source(%dma_start3A_297 : memref<2x128xi32, #tpu.memory_space<hbm>>) target(%dma_start3A_295 : memref<2x128xi32, #tpu.memory_space<vmem>>) target_semaphore(%arg10 : memref<!tpu.dma_semaphore, #tpu.memory_space<semaphore_mem>>)
      } else {
      }
      %add3A_196 = arith.constant 2 : i32
      %add3A_197 = arith.addi %add3A_180, %add3A_196 : i32
      %lt3A_198 = arith.cmpi slt, %add3A_197, %mul3A_11 : i32
      %convert_element_type3A_199 = arith.extui %lt3A_198 : i1 to i32
      %cond3A_200 = arith.constant 0 : i32
      %cond3A_201 = arith.cmpi ne, %convert_element_type3A_199, %cond3A_200 : i32
      scf.if %cond3A_201 {
        %add3A_280 = arith.constant 2 : i32
        %add3A_281 = arith.addi %add3A_180, %add3A_280 : i32
        %add3A_282 = arith.addi %mul3A_6, %add3A_281 : i32
        %mul3A_283 = arith.constant 128 : i32
        %mul3A_284 = arith.muli %add3A_282, %mul3A_283 : i32
        %dma_wait3A_285 = arith.constant 2 : i32
        %dma_wait3A_286 = arith.constant 0 : i32
        %dma_wait3A_287 = arith.constant 0 : i32
        %dma_wait3A_288 = tpu.memref_slice %arg6[%dma_wait3A_285, %dma_wait3A_286, %dma_wait3A_287] : memref<4x2x128xi32, #tpu.memory_space<vmem>> -> memref<1x2x128xi32, #tpu.memory_space<vmem>>
        %dma_wait3A_289 = tpu.memref_squeeze %dma_wait3A_288 : memref<1x2x128xi32, #tpu.memory_space<vmem>> -> memref<2x128xi32, #tpu.memory_space<vmem>>
        %dma_wait3A_290 = arith.constant 0 : i32
        %dma_wait3A_291 = tpu.memref_slice %arg3[%dma_wait3A_290, %mul3A_284] : memref<2x320000xi32, #tpu.memory_space<hbm>> -> memref<2x128xi32, #tpu.memory_space<hbm>>
        %dma_wait3A_292 = arith.constant 0 : i32
        %dma_wait3A_293 = arith.constant 0 : i32
        %dma_wait3A_294 = tpu.memref_slice %arg6[%dma_wait3A_285, %dma_wait3A_292, %dma_wait3A_293] : memref<4x2x128xi32, #tpu.memory_space<vmem>> -> memref<1x2x128xi32, #tpu.memory_space<vmem>>
        %dma_wait3A_295 = tpu.memref_squeeze %dma_wait3A_294 : memref<1x2x128xi32, #tpu.memory_space<vmem>> -> memref<2x128xi32, #tpu.memory_space<vmem>>
        %dma_wait3A_296 = arith.constant 0 : i32
        %dma_wait3A_297 = tpu.memref_slice %arg3[%dma_wait3A_296, %mul3A_284] : memref<2x320000xi32, #tpu.memory_space<hbm>> -> memref<2x128xi32, #tpu.memory_space<hbm>>
        tpu.wait_dma2 semaphore(%arg10 : memref<!tpu.dma_semaphore, #tpu.memory_space<semaphore_mem>>) src(%dma_wait3A_297 : memref<2x128xi32, #tpu.memory_space<hbm>>) dst(%dma_wait3A_295 : memref<2x128xi32, #tpu.memory_space<vmem>>)
        %dma_start3A_298 = arith.constant 2 : i32
        %dma_start3A_299 = arith.constant 0 : i32
        %dma_start3A_300 = arith.constant 0 : i32
        %dma_start3A_301 = tpu.memref_slice %arg6[%dma_start3A_298, %dma_start3A_299, %dma_start3A_300] : memref<4x2x128xi32, #tpu.memory_space<vmem>> -> memref<1x1x128xi32, #tpu.memory_space<vmem>>
        %dma_start3A_302 = tpu.memref_squeeze %dma_start3A_301 : memref<1x1x128xi32, #tpu.memory_space<vmem>> -> memref<128xi32, #tpu.memory_space<vmem>>
        %dma_start3A_303 = arith.constant 0 : i32
        %dma_start3A_304 = arith.constant 0 : i32
        %dma_start3A_305 = tpu.memref_slice %arg2[%dma_start3A_303, %dma_start3A_304] : memref<10000x128xf32, #tpu.memory_space<hbm>> -> memref<10000x128xf32, #tpu.memory_space<hbm>>
        tpu.enqueue_indirect_dma source(%dma_start3A_305 : memref<10000x128xf32, #tpu.memory_space<hbm>>) target(%arg7 : memref<128x128xf32, #tpu.memory_space<vmem>>) offsets(%dma_start3A_302 : memref<128xi32, #tpu.memory_space<vmem>>) semaphore(%arg9 : memref<!tpu.dma_semaphore, #tpu.memory_space<semaphore_mem>>)
      } else {
      }
      %mul3A_202 = arith.constant 4 : i32
      %mul3A_203 = arith.muli %while3A_176, %mul3A_202 : i32
      %add3A_204 = arith.constant 1 : i32
      %add3A_205 = arith.addi %mul3A_203, %add3A_204 : i32
      %dma_wait3A_206 = arith.constant 1 : i32
      %dma_wait3A_207 = arith.constant 0 : i32
      %dma_wait3A_208 = arith.constant 0 : i32
      %dma_wait3A_209 = tpu.memref_slice %arg6[%dma_wait3A_206, %dma_wait3A_207, %dma_wait3A_208] : memref<4x2x128xi32, #tpu.memory_space<vmem>> -> memref<1x1x128xi32, #tpu.memory_space<vmem>>
      %dma_wait3A_210 = tpu.memref_squeeze %dma_wait3A_209 : memref<1x1x128xi32, #tpu.memory_space<vmem>> -> memref<128xi32, #tpu.memory_space<vmem>>
      %dma_wait3A_211 = arith.constant 0 : i32
      %dma_wait3A_212 = arith.constant 0 : i32
      %dma_wait3A_213 = tpu.memref_slice %arg2[%dma_wait3A_211, %dma_wait3A_212] : memref<10000x128xf32, #tpu.memory_space<hbm>> -> memref<10000x128xf32, #tpu.memory_space<hbm>>
      tpu.wait_indirect_dma semaphore(%arg9 : memref<!tpu.dma_semaphore, #tpu.memory_space<semaphore_mem>>) src(%dma_wait3A_213 : memref<10000x128xf32, #tpu.memory_space<hbm>>) dst(%arg8 : memref<128x128xf32, #tpu.memory_space<vmem>>)
      %run_scoped3A_214 = arith.constant 1 : i32
      %run_scoped3A_215 = arith.constant 1 : i32
      "tpu.region"() ({
        %run_scoped3A_280 = tpu.sem_alloc : memref<!tpu.dma_semaphore, #tpu.memory_space<semaphore_mem>>
        %dma_start3A_281 = arith.constant 0 : i32
        %dma_start3A_282 = tpu.memref_slice %arg6[%run_scoped3A_214, %run_scoped3A_215, %dma_start3A_281] : memref<4x2x128xi32, #tpu.memory_space<vmem>> -> memref<1x1x128xi32, #tpu.memory_space<vmem>>
        %dma_start3A_283 = tpu.memref_squeeze %dma_start3A_282 : memref<1x1x128xi32, #tpu.memory_space<vmem>> -> memref<128xi32, #tpu.memory_space<vmem>>
        %dma_start3A_284 = arith.constant 0 : i32
        %dma_start3A_285 = arith.constant 0 : i32
        %dma_start3A_286 = tpu.memref_slice %arg12[%dma_start3A_284, %dma_start3A_285] : memref<10240x128xf32, #tpu.memory_space<vmem_shared>> -> memref<10240x128xf32, #tpu.memory_space<vmem_shared>>
        tpu.enqueue_indirect_dma source(%arg8 : memref<128x128xf32, #tpu.memory_space<vmem>>) target(%dma_start3A_286 : memref<10240x128xf32, #tpu.memory_space<vmem_shared>>) offsets(%dma_start3A_283 : memref<128xi32, #tpu.memory_space<vmem>>) semaphore(%run_scoped3A_280 : memref<!tpu.dma_semaphore, #tpu.memory_space<semaphore_mem>>) {add = true}
        %dma_wait3A_287 = arith.constant 0 : i32
        %dma_wait3A_288 = tpu.memref_slice %arg6[%run_scoped3A_214, %run_scoped3A_215, %dma_wait3A_287] : memref<4x2x128xi32, #tpu.memory_space<vmem>> -> memref<1x1x128xi32, #tpu.memory_space<vmem>>
        %dma_wait3A_289 = tpu.memref_squeeze %dma_wait3A_288 : memref<1x1x128xi32, #tpu.memory_space<vmem>> -> memref<128xi32, #tpu.memory_space<vmem>>
        %dma_wait3A_290 = arith.constant 0 : i32
        %dma_wait3A_291 = arith.constant 0 : i32
        %dma_wait3A_292 = tpu.memref_slice %arg12[%dma_wait3A_290, %dma_wait3A_291] : memref<10240x128xf32, #tpu.memory_space<vmem_shared>> -> memref<10240x128xf32, #tpu.memory_space<vmem_shared>>
        tpu.wait_indirect_dma semaphore(%run_scoped3A_280 : memref<!tpu.dma_semaphore, #tpu.memory_space<semaphore_mem>>) src(%arg8 : memref<128x128xf32, #tpu.memory_space<vmem>>) dst(%dma_wait3A_292 : memref<10240x128xf32, #tpu.memory_space<vmem_shared>>)
        tpu.yield
      }) : () -> ()
      %add3A_216 = arith.constant 4 : i32
      %add3A_217 = arith.addi %add3A_205, %add3A_216 : i32
      %lt3A_218 = arith.cmpi slt, %add3A_217, %mul3A_11 : i32
      %convert_element_type3A_219 = arith.extui %lt3A_218 : i1 to i32
      %cond3A_220 = arith.constant 0 : i32
      %cond3A_221 = arith.cmpi ne, %convert_element_type3A_219, %cond3A_220 : i32
      scf.if %cond3A_221 {
        %add3A_280 = arith.constant 4 : i32
        %add3A_281 = arith.addi %add3A_205, %add3A_280 : i32
        %add3A_282 = arith.addi %mul3A_6, %add3A_281 : i32
        %mul3A_283 = arith.constant 128 : i32
        %mul3A_284 = arith.muli %add3A_282, %mul3A_283 : i32
        %dma_start3A_285 = arith.constant 1 : i32
        %dma_start3A_286 = arith.constant 0 : i32
        %dma_start3A_287 = arith.constant 0 : i32
        %dma_start3A_288 = tpu.memref_slice %arg6[%dma_start3A_285, %dma_start3A_286, %dma_start3A_287] : memref<4x2x128xi32, #tpu.memory_space<vmem>> -> memref<1x2x128xi32, #tpu.memory_space<vmem>>
        %dma_start3A_289 = tpu.memref_squeeze %dma_start3A_288 : memref<1x2x128xi32, #tpu.memory_space<vmem>> -> memref<2x128xi32, #tpu.memory_space<vmem>>
        %dma_start3A_290 = arith.constant 0 : i32
        %dma_start3A_291 = tpu.memref_slice %arg3[%dma_start3A_290, %mul3A_284] : memref<2x320000xi32, #tpu.memory_space<hbm>> -> memref<2x128xi32, #tpu.memory_space<hbm>>
        %dma_start3A_292 = arith.constant 0 : i32
        %dma_start3A_293 = arith.constant 0 : i32
        %dma_start3A_294 = tpu.memref_slice %arg6[%dma_start3A_285, %dma_start3A_292, %dma_start3A_293] : memref<4x2x128xi32, #tpu.memory_space<vmem>> -> memref<1x2x128xi32, #tpu.memory_space<vmem>>
        %dma_start3A_295 = tpu.memref_squeeze %dma_start3A_294 : memref<1x2x128xi32, #tpu.memory_space<vmem>> -> memref<2x128xi32, #tpu.memory_space<vmem>>
        %dma_start3A_296 = arith.constant 0 : i32
        %dma_start3A_297 = tpu.memref_slice %arg3[%dma_start3A_296, %mul3A_284] : memref<2x320000xi32, #tpu.memory_space<hbm>> -> memref<2x128xi32, #tpu.memory_space<hbm>>
        tpu.enqueue_dma source(%dma_start3A_297 : memref<2x128xi32, #tpu.memory_space<hbm>>) target(%dma_start3A_295 : memref<2x128xi32, #tpu.memory_space<vmem>>) target_semaphore(%arg10 : memref<!tpu.dma_semaphore, #tpu.memory_space<semaphore_mem>>)
      } else {
      }
      %add3A_222 = arith.constant 2 : i32
      %add3A_223 = arith.addi %add3A_205, %add3A_222 : i32
      %lt3A_224 = arith.cmpi slt, %add3A_223, %mul3A_11 : i32
      %convert_element_type3A_225 = arith.extui %lt3A_224 : i1 to i32
      %cond3A_226 = arith.constant 0 : i32
      %cond3A_227 = arith.cmpi ne, %convert_element_type3A_225, %cond3A_226 : i32
      scf.if %cond3A_227 {
        %add3A_280 = arith.constant 2 : i32
        %add3A_281 = arith.addi %add3A_205, %add3A_280 : i32
        %add3A_282 = arith.addi %mul3A_6, %add3A_281 : i32
        %mul3A_283 = arith.constant 128 : i32
        %mul3A_284 = arith.muli %add3A_282, %mul3A_283 : i32
        %dma_wait3A_285 = arith.constant 3 : i32
        %dma_wait3A_286 = arith.constant 0 : i32
        %dma_wait3A_287 = arith.constant 0 : i32
        %dma_wait3A_288 = tpu.memref_slice %arg6[%dma_wait3A_285, %dma_wait3A_286, %dma_wait3A_287] : memref<4x2x128xi32, #tpu.memory_space<vmem>> -> memref<1x2x128xi32, #tpu.memory_space<vmem>>
        %dma_wait3A_289 = tpu.memref_squeeze %dma_wait3A_288 : memref<1x2x128xi32, #tpu.memory_space<vmem>> -> memref<2x128xi32, #tpu.memory_space<vmem>>
        %dma_wait3A_290 = arith.constant 0 : i32
        %dma_wait3A_291 = tpu.memref_slice %arg3[%dma_wait3A_290, %mul3A_284] : memref<2x320000xi32, #tpu.memory_space<hbm>> -> memref<2x128xi32, #tpu.memory_space<hbm>>
        %dma_wait3A_292 = arith.constant 0 : i32
        %dma_wait3A_293 = arith.constant 0 : i32
        %dma_wait3A_294 = tpu.memref_slice %arg6[%dma_wait3A_285, %dma_wait3A_292, %dma_wait3A_293] : memref<4x2x128xi32, #tpu.memory_space<vmem>> -> memref<1x2x128xi32, #tpu.memory_space<vmem>>
        %dma_wait3A_295 = tpu.memref_squeeze %dma_wait3A_294 : memref<1x2x128xi32, #tpu.memory_space<vmem>> -> memref<2x128xi32, #tpu.memory_space<vmem>>
        %dma_wait3A_296 = arith.constant 0 : i32
        %dma_wait3A_297 = tpu.memref_slice %arg3[%dma_wait3A_296, %mul3A_284] : memref<2x320000xi32, #tpu.memory_space<hbm>> -> memref<2x128xi32, #tpu.memory_space<hbm>>
        tpu.wait_dma2 semaphore(%arg10 : memref<!tpu.dma_semaphore, #tpu.memory_space<semaphore_mem>>) src(%dma_wait3A_297 : memref<2x128xi32, #tpu.memory_space<hbm>>) dst(%dma_wait3A_295 : memref<2x128xi32, #tpu.memory_space<vmem>>)
        %dma_start3A_298 = arith.constant 3 : i32
        %dma_start3A_299 = arith.constant 0 : i32
        %dma_start3A_300 = arith.constant 0 : i32
        %dma_start3A_301 = tpu.memref_slice %arg6[%dma_start3A_298, %dma_start3A_299, %dma_start3A_300] : memref<4x2x128xi32, #tpu.memory_space<vmem>> -> memref<1x1x128xi32, #tpu.memory_space<vmem>>
        %dma_start3A_302 = tpu.memref_squeeze %dma_start3A_301 : memref<1x1x128xi32, #tpu.memory_space<vmem>> -> memref<128xi32, #tpu.memory_space<vmem>>
        %dma_start3A_303 = arith.constant 0 : i32
        %dma_start3A_304 = arith.constant 0 : i32
        %dma_start3A_305 = tpu.memref_slice %arg2[%dma_start3A_303, %dma_start3A_304] : memref<10000x128xf32, #tpu.memory_space<hbm>> -> memref<10000x128xf32, #tpu.memory_space<hbm>>
        tpu.enqueue_indirect_dma source(%dma_start3A_305 : memref<10000x128xf32, #tpu.memory_space<hbm>>) target(%arg8 : memref<128x128xf32, #tpu.memory_space<vmem>>) offsets(%dma_start3A_302 : memref<128xi32, #tpu.memory_space<vmem>>) semaphore(%arg9 : memref<!tpu.dma_semaphore, #tpu.memory_space<semaphore_mem>>)
      } else {
      }
      %mul3A_228 = arith.constant 4 : i32
      %mul3A_229 = arith.muli %while3A_176, %mul3A_228 : i32
      %add3A_230 = arith.constant 2 : i32
      %add3A_231 = arith.addi %mul3A_229, %add3A_230 : i32
      %dma_wait3A_232 = arith.constant 2 : i32
      %dma_wait3A_233 = arith.constant 0 : i32
      %dma_wait3A_234 = arith.constant 0 : i32
      %dma_wait3A_235 = tpu.memref_slice %arg6[%dma_wait3A_232, %dma_wait3A_233, %dma_wait3A_234] : memref<4x2x128xi32, #tpu.memory_space<vmem>> -> memref<1x1x128xi32, #tpu.memory_space<vmem>>
      %dma_wait3A_236 = tpu.memref_squeeze %dma_wait3A_235 : memref<1x1x128xi32, #tpu.memory_space<vmem>> -> memref<128xi32, #tpu.memory_space<vmem>>
      %dma_wait3A_237 = arith.constant 0 : i32
      %dma_wait3A_238 = arith.constant 0 : i32
      %dma_wait3A_239 = tpu.memref_slice %arg2[%dma_wait3A_237, %dma_wait3A_238] : memref<10000x128xf32, #tpu.memory_space<hbm>> -> memref<10000x128xf32, #tpu.memory_space<hbm>>
      tpu.wait_indirect_dma semaphore(%arg9 : memref<!tpu.dma_semaphore, #tpu.memory_space<semaphore_mem>>) src(%dma_wait3A_239 : memref<10000x128xf32, #tpu.memory_space<hbm>>) dst(%arg7 : memref<128x128xf32, #tpu.memory_space<vmem>>)
      %run_scoped3A_240 = arith.constant 2 : i32
      %run_scoped3A_241 = arith.constant 1 : i32
      "tpu.region"() ({
        %run_scoped3A_280 = tpu.sem_alloc : memref<!tpu.dma_semaphore, #tpu.memory_space<semaphore_mem>>
        %dma_start3A_281 = arith.constant 0 : i32
        %dma_start3A_282 = tpu.memref_slice %arg6[%run_scoped3A_240, %run_scoped3A_241, %dma_start3A_281] : memref<4x2x128xi32, #tpu.memory_space<vmem>> -> memref<1x1x128xi32, #tpu.memory_space<vmem>>
        %dma_start3A_283 = tpu.memref_squeeze %dma_start3A_282 : memref<1x1x128xi32, #tpu.memory_space<vmem>> -> memref<128xi32, #tpu.memory_space<vmem>>
        %dma_start3A_284 = arith.constant 0 : i32
        %dma_start3A_285 = arith.constant 0 : i32
        %dma_start3A_286 = tpu.memref_slice %arg12[%dma_start3A_284, %dma_start3A_285] : memref<10240x128xf32, #tpu.memory_space<vmem_shared>> -> memref<10240x128xf32, #tpu.memory_space<vmem_shared>>
        tpu.enqueue_indirect_dma source(%arg7 : memref<128x128xf32, #tpu.memory_space<vmem>>) target(%dma_start3A_286 : memref<10240x128xf32, #tpu.memory_space<vmem_shared>>) offsets(%dma_start3A_283 : memref<128xi32, #tpu.memory_space<vmem>>) semaphore(%run_scoped3A_280 : memref<!tpu.dma_semaphore, #tpu.memory_space<semaphore_mem>>) {add = true}
        %dma_wait3A_287 = arith.constant 0 : i32
        %dma_wait3A_288 = tpu.memref_slice %arg6[%run_scoped3A_240, %run_scoped3A_241, %dma_wait3A_287] : memref<4x2x128xi32, #tpu.memory_space<vmem>> -> memref<1x1x128xi32, #tpu.memory_space<vmem>>
        %dma_wait3A_289 = tpu.memref_squeeze %dma_wait3A_288 : memref<1x1x128xi32, #tpu.memory_space<vmem>> -> memref<128xi32, #tpu.memory_space<vmem>>
        %dma_wait3A_290 = arith.constant 0 : i32
        %dma_wait3A_291 = arith.constant 0 : i32
        %dma_wait3A_292 = tpu.memref_slice %arg12[%dma_wait3A_290, %dma_wait3A_291] : memref<10240x128xf32, #tpu.memory_space<vmem_shared>> -> memref<10240x128xf32, #tpu.memory_space<vmem_shared>>
        tpu.wait_indirect_dma semaphore(%run_scoped3A_280 : memref<!tpu.dma_semaphore, #tpu.memory_space<semaphore_mem>>) src(%arg7 : memref<128x128xf32, #tpu.memory_space<vmem>>) dst(%dma_wait3A_292 : memref<10240x128xf32, #tpu.memory_space<vmem_shared>>)
        tpu.yield
      }) : () -> ()
      %add3A_242 = arith.constant 4 : i32
      %add3A_243 = arith.addi %add3A_231, %add3A_242 : i32
      %lt3A_244 = arith.cmpi slt, %add3A_243, %mul3A_11 : i32
      %convert_element_type3A_245 = arith.extui %lt3A_244 : i1 to i32
      %cond3A_246 = arith.constant 0 : i32
      %cond3A_247 = arith.cmpi ne, %convert_element_type3A_245, %cond3A_246 : i32
      scf.if %cond3A_247 {
        %add3A_280 = arith.constant 4 : i32
        %add3A_281 = arith.addi %add3A_231, %add3A_280 : i32
        %add3A_282 = arith.addi %mul3A_6, %add3A_281 : i32
        %mul3A_283 = arith.constant 128 : i32
        %mul3A_284 = arith.muli %add3A_282, %mul3A_283 : i32
        %dma_start3A_285 = arith.constant 2 : i32
        %dma_start3A_286 = arith.constant 0 : i32
        %dma_start3A_287 = arith.constant 0 : i32
        %dma_start3A_288 = tpu.memref_slice %arg6[%dma_start3A_285, %dma_start3A_286, %dma_start3A_287] : memref<4x2x128xi32, #tpu.memory_space<vmem>> -> memref<1x2x128xi32, #tpu.memory_space<vmem>>
        %dma_start3A_289 = tpu.memref_squeeze %dma_start3A_288 : memref<1x2x128xi32, #tpu.memory_space<vmem>> -> memref<2x128xi32, #tpu.memory_space<vmem>>
        %dma_start3A_290 = arith.constant 0 : i32
        %dma_start3A_291 = tpu.memref_slice %arg3[%dma_start3A_290, %mul3A_284] : memref<2x320000xi32, #tpu.memory_space<hbm>> -> memref<2x128xi32, #tpu.memory_space<hbm>>
        %dma_start3A_292 = arith.constant 0 : i32
        %dma_start3A_293 = arith.constant 0 : i32
        %dma_start3A_294 = tpu.memref_slice %arg6[%dma_start3A_285, %dma_start3A_292, %dma_start3A_293] : memref<4x2x128xi32, #tpu.memory_space<vmem>> -> memref<1x2x128xi32, #tpu.memory_space<vmem>>
        %dma_start3A_295 = tpu.memref_squeeze %dma_start3A_294 : memref<1x2x128xi32, #tpu.memory_space<vmem>> -> memref<2x128xi32, #tpu.memory_space<vmem>>
        %dma_start3A_296 = arith.constant 0 : i32
        %dma_start3A_297 = tpu.memref_slice %arg3[%dma_start3A_296, %mul3A_284] : memref<2x320000xi32, #tpu.memory_space<hbm>> -> memref<2x128xi32, #tpu.memory_space<hbm>>
        tpu.enqueue_dma source(%dma_start3A_297 : memref<2x128xi32, #tpu.memory_space<hbm>>) target(%dma_start3A_295 : memref<2x128xi32, #tpu.memory_space<vmem>>) target_semaphore(%arg10 : memref<!tpu.dma_semaphore, #tpu.memory_space<semaphore_mem>>)
      } else {
      }
      %add3A_248 = arith.constant 2 : i32
      %add3A_249 = arith.addi %add3A_231, %add3A_248 : i32
      %lt3A_250 = arith.cmpi slt, %add3A_249, %mul3A_11 : i32
      %convert_element_type3A_251 = arith.extui %lt3A_250 : i1 to i32
      %cond3A_252 = arith.constant 0 : i32
      %cond3A_253 = arith.cmpi ne, %convert_element_type3A_251, %cond3A_252 : i32
      scf.if %cond3A_253 {
        %add3A_280 = arith.constant 2 : i32
        %add3A_281 = arith.addi %add3A_231, %add3A_280 : i32
        %add3A_282 = arith.addi %mul3A_6, %add3A_281 : i32
        %mul3A_283 = arith.constant 128 : i32
        %mul3A_284 = arith.muli %add3A_282, %mul3A_283 : i32
        %dma_wait3A_285 = arith.constant 0 : i32
        %dma_wait3A_286 = arith.constant 0 : i32
        %dma_wait3A_287 = arith.constant 0 : i32
        %dma_wait3A_288 = tpu.memref_slice %arg6[%dma_wait3A_285, %dma_wait3A_286, %dma_wait3A_287] : memref<4x2x128xi32, #tpu.memory_space<vmem>> -> memref<1x2x128xi32, #tpu.memory_space<vmem>>
        %dma_wait3A_289 = tpu.memref_squeeze %dma_wait3A_288 : memref<1x2x128xi32, #tpu.memory_space<vmem>> -> memref<2x128xi32, #tpu.memory_space<vmem>>
        %dma_wait3A_290 = arith.constant 0 : i32
        %dma_wait3A_291 = tpu.memref_slice %arg3[%dma_wait3A_290, %mul3A_284] : memref<2x320000xi32, #tpu.memory_space<hbm>> -> memref<2x128xi32, #tpu.memory_space<hbm>>
        %dma_wait3A_292 = arith.constant 0 : i32
        %dma_wait3A_293 = arith.constant 0 : i32
        %dma_wait3A_294 = tpu.memref_slice %arg6[%dma_wait3A_285, %dma_wait3A_292, %dma_wait3A_293] : memref<4x2x128xi32, #tpu.memory_space<vmem>> -> memref<1x2x128xi32, #tpu.memory_space<vmem>>
        %dma_wait3A_295 = tpu.memref_squeeze %dma_wait3A_294 : memref<1x2x128xi32, #tpu.memory_space<vmem>> -> memref<2x128xi32, #tpu.memory_space<vmem>>
        %dma_wait3A_296 = arith.constant 0 : i32
        %dma_wait3A_297 = tpu.memref_slice %arg3[%dma_wait3A_296, %mul3A_284] : memref<2x320000xi32, #tpu.memory_space<hbm>> -> memref<2x128xi32, #tpu.memory_space<hbm>>
        tpu.wait_dma2 semaphore(%arg10 : memref<!tpu.dma_semaphore, #tpu.memory_space<semaphore_mem>>) src(%dma_wait3A_297 : memref<2x128xi32, #tpu.memory_space<hbm>>) dst(%dma_wait3A_295 : memref<2x128xi32, #tpu.memory_space<vmem>>)
        %dma_start3A_298 = arith.constant 0 : i32
        %dma_start3A_299 = arith.constant 0 : i32
        %dma_start3A_300 = arith.constant 0 : i32
        %dma_start3A_301 = tpu.memref_slice %arg6[%dma_start3A_298, %dma_start3A_299, %dma_start3A_300] : memref<4x2x128xi32, #tpu.memory_space<vmem>> -> memref<1x1x128xi32, #tpu.memory_space<vmem>>
        %dma_start3A_302 = tpu.memref_squeeze %dma_start3A_301 : memref<1x1x128xi32, #tpu.memory_space<vmem>> -> memref<128xi32, #tpu.memory_space<vmem>>
        %dma_start3A_303 = arith.constant 0 : i32
        %dma_start3A_304 = arith.constant 0 : i32
        %dma_start3A_305 = tpu.memref_slice %arg2[%dma_start3A_303, %dma_start3A_304] : memref<10000x128xf32, #tpu.memory_space<hbm>> -> memref<10000x128xf32, #tpu.memory_space<hbm>>
        tpu.enqueue_indirect_dma source(%dma_start3A_305 : memref<10000x128xf32, #tpu.memory_space<hbm>>) target(%arg7 : memref<128x128xf32, #tpu.memory_space<vmem>>) offsets(%dma_start3A_302 : memref<128xi32, #tpu.memory_space<vmem>>) semaphore(%arg9 : memref<!tpu.dma_semaphore, #tpu.memory_space<semaphore_mem>>)
      } else {
      }
      %mul3A_254 = arith.constant 4 : i32
      %mul3A_255 = arith.muli %while3A_176, %mul3A_254 : i32
      %add3A_256 = arith.constant 3 : i32
      %add3A_257 = arith.addi %mul3A_255, %add3A_256 : i32
      %dma_wait3A_258 = arith.constant 3 : i32
      %dma_wait3A_259 = arith.constant 0 : i32
      %dma_wait3A_260 = arith.constant 0 : i32
      %dma_wait3A_261 = tpu.memref_slice %arg6[%dma_wait3A_258, %dma_wait3A_259, %dma_wait3A_260] : memref<4x2x128xi32, #tpu.memory_space<vmem>> -> memref<1x1x128xi32, #tpu.memory_space<vmem>>
      %dma_wait3A_262 = tpu.memref_squeeze %dma_wait3A_261 : memref<1x1x128xi32, #tpu.memory_space<vmem>> -> memref<128xi32, #tpu.memory_space<vmem>>
      %dma_wait3A_263 = arith.constant 0 : i32
      %dma_wait3A_264 = arith.constant 0 : i32
      %dma_wait3A_265 = tpu.memref_slice %arg2[%dma_wait3A_263, %dma_wait3A_264] : memref<10000x128xf32, #tpu.memory_space<hbm>> -> memref<10000x128xf32, #tpu.memory_space<hbm>>
      tpu.wait_indirect_dma semaphore(%arg9 : memref<!tpu.dma_semaphore, #tpu.memory_space<semaphore_mem>>) src(%dma_wait3A_265 : memref<10000x128xf32, #tpu.memory_space<hbm>>) dst(%arg8 : memref<128x128xf32, #tpu.memory_space<vmem>>)
      %run_scoped3A_266 = arith.constant 3 : i32
      %run_scoped3A_267 = arith.constant 1 : i32
      "tpu.region"() ({
        %run_scoped3A_280 = tpu.sem_alloc : memref<!tpu.dma_semaphore, #tpu.memory_space<semaphore_mem>>
        %dma_start3A_281 = arith.constant 0 : i32
        %dma_start3A_282 = tpu.memref_slice %arg6[%run_scoped3A_266, %run_scoped3A_267, %dma_start3A_281] : memref<4x2x128xi32, #tpu.memory_space<vmem>> -> memref<1x1x128xi32, #tpu.memory_space<vmem>>
        %dma_start3A_283 = tpu.memref_squeeze %dma_start3A_282 : memref<1x1x128xi32, #tpu.memory_space<vmem>> -> memref<128xi32, #tpu.memory_space<vmem>>
        %dma_start3A_284 = arith.constant 0 : i32
        %dma_start3A_285 = arith.constant 0 : i32
        %dma_start3A_286 = tpu.memref_slice %arg12[%dma_start3A_284, %dma_start3A_285] : memref<10240x128xf32, #tpu.memory_space<vmem_shared>> -> memref<10240x128xf32, #tpu.memory_space<vmem_shared>>
        tpu.enqueue_indirect_dma source(%arg8 : memref<128x128xf32, #tpu.memory_space<vmem>>) target(%dma_start3A_286 : memref<10240x128xf32, #tpu.memory_space<vmem_shared>>) offsets(%dma_start3A_283 : memref<128xi32, #tpu.memory_space<vmem>>) semaphore(%run_scoped3A_280 : memref<!tpu.dma_semaphore, #tpu.memory_space<semaphore_mem>>) {add = true}
        %dma_wait3A_287 = arith.constant 0 : i32
        %dma_wait3A_288 = tpu.memref_slice %arg6[%run_scoped3A_266, %run_scoped3A_267, %dma_wait3A_287] : memref<4x2x128xi32, #tpu.memory_space<vmem>> -> memref<1x1x128xi32, #tpu.memory_space<vmem>>
        %dma_wait3A_289 = tpu.memref_squeeze %dma_wait3A_288 : memref<1x1x128xi32, #tpu.memory_space<vmem>> -> memref<128xi32, #tpu.memory_space<vmem>>
        %dma_wait3A_290 = arith.constant 0 : i32
        %dma_wait3A_291 = arith.constant 0 : i32
        %dma_wait3A_292 = tpu.memref_slice %arg12[%dma_wait3A_290, %dma_wait3A_291] : memref<10240x128xf32, #tpu.memory_space<vmem_shared>> -> memref<10240x128xf32, #tpu.memory_space<vmem_shared>>
        tpu.wait_indirect_dma semaphore(%run_scoped3A_280 : memref<!tpu.dma_semaphore, #tpu.memory_space<semaphore_mem>>) src(%arg8 : memref<128x128xf32, #tpu.memory_space<vmem>>) dst(%dma_wait3A_292 : memref<10240x128xf32, #tpu.memory_space<vmem_shared>>)
        tpu.yield
      }) : () -> ()
      %add3A_268 = arith.constant 4 : i32
      %add3A_269 = arith.addi %add3A_257, %add3A_268 : i32
      %lt3A_270 = arith.cmpi slt, %add3A_269, %mul3A_11 : i32
      %convert_element_type3A_271 = arith.extui %lt3A_270 : i1 to i32
      %cond3A_272 = arith.constant 0 : i32
      %cond3A_273 = arith.cmpi ne, %convert_element_type3A_271, %cond3A_272 : i32
      scf.if %cond3A_273 {
        %add3A_280 = arith.constant 4 : i32
        %add3A_281 = arith.addi %add3A_257, %add3A_280 : i32
        %add3A_282 = arith.addi %mul3A_6, %add3A_281 : i32
        %mul3A_283 = arith.constant 128 : i32
        %mul3A_284 = arith.muli %add3A_282, %mul3A_283 : i32
        %dma_start3A_285 = arith.constant 3 : i32
        %dma_start3A_286 = arith.constant 0 : i32
        %dma_start3A_287 = arith.constant 0 : i32
        %dma_start3A_288 = tpu.memref_slice %arg6[%dma_start3A_285, %dma_start3A_286, %dma_start3A_287] : memref<4x2x128xi32, #tpu.memory_space<vmem>> -> memref<1x2x128xi32, #tpu.memory_space<vmem>>
        %dma_start3A_289 = tpu.memref_squeeze %dma_start3A_288 : memref<1x2x128xi32, #tpu.memory_space<vmem>> -> memref<2x128xi32, #tpu.memory_space<vmem>>
        %dma_start3A_290 = arith.constant 0 : i32
        %dma_start3A_291 = tpu.memref_slice %arg3[%dma_start3A_290, %mul3A_284] : memref<2x320000xi32, #tpu.memory_space<hbm>> -> memref<2x128xi32, #tpu.memory_space<hbm>>
        %dma_start3A_292 = arith.constant 0 : i32
        %dma_start3A_293 = arith.constant 0 : i32
        %dma_start3A_294 = tpu.memref_slice %arg6[%dma_start3A_285, %dma_start3A_292, %dma_start3A_293] : memref<4x2x128xi32, #tpu.memory_space<vmem>> -> memref<1x2x128xi32, #tpu.memory_space<vmem>>
        %dma_start3A_295 = tpu.memref_squeeze %dma_start3A_294 : memref<1x2x128xi32, #tpu.memory_space<vmem>> -> memref<2x128xi32, #tpu.memory_space<vmem>>
        %dma_start3A_296 = arith.constant 0 : i32
        %dma_start3A_297 = tpu.memref_slice %arg3[%dma_start3A_296, %mul3A_284] : memref<2x320000xi32, #tpu.memory_space<hbm>> -> memref<2x128xi32, #tpu.memory_space<hbm>>
        tpu.enqueue_dma source(%dma_start3A_297 : memref<2x128xi32, #tpu.memory_space<hbm>>) target(%dma_start3A_295 : memref<2x128xi32, #tpu.memory_space<vmem>>) target_semaphore(%arg10 : memref<!tpu.dma_semaphore, #tpu.memory_space<semaphore_mem>>)
      } else {
      }
      %add3A_274 = arith.constant 2 : i32
      %add3A_275 = arith.addi %add3A_257, %add3A_274 : i32
      %lt3A_276 = arith.cmpi slt, %add3A_275, %mul3A_11 : i32
      %convert_element_type3A_277 = arith.extui %lt3A_276 : i1 to i32
      %cond3A_278 = arith.constant 0 : i32
      %cond3A_279 = arith.cmpi ne, %convert_element_type3A_277, %cond3A_278 : i32
      scf.if %cond3A_279 {
        %add3A_280 = arith.constant 2 : i32
        %add3A_281 = arith.addi %add3A_257, %add3A_280 : i32
        %add3A_282 = arith.addi %mul3A_6, %add3A_281 : i32
        %mul3A_283 = arith.constant 128 : i32
        %mul3A_284 = arith.muli %add3A_282, %mul3A_283 : i32
        %dma_wait3A_285 = arith.constant 1 : i32
        %dma_wait3A_286 = arith.constant 0 : i32
        %dma_wait3A_287 = arith.constant 0 : i32
        %dma_wait3A_288 = tpu.memref_slice %arg6[%dma_wait3A_285, %dma_wait3A_286, %dma_wait3A_287] : memref<4x2x128xi32, #tpu.memory_space<vmem>> -> memref<1x2x128xi32, #tpu.memory_space<vmem>>
        %dma_wait3A_289 = tpu.memref_squeeze %dma_wait3A_288 : memref<1x2x128xi32, #tpu.memory_space<vmem>> -> memref<2x128xi32, #tpu.memory_space<vmem>>
        %dma_wait3A_290 = arith.constant 0 : i32
        %dma_wait3A_291 = tpu.memref_slice %arg3[%dma_wait3A_290, %mul3A_284] : memref<2x320000xi32, #tpu.memory_space<hbm>> -> memref<2x128xi32, #tpu.memory_space<hbm>>
        %dma_wait3A_292 = arith.constant 0 : i32
        %dma_wait3A_293 = arith.constant 0 : i32
        %dma_wait3A_294 = tpu.memref_slice %arg6[%dma_wait3A_285, %dma_wait3A_292, %dma_wait3A_293] : memref<4x2x128xi32, #tpu.memory_space<vmem>> -> memref<1x2x128xi32, #tpu.memory_space<vmem>>
        %dma_wait3A_295 = tpu.memref_squeeze %dma_wait3A_294 : memref<1x2x128xi32, #tpu.memory_space<vmem>> -> memref<2x128xi32, #tpu.memory_space<vmem>>
        %dma_wait3A_296 = arith.constant 0 : i32
        %dma_wait3A_297 = tpu.memref_slice %arg3[%dma_wait3A_296, %mul3A_284] : memref<2x320000xi32, #tpu.memory_space<hbm>> -> memref<2x128xi32, #tpu.memory_space<hbm>>
        tpu.wait_dma2 semaphore(%arg10 : memref<!tpu.dma_semaphore, #tpu.memory_space<semaphore_mem>>) src(%dma_wait3A_297 : memref<2x128xi32, #tpu.memory_space<hbm>>) dst(%dma_wait3A_295 : memref<2x128xi32, #tpu.memory_space<vmem>>)
        %dma_start3A_298 = arith.constant 1 : i32
        %dma_start3A_299 = arith.constant 0 : i32
        %dma_start3A_300 = arith.constant 0 : i32
        %dma_start3A_301 = tpu.memref_slice %arg6[%dma_start3A_298, %dma_start3A_299, %dma_start3A_300] : memref<4x2x128xi32, #tpu.memory_space<vmem>> -> memref<1x1x128xi32, #tpu.memory_space<vmem>>
        %dma_start3A_302 = tpu.memref_squeeze %dma_start3A_301 : memref<1x1x128xi32, #tpu.memory_space<vmem>> -> memref<128xi32, #tpu.memory_space<vmem>>
        %dma_start3A_303 = arith.constant 0 : i32
        %dma_start3A_304 = arith.constant 0 : i32
        %dma_start3A_305 = tpu.memref_slice %arg2[%dma_start3A_303, %dma_start3A_304] : memref<10000x128xf32, #tpu.memory_space<hbm>> -> memref<10000x128xf32, #tpu.memory_space<hbm>>
        tpu.enqueue_indirect_dma source(%dma_start3A_305 : memref<10000x128xf32, #tpu.memory_space<hbm>>) target(%arg8 : memref<128x128xf32, #tpu.memory_space<vmem>>) offsets(%dma_start3A_302 : memref<128xi32, #tpu.memory_space<vmem>>) semaphore(%arg9 : memref<!tpu.dma_semaphore, #tpu.memory_space<semaphore_mem>>)
      } else {
      }
    }
    %barrier3A_165 = arith.constant 0 : index
    tpu.barrier barrier_id(%barrier3A_165)
    %eq3A_166 = arith.constant 0 : i32
    %eq3A_167 = arith.cmpi eq, %arg0, %eq3A_166 : i32
    %convert_element_type3A_168 = arith.extui %eq3A_167 : i1 to i32
    %cond3A_169 = arith.constant 0 : i32
    %cond3A_170 = arith.cmpi ne, %convert_element_type3A_168, %cond3A_169 : i32
    scf.if %cond3A_170 {
      "tpu.region"() ({
        %run_scoped3A = tpu.sem_alloc : memref<!tpu.dma_semaphore, #tpu.memory_space<semaphore_mem>>
        %dma_start3A_181 = arith.constant 0 : i32
        %dma_start3A_182 = tpu.memref_slice %arg4[%mul3A_13, %dma_start3A_181] : memref<10000x128xf32, #tpu.memory_space<hbm>> -> memref<624x128xf32, #tpu.memory_space<hbm>>
        %dma_start3A_183 = arith.constant 0 : i32
        %dma_start3A_184 = tpu.memref_slice %arg12[%mul3A_13, %dma_start3A_183] : memref<10240x128xf32, #tpu.memory_space<vmem_shared>> -> memref<624x128xf32, #tpu.memory_space<vmem_shared>>
        tpu.enqueue_dma source(%dma_start3A_184 : memref<624x128xf32, #tpu.memory_space<vmem_shared>>) target(%dma_start3A_182 : memref<624x128xf32, #tpu.memory_space<hbm>>) target_semaphore(%run_scoped3A : memref<!tpu.dma_semaphore, #tpu.memory_space<semaphore_mem>>)
        %dma_wait3A_185 = arith.constant 0 : i32
        %dma_wait3A_186 = tpu.memref_slice %arg4[%mul3A_13, %dma_wait3A_185] : memref<10000x128xf32, #tpu.memory_space<hbm>> -> memref<624x128xf32, #tpu.memory_space<hbm>>
        %dma_wait3A_187 = arith.constant 0 : i32
        %dma_wait3A_188 = tpu.memref_slice %arg12[%mul3A_13, %dma_wait3A_187] : memref<10240x128xf32, #tpu.memory_space<vmem_shared>> -> memref<624x128xf32, #tpu.memory_space<vmem_shared>>
        tpu.wait_dma2 semaphore(%run_scoped3A : memref<!tpu.dma_semaphore, #tpu.memory_space<semaphore_mem>>) src(%dma_wait3A_188 : memref<624x128xf32, #tpu.memory_space<vmem_shared>>) dst(%dma_wait3A_186 : memref<624x128xf32, #tpu.memory_space<hbm>>)
        tpu.yield
      }) : () -> ()
      %eq3A_176 = arith.constant 15 : i32
      %eq3A_177 = arith.cmpi eq, %arg1, %eq3A_176 : i32
      %convert_element_type3A_178 = arith.extui %eq3A_177 : i1 to i32
      %cond3A_179 = arith.constant 0 : i32
      %cond3A_180 = arith.cmpi ne, %convert_element_type3A_178, %cond3A_179 : i32
      scf.if %cond3A_180 {
        "tpu.region"() ({
          %run_scoped3A = tpu.sem_alloc : memref<!tpu.dma_semaphore, #tpu.memory_space<semaphore_mem>>
          %dma_start3A_181 = arith.constant 9984 : i32
          %dma_start3A_182 = arith.constant 0 : i32
          %dma_start3A_183 = tpu.memref_slice %arg4[%dma_start3A_181, %dma_start3A_182] : memref<10000x128xf32, #tpu.memory_space<hbm>> -> memref<16x128xf32, #tpu.memory_space<hbm>>
          %dma_start3A_184 = arith.constant 9984 : i32
          %dma_start3A_185 = arith.constant 0 : i32
          %dma_start3A_186 = tpu.memref_slice %arg12[%dma_start3A_184, %dma_start3A_185] : memref<10240x128xf32, #tpu.memory_space<vmem_shared>> -> memref<16x128xf32, #tpu.memory_space<vmem_shared>>
          tpu.enqueue_dma source(%dma_start3A_186 : memref<16x128xf32, #tpu.memory_space<vmem_shared>>) target(%dma_start3A_183 : memref<16x128xf32, #tpu.memory_space<hbm>>) target_semaphore(%run_scoped3A : memref<!tpu.dma_semaphore, #tpu.memory_space<semaphore_mem>>)
          %dma_wait3A_187 = arith.constant 9984 : i32
          %dma_wait3A_188 = arith.constant 0 : i32
          %dma_wait3A_189 = tpu.memref_slice %arg4[%dma_wait3A_187, %dma_wait3A_188] : memref<10000x128xf32, #tpu.memory_space<hbm>> -> memref<16x128xf32, #tpu.memory_space<hbm>>
          %dma_wait3A_190 = arith.constant 9984 : i32
          %dma_wait3A_191 = arith.constant 0 : i32
          %dma_wait3A_192 = tpu.memref_slice %arg12[%dma_wait3A_190, %dma_wait3A_191] : memref<10240x128xf32, #tpu.memory_space<vmem_shared>> -> memref<16x128xf32, #tpu.memory_space<vmem_shared>>
          tpu.wait_dma2 semaphore(%run_scoped3A : memref<!tpu.dma_semaphore, #tpu.memory_space<semaphore_mem>>) src(%dma_wait3A_192 : memref<16x128xf32, #tpu.memory_space<vmem_shared>>) dst(%dma_wait3A_189 : memref<16x128xf32, #tpu.memory_space<hbm>>)
          tpu.yield
        }) : () -> ()
      } else {
      }
    } else {
    }
    %eq3A_171 = arith.constant 1 : i32
    %eq3A_172 = arith.cmpi eq, %arg0, %eq3A_171 : i32
    %convert_element_type3A_173 = arith.extui %eq3A_172 : i1 to i32
    %cond3A_174 = arith.constant 0 : i32
    %cond3A_175 = arith.cmpi ne, %convert_element_type3A_173, %cond3A_174 : i32
    scf.if %cond3A_175 {
      "tpu.region"() ({
        %run_scoped3A = tpu.sem_alloc : memref<!tpu.dma_semaphore, #tpu.memory_space<semaphore_mem>>
        %dma_start3A_181 = arith.constant 0 : i32
        %dma_start3A_182 = tpu.memref_slice %arg5[%mul3A_13, %dma_start3A_181] : memref<10000x128xf32, #tpu.memory_space<hbm>> -> memref<624x128xf32, #tpu.memory_space<hbm>>
        %dma_start3A_183 = arith.constant 0 : i32
        %dma_start3A_184 = tpu.memref_slice %arg12[%mul3A_13, %dma_start3A_183] : memref<10240x128xf32, #tpu.memory_space<vmem_shared>> -> memref<624x128xf32, #tpu.memory_space<vmem_shared>>
        tpu.enqueue_dma source(%dma_start3A_184 : memref<624x128xf32, #tpu.memory_space<vmem_shared>>) target(%dma_start3A_182 : memref<624x128xf32, #tpu.memory_space<hbm>>) target_semaphore(%run_scoped3A : memref<!tpu.dma_semaphore, #tpu.memory_space<semaphore_mem>>)
        %dma_wait3A_185 = arith.constant 0 : i32
        %dma_wait3A_186 = tpu.memref_slice %arg5[%mul3A_13, %dma_wait3A_185] : memref<10000x128xf32, #tpu.memory_space<hbm>> -> memref<624x128xf32, #tpu.memory_space<hbm>>
        %dma_wait3A_187 = arith.constant 0 : i32
        %dma_wait3A_188 = tpu.memref_slice %arg12[%mul3A_13, %dma_wait3A_187] : memref<10240x128xf32, #tpu.memory_space<vmem_shared>> -> memref<624x128xf32, #tpu.memory_space<vmem_shared>>
        tpu.wait_dma2 semaphore(%run_scoped3A : memref<!tpu.dma_semaphore, #tpu.memory_space<semaphore_mem>>) src(%dma_wait3A_188 : memref<624x128xf32, #tpu.memory_space<vmem_shared>>) dst(%dma_wait3A_186 : memref<624x128xf32, #tpu.memory_space<hbm>>)
        tpu.yield
      }) : () -> ()
      %eq3A_176 = arith.constant 15 : i32
      %eq3A_177 = arith.cmpi eq, %arg1, %eq3A_176 : i32
      %convert_element_type3A_178 = arith.extui %eq3A_177 : i1 to i32
      %cond3A_179 = arith.constant 0 : i32
      %cond3A_180 = arith.cmpi ne, %convert_element_type3A_178, %cond3A_179 : i32
      scf.if %cond3A_180 {
        "tpu.region"() ({
          %run_scoped3A = tpu.sem_alloc : memref<!tpu.dma_semaphore, #tpu.memory_space<semaphore_mem>>
          %dma_start3A_181 = arith.constant 9984 : i32
          %dma_start3A_182 = arith.constant 0 : i32
          %dma_start3A_183 = tpu.memref_slice %arg5[%dma_start3A_181, %dma_start3A_182] : memref<10000x128xf32, #tpu.memory_space<hbm>> -> memref<16x128xf32, #tpu.memory_space<hbm>>
          %dma_start3A_184 = arith.constant 9984 : i32
          %dma_start3A_185 = arith.constant 0 : i32
          %dma_start3A_186 = tpu.memref_slice %arg12[%dma_start3A_184, %dma_start3A_185] : memref<10240x128xf32, #tpu.memory_space<vmem_shared>> -> memref<16x128xf32, #tpu.memory_space<vmem_shared>>
          tpu.enqueue_dma source(%dma_start3A_186 : memref<16x128xf32, #tpu.memory_space<vmem_shared>>) target(%dma_start3A_183 : memref<16x128xf32, #tpu.memory_space<hbm>>) target_semaphore(%run_scoped3A : memref<!tpu.dma_semaphore, #tpu.memory_space<semaphore_mem>>)
          %dma_wait3A_187 = arith.constant 9984 : i32
          %dma_wait3A_188 = arith.constant 0 : i32
          %dma_wait3A_189 = tpu.memref_slice %arg5[%dma_wait3A_187, %dma_wait3A_188] : memref<10000x128xf32, #tpu.memory_space<hbm>> -> memref<16x128xf32, #tpu.memory_space<hbm>>
          %dma_wait3A_190 = arith.constant 9984 : i32
          %dma_wait3A_191 = arith.constant 0 : i32
          %dma_wait3A_192 = tpu.memref_slice %arg12[%dma_wait3A_190, %dma_wait3A_191] : memref<10240x128xf32, #tpu.memory_space<vmem_shared>> -> memref<16x128xf32, #tpu.memory_space<vmem_shared>>
          tpu.wait_dma2 semaphore(%run_scoped3A : memref<!tpu.dma_semaphore, #tpu.memory_space<semaphore_mem>>) src(%dma_wait3A_192 : memref<16x128xf32, #tpu.memory_space<vmem_shared>>) dst(%dma_wait3A_189 : memref<16x128xf32, #tpu.memory_space<hbm>>)
          tpu.yield
        }) : () -> ()
      } else {
      }
    } else {
    }
    return
  }
}

#map = affine_map<(d0, d1) -> (0, 0)>
module attributes {stable_mosaic.version = 14 : i64} {
  func.func @agg_kernel(%arg0: i32, %arg1: i32, %arg2: memref<10000x128xf32, #tpu.memory_space<hbm>>, %arg3: memref<2x320000xi32, #tpu.memory_space<hbm>>, %arg4: memref<10000x128xf32, #tpu.memory_space<hbm>>, %arg5: memref<10000x128xf32, #tpu.memory_space<hbm>>, %arg6: memref<4x2x128xi32, #tpu.memory_space<vmem>>, %arg7: memref<128x128xf32, #tpu.memory_space<vmem>>, %arg8: memref<128x128xf32, #tpu.memory_space<vmem>>, %arg9: memref<!tpu.dma_semaphore, #tpu.memory_space<semaphore_mem>>, %arg10: memref<!tpu.dma_semaphore, #tpu.memory_space<semaphore_mem>>, %arg11: memref<!tpu.dma_semaphore, #tpu.memory_space<semaphore_mem>>, %arg12: memref<10240x128xf32, #tpu.memory_space<vmem_shared>>) attributes {dimension_semantics = [#tpu.dimension_semantics<core_parallel>, #tpu.dimension_semantics<subcore_parallel>], iteration_bounds = array<i64: 2, 16>, scalar_prefetch = 0 : i64, scratch_operands = 7 : i64, tpu.core_type = #tpu.core_type<sc_vector_subcore>, window_params = [{transform_indices = #map}, {transform_indices = #map}, {transform_indices = #map}, {transform_indices = #map}]} {
    %mul3A = arith.constant 2 : i32
    %mul3A_0 = arith.muli %arg1, %mul3A : i32
    %add3A = arith.addi %mul3A_0, %arg0 : i32
    %mul3A_1 = arith.constant 19 : i32
    %mul3A_2 = arith.muli %add3A, %mul3A_1 : i32
    %min3A = arith.constant 17 : i32
    %min3A_3 = arith.minsi %add3A, %min3A : i32
    %add3A_4 = arith.addi %mul3A_2, %min3A_3 : i32
    %mul3A_5 = arith.constant 4 : i32
    %mul3A_6 = arith.muli %mul3A_5, %add3A_4 : i32
    %lt3A = arith.constant 17 : i32
    %lt3A_7 = arith.cmpi slt, %add3A, %lt3A : i32
    %convert_element_type3A = arith.extui %lt3A_7 : i1 to i32
    %add3A_8 = arith.constant 19 : i32
    %add3A_9 = arith.addi %add3A_8, %convert_element_type3A : i32
    %mul3A_10 = arith.constant 4 : i32
    %mul3A_11 = arith.muli %mul3A_10, %add3A_9 : i32
    %mul3A_12 = arith.constant 624 : i32
    %mul3A_13 = arith.muli %arg1, %mul3A_12 : i32
    %dma_start3A = arith.constant 0 : i32
    %dma_start3A_14 = tpu.memref_slice %arg12[%mul3A_13, %dma_start3A] : memref<10240x128xf32, #tpu.memory_space<vmem_shared>> -> memref<624x128xf32, #tpu.memory_space<vmem_shared>>
    %dma_start3A_15 = arith.constant 0 : i32
    %dma_start3A_16 = tpu.memref_slice %arg2[%mul3A_13, %dma_start3A_15] : memref<10000x128xf32, #tpu.memory_space<hbm>> -> memref<624x128xf32, #tpu.memory_space<hbm>>
    tpu.enqueue_dma source(%dma_start3A_16 : memref<624x128xf32, #tpu.memory_space<hbm>>) target(%dma_start3A_14 : memref<624x128xf32, #tpu.memory_space<vmem_shared>>) target_semaphore(%arg11 : memref<!tpu.dma_semaphore, #tpu.memory_space<semaphore_mem>>)
    %eq3A = arith.constant 15 : i32
    %eq3A_17 = arith.cmpi eq, %arg1, %eq3A : i32
    %convert_element_type3A_18 = arith.extui %eq3A_17 : i1 to i32
    %cond3A = arith.constant 0 : i32
    %cond3A_19 = arith.cmpi ne, %convert_element_type3A_18, %cond3A : i32
    scf.if %cond3A_19 {
      "tpu.region"() ({
        %run_scoped3A = tpu.sem_alloc : memref<!tpu.dma_semaphore, #tpu.memory_space<semaphore_mem>>
        %dma_start3A_176 = arith.constant 9984 : i32
        %dma_start3A_177 = arith.constant 0 : i32
        %dma_start3A_178 = tpu.memref_slice %arg12[%dma_start3A_176, %dma_start3A_177] : memref<10240x128xf32, #tpu.memory_space<vmem_shared>> -> memref<16x128xf32, #tpu.memory_space<vmem_shared>>
        %dma_start3A_179 = arith.constant 9984 : i32
        %dma_start3A_180 = arith.constant 0 : i32
        %dma_start3A_181 = tpu.memref_slice %arg2[%dma_start3A_179, %dma_start3A_180] : memref<10000x128xf32, #tpu.memory_space<hbm>> -> memref<16x128xf32, #tpu.memory_space<hbm>>
        tpu.enqueue_dma source(%dma_start3A_181 : memref<16x128xf32, #tpu.memory_space<hbm>>) target(%dma_start3A_178 : memref<16x128xf32, #tpu.memory_space<vmem_shared>>) target_semaphore(%run_scoped3A : memref<!tpu.dma_semaphore, #tpu.memory_space<semaphore_mem>>)
        %dma_wait3A_182 = arith.constant 9984 : i32
        %dma_wait3A_183 = arith.constant 0 : i32
        %dma_wait3A_184 = tpu.memref_slice %arg12[%dma_wait3A_182, %dma_wait3A_183] : memref<10240x128xf32, #tpu.memory_space<vmem_shared>> -> memref<16x128xf32, #tpu.memory_space<vmem_shared>>
        %dma_wait3A_185 = arith.constant 9984 : i32
        %dma_wait3A_186 = arith.constant 0 : i32
        %dma_wait3A_187 = tpu.memref_slice %arg2[%dma_wait3A_185, %dma_wait3A_186] : memref<10000x128xf32, #tpu.memory_space<hbm>> -> memref<16x128xf32, #tpu.memory_space<hbm>>
        tpu.wait_dma2 semaphore(%run_scoped3A : memref<!tpu.dma_semaphore, #tpu.memory_space<semaphore_mem>>) src(%dma_wait3A_187 : memref<16x128xf32, #tpu.memory_space<hbm>>) dst(%dma_wait3A_184 : memref<16x128xf32, #tpu.memory_space<vmem_shared>>)
        tpu.yield
      }) : () -> ()
    } else {
    }
    %add3A_20 = arith.constant 0 : i32
    %add3A_21 = arith.addi %mul3A_6, %add3A_20 : i32
    %mul3A_22 = arith.constant 128 : i32
    %mul3A_23 = arith.muli %add3A_21, %mul3A_22 : i32
    %dma_start3A_24 = arith.constant 0 : i32
    %dma_start3A_25 = arith.constant 0 : i32
    %dma_start3A_26 = arith.constant 0 : i32
    %dma_start3A_27 = tpu.memref_slice %arg6[%dma_start3A_24, %dma_start3A_25, %dma_start3A_26] : memref<4x2x128xi32, #tpu.memory_space<vmem>> -> memref<1x2x128xi32, #tpu.memory_space<vmem>>
    %dma_start3A_28 = tpu.memref_squeeze %dma_start3A_27 : memref<1x2x128xi32, #tpu.memory_space<vmem>> -> memref<2x128xi32, #tpu.memory_space<vmem>>
    %dma_start3A_29 = arith.constant 0 : i32
    %dma_start3A_30 = tpu.memref_slice %arg3[%dma_start3A_29, %mul3A_23] : memref<2x320000xi32, #tpu.memory_space<hbm>> -> memref<2x128xi32, #tpu.memory_space<hbm>>
    %dma_start3A_31 = arith.constant 0 : i32
    %dma_start3A_32 = arith.constant 0 : i32
    %dma_start3A_33 = tpu.memref_slice %arg6[%dma_start3A_24, %dma_start3A_31, %dma_start3A_32] : memref<4x2x128xi32, #tpu.memory_space<vmem>> -> memref<1x2x128xi32, #tpu.memory_space<vmem>>
    %dma_start3A_34 = tpu.memref_squeeze %dma_start3A_33 : memref<1x2x128xi32, #tpu.memory_space<vmem>> -> memref<2x128xi32, #tpu.memory_space<vmem>>
    %dma_start3A_35 = arith.constant 0 : i32
    %dma_start3A_36 = tpu.memref_slice %arg3[%dma_start3A_35, %mul3A_23] : memref<2x320000xi32, #tpu.memory_space<hbm>> -> memref<2x128xi32, #tpu.memory_space<hbm>>
    tpu.enqueue_dma source(%dma_start3A_36 : memref<2x128xi32, #tpu.memory_space<hbm>>) target(%dma_start3A_34 : memref<2x128xi32, #tpu.memory_space<vmem>>) target_semaphore(%arg10 : memref<!tpu.dma_semaphore, #tpu.memory_space<semaphore_mem>>)
    %add3A_37 = arith.constant 1 : i32
    %add3A_38 = arith.addi %mul3A_6, %add3A_37 : i32
    %mul3A_39 = arith.constant 128 : i32
    %mul3A_40 = arith.muli %add3A_38, %mul3A_39 : i32
    %dma_start3A_41 = arith.constant 1 : i32
    %dma_start3A_42 = arith.constant 0 : i32
    %dma_start3A_43 = arith.constant 0 : i32
    %dma_start3A_44 = tpu.memref_slice %arg6[%dma_start3A_41, %dma_start3A_42, %dma_start3A_43] : memref<4x2x128xi32, #tpu.memory_space<vmem>> -> memref<1x2x128xi32, #tpu.memory_space<vmem>>
    %dma_start3A_45 = tpu.memref_squeeze %dma_start3A_44 : memref<1x2x128xi32, #tpu.memory_space<vmem>> -> memref<2x128xi32, #tpu.memory_space<vmem>>
    %dma_start3A_46 = arith.constant 0 : i32
    %dma_start3A_47 = tpu.memref_slice %arg3[%dma_start3A_46, %mul3A_40] : memref<2x320000xi32, #tpu.memory_space<hbm>> -> memref<2x128xi32, #tpu.memory_space<hbm>>
    %dma_start3A_48 = arith.constant 0 : i32
    %dma_start3A_49 = arith.constant 0 : i32
    %dma_start3A_50 = tpu.memref_slice %arg6[%dma_start3A_41, %dma_start3A_48, %dma_start3A_49] : memref<4x2x128xi32, #tpu.memory_space<vmem>> -> memref<1x2x128xi32, #tpu.memory_space<vmem>>
    %dma_start3A_51 = tpu.memref_squeeze %dma_start3A_50 : memref<1x2x128xi32, #tpu.memory_space<vmem>> -> memref<2x128xi32, #tpu.memory_space<vmem>>
    %dma_start3A_52 = arith.constant 0 : i32
    %dma_start3A_53 = tpu.memref_slice %arg3[%dma_start3A_52, %mul3A_40] : memref<2x320000xi32, #tpu.memory_space<hbm>> -> memref<2x128xi32, #tpu.memory_space<hbm>>
    tpu.enqueue_dma source(%dma_start3A_53 : memref<2x128xi32, #tpu.memory_space<hbm>>) target(%dma_start3A_51 : memref<2x128xi32, #tpu.memory_space<vmem>>) target_semaphore(%arg10 : memref<!tpu.dma_semaphore, #tpu.memory_space<semaphore_mem>>)
    %add3A_54 = arith.constant 0 : i32
    %add3A_55 = arith.addi %mul3A_6, %add3A_54 : i32
    %mul3A_56 = arith.constant 128 : i32
    %mul3A_57 = arith.muli %add3A_55, %mul3A_56 : i32
    %dma_wait3A = arith.constant 0 : i32
    %dma_wait3A_58 = arith.constant 0 : i32
    %dma_wait3A_59 = arith.constant 0 : i32
    %dma_wait3A_60 = tpu.memref_slice %arg6[%dma_wait3A, %dma_wait3A_58, %dma_wait3A_59] : memref<4x2x128xi32, #tpu.memory_space<vmem>> -> memref<1x2x128xi32, #tpu.memory_space<vmem>>
    %dma_wait3A_61 = tpu.memref_squeeze %dma_wait3A_60 : memref<1x2x128xi32, #tpu.memory_space<vmem>> -> memref<2x128xi32, #tpu.memory_space<vmem>>
    %dma_wait3A_62 = arith.constant 0 : i32
    %dma_wait3A_63 = tpu.memref_slice %arg3[%dma_wait3A_62, %mul3A_57] : memref<2x320000xi32, #tpu.memory_space<hbm>> -> memref<2x128xi32, #tpu.memory_space<hbm>>
    %dma_wait3A_64 = arith.constant 0 : i32
    %dma_wait3A_65 = arith.constant 0 : i32
    %dma_wait3A_66 = tpu.memref_slice %arg6[%dma_wait3A, %dma_wait3A_64, %dma_wait3A_65] : memref<4x2x128xi32, #tpu.memory_space<vmem>> -> memref<1x2x128xi32, #tpu.memory_space<vmem>>
    %dma_wait3A_67 = tpu.memref_squeeze %dma_wait3A_66 : memref<1x2x128xi32, #tpu.memory_space<vmem>> -> memref<2x128xi32, #tpu.memory_space<vmem>>
    %dma_wait3A_68 = arith.constant 0 : i32
    %dma_wait3A_69 = tpu.memref_slice %arg3[%dma_wait3A_68, %mul3A_57] : memref<2x320000xi32, #tpu.memory_space<hbm>> -> memref<2x128xi32, #tpu.memory_space<hbm>>
    tpu.wait_dma2 semaphore(%arg10 : memref<!tpu.dma_semaphore, #tpu.memory_space<semaphore_mem>>) src(%dma_wait3A_69 : memref<2x128xi32, #tpu.memory_space<hbm>>) dst(%dma_wait3A_67 : memref<2x128xi32, #tpu.memory_space<vmem>>)
    %dma_start3A_70 = arith.constant 0 : i32
    %dma_start3A_71 = arith.constant 0 : i32
    %dma_start3A_72 = arith.constant 0 : i32
    %dma_start3A_73 = tpu.memref_slice %arg6[%dma_start3A_70, %dma_start3A_71, %dma_start3A_72] : memref<4x2x128xi32, #tpu.memory_space<vmem>> -> memref<1x1x128xi32, #tpu.memory_space<vmem>>
    %dma_start3A_74 = tpu.memref_squeeze %dma_start3A_73 : memref<1x1x128xi32, #tpu.memory_space<vmem>> -> memref<128xi32, #tpu.memory_space<vmem>>
    %dma_start3A_75 = arith.constant 0 : i32
    %dma_start3A_76 = arith.constant 0 : i32
    %dma_start3A_77 = tpu.memref_slice %arg2[%dma_start3A_75, %dma_start3A_76] : memref<10000x128xf32, #tpu.memory_space<hbm>> -> memref<10000x128xf32, #tpu.memory_space<hbm>>
    tpu.enqueue_indirect_dma source(%dma_start3A_77 : memref<10000x128xf32, #tpu.memory_space<hbm>>) target(%arg7 : memref<128x128xf32, #tpu.memory_space<vmem>>) offsets(%dma_start3A_74 : memref<128xi32, #tpu.memory_space<vmem>>) semaphore(%arg9 : memref<!tpu.dma_semaphore, #tpu.memory_space<semaphore_mem>>)
    %add3A_78 = arith.constant 2 : i32
    %add3A_79 = arith.addi %mul3A_6, %add3A_78 : i32
    %mul3A_80 = arith.constant 128 : i32
    %mul3A_81 = arith.muli %add3A_79, %mul3A_80 : i32
    %dma_start3A_82 = arith.constant 2 : i32
    %dma_start3A_83 = arith.constant 0 : i32
    %dma_start3A_84 = arith.constant 0 : i32
    %dma_start3A_85 = tpu.memref_slice %arg6[%dma_start3A_82, %dma_start3A_83, %dma_start3A_84] : memref<4x2x128xi32, #tpu.memory_space<vmem>> -> memref<1x2x128xi32, #tpu.memory_space<vmem>>
    %dma_start3A_86 = tpu.memref_squeeze %dma_start3A_85 : memref<1x2x128xi32, #tpu.memory_space<vmem>> -> memref<2x128xi32, #tpu.memory_space<vmem>>
    %dma_start3A_87 = arith.constant 0 : i32
    %dma_start3A_88 = tpu.memref_slice %arg3[%dma_start3A_87, %mul3A_81] : memref<2x320000xi32, #tpu.memory_space<hbm>> -> memref<2x128xi32, #tpu.memory_space<hbm>>
    %dma_start3A_89 = arith.constant 0 : i32
    %dma_start3A_90 = arith.constant 0 : i32
    %dma_start3A_91 = tpu.memref_slice %arg6[%dma_start3A_82, %dma_start3A_89, %dma_start3A_90] : memref<4x2x128xi32, #tpu.memory_space<vmem>> -> memref<1x2x128xi32, #tpu.memory_space<vmem>>
    %dma_start3A_92 = tpu.memref_squeeze %dma_start3A_91 : memref<1x2x128xi32, #tpu.memory_space<vmem>> -> memref<2x128xi32, #tpu.memory_space<vmem>>
    %dma_start3A_93 = arith.constant 0 : i32
    %dma_start3A_94 = tpu.memref_slice %arg3[%dma_start3A_93, %mul3A_81] : memref<2x320000xi32, #tpu.memory_space<hbm>> -> memref<2x128xi32, #tpu.memory_space<hbm>>
    tpu.enqueue_dma source(%dma_start3A_94 : memref<2x128xi32, #tpu.memory_space<hbm>>) target(%dma_start3A_92 : memref<2x128xi32, #tpu.memory_space<vmem>>) target_semaphore(%arg10 : memref<!tpu.dma_semaphore, #tpu.memory_space<semaphore_mem>>)
    %add3A_95 = arith.constant 1 : i32
    %add3A_96 = arith.addi %mul3A_6, %add3A_95 : i32
    %mul3A_97 = arith.constant 128 : i32
    %mul3A_98 = arith.muli %add3A_96, %mul3A_97 : i32
    %dma_wait3A_99 = arith.constant 1 : i32
    %dma_wait3A_100 = arith.constant 0 : i32
    %dma_wait3A_101 = arith.constant 0 : i32
    %dma_wait3A_102 = tpu.memref_slice %arg6[%dma_wait3A_99, %dma_wait3A_100, %dma_wait3A_101] : memref<4x2x128xi32, #tpu.memory_space<vmem>> -> memref<1x2x128xi32, #tpu.memory_space<vmem>>
    %dma_wait3A_103 = tpu.memref_squeeze %dma_wait3A_102 : memref<1x2x128xi32, #tpu.memory_space<vmem>> -> memref<2x128xi32, #tpu.memory_space<vmem>>
    %dma_wait3A_104 = arith.constant 0 : i32
    %dma_wait3A_105 = tpu.memref_slice %arg3[%dma_wait3A_104, %mul3A_98] : memref<2x320000xi32, #tpu.memory_space<hbm>> -> memref<2x128xi32, #tpu.memory_space<hbm>>
    %dma_wait3A_106 = arith.constant 0 : i32
    %dma_wait3A_107 = arith.constant 0 : i32
    %dma_wait3A_108 = tpu.memref_slice %arg6[%dma_wait3A_99, %dma_wait3A_106, %dma_wait3A_107] : memref<4x2x128xi32, #tpu.memory_space<vmem>> -> memref<1x2x128xi32, #tpu.memory_space<vmem>>
    %dma_wait3A_109 = tpu.memref_squeeze %dma_wait3A_108 : memref<1x2x128xi32, #tpu.memory_space<vmem>> -> memref<2x128xi32, #tpu.memory_space<vmem>>
    %dma_wait3A_110 = arith.constant 0 : i32
    %dma_wait3A_111 = tpu.memref_slice %arg3[%dma_wait3A_110, %mul3A_98] : memref<2x320000xi32, #tpu.memory_space<hbm>> -> memref<2x128xi32, #tpu.memory_space<hbm>>
    tpu.wait_dma2 semaphore(%arg10 : memref<!tpu.dma_semaphore, #tpu.memory_space<semaphore_mem>>) src(%dma_wait3A_111 : memref<2x128xi32, #tpu.memory_space<hbm>>) dst(%dma_wait3A_109 : memref<2x128xi32, #tpu.memory_space<vmem>>)
    %dma_start3A_112 = arith.constant 1 : i32
    %dma_start3A_113 = arith.constant 0 : i32
    %dma_start3A_114 = arith.constant 0 : i32
    %dma_start3A_115 = tpu.memref_slice %arg6[%dma_start3A_112, %dma_start3A_113, %dma_start3A_114] : memref<4x2x128xi32, #tpu.memory_space<vmem>> -> memref<1x1x128xi32, #tpu.memory_space<vmem>>
    %dma_start3A_116 = tpu.memref_squeeze %dma_start3A_115 : memref<1x1x128xi32, #tpu.memory_space<vmem>> -> memref<128xi32, #tpu.memory_space<vmem>>
    %dma_start3A_117 = arith.constant 0 : i32
    %dma_start3A_118 = arith.constant 0 : i32
    %dma_start3A_119 = tpu.memref_slice %arg2[%dma_start3A_117, %dma_start3A_118] : memref<10000x128xf32, #tpu.memory_space<hbm>> -> memref<10000x128xf32, #tpu.memory_space<hbm>>
    tpu.enqueue_indirect_dma source(%dma_start3A_119 : memref<10000x128xf32, #tpu.memory_space<hbm>>) target(%arg8 : memref<128x128xf32, #tpu.memory_space<vmem>>) offsets(%dma_start3A_116 : memref<128xi32, #tpu.memory_space<vmem>>) semaphore(%arg9 : memref<!tpu.dma_semaphore, #tpu.memory_space<semaphore_mem>>)
    %add3A_120 = arith.constant 3 : i32
    %add3A_121 = arith.addi %mul3A_6, %add3A_120 : i32
    %mul3A_122 = arith.constant 128 : i32
    %mul3A_123 = arith.muli %add3A_121, %mul3A_122 : i32
    %dma_start3A_124 = arith.constant 3 : i32
    %dma_start3A_125 = arith.constant 0 : i32
    %dma_start3A_126 = arith.constant 0 : i32
    %dma_start3A_127 = tpu.memref_slice %arg6[%dma_start3A_124, %dma_start3A_125, %dma_start3A_126] : memref<4x2x128xi32, #tpu.memory_space<vmem>> -> memref<1x2x128xi32, #tpu.memory_space<vmem>>
    %dma_start3A_128 = tpu.memref_squeeze %dma_start3A_127 : memref<1x2x128xi32, #tpu.memory_space<vmem>> -> memref<2x128xi32, #tpu.memory_space<vmem>>
    %dma_start3A_129 = arith.constant 0 : i32
    %dma_start3A_130 = tpu.memref_slice %arg3[%dma_start3A_129, %mul3A_123] : memref<2x320000xi32, #tpu.memory_space<hbm>> -> memref<2x128xi32, #tpu.memory_space<hbm>>
    %dma_start3A_131 = arith.constant 0 : i32
    %dma_start3A_132 = arith.constant 0 : i32
    %dma_start3A_133 = tpu.memref_slice %arg6[%dma_start3A_124, %dma_start3A_131, %dma_start3A_132] : memref<4x2x128xi32, #tpu.memory_space<vmem>> -> memref<1x2x128xi32, #tpu.memory_space<vmem>>
    %dma_start3A_134 = tpu.memref_squeeze %dma_start3A_133 : memref<1x2x128xi32, #tpu.memory_space<vmem>> -> memref<2x128xi32, #tpu.memory_space<vmem>>
    %dma_start3A_135 = arith.constant 0 : i32
    %dma_start3A_136 = tpu.memref_slice %arg3[%dma_start3A_135, %mul3A_123] : memref<2x320000xi32, #tpu.memory_space<hbm>> -> memref<2x128xi32, #tpu.memory_space<hbm>>
    tpu.enqueue_dma source(%dma_start3A_136 : memref<2x128xi32, #tpu.memory_space<hbm>>) target(%dma_start3A_134 : memref<2x128xi32, #tpu.memory_space<vmem>>) target_semaphore(%arg10 : memref<!tpu.dma_semaphore, #tpu.memory_space<semaphore_mem>>)
    %dma_wait3A_137 = arith.constant 0 : i32
    %dma_wait3A_138 = tpu.memref_slice %arg12[%mul3A_13, %dma_wait3A_137] : memref<10240x128xf32, #tpu.memory_space<vmem_shared>> -> memref<624x128xf32, #tpu.memory_space<vmem_shared>>
    %dma_wait3A_139 = arith.constant 0 : i32
    %dma_wait3A_140 = tpu.memref_slice %arg2[%mul3A_13, %dma_wait3A_139] : memref<10000x128xf32, #tpu.memory_space<hbm>> -> memref<624x128xf32, #tpu.memory_space<hbm>>
    tpu.wait_dma2 semaphore(%arg11 : memref<!tpu.dma_semaphore, #tpu.memory_space<semaphore_mem>>) src(%dma_wait3A_140 : memref<624x128xf32, #tpu.memory_space<hbm>>) dst(%dma_wait3A_138 : memref<624x128xf32, #tpu.memory_space<vmem_shared>>)
    %barrier3A = arith.constant 0 : index
    tpu.barrier barrier_id(%barrier3A)
    %jit3A = arith.constant 4 : i32
    %div3A = arith.divsi %mul3A_11, %jit3A : i32
    %sign3A = arith.constant 0 : i32
    %sign3A_141 = arith.cmpi sgt, %mul3A_11, %sign3A : i32
    %sign3A_142 = arith.extui %sign3A_141 : i1 to i32
    %sign3A_143 = arith.constant 0 : i32
    %sign3A_144 = arith.cmpi slt, %mul3A_11, %sign3A_143 : i32
    %sign3A_145 = arith.extui %sign3A_144 : i1 to i32
    %sign3A_146 = arith.subi %sign3A_142, %sign3A_145 : i32
    %sign3A_147 = arith.constant 0 : i32
    %sign3A_148 = arith.cmpi sgt, %jit3A, %sign3A_147 : i32
    %sign3A_149 = arith.extui %sign3A_148 : i1 to i32
    %sign3A_150 = arith.constant 0 : i32
    %sign3A_151 = arith.cmpi slt, %jit3A, %sign3A_150 : i32
    %sign3A_152 = arith.extui %sign3A_151 : i1 to i32
    %sign3A_153 = arith.subi %sign3A_149, %sign3A_152 : i32
    %ne3A = arith.cmpi ne, %sign3A_146, %sign3A_153 : i32
    %rem3A = arith.remsi %mul3A_11, %jit3A : i32
    %ne3A_154 = arith.constant 0 : i32
    %ne3A_155 = arith.cmpi ne, %rem3A, %ne3A_154 : i32
    %and3A = arith.andi %ne3A, %ne3A_155 : i1
    %sub3A = arith.constant 1 : i32
    %sub3A_156 = arith.subi %div3A, %sub3A : i32
    %select_n3A = arith.select %and3A, %sub3A_156, %div3A : i32
    %while3A = arith.constant 0 : i32
    %while3A_157 = arith.subi %select_n3A, %while3A : i32
    %while3A_158 = arith.addi %while3A, %while3A_157 : i32
    %while3A_159 = arith.constant 1 : i32
    %while3A_160 = arith.divsi %while3A_157, %while3A_159 : i32
    %while3A_161 = arith.muli %while3A_160, %while3A_159 : i32
    %while3A_162 = arith.addi %while3A, %while3A_161 : i32
    %while3A_163 = arith.constant 1 : i32
    scf.for %while3A_176 = %while3A to %while3A_162 step %while3A_163  : i32 {
      %mul3A_177 = arith.constant 4 : i32
      %mul3A_178 = arith.muli %while3A_176, %mul3A_177 : i32
      %add3A_179 = arith.constant 0 : i32
      %add3A_180 = arith.addi %mul3A_178, %add3A_179 : i32
      %dma_wait3A_181 = arith.constant 0 : i32
      %dma_wait3A_182 = arith.constant 0 : i32
      %dma_wait3A_183 = arith.constant 0 : i32
      %dma_wait3A_184 = tpu.memref_slice %arg6[%dma_wait3A_181, %dma_wait3A_182, %dma_wait3A_183] : memref<4x2x128xi32, #tpu.memory_space<vmem>> -> memref<1x1x128xi32, #tpu.memory_space<vmem>>
      %dma_wait3A_185 = tpu.memref_squeeze %dma_wait3A_184 : memref<1x1x128xi32, #tpu.memory_space<vmem>> -> memref<128xi32, #tpu.memory_space<vmem>>
      %dma_wait3A_186 = arith.constant 0 : i32
      %dma_wait3A_187 = arith.constant 0 : i32
      %dma_wait3A_188 = tpu.memref_slice %arg2[%dma_wait3A_186, %dma_wait3A_187] : memref<10000x128xf32, #tpu.memory_space<hbm>> -> memref<10000x128xf32, #tpu.memory_space<hbm>>
      tpu.wait_indirect_dma semaphore(%arg9 : memref<!tpu.dma_semaphore, #tpu.memory_space<semaphore_mem>>) src(%dma_wait3A_188 : memref<10000x128xf32, #tpu.memory_space<hbm>>) dst(%arg7 : memref<128x128xf32, #tpu.memory_space<vmem>>)
      %run_scoped3A = arith.constant 0 : i32
      %run_scoped3A_189 = arith.constant 1 : i32
      "tpu.region"() ({
        %run_scoped3A_280 = tpu.sem_alloc : memref<!tpu.dma_semaphore, #tpu.memory_space<semaphore_mem>>
        %dma_start3A_281 = arith.constant 0 : i32
        %dma_start3A_282 = tpu.memref_slice %arg6[%run_scoped3A, %run_scoped3A_189, %dma_start3A_281] : memref<4x2x128xi32, #tpu.memory_space<vmem>> -> memref<1x1x128xi32, #tpu.memory_space<vmem>>
        %dma_start3A_283 = tpu.memref_squeeze %dma_start3A_282 : memref<1x1x128xi32, #tpu.memory_space<vmem>> -> memref<128xi32, #tpu.memory_space<vmem>>
        %dma_start3A_284 = arith.constant 0 : i32
        %dma_start3A_285 = arith.constant 0 : i32
        %dma_start3A_286 = tpu.memref_slice %arg12[%dma_start3A_284, %dma_start3A_285] : memref<10240x128xf32, #tpu.memory_space<vmem_shared>> -> memref<10240x128xf32, #tpu.memory_space<vmem_shared>>
        tpu.enqueue_indirect_dma source(%arg7 : memref<128x128xf32, #tpu.memory_space<vmem>>) target(%dma_start3A_286 : memref<10240x128xf32, #tpu.memory_space<vmem_shared>>) offsets(%dma_start3A_283 : memref<128xi32, #tpu.memory_space<vmem>>) semaphore(%run_scoped3A_280 : memref<!tpu.dma_semaphore, #tpu.memory_space<semaphore_mem>>) {add = true}
        %dma_wait3A_287 = arith.constant 0 : i32
        %dma_wait3A_288 = tpu.memref_slice %arg6[%run_scoped3A, %run_scoped3A_189, %dma_wait3A_287] : memref<4x2x128xi32, #tpu.memory_space<vmem>> -> memref<1x1x128xi32, #tpu.memory_space<vmem>>
        %dma_wait3A_289 = tpu.memref_squeeze %dma_wait3A_288 : memref<1x1x128xi32, #tpu.memory_space<vmem>> -> memref<128xi32, #tpu.memory_space<vmem>>
        %dma_wait3A_290 = arith.constant 0 : i32
        %dma_wait3A_291 = arith.constant 0 : i32
        %dma_wait3A_292 = tpu.memref_slice %arg12[%dma_wait3A_290, %dma_wait3A_291] : memref<10240x128xf32, #tpu.memory_space<vmem_shared>> -> memref<10240x128xf32, #tpu.memory_space<vmem_shared>>
        tpu.wait_indirect_dma semaphore(%run_scoped3A_280 : memref<!tpu.dma_semaphore, #tpu.memory_space<semaphore_mem>>) src(%arg7 : memref<128x128xf32, #tpu.memory_space<vmem>>) dst(%dma_wait3A_292 : memref<10240x128xf32, #tpu.memory_space<vmem_shared>>)
        tpu.yield
      }) : () -> ()
      %add3A_190 = arith.constant 4 : i32
      %add3A_191 = arith.addi %add3A_180, %add3A_190 : i32
      %lt3A_192 = arith.cmpi slt, %add3A_191, %mul3A_11 : i32
      %convert_element_type3A_193 = arith.extui %lt3A_192 : i1 to i32
      %cond3A_194 = arith.constant 0 : i32
      %cond3A_195 = arith.cmpi ne, %convert_element_type3A_193, %cond3A_194 : i32
      scf.if %cond3A_195 {
        %add3A_280 = arith.constant 4 : i32
        %add3A_281 = arith.addi %add3A_180, %add3A_280 : i32
        %add3A_282 = arith.addi %mul3A_6, %add3A_281 : i32
        %mul3A_283 = arith.constant 128 : i32
        %mul3A_284 = arith.muli %add3A_282, %mul3A_283 : i32
        %dma_start3A_285 = arith.constant 0 : i32
        %dma_start3A_286 = arith.constant 0 : i32
        %dma_start3A_287 = arith.constant 0 : i32
        %dma_start3A_288 = tpu.memref_slice %arg6[%dma_start3A_285, %dma_start3A_286, %dma_start3A_287] : memref<4x2x128xi32, #tpu.memory_space<vmem>> -> memref<1x2x128xi32, #tpu.memory_space<vmem>>
        %dma_start3A_289 = tpu.memref_squeeze %dma_start3A_288 : memref<1x2x128xi32, #tpu.memory_space<vmem>> -> memref<2x128xi32, #tpu.memory_space<vmem>>
        %dma_start3A_290 = arith.constant 0 : i32
        %dma_start3A_291 = tpu.memref_slice %arg3[%dma_start3A_290, %mul3A_284] : memref<2x320000xi32, #tpu.memory_space<hbm>> -> memref<2x128xi32, #tpu.memory_space<hbm>>
        %dma_start3A_292 = arith.constant 0 : i32
        %dma_start3A_293 = arith.constant 0 : i32
        %dma_start3A_294 = tpu.memref_slice %arg6[%dma_start3A_285, %dma_start3A_292, %dma_start3A_293] : memref<4x2x128xi32, #tpu.memory_space<vmem>> -> memref<1x2x128xi32, #tpu.memory_space<vmem>>
        %dma_start3A_295 = tpu.memref_squeeze %dma_start3A_294 : memref<1x2x128xi32, #tpu.memory_space<vmem>> -> memref<2x128xi32, #tpu.memory_space<vmem>>
        %dma_start3A_296 = arith.constant 0 : i32
        %dma_start3A_297 = tpu.memref_slice %arg3[%dma_start3A_296, %mul3A_284] : memref<2x320000xi32, #tpu.memory_space<hbm>> -> memref<2x128xi32, #tpu.memory_space<hbm>>
        tpu.enqueue_dma source(%dma_start3A_297 : memref<2x128xi32, #tpu.memory_space<hbm>>) target(%dma_start3A_295 : memref<2x128xi32, #tpu.memory_space<vmem>>) target_semaphore(%arg10 : memref<!tpu.dma_semaphore, #tpu.memory_space<semaphore_mem>>)
      } else {
      }
      %add3A_196 = arith.constant 2 : i32
      %add3A_197 = arith.addi %add3A_180, %add3A_196 : i32
      %lt3A_198 = arith.cmpi slt, %add3A_197, %mul3A_11 : i32
      %convert_element_type3A_199 = arith.extui %lt3A_198 : i1 to i32
      %cond3A_200 = arith.constant 0 : i32
      %cond3A_201 = arith.cmpi ne, %convert_element_type3A_199, %cond3A_200 : i32
      scf.if %cond3A_201 {
        %add3A_280 = arith.constant 2 : i32
        %add3A_281 = arith.addi %add3A_180, %add3A_280 : i32
        %add3A_282 = arith.addi %mul3A_6, %add3A_281 : i32
        %mul3A_283 = arith.constant 128 : i32
        %mul3A_284 = arith.muli %add3A_282, %mul3A_283 : i32
        %dma_wait3A_285 = arith.constant 2 : i32
        %dma_wait3A_286 = arith.constant 0 : i32
        %dma_wait3A_287 = arith.constant 0 : i32
        %dma_wait3A_288 = tpu.memref_slice %arg6[%dma_wait3A_285, %dma_wait3A_286, %dma_wait3A_287] : memref<4x2x128xi32, #tpu.memory_space<vmem>> -> memref<1x2x128xi32, #tpu.memory_space<vmem>>
        %dma_wait3A_289 = tpu.memref_squeeze %dma_wait3A_288 : memref<1x2x128xi32, #tpu.memory_space<vmem>> -> memref<2x128xi32, #tpu.memory_space<vmem>>
        %dma_wait3A_290 = arith.constant 0 : i32
        %dma_wait3A_291 = tpu.memref_slice %arg3[%dma_wait3A_290, %mul3A_284] : memref<2x320000xi32, #tpu.memory_space<hbm>> -> memref<2x128xi32, #tpu.memory_space<hbm>>
        %dma_wait3A_292 = arith.constant 0 : i32
        %dma_wait3A_293 = arith.constant 0 : i32
        %dma_wait3A_294 = tpu.memref_slice %arg6[%dma_wait3A_285, %dma_wait3A_292, %dma_wait3A_293] : memref<4x2x128xi32, #tpu.memory_space<vmem>> -> memref<1x2x128xi32, #tpu.memory_space<vmem>>
        %dma_wait3A_295 = tpu.memref_squeeze %dma_wait3A_294 : memref<1x2x128xi32, #tpu.memory_space<vmem>> -> memref<2x128xi32, #tpu.memory_space<vmem>>
        %dma_wait3A_296 = arith.constant 0 : i32
        %dma_wait3A_297 = tpu.memref_slice %arg3[%dma_wait3A_296, %mul3A_284] : memref<2x320000xi32, #tpu.memory_space<hbm>> -> memref<2x128xi32, #tpu.memory_space<hbm>>
        tpu.wait_dma2 semaphore(%arg10 : memref<!tpu.dma_semaphore, #tpu.memory_space<semaphore_mem>>) src(%dma_wait3A_297 : memref<2x128xi32, #tpu.memory_space<hbm>>) dst(%dma_wait3A_295 : memref<2x128xi32, #tpu.memory_space<vmem>>)
        %dma_start3A_298 = arith.constant 2 : i32
        %dma_start3A_299 = arith.constant 0 : i32
        %dma_start3A_300 = arith.constant 0 : i32
        %dma_start3A_301 = tpu.memref_slice %arg6[%dma_start3A_298, %dma_start3A_299, %dma_start3A_300] : memref<4x2x128xi32, #tpu.memory_space<vmem>> -> memref<1x1x128xi32, #tpu.memory_space<vmem>>
        %dma_start3A_302 = tpu.memref_squeeze %dma_start3A_301 : memref<1x1x128xi32, #tpu.memory_space<vmem>> -> memref<128xi32, #tpu.memory_space<vmem>>
        %dma_start3A_303 = arith.constant 0 : i32
        %dma_start3A_304 = arith.constant 0 : i32
        %dma_start3A_305 = tpu.memref_slice %arg2[%dma_start3A_303, %dma_start3A_304] : memref<10000x128xf32, #tpu.memory_space<hbm>> -> memref<10000x128xf32, #tpu.memory_space<hbm>>
        tpu.enqueue_indirect_dma source(%dma_start3A_305 : memref<10000x128xf32, #tpu.memory_space<hbm>>) target(%arg7 : memref<128x128xf32, #tpu.memory_space<vmem>>) offsets(%dma_start3A_302 : memref<128xi32, #tpu.memory_space<vmem>>) semaphore(%arg9 : memref<!tpu.dma_semaphore, #tpu.memory_space<semaphore_mem>>)
      } else {
      }
      %mul3A_202 = arith.constant 4 : i32
      %mul3A_203 = arith.muli %while3A_176, %mul3A_202 : i32
      %add3A_204 = arith.constant 1 : i32
      %add3A_205 = arith.addi %mul3A_203, %add3A_204 : i32
      %dma_wait3A_206 = arith.constant 1 : i32
      %dma_wait3A_207 = arith.constant 0 : i32
      %dma_wait3A_208 = arith.constant 0 : i32
      %dma_wait3A_209 = tpu.memref_slice %arg6[%dma_wait3A_206, %dma_wait3A_207, %dma_wait3A_208] : memref<4x2x128xi32, #tpu.memory_space<vmem>> -> memref<1x1x128xi32, #tpu.memory_space<vmem>>
      %dma_wait3A_210 = tpu.memref_squeeze %dma_wait3A_209 : memref<1x1x128xi32, #tpu.memory_space<vmem>> -> memref<128xi32, #tpu.memory_space<vmem>>
      %dma_wait3A_211 = arith.constant 0 : i32
      %dma_wait3A_212 = arith.constant 0 : i32
      %dma_wait3A_213 = tpu.memref_slice %arg2[%dma_wait3A_211, %dma_wait3A_212] : memref<10000x128xf32, #tpu.memory_space<hbm>> -> memref<10000x128xf32, #tpu.memory_space<hbm>>
      tpu.wait_indirect_dma semaphore(%arg9 : memref<!tpu.dma_semaphore, #tpu.memory_space<semaphore_mem>>) src(%dma_wait3A_213 : memref<10000x128xf32, #tpu.memory_space<hbm>>) dst(%arg8 : memref<128x128xf32, #tpu.memory_space<vmem>>)
      %run_scoped3A_214 = arith.constant 1 : i32
      %run_scoped3A_215 = arith.constant 1 : i32
      "tpu.region"() ({
        %run_scoped3A_280 = tpu.sem_alloc : memref<!tpu.dma_semaphore, #tpu.memory_space<semaphore_mem>>
        %dma_start3A_281 = arith.constant 0 : i32
        %dma_start3A_282 = tpu.memref_slice %arg6[%run_scoped3A_214, %run_scoped3A_215, %dma_start3A_281] : memref<4x2x128xi32, #tpu.memory_space<vmem>> -> memref<1x1x128xi32, #tpu.memory_space<vmem>>
        %dma_start3A_283 = tpu.memref_squeeze %dma_start3A_282 : memref<1x1x128xi32, #tpu.memory_space<vmem>> -> memref<128xi32, #tpu.memory_space<vmem>>
        %dma_start3A_284 = arith.constant 0 : i32
        %dma_start3A_285 = arith.constant 0 : i32
        %dma_start3A_286 = tpu.memref_slice %arg12[%dma_start3A_284, %dma_start3A_285] : memref<10240x128xf32, #tpu.memory_space<vmem_shared>> -> memref<10240x128xf32, #tpu.memory_space<vmem_shared>>
        tpu.enqueue_indirect_dma source(%arg8 : memref<128x128xf32, #tpu.memory_space<vmem>>) target(%dma_start3A_286 : memref<10240x128xf32, #tpu.memory_space<vmem_shared>>) offsets(%dma_start3A_283 : memref<128xi32, #tpu.memory_space<vmem>>) semaphore(%run_scoped3A_280 : memref<!tpu.dma_semaphore, #tpu.memory_space<semaphore_mem>>) {add = true}
        %dma_wait3A_287 = arith.constant 0 : i32
        %dma_wait3A_288 = tpu.memref_slice %arg6[%run_scoped3A_214, %run_scoped3A_215, %dma_wait3A_287] : memref<4x2x128xi32, #tpu.memory_space<vmem>> -> memref<1x1x128xi32, #tpu.memory_space<vmem>>
        %dma_wait3A_289 = tpu.memref_squeeze %dma_wait3A_288 : memref<1x1x128xi32, #tpu.memory_space<vmem>> -> memref<128xi32, #tpu.memory_space<vmem>>
        %dma_wait3A_290 = arith.constant 0 : i32
        %dma_wait3A_291 = arith.constant 0 : i32
        %dma_wait3A_292 = tpu.memref_slice %arg12[%dma_wait3A_290, %dma_wait3A_291] : memref<10240x128xf32, #tpu.memory_space<vmem_shared>> -> memref<10240x128xf32, #tpu.memory_space<vmem_shared>>
        tpu.wait_indirect_dma semaphore(%run_scoped3A_280 : memref<!tpu.dma_semaphore, #tpu.memory_space<semaphore_mem>>) src(%arg8 : memref<128x128xf32, #tpu.memory_space<vmem>>) dst(%dma_wait3A_292 : memref<10240x128xf32, #tpu.memory_space<vmem_shared>>)
        tpu.yield
      }) : () -> ()
      %add3A_216 = arith.constant 4 : i32
      %add3A_217 = arith.addi %add3A_205, %add3A_216 : i32
      %lt3A_218 = arith.cmpi slt, %add3A_217, %mul3A_11 : i32
      %convert_element_type3A_219 = arith.extui %lt3A_218 : i1 to i32
      %cond3A_220 = arith.constant 0 : i32
      %cond3A_221 = arith.cmpi ne, %convert_element_type3A_219, %cond3A_220 : i32
      scf.if %cond3A_221 {
        %add3A_280 = arith.constant 4 : i32
        %add3A_281 = arith.addi %add3A_205, %add3A_280 : i32
        %add3A_282 = arith.addi %mul3A_6, %add3A_281 : i32
        %mul3A_283 = arith.constant 128 : i32
        %mul3A_284 = arith.muli %add3A_282, %mul3A_283 : i32
        %dma_start3A_285 = arith.constant 1 : i32
        %dma_start3A_286 = arith.constant 0 : i32
        %dma_start3A_287 = arith.constant 0 : i32
        %dma_start3A_288 = tpu.memref_slice %arg6[%dma_start3A_285, %dma_start3A_286, %dma_start3A_287] : memref<4x2x128xi32, #tpu.memory_space<vmem>> -> memref<1x2x128xi32, #tpu.memory_space<vmem>>
        %dma_start3A_289 = tpu.memref_squeeze %dma_start3A_288 : memref<1x2x128xi32, #tpu.memory_space<vmem>> -> memref<2x128xi32, #tpu.memory_space<vmem>>
        %dma_start3A_290 = arith.constant 0 : i32
        %dma_start3A_291 = tpu.memref_slice %arg3[%dma_start3A_290, %mul3A_284] : memref<2x320000xi32, #tpu.memory_space<hbm>> -> memref<2x128xi32, #tpu.memory_space<hbm>>
        %dma_start3A_292 = arith.constant 0 : i32
        %dma_start3A_293 = arith.constant 0 : i32
        %dma_start3A_294 = tpu.memref_slice %arg6[%dma_start3A_285, %dma_start3A_292, %dma_start3A_293] : memref<4x2x128xi32, #tpu.memory_space<vmem>> -> memref<1x2x128xi32, #tpu.memory_space<vmem>>
        %dma_start3A_295 = tpu.memref_squeeze %dma_start3A_294 : memref<1x2x128xi32, #tpu.memory_space<vmem>> -> memref<2x128xi32, #tpu.memory_space<vmem>>
        %dma_start3A_296 = arith.constant 0 : i32
        %dma_start3A_297 = tpu.memref_slice %arg3[%dma_start3A_296, %mul3A_284] : memref<2x320000xi32, #tpu.memory_space<hbm>> -> memref<2x128xi32, #tpu.memory_space<hbm>>
        tpu.enqueue_dma source(%dma_start3A_297 : memref<2x128xi32, #tpu.memory_space<hbm>>) target(%dma_start3A_295 : memref<2x128xi32, #tpu.memory_space<vmem>>) target_semaphore(%arg10 : memref<!tpu.dma_semaphore, #tpu.memory_space<semaphore_mem>>)
      } else {
      }
      %add3A_222 = arith.constant 2 : i32
      %add3A_223 = arith.addi %add3A_205, %add3A_222 : i32
      %lt3A_224 = arith.cmpi slt, %add3A_223, %mul3A_11 : i32
      %convert_element_type3A_225 = arith.extui %lt3A_224 : i1 to i32
      %cond3A_226 = arith.constant 0 : i32
      %cond3A_227 = arith.cmpi ne, %convert_element_type3A_225, %cond3A_226 : i32
      scf.if %cond3A_227 {
        %add3A_280 = arith.constant 2 : i32
        %add3A_281 = arith.addi %add3A_205, %add3A_280 : i32
        %add3A_282 = arith.addi %mul3A_6, %add3A_281 : i32
        %mul3A_283 = arith.constant 128 : i32
        %mul3A_284 = arith.muli %add3A_282, %mul3A_283 : i32
        %dma_wait3A_285 = arith.constant 3 : i32
        %dma_wait3A_286 = arith.constant 0 : i32
        %dma_wait3A_287 = arith.constant 0 : i32
        %dma_wait3A_288 = tpu.memref_slice %arg6[%dma_wait3A_285, %dma_wait3A_286, %dma_wait3A_287] : memref<4x2x128xi32, #tpu.memory_space<vmem>> -> memref<1x2x128xi32, #tpu.memory_space<vmem>>
        %dma_wait3A_289 = tpu.memref_squeeze %dma_wait3A_288 : memref<1x2x128xi32, #tpu.memory_space<vmem>> -> memref<2x128xi32, #tpu.memory_space<vmem>>
        %dma_wait3A_290 = arith.constant 0 : i32
        %dma_wait3A_291 = tpu.memref_slice %arg3[%dma_wait3A_290, %mul3A_284] : memref<2x320000xi32, #tpu.memory_space<hbm>> -> memref<2x128xi32, #tpu.memory_space<hbm>>
        %dma_wait3A_292 = arith.constant 0 : i32
        %dma_wait3A_293 = arith.constant 0 : i32
        %dma_wait3A_294 = tpu.memref_slice %arg6[%dma_wait3A_285, %dma_wait3A_292, %dma_wait3A_293] : memref<4x2x128xi32, #tpu.memory_space<vmem>> -> memref<1x2x128xi32, #tpu.memory_space<vmem>>
        %dma_wait3A_295 = tpu.memref_squeeze %dma_wait3A_294 : memref<1x2x128xi32, #tpu.memory_space<vmem>> -> memref<2x128xi32, #tpu.memory_space<vmem>>
        %dma_wait3A_296 = arith.constant 0 : i32
        %dma_wait3A_297 = tpu.memref_slice %arg3[%dma_wait3A_296, %mul3A_284] : memref<2x320000xi32, #tpu.memory_space<hbm>> -> memref<2x128xi32, #tpu.memory_space<hbm>>
        tpu.wait_dma2 semaphore(%arg10 : memref<!tpu.dma_semaphore, #tpu.memory_space<semaphore_mem>>) src(%dma_wait3A_297 : memref<2x128xi32, #tpu.memory_space<hbm>>) dst(%dma_wait3A_295 : memref<2x128xi32, #tpu.memory_space<vmem>>)
        %dma_start3A_298 = arith.constant 3 : i32
        %dma_start3A_299 = arith.constant 0 : i32
        %dma_start3A_300 = arith.constant 0 : i32
        %dma_start3A_301 = tpu.memref_slice %arg6[%dma_start3A_298, %dma_start3A_299, %dma_start3A_300] : memref<4x2x128xi32, #tpu.memory_space<vmem>> -> memref<1x1x128xi32, #tpu.memory_space<vmem>>
        %dma_start3A_302 = tpu.memref_squeeze %dma_start3A_301 : memref<1x1x128xi32, #tpu.memory_space<vmem>> -> memref<128xi32, #tpu.memory_space<vmem>>
        %dma_start3A_303 = arith.constant 0 : i32
        %dma_start3A_304 = arith.constant 0 : i32
        %dma_start3A_305 = tpu.memref_slice %arg2[%dma_start3A_303, %dma_start3A_304] : memref<10000x128xf32, #tpu.memory_space<hbm>> -> memref<10000x128xf32, #tpu.memory_space<hbm>>
        tpu.enqueue_indirect_dma source(%dma_start3A_305 : memref<10000x128xf32, #tpu.memory_space<hbm>>) target(%arg8 : memref<128x128xf32, #tpu.memory_space<vmem>>) offsets(%dma_start3A_302 : memref<128xi32, #tpu.memory_space<vmem>>) semaphore(%arg9 : memref<!tpu.dma_semaphore, #tpu.memory_space<semaphore_mem>>)
      } else {
      }
      %mul3A_228 = arith.constant 4 : i32
      %mul3A_229 = arith.muli %while3A_176, %mul3A_228 : i32
      %add3A_230 = arith.constant 2 : i32
      %add3A_231 = arith.addi %mul3A_229, %add3A_230 : i32
      %dma_wait3A_232 = arith.constant 2 : i32
      %dma_wait3A_233 = arith.constant 0 : i32
      %dma_wait3A_234 = arith.constant 0 : i32
      %dma_wait3A_235 = tpu.memref_slice %arg6[%dma_wait3A_232, %dma_wait3A_233, %dma_wait3A_234] : memref<4x2x128xi32, #tpu.memory_space<vmem>> -> memref<1x1x128xi32, #tpu.memory_space<vmem>>
      %dma_wait3A_236 = tpu.memref_squeeze %dma_wait3A_235 : memref<1x1x128xi32, #tpu.memory_space<vmem>> -> memref<128xi32, #tpu.memory_space<vmem>>
      %dma_wait3A_237 = arith.constant 0 : i32
      %dma_wait3A_238 = arith.constant 0 : i32
      %dma_wait3A_239 = tpu.memref_slice %arg2[%dma_wait3A_237, %dma_wait3A_238] : memref<10000x128xf32, #tpu.memory_space<hbm>> -> memref<10000x128xf32, #tpu.memory_space<hbm>>
      tpu.wait_indirect_dma semaphore(%arg9 : memref<!tpu.dma_semaphore, #tpu.memory_space<semaphore_mem>>) src(%dma_wait3A_239 : memref<10000x128xf32, #tpu.memory_space<hbm>>) dst(%arg7 : memref<128x128xf32, #tpu.memory_space<vmem>>)
      %run_scoped3A_240 = arith.constant 2 : i32
      %run_scoped3A_241 = arith.constant 1 : i32
      "tpu.region"() ({
        %run_scoped3A_280 = tpu.sem_alloc : memref<!tpu.dma_semaphore, #tpu.memory_space<semaphore_mem>>
        %dma_start3A_281 = arith.constant 0 : i32
        %dma_start3A_282 = tpu.memref_slice %arg6[%run_scoped3A_240, %run_scoped3A_241, %dma_start3A_281] : memref<4x2x128xi32, #tpu.memory_space<vmem>> -> memref<1x1x128xi32, #tpu.memory_space<vmem>>
        %dma_start3A_283 = tpu.memref_squeeze %dma_start3A_282 : memref<1x1x128xi32, #tpu.memory_space<vmem>> -> memref<128xi32, #tpu.memory_space<vmem>>
        %dma_start3A_284 = arith.constant 0 : i32
        %dma_start3A_285 = arith.constant 0 : i32
        %dma_start3A_286 = tpu.memref_slice %arg12[%dma_start3A_284, %dma_start3A_285] : memref<10240x128xf32, #tpu.memory_space<vmem_shared>> -> memref<10240x128xf32, #tpu.memory_space<vmem_shared>>
        tpu.enqueue_indirect_dma source(%arg7 : memref<128x128xf32, #tpu.memory_space<vmem>>) target(%dma_start3A_286 : memref<10240x128xf32, #tpu.memory_space<vmem_shared>>) offsets(%dma_start3A_283 : memref<128xi32, #tpu.memory_space<vmem>>) semaphore(%run_scoped3A_280 : memref<!tpu.dma_semaphore, #tpu.memory_space<semaphore_mem>>) {add = true}
        %dma_wait3A_287 = arith.constant 0 : i32
        %dma_wait3A_288 = tpu.memref_slice %arg6[%run_scoped3A_240, %run_scoped3A_241, %dma_wait3A_287] : memref<4x2x128xi32, #tpu.memory_space<vmem>> -> memref<1x1x128xi32, #tpu.memory_space<vmem>>
        %dma_wait3A_289 = tpu.memref_squeeze %dma_wait3A_288 : memref<1x1x128xi32, #tpu.memory_space<vmem>> -> memref<128xi32, #tpu.memory_space<vmem>>
        %dma_wait3A_290 = arith.constant 0 : i32
        %dma_wait3A_291 = arith.constant 0 : i32
        %dma_wait3A_292 = tpu.memref_slice %arg12[%dma_wait3A_290, %dma_wait3A_291] : memref<10240x128xf32, #tpu.memory_space<vmem_shared>> -> memref<10240x128xf32, #tpu.memory_space<vmem_shared>>
        tpu.wait_indirect_dma semaphore(%run_scoped3A_280 : memref<!tpu.dma_semaphore, #tpu.memory_space<semaphore_mem>>) src(%arg7 : memref<128x128xf32, #tpu.memory_space<vmem>>) dst(%dma_wait3A_292 : memref<10240x128xf32, #tpu.memory_space<vmem_shared>>)
        tpu.yield
      }) : () -> ()
      %add3A_242 = arith.constant 4 : i32
      %add3A_243 = arith.addi %add3A_231, %add3A_242 : i32
      %lt3A_244 = arith.cmpi slt, %add3A_243, %mul3A_11 : i32
      %convert_element_type3A_245 = arith.extui %lt3A_244 : i1 to i32
      %cond3A_246 = arith.constant 0 : i32
      %cond3A_247 = arith.cmpi ne, %convert_element_type3A_245, %cond3A_246 : i32
      scf.if %cond3A_247 {
        %add3A_280 = arith.constant 4 : i32
        %add3A_281 = arith.addi %add3A_231, %add3A_280 : i32
        %add3A_282 = arith.addi %mul3A_6, %add3A_281 : i32
        %mul3A_283 = arith.constant 128 : i32
        %mul3A_284 = arith.muli %add3A_282, %mul3A_283 : i32
        %dma_start3A_285 = arith.constant 2 : i32
        %dma_start3A_286 = arith.constant 0 : i32
        %dma_start3A_287 = arith.constant 0 : i32
        %dma_start3A_288 = tpu.memref_slice %arg6[%dma_start3A_285, %dma_start3A_286, %dma_start3A_287] : memref<4x2x128xi32, #tpu.memory_space<vmem>> -> memref<1x2x128xi32, #tpu.memory_space<vmem>>
        %dma_start3A_289 = tpu.memref_squeeze %dma_start3A_288 : memref<1x2x128xi32, #tpu.memory_space<vmem>> -> memref<2x128xi32, #tpu.memory_space<vmem>>
        %dma_start3A_290 = arith.constant 0 : i32
        %dma_start3A_291 = tpu.memref_slice %arg3[%dma_start3A_290, %mul3A_284] : memref<2x320000xi32, #tpu.memory_space<hbm>> -> memref<2x128xi32, #tpu.memory_space<hbm>>
        %dma_start3A_292 = arith.constant 0 : i32
        %dma_start3A_293 = arith.constant 0 : i32
        %dma_start3A_294 = tpu.memref_slice %arg6[%dma_start3A_285, %dma_start3A_292, %dma_start3A_293] : memref<4x2x128xi32, #tpu.memory_space<vmem>> -> memref<1x2x128xi32, #tpu.memory_space<vmem>>
        %dma_start3A_295 = tpu.memref_squeeze %dma_start3A_294 : memref<1x2x128xi32, #tpu.memory_space<vmem>> -> memref<2x128xi32, #tpu.memory_space<vmem>>
        %dma_start3A_296 = arith.constant 0 : i32
        %dma_start3A_297 = tpu.memref_slice %arg3[%dma_start3A_296, %mul3A_284] : memref<2x320000xi32, #tpu.memory_space<hbm>> -> memref<2x128xi32, #tpu.memory_space<hbm>>
        tpu.enqueue_dma source(%dma_start3A_297 : memref<2x128xi32, #tpu.memory_space<hbm>>) target(%dma_start3A_295 : memref<2x128xi32, #tpu.memory_space<vmem>>) target_semaphore(%arg10 : memref<!tpu.dma_semaphore, #tpu.memory_space<semaphore_mem>>)
      } else {
      }
      %add3A_248 = arith.constant 2 : i32
      %add3A_249 = arith.addi %add3A_231, %add3A_248 : i32
      %lt3A_250 = arith.cmpi slt, %add3A_249, %mul3A_11 : i32
      %convert_element_type3A_251 = arith.extui %lt3A_250 : i1 to i32
      %cond3A_252 = arith.constant 0 : i32
      %cond3A_253 = arith.cmpi ne, %convert_element_type3A_251, %cond3A_252 : i32
      scf.if %cond3A_253 {
        %add3A_280 = arith.constant 2 : i32
        %add3A_281 = arith.addi %add3A_231, %add3A_280 : i32
        %add3A_282 = arith.addi %mul3A_6, %add3A_281 : i32
        %mul3A_283 = arith.constant 128 : i32
        %mul3A_284 = arith.muli %add3A_282, %mul3A_283 : i32
        %dma_wait3A_285 = arith.constant 0 : i32
        %dma_wait3A_286 = arith.constant 0 : i32
        %dma_wait3A_287 = arith.constant 0 : i32
        %dma_wait3A_288 = tpu.memref_slice %arg6[%dma_wait3A_285, %dma_wait3A_286, %dma_wait3A_287] : memref<4x2x128xi32, #tpu.memory_space<vmem>> -> memref<1x2x128xi32, #tpu.memory_space<vmem>>
        %dma_wait3A_289 = tpu.memref_squeeze %dma_wait3A_288 : memref<1x2x128xi32, #tpu.memory_space<vmem>> -> memref<2x128xi32, #tpu.memory_space<vmem>>
        %dma_wait3A_290 = arith.constant 0 : i32
        %dma_wait3A_291 = tpu.memref_slice %arg3[%dma_wait3A_290, %mul3A_284] : memref<2x320000xi32, #tpu.memory_space<hbm>> -> memref<2x128xi32, #tpu.memory_space<hbm>>
        %dma_wait3A_292 = arith.constant 0 : i32
        %dma_wait3A_293 = arith.constant 0 : i32
        %dma_wait3A_294 = tpu.memref_slice %arg6[%dma_wait3A_285, %dma_wait3A_292, %dma_wait3A_293] : memref<4x2x128xi32, #tpu.memory_space<vmem>> -> memref<1x2x128xi32, #tpu.memory_space<vmem>>
        %dma_wait3A_295 = tpu.memref_squeeze %dma_wait3A_294 : memref<1x2x128xi32, #tpu.memory_space<vmem>> -> memref<2x128xi32, #tpu.memory_space<vmem>>
        %dma_wait3A_296 = arith.constant 0 : i32
        %dma_wait3A_297 = tpu.memref_slice %arg3[%dma_wait3A_296, %mul3A_284] : memref<2x320000xi32, #tpu.memory_space<hbm>> -> memref<2x128xi32, #tpu.memory_space<hbm>>
        tpu.wait_dma2 semaphore(%arg10 : memref<!tpu.dma_semaphore, #tpu.memory_space<semaphore_mem>>) src(%dma_wait3A_297 : memref<2x128xi32, #tpu.memory_space<hbm>>) dst(%dma_wait3A_295 : memref<2x128xi32, #tpu.memory_space<vmem>>)
        %dma_start3A_298 = arith.constant 0 : i32
        %dma_start3A_299 = arith.constant 0 : i32
        %dma_start3A_300 = arith.constant 0 : i32
        %dma_start3A_301 = tpu.memref_slice %arg6[%dma_start3A_298, %dma_start3A_299, %dma_start3A_300] : memref<4x2x128xi32, #tpu.memory_space<vmem>> -> memref<1x1x128xi32, #tpu.memory_space<vmem>>
        %dma_start3A_302 = tpu.memref_squeeze %dma_start3A_301 : memref<1x1x128xi32, #tpu.memory_space<vmem>> -> memref<128xi32, #tpu.memory_space<vmem>>
        %dma_start3A_303 = arith.constant 0 : i32
        %dma_start3A_304 = arith.constant 0 : i32
        %dma_start3A_305 = tpu.memref_slice %arg2[%dma_start3A_303, %dma_start3A_304] : memref<10000x128xf32, #tpu.memory_space<hbm>> -> memref<10000x128xf32, #tpu.memory_space<hbm>>
        tpu.enqueue_indirect_dma source(%dma_start3A_305 : memref<10000x128xf32, #tpu.memory_space<hbm>>) target(%arg7 : memref<128x128xf32, #tpu.memory_space<vmem>>) offsets(%dma_start3A_302 : memref<128xi32, #tpu.memory_space<vmem>>) semaphore(%arg9 : memref<!tpu.dma_semaphore, #tpu.memory_space<semaphore_mem>>)
      } else {
      }
      %mul3A_254 = arith.constant 4 : i32
      %mul3A_255 = arith.muli %while3A_176, %mul3A_254 : i32
      %add3A_256 = arith.constant 3 : i32
      %add3A_257 = arith.addi %mul3A_255, %add3A_256 : i32
      %dma_wait3A_258 = arith.constant 3 : i32
      %dma_wait3A_259 = arith.constant 0 : i32
      %dma_wait3A_260 = arith.constant 0 : i32
      %dma_wait3A_261 = tpu.memref_slice %arg6[%dma_wait3A_258, %dma_wait3A_259, %dma_wait3A_260] : memref<4x2x128xi32, #tpu.memory_space<vmem>> -> memref<1x1x128xi32, #tpu.memory_space<vmem>>
      %dma_wait3A_262 = tpu.memref_squeeze %dma_wait3A_261 : memref<1x1x128xi32, #tpu.memory_space<vmem>> -> memref<128xi32, #tpu.memory_space<vmem>>
      %dma_wait3A_263 = arith.constant 0 : i32
      %dma_wait3A_264 = arith.constant 0 : i32
      %dma_wait3A_265 = tpu.memref_slice %arg2[%dma_wait3A_263, %dma_wait3A_264] : memref<10000x128xf32, #tpu.memory_space<hbm>> -> memref<10000x128xf32, #tpu.memory_space<hbm>>
      tpu.wait_indirect_dma semaphore(%arg9 : memref<!tpu.dma_semaphore, #tpu.memory_space<semaphore_mem>>) src(%dma_wait3A_265 : memref<10000x128xf32, #tpu.memory_space<hbm>>) dst(%arg8 : memref<128x128xf32, #tpu.memory_space<vmem>>)
      %run_scoped3A_266 = arith.constant 3 : i32
      %run_scoped3A_267 = arith.constant 1 : i32
      "tpu.region"() ({
        %run_scoped3A_280 = tpu.sem_alloc : memref<!tpu.dma_semaphore, #tpu.memory_space<semaphore_mem>>
        %dma_start3A_281 = arith.constant 0 : i32
        %dma_start3A_282 = tpu.memref_slice %arg6[%run_scoped3A_266, %run_scoped3A_267, %dma_start3A_281] : memref<4x2x128xi32, #tpu.memory_space<vmem>> -> memref<1x1x128xi32, #tpu.memory_space<vmem>>
        %dma_start3A_283 = tpu.memref_squeeze %dma_start3A_282 : memref<1x1x128xi32, #tpu.memory_space<vmem>> -> memref<128xi32, #tpu.memory_space<vmem>>
        %dma_start3A_284 = arith.constant 0 : i32
        %dma_start3A_285 = arith.constant 0 : i32
        %dma_start3A_286 = tpu.memref_slice %arg12[%dma_start3A_284, %dma_start3A_285] : memref<10240x128xf32, #tpu.memory_space<vmem_shared>> -> memref<10240x128xf32, #tpu.memory_space<vmem_shared>>
        tpu.enqueue_indirect_dma source(%arg8 : memref<128x128xf32, #tpu.memory_space<vmem>>) target(%dma_start3A_286 : memref<10240x128xf32, #tpu.memory_space<vmem_shared>>) offsets(%dma_start3A_283 : memref<128xi32, #tpu.memory_space<vmem>>) semaphore(%run_scoped3A_280 : memref<!tpu.dma_semaphore, #tpu.memory_space<semaphore_mem>>) {add = true}
        %dma_wait3A_287 = arith.constant 0 : i32
        %dma_wait3A_288 = tpu.memref_slice %arg6[%run_scoped3A_266, %run_scoped3A_267, %dma_wait3A_287] : memref<4x2x128xi32, #tpu.memory_space<vmem>> -> memref<1x1x128xi32, #tpu.memory_space<vmem>>
        %dma_wait3A_289 = tpu.memref_squeeze %dma_wait3A_288 : memref<1x1x128xi32, #tpu.memory_space<vmem>> -> memref<128xi32, #tpu.memory_space<vmem>>
        %dma_wait3A_290 = arith.constant 0 : i32
        %dma_wait3A_291 = arith.constant 0 : i32
        %dma_wait3A_292 = tpu.memref_slice %arg12[%dma_wait3A_290, %dma_wait3A_291] : memref<10240x128xf32, #tpu.memory_space<vmem_shared>> -> memref<10240x128xf32, #tpu.memory_space<vmem_shared>>
        tpu.wait_indirect_dma semaphore(%run_scoped3A_280 : memref<!tpu.dma_semaphore, #tpu.memory_space<semaphore_mem>>) src(%arg8 : memref<128x128xf32, #tpu.memory_space<vmem>>) dst(%dma_wait3A_292 : memref<10240x128xf32, #tpu.memory_space<vmem_shared>>)
        tpu.yield
      }) : () -> ()
      %add3A_268 = arith.constant 4 : i32
      %add3A_269 = arith.addi %add3A_257, %add3A_268 : i32
      %lt3A_270 = arith.cmpi slt, %add3A_269, %mul3A_11 : i32
      %convert_element_type3A_271 = arith.extui %lt3A_270 : i1 to i32
      %cond3A_272 = arith.constant 0 : i32
      %cond3A_273 = arith.cmpi ne, %convert_element_type3A_271, %cond3A_272 : i32
      scf.if %cond3A_273 {
        %add3A_280 = arith.constant 4 : i32
        %add3A_281 = arith.addi %add3A_257, %add3A_280 : i32
        %add3A_282 = arith.addi %mul3A_6, %add3A_281 : i32
        %mul3A_283 = arith.constant 128 : i32
        %mul3A_284 = arith.muli %add3A_282, %mul3A_283 : i32
        %dma_start3A_285 = arith.constant 3 : i32
        %dma_start3A_286 = arith.constant 0 : i32
        %dma_start3A_287 = arith.constant 0 : i32
        %dma_start3A_288 = tpu.memref_slice %arg6[%dma_start3A_285, %dma_start3A_286, %dma_start3A_287] : memref<4x2x128xi32, #tpu.memory_space<vmem>> -> memref<1x2x128xi32, #tpu.memory_space<vmem>>
        %dma_start3A_289 = tpu.memref_squeeze %dma_start3A_288 : memref<1x2x128xi32, #tpu.memory_space<vmem>> -> memref<2x128xi32, #tpu.memory_space<vmem>>
        %dma_start3A_290 = arith.constant 0 : i32
        %dma_start3A_291 = tpu.memref_slice %arg3[%dma_start3A_290, %mul3A_284] : memref<2x320000xi32, #tpu.memory_space<hbm>> -> memref<2x128xi32, #tpu.memory_space<hbm>>
        %dma_start3A_292 = arith.constant 0 : i32
        %dma_start3A_293 = arith.constant 0 : i32
        %dma_start3A_294 = tpu.memref_slice %arg6[%dma_start3A_285, %dma_start3A_292, %dma_start3A_293] : memref<4x2x128xi32, #tpu.memory_space<vmem>> -> memref<1x2x128xi32, #tpu.memory_space<vmem>>
        %dma_start3A_295 = tpu.memref_squeeze %dma_start3A_294 : memref<1x2x128xi32, #tpu.memory_space<vmem>> -> memref<2x128xi32, #tpu.memory_space<vmem>>
        %dma_start3A_296 = arith.constant 0 : i32
        %dma_start3A_297 = tpu.memref_slice %arg3[%dma_start3A_296, %mul3A_284] : memref<2x320000xi32, #tpu.memory_space<hbm>> -> memref<2x128xi32, #tpu.memory_space<hbm>>
        tpu.enqueue_dma source(%dma_start3A_297 : memref<2x128xi32, #tpu.memory_space<hbm>>) target(%dma_start3A_295 : memref<2x128xi32, #tpu.memory_space<vmem>>) target_semaphore(%arg10 : memref<!tpu.dma_semaphore, #tpu.memory_space<semaphore_mem>>)
      } else {
      }
      %add3A_274 = arith.constant 2 : i32
      %add3A_275 = arith.addi %add3A_257, %add3A_274 : i32
      %lt3A_276 = arith.cmpi slt, %add3A_275, %mul3A_11 : i32
      %convert_element_type3A_277 = arith.extui %lt3A_276 : i1 to i32
      %cond3A_278 = arith.constant 0 : i32
      %cond3A_279 = arith.cmpi ne, %convert_element_type3A_277, %cond3A_278 : i32
      scf.if %cond3A_279 {
        %add3A_280 = arith.constant 2 : i32
        %add3A_281 = arith.addi %add3A_257, %add3A_280 : i32
        %add3A_282 = arith.addi %mul3A_6, %add3A_281 : i32
        %mul3A_283 = arith.constant 128 : i32
        %mul3A_284 = arith.muli %add3A_282, %mul3A_283 : i32
        %dma_wait3A_285 = arith.constant 1 : i32
        %dma_wait3A_286 = arith.constant 0 : i32
        %dma_wait3A_287 = arith.constant 0 : i32
        %dma_wait3A_288 = tpu.memref_slice %arg6[%dma_wait3A_285, %dma_wait3A_286, %dma_wait3A_287] : memref<4x2x128xi32, #tpu.memory_space<vmem>> -> memref<1x2x128xi32, #tpu.memory_space<vmem>>
        %dma_wait3A_289 = tpu.memref_squeeze %dma_wait3A_288 : memref<1x2x128xi32, #tpu.memory_space<vmem>> -> memref<2x128xi32, #tpu.memory_space<vmem>>
        %dma_wait3A_290 = arith.constant 0 : i32
        %dma_wait3A_291 = tpu.memref_slice %arg3[%dma_wait3A_290, %mul3A_284] : memref<2x320000xi32, #tpu.memory_space<hbm>> -> memref<2x128xi32, #tpu.memory_space<hbm>>
        %dma_wait3A_292 = arith.constant 0 : i32
        %dma_wait3A_293 = arith.constant 0 : i32
        %dma_wait3A_294 = tpu.memref_slice %arg6[%dma_wait3A_285, %dma_wait3A_292, %dma_wait3A_293] : memref<4x2x128xi32, #tpu.memory_space<vmem>> -> memref<1x2x128xi32, #tpu.memory_space<vmem>>
        %dma_wait3A_295 = tpu.memref_squeeze %dma_wait3A_294 : memref<1x2x128xi32, #tpu.memory_space<vmem>> -> memref<2x128xi32, #tpu.memory_space<vmem>>
        %dma_wait3A_296 = arith.constant 0 : i32
        %dma_wait3A_297 = tpu.memref_slice %arg3[%dma_wait3A_296, %mul3A_284] : memref<2x320000xi32, #tpu.memory_space<hbm>> -> memref<2x128xi32, #tpu.memory_space<hbm>>
        tpu.wait_dma2 semaphore(%arg10 : memref<!tpu.dma_semaphore, #tpu.memory_space<semaphore_mem>>) src(%dma_wait3A_297 : memref<2x128xi32, #tpu.memory_space<hbm>>) dst(%dma_wait3A_295 : memref<2x128xi32, #tpu.memory_space<vmem>>)
        %dma_start3A_298 = arith.constant 1 : i32
        %dma_start3A_299 = arith.constant 0 : i32
        %dma_start3A_300 = arith.constant 0 : i32
        %dma_start3A_301 = tpu.memref_slice %arg6[%dma_start3A_298, %dma_start3A_299, %dma_start3A_300] : memref<4x2x128xi32, #tpu.memory_space<vmem>> -> memref<1x1x128xi32, #tpu.memory_space<vmem>>
        %dma_start3A_302 = tpu.memref_squeeze %dma_start3A_301 : memref<1x1x128xi32, #tpu.memory_space<vmem>> -> memref<128xi32, #tpu.memory_space<vmem>>
        %dma_start3A_303 = arith.constant 0 : i32
        %dma_start3A_304 = arith.constant 0 : i32
        %dma_start3A_305 = tpu.memref_slice %arg2[%dma_start3A_303, %dma_start3A_304] : memref<10000x128xf32, #tpu.memory_space<hbm>> -> memref<10000x128xf32, #tpu.memory_space<hbm>>
        tpu.enqueue_indirect_dma source(%dma_start3A_305 : memref<10000x128xf32, #tpu.memory_space<hbm>>) target(%arg8 : memref<128x128xf32, #tpu.memory_space<vmem>>) offsets(%dma_start3A_302 : memref<128xi32, #tpu.memory_space<vmem>>) semaphore(%arg9 : memref<!tpu.dma_semaphore, #tpu.memory_space<semaphore_mem>>)
      } else {
      }
    }
    %while3A_164 = arith.constant 1 : i32
    scf.for %while3A_176 = %while3A_162 to %while3A_158 step %while3A_164  : i32 {
      %mul3A_177 = arith.constant 4 : i32
      %mul3A_178 = arith.muli %while3A_176, %mul3A_177 : i32
      %add3A_179 = arith.constant 0 : i32
      %add3A_180 = arith.addi %mul3A_178, %add3A_179 : i32
      %dma_wait3A_181 = arith.constant 0 : i32
      %dma_wait3A_182 = arith.constant 0 : i32
      %dma_wait3A_183 = arith.constant 0 : i32
      %dma_wait3A_184 = tpu.memref_slice %arg6[%dma_wait3A_181, %dma_wait3A_182, %dma_wait3A_183] : memref<4x2x128xi32, #tpu.memory_space<vmem>> -> memref<1x1x128xi32, #tpu.memory_space<vmem>>
      %dma_wait3A_185 = tpu.memref_squeeze %dma_wait3A_184 : memref<1x1x128xi32, #tpu.memory_space<vmem>> -> memref<128xi32, #tpu.memory_space<vmem>>
      %dma_wait3A_186 = arith.constant 0 : i32
      %dma_wait3A_187 = arith.constant 0 : i32
      %dma_wait3A_188 = tpu.memref_slice %arg2[%dma_wait3A_186, %dma_wait3A_187] : memref<10000x128xf32, #tpu.memory_space<hbm>> -> memref<10000x128xf32, #tpu.memory_space<hbm>>
      tpu.wait_indirect_dma semaphore(%arg9 : memref<!tpu.dma_semaphore, #tpu.memory_space<semaphore_mem>>) src(%dma_wait3A_188 : memref<10000x128xf32, #tpu.memory_space<hbm>>) dst(%arg7 : memref<128x128xf32, #tpu.memory_space<vmem>>)
      %run_scoped3A = arith.constant 0 : i32
      %run_scoped3A_189 = arith.constant 1 : i32
      "tpu.region"() ({
        %run_scoped3A_280 = tpu.sem_alloc : memref<!tpu.dma_semaphore, #tpu.memory_space<semaphore_mem>>
        %dma_start3A_281 = arith.constant 0 : i32
        %dma_start3A_282 = tpu.memref_slice %arg6[%run_scoped3A, %run_scoped3A_189, %dma_start3A_281] : memref<4x2x128xi32, #tpu.memory_space<vmem>> -> memref<1x1x128xi32, #tpu.memory_space<vmem>>
        %dma_start3A_283 = tpu.memref_squeeze %dma_start3A_282 : memref<1x1x128xi32, #tpu.memory_space<vmem>> -> memref<128xi32, #tpu.memory_space<vmem>>
        %dma_start3A_284 = arith.constant 0 : i32
        %dma_start3A_285 = arith.constant 0 : i32
        %dma_start3A_286 = tpu.memref_slice %arg12[%dma_start3A_284, %dma_start3A_285] : memref<10240x128xf32, #tpu.memory_space<vmem_shared>> -> memref<10240x128xf32, #tpu.memory_space<vmem_shared>>
        tpu.enqueue_indirect_dma source(%arg7 : memref<128x128xf32, #tpu.memory_space<vmem>>) target(%dma_start3A_286 : memref<10240x128xf32, #tpu.memory_space<vmem_shared>>) offsets(%dma_start3A_283 : memref<128xi32, #tpu.memory_space<vmem>>) semaphore(%run_scoped3A_280 : memref<!tpu.dma_semaphore, #tpu.memory_space<semaphore_mem>>) {add = true}
        %dma_wait3A_287 = arith.constant 0 : i32
        %dma_wait3A_288 = tpu.memref_slice %arg6[%run_scoped3A, %run_scoped3A_189, %dma_wait3A_287] : memref<4x2x128xi32, #tpu.memory_space<vmem>> -> memref<1x1x128xi32, #tpu.memory_space<vmem>>
        %dma_wait3A_289 = tpu.memref_squeeze %dma_wait3A_288 : memref<1x1x128xi32, #tpu.memory_space<vmem>> -> memref<128xi32, #tpu.memory_space<vmem>>
        %dma_wait3A_290 = arith.constant 0 : i32
        %dma_wait3A_291 = arith.constant 0 : i32
        %dma_wait3A_292 = tpu.memref_slice %arg12[%dma_wait3A_290, %dma_wait3A_291] : memref<10240x128xf32, #tpu.memory_space<vmem_shared>> -> memref<10240x128xf32, #tpu.memory_space<vmem_shared>>
        tpu.wait_indirect_dma semaphore(%run_scoped3A_280 : memref<!tpu.dma_semaphore, #tpu.memory_space<semaphore_mem>>) src(%arg7 : memref<128x128xf32, #tpu.memory_space<vmem>>) dst(%dma_wait3A_292 : memref<10240x128xf32, #tpu.memory_space<vmem_shared>>)
        tpu.yield
      }) : () -> ()
      %add3A_190 = arith.constant 4 : i32
      %add3A_191 = arith.addi %add3A_180, %add3A_190 : i32
      %lt3A_192 = arith.cmpi slt, %add3A_191, %mul3A_11 : i32
      %convert_element_type3A_193 = arith.extui %lt3A_192 : i1 to i32
      %cond3A_194 = arith.constant 0 : i32
      %cond3A_195 = arith.cmpi ne, %convert_element_type3A_193, %cond3A_194 : i32
      scf.if %cond3A_195 {
        %add3A_280 = arith.constant 4 : i32
        %add3A_281 = arith.addi %add3A_180, %add3A_280 : i32
        %add3A_282 = arith.addi %mul3A_6, %add3A_281 : i32
        %mul3A_283 = arith.constant 128 : i32
        %mul3A_284 = arith.muli %add3A_282, %mul3A_283 : i32
        %dma_start3A_285 = arith.constant 0 : i32
        %dma_start3A_286 = arith.constant 0 : i32
        %dma_start3A_287 = arith.constant 0 : i32
        %dma_start3A_288 = tpu.memref_slice %arg6[%dma_start3A_285, %dma_start3A_286, %dma_start3A_287] : memref<4x2x128xi32, #tpu.memory_space<vmem>> -> memref<1x2x128xi32, #tpu.memory_space<vmem>>
        %dma_start3A_289 = tpu.memref_squeeze %dma_start3A_288 : memref<1x2x128xi32, #tpu.memory_space<vmem>> -> memref<2x128xi32, #tpu.memory_space<vmem>>
        %dma_start3A_290 = arith.constant 0 : i32
        %dma_start3A_291 = tpu.memref_slice %arg3[%dma_start3A_290, %mul3A_284] : memref<2x320000xi32, #tpu.memory_space<hbm>> -> memref<2x128xi32, #tpu.memory_space<hbm>>
        %dma_start3A_292 = arith.constant 0 : i32
        %dma_start3A_293 = arith.constant 0 : i32
        %dma_start3A_294 = tpu.memref_slice %arg6[%dma_start3A_285, %dma_start3A_292, %dma_start3A_293] : memref<4x2x128xi32, #tpu.memory_space<vmem>> -> memref<1x2x128xi32, #tpu.memory_space<vmem>>
        %dma_start3A_295 = tpu.memref_squeeze %dma_start3A_294 : memref<1x2x128xi32, #tpu.memory_space<vmem>> -> memref<2x128xi32, #tpu.memory_space<vmem>>
        %dma_start3A_296 = arith.constant 0 : i32
        %dma_start3A_297 = tpu.memref_slice %arg3[%dma_start3A_296, %mul3A_284] : memref<2x320000xi32, #tpu.memory_space<hbm>> -> memref<2x128xi32, #tpu.memory_space<hbm>>
        tpu.enqueue_dma source(%dma_start3A_297 : memref<2x128xi32, #tpu.memory_space<hbm>>) target(%dma_start3A_295 : memref<2x128xi32, #tpu.memory_space<vmem>>) target_semaphore(%arg10 : memref<!tpu.dma_semaphore, #tpu.memory_space<semaphore_mem>>)
      } else {
      }
      %add3A_196 = arith.constant 2 : i32
      %add3A_197 = arith.addi %add3A_180, %add3A_196 : i32
      %lt3A_198 = arith.cmpi slt, %add3A_197, %mul3A_11 : i32
      %convert_element_type3A_199 = arith.extui %lt3A_198 : i1 to i32
      %cond3A_200 = arith.constant 0 : i32
      %cond3A_201 = arith.cmpi ne, %convert_element_type3A_199, %cond3A_200 : i32
      scf.if %cond3A_201 {
        %add3A_280 = arith.constant 2 : i32
        %add3A_281 = arith.addi %add3A_180, %add3A_280 : i32
        %add3A_282 = arith.addi %mul3A_6, %add3A_281 : i32
        %mul3A_283 = arith.constant 128 : i32
        %mul3A_284 = arith.muli %add3A_282, %mul3A_283 : i32
        %dma_wait3A_285 = arith.constant 2 : i32
        %dma_wait3A_286 = arith.constant 0 : i32
        %dma_wait3A_287 = arith.constant 0 : i32
        %dma_wait3A_288 = tpu.memref_slice %arg6[%dma_wait3A_285, %dma_wait3A_286, %dma_wait3A_287] : memref<4x2x128xi32, #tpu.memory_space<vmem>> -> memref<1x2x128xi32, #tpu.memory_space<vmem>>
        %dma_wait3A_289 = tpu.memref_squeeze %dma_wait3A_288 : memref<1x2x128xi32, #tpu.memory_space<vmem>> -> memref<2x128xi32, #tpu.memory_space<vmem>>
        %dma_wait3A_290 = arith.constant 0 : i32
        %dma_wait3A_291 = tpu.memref_slice %arg3[%dma_wait3A_290, %mul3A_284] : memref<2x320000xi32, #tpu.memory_space<hbm>> -> memref<2x128xi32, #tpu.memory_space<hbm>>
        %dma_wait3A_292 = arith.constant 0 : i32
        %dma_wait3A_293 = arith.constant 0 : i32
        %dma_wait3A_294 = tpu.memref_slice %arg6[%dma_wait3A_285, %dma_wait3A_292, %dma_wait3A_293] : memref<4x2x128xi32, #tpu.memory_space<vmem>> -> memref<1x2x128xi32, #tpu.memory_space<vmem>>
        %dma_wait3A_295 = tpu.memref_squeeze %dma_wait3A_294 : memref<1x2x128xi32, #tpu.memory_space<vmem>> -> memref<2x128xi32, #tpu.memory_space<vmem>>
        %dma_wait3A_296 = arith.constant 0 : i32
        %dma_wait3A_297 = tpu.memref_slice %arg3[%dma_wait3A_296, %mul3A_284] : memref<2x320000xi32, #tpu.memory_space<hbm>> -> memref<2x128xi32, #tpu.memory_space<hbm>>
        tpu.wait_dma2 semaphore(%arg10 : memref<!tpu.dma_semaphore, #tpu.memory_space<semaphore_mem>>) src(%dma_wait3A_297 : memref<2x128xi32, #tpu.memory_space<hbm>>) dst(%dma_wait3A_295 : memref<2x128xi32, #tpu.memory_space<vmem>>)
        %dma_start3A_298 = arith.constant 2 : i32
        %dma_start3A_299 = arith.constant 0 : i32
        %dma_start3A_300 = arith.constant 0 : i32
        %dma_start3A_301 = tpu.memref_slice %arg6[%dma_start3A_298, %dma_start3A_299, %dma_start3A_300] : memref<4x2x128xi32, #tpu.memory_space<vmem>> -> memref<1x1x128xi32, #tpu.memory_space<vmem>>
        %dma_start3A_302 = tpu.memref_squeeze %dma_start3A_301 : memref<1x1x128xi32, #tpu.memory_space<vmem>> -> memref<128xi32, #tpu.memory_space<vmem>>
        %dma_start3A_303 = arith.constant 0 : i32
        %dma_start3A_304 = arith.constant 0 : i32
        %dma_start3A_305 = tpu.memref_slice %arg2[%dma_start3A_303, %dma_start3A_304] : memref<10000x128xf32, #tpu.memory_space<hbm>> -> memref<10000x128xf32, #tpu.memory_space<hbm>>
        tpu.enqueue_indirect_dma source(%dma_start3A_305 : memref<10000x128xf32, #tpu.memory_space<hbm>>) target(%arg7 : memref<128x128xf32, #tpu.memory_space<vmem>>) offsets(%dma_start3A_302 : memref<128xi32, #tpu.memory_space<vmem>>) semaphore(%arg9 : memref<!tpu.dma_semaphore, #tpu.memory_space<semaphore_mem>>)
      } else {
      }
      %mul3A_202 = arith.constant 4 : i32
      %mul3A_203 = arith.muli %while3A_176, %mul3A_202 : i32
      %add3A_204 = arith.constant 1 : i32
      %add3A_205 = arith.addi %mul3A_203, %add3A_204 : i32
      %dma_wait3A_206 = arith.constant 1 : i32
      %dma_wait3A_207 = arith.constant 0 : i32
      %dma_wait3A_208 = arith.constant 0 : i32
      %dma_wait3A_209 = tpu.memref_slice %arg6[%dma_wait3A_206, %dma_wait3A_207, %dma_wait3A_208] : memref<4x2x128xi32, #tpu.memory_space<vmem>> -> memref<1x1x128xi32, #tpu.memory_space<vmem>>
      %dma_wait3A_210 = tpu.memref_squeeze %dma_wait3A_209 : memref<1x1x128xi32, #tpu.memory_space<vmem>> -> memref<128xi32, #tpu.memory_space<vmem>>
      %dma_wait3A_211 = arith.constant 0 : i32
      %dma_wait3A_212 = arith.constant 0 : i32
      %dma_wait3A_213 = tpu.memref_slice %arg2[%dma_wait3A_211, %dma_wait3A_212] : memref<10000x128xf32, #tpu.memory_space<hbm>> -> memref<10000x128xf32, #tpu.memory_space<hbm>>
      tpu.wait_indirect_dma semaphore(%arg9 : memref<!tpu.dma_semaphore, #tpu.memory_space<semaphore_mem>>) src(%dma_wait3A_213 : memref<10000x128xf32, #tpu.memory_space<hbm>>) dst(%arg8 : memref<128x128xf32, #tpu.memory_space<vmem>>)
      %run_scoped3A_214 = arith.constant 1 : i32
      %run_scoped3A_215 = arith.constant 1 : i32
      "tpu.region"() ({
        %run_scoped3A_280 = tpu.sem_alloc : memref<!tpu.dma_semaphore, #tpu.memory_space<semaphore_mem>>
        %dma_start3A_281 = arith.constant 0 : i32
        %dma_start3A_282 = tpu.memref_slice %arg6[%run_scoped3A_214, %run_scoped3A_215, %dma_start3A_281] : memref<4x2x128xi32, #tpu.memory_space<vmem>> -> memref<1x1x128xi32, #tpu.memory_space<vmem>>
        %dma_start3A_283 = tpu.memref_squeeze %dma_start3A_282 : memref<1x1x128xi32, #tpu.memory_space<vmem>> -> memref<128xi32, #tpu.memory_space<vmem>>
        %dma_start3A_284 = arith.constant 0 : i32
        %dma_start3A_285 = arith.constant 0 : i32
        %dma_start3A_286 = tpu.memref_slice %arg12[%dma_start3A_284, %dma_start3A_285] : memref<10240x128xf32, #tpu.memory_space<vmem_shared>> -> memref<10240x128xf32, #tpu.memory_space<vmem_shared>>
        tpu.enqueue_indirect_dma source(%arg8 : memref<128x128xf32, #tpu.memory_space<vmem>>) target(%dma_start3A_286 : memref<10240x128xf32, #tpu.memory_space<vmem_shared>>) offsets(%dma_start3A_283 : memref<128xi32, #tpu.memory_space<vmem>>) semaphore(%run_scoped3A_280 : memref<!tpu.dma_semaphore, #tpu.memory_space<semaphore_mem>>) {add = true}
        %dma_wait3A_287 = arith.constant 0 : i32
        %dma_wait3A_288 = tpu.memref_slice %arg6[%run_scoped3A_214, %run_scoped3A_215, %dma_wait3A_287] : memref<4x2x128xi32, #tpu.memory_space<vmem>> -> memref<1x1x128xi32, #tpu.memory_space<vmem>>
        %dma_wait3A_289 = tpu.memref_squeeze %dma_wait3A_288 : memref<1x1x128xi32, #tpu.memory_space<vmem>> -> memref<128xi32, #tpu.memory_space<vmem>>
        %dma_wait3A_290 = arith.constant 0 : i32
        %dma_wait3A_291 = arith.constant 0 : i32
        %dma_wait3A_292 = tpu.memref_slice %arg12[%dma_wait3A_290, %dma_wait3A_291] : memref<10240x128xf32, #tpu.memory_space<vmem_shared>> -> memref<10240x128xf32, #tpu.memory_space<vmem_shared>>
        tpu.wait_indirect_dma semaphore(%run_scoped3A_280 : memref<!tpu.dma_semaphore, #tpu.memory_space<semaphore_mem>>) src(%arg8 : memref<128x128xf32, #tpu.memory_space<vmem>>) dst(%dma_wait3A_292 : memref<10240x128xf32, #tpu.memory_space<vmem_shared>>)
        tpu.yield
      }) : () -> ()
      %add3A_216 = arith.constant 4 : i32
      %add3A_217 = arith.addi %add3A_205, %add3A_216 : i32
      %lt3A_218 = arith.cmpi slt, %add3A_217, %mul3A_11 : i32
      %convert_element_type3A_219 = arith.extui %lt3A_218 : i1 to i32
      %cond3A_220 = arith.constant 0 : i32
      %cond3A_221 = arith.cmpi ne, %convert_element_type3A_219, %cond3A_220 : i32
      scf.if %cond3A_221 {
        %add3A_280 = arith.constant 4 : i32
        %add3A_281 = arith.addi %add3A_205, %add3A_280 : i32
        %add3A_282 = arith.addi %mul3A_6, %add3A_281 : i32
        %mul3A_283 = arith.constant 128 : i32
        %mul3A_284 = arith.muli %add3A_282, %mul3A_283 : i32
        %dma_start3A_285 = arith.constant 1 : i32
        %dma_start3A_286 = arith.constant 0 : i32
        %dma_start3A_287 = arith.constant 0 : i32
        %dma_start3A_288 = tpu.memref_slice %arg6[%dma_start3A_285, %dma_start3A_286, %dma_start3A_287] : memref<4x2x128xi32, #tpu.memory_space<vmem>> -> memref<1x2x128xi32, #tpu.memory_space<vmem>>
        %dma_start3A_289 = tpu.memref_squeeze %dma_start3A_288 : memref<1x2x128xi32, #tpu.memory_space<vmem>> -> memref<2x128xi32, #tpu.memory_space<vmem>>
        %dma_start3A_290 = arith.constant 0 : i32
        %dma_start3A_291 = tpu.memref_slice %arg3[%dma_start3A_290, %mul3A_284] : memref<2x320000xi32, #tpu.memory_space<hbm>> -> memref<2x128xi32, #tpu.memory_space<hbm>>
        %dma_start3A_292 = arith.constant 0 : i32
        %dma_start3A_293 = arith.constant 0 : i32
        %dma_start3A_294 = tpu.memref_slice %arg6[%dma_start3A_285, %dma_start3A_292, %dma_start3A_293] : memref<4x2x128xi32, #tpu.memory_space<vmem>> -> memref<1x2x128xi32, #tpu.memory_space<vmem>>
        %dma_start3A_295 = tpu.memref_squeeze %dma_start3A_294 : memref<1x2x128xi32, #tpu.memory_space<vmem>> -> memref<2x128xi32, #tpu.memory_space<vmem>>
        %dma_start3A_296 = arith.constant 0 : i32
        %dma_start3A_297 = tpu.memref_slice %arg3[%dma_start3A_296, %mul3A_284] : memref<2x320000xi32, #tpu.memory_space<hbm>> -> memref<2x128xi32, #tpu.memory_space<hbm>>
        tpu.enqueue_dma source(%dma_start3A_297 : memref<2x128xi32, #tpu.memory_space<hbm>>) target(%dma_start3A_295 : memref<2x128xi32, #tpu.memory_space<vmem>>) target_semaphore(%arg10 : memref<!tpu.dma_semaphore, #tpu.memory_space<semaphore_mem>>)
      } else {
      }
      %add3A_222 = arith.constant 2 : i32
      %add3A_223 = arith.addi %add3A_205, %add3A_222 : i32
      %lt3A_224 = arith.cmpi slt, %add3A_223, %mul3A_11 : i32
      %convert_element_type3A_225 = arith.extui %lt3A_224 : i1 to i32
      %cond3A_226 = arith.constant 0 : i32
      %cond3A_227 = arith.cmpi ne, %convert_element_type3A_225, %cond3A_226 : i32
      scf.if %cond3A_227 {
        %add3A_280 = arith.constant 2 : i32
        %add3A_281 = arith.addi %add3A_205, %add3A_280 : i32
        %add3A_282 = arith.addi %mul3A_6, %add3A_281 : i32
        %mul3A_283 = arith.constant 128 : i32
        %mul3A_284 = arith.muli %add3A_282, %mul3A_283 : i32
        %dma_wait3A_285 = arith.constant 3 : i32
        %dma_wait3A_286 = arith.constant 0 : i32
        %dma_wait3A_287 = arith.constant 0 : i32
        %dma_wait3A_288 = tpu.memref_slice %arg6[%dma_wait3A_285, %dma_wait3A_286, %dma_wait3A_287] : memref<4x2x128xi32, #tpu.memory_space<vmem>> -> memref<1x2x128xi32, #tpu.memory_space<vmem>>
        %dma_wait3A_289 = tpu.memref_squeeze %dma_wait3A_288 : memref<1x2x128xi32, #tpu.memory_space<vmem>> -> memref<2x128xi32, #tpu.memory_space<vmem>>
        %dma_wait3A_290 = arith.constant 0 : i32
        %dma_wait3A_291 = tpu.memref_slice %arg3[%dma_wait3A_290, %mul3A_284] : memref<2x320000xi32, #tpu.memory_space<hbm>> -> memref<2x128xi32, #tpu.memory_space<hbm>>
        %dma_wait3A_292 = arith.constant 0 : i32
        %dma_wait3A_293 = arith.constant 0 : i32
        %dma_wait3A_294 = tpu.memref_slice %arg6[%dma_wait3A_285, %dma_wait3A_292, %dma_wait3A_293] : memref<4x2x128xi32, #tpu.memory_space<vmem>> -> memref<1x2x128xi32, #tpu.memory_space<vmem>>
        %dma_wait3A_295 = tpu.memref_squeeze %dma_wait3A_294 : memref<1x2x128xi32, #tpu.memory_space<vmem>> -> memref<2x128xi32, #tpu.memory_space<vmem>>
        %dma_wait3A_296 = arith.constant 0 : i32
        %dma_wait3A_297 = tpu.memref_slice %arg3[%dma_wait3A_296, %mul3A_284] : memref<2x320000xi32, #tpu.memory_space<hbm>> -> memref<2x128xi32, #tpu.memory_space<hbm>>
        tpu.wait_dma2 semaphore(%arg10 : memref<!tpu.dma_semaphore, #tpu.memory_space<semaphore_mem>>) src(%dma_wait3A_297 : memref<2x128xi32, #tpu.memory_space<hbm>>) dst(%dma_wait3A_295 : memref<2x128xi32, #tpu.memory_space<vmem>>)
        %dma_start3A_298 = arith.constant 3 : i32
        %dma_start3A_299 = arith.constant 0 : i32
        %dma_start3A_300 = arith.constant 0 : i32
        %dma_start3A_301 = tpu.memref_slice %arg6[%dma_start3A_298, %dma_start3A_299, %dma_start3A_300] : memref<4x2x128xi32, #tpu.memory_space<vmem>> -> memref<1x1x128xi32, #tpu.memory_space<vmem>>
        %dma_start3A_302 = tpu.memref_squeeze %dma_start3A_301 : memref<1x1x128xi32, #tpu.memory_space<vmem>> -> memref<128xi32, #tpu.memory_space<vmem>>
        %dma_start3A_303 = arith.constant 0 : i32
        %dma_start3A_304 = arith.constant 0 : i32
        %dma_start3A_305 = tpu.memref_slice %arg2[%dma_start3A_303, %dma_start3A_304] : memref<10000x128xf32, #tpu.memory_space<hbm>> -> memref<10000x128xf32, #tpu.memory_space<hbm>>
        tpu.enqueue_indirect_dma source(%dma_start3A_305 : memref<10000x128xf32, #tpu.memory_space<hbm>>) target(%arg8 : memref<128x128xf32, #tpu.memory_space<vmem>>) offsets(%dma_start3A_302 : memref<128xi32, #tpu.memory_space<vmem>>) semaphore(%arg9 : memref<!tpu.dma_semaphore, #tpu.memory_space<semaphore_mem>>)
      } else {
      }
      %mul3A_228 = arith.constant 4 : i32
      %mul3A_229 = arith.muli %while3A_176, %mul3A_228 : i32
      %add3A_230 = arith.constant 2 : i32
      %add3A_231 = arith.addi %mul3A_229, %add3A_230 : i32
      %dma_wait3A_232 = arith.constant 2 : i32
      %dma_wait3A_233 = arith.constant 0 : i32
      %dma_wait3A_234 = arith.constant 0 : i32
      %dma_wait3A_235 = tpu.memref_slice %arg6[%dma_wait3A_232, %dma_wait3A_233, %dma_wait3A_234] : memref<4x2x128xi32, #tpu.memory_space<vmem>> -> memref<1x1x128xi32, #tpu.memory_space<vmem>>
      %dma_wait3A_236 = tpu.memref_squeeze %dma_wait3A_235 : memref<1x1x128xi32, #tpu.memory_space<vmem>> -> memref<128xi32, #tpu.memory_space<vmem>>
      %dma_wait3A_237 = arith.constant 0 : i32
      %dma_wait3A_238 = arith.constant 0 : i32
      %dma_wait3A_239 = tpu.memref_slice %arg2[%dma_wait3A_237, %dma_wait3A_238] : memref<10000x128xf32, #tpu.memory_space<hbm>> -> memref<10000x128xf32, #tpu.memory_space<hbm>>
      tpu.wait_indirect_dma semaphore(%arg9 : memref<!tpu.dma_semaphore, #tpu.memory_space<semaphore_mem>>) src(%dma_wait3A_239 : memref<10000x128xf32, #tpu.memory_space<hbm>>) dst(%arg7 : memref<128x128xf32, #tpu.memory_space<vmem>>)
      %run_scoped3A_240 = arith.constant 2 : i32
      %run_scoped3A_241 = arith.constant 1 : i32
      "tpu.region"() ({
        %run_scoped3A_280 = tpu.sem_alloc : memref<!tpu.dma_semaphore, #tpu.memory_space<semaphore_mem>>
        %dma_start3A_281 = arith.constant 0 : i32
        %dma_start3A_282 = tpu.memref_slice %arg6[%run_scoped3A_240, %run_scoped3A_241, %dma_start3A_281] : memref<4x2x128xi32, #tpu.memory_space<vmem>> -> memref<1x1x128xi32, #tpu.memory_space<vmem>>
        %dma_start3A_283 = tpu.memref_squeeze %dma_start3A_282 : memref<1x1x128xi32, #tpu.memory_space<vmem>> -> memref<128xi32, #tpu.memory_space<vmem>>
        %dma_start3A_284 = arith.constant 0 : i32
        %dma_start3A_285 = arith.constant 0 : i32
        %dma_start3A_286 = tpu.memref_slice %arg12[%dma_start3A_284, %dma_start3A_285] : memref<10240x128xf32, #tpu.memory_space<vmem_shared>> -> memref<10240x128xf32, #tpu.memory_space<vmem_shared>>
        tpu.enqueue_indirect_dma source(%arg7 : memref<128x128xf32, #tpu.memory_space<vmem>>) target(%dma_start3A_286 : memref<10240x128xf32, #tpu.memory_space<vmem_shared>>) offsets(%dma_start3A_283 : memref<128xi32, #tpu.memory_space<vmem>>) semaphore(%run_scoped3A_280 : memref<!tpu.dma_semaphore, #tpu.memory_space<semaphore_mem>>) {add = true}
        %dma_wait3A_287 = arith.constant 0 : i32
        %dma_wait3A_288 = tpu.memref_slice %arg6[%run_scoped3A_240, %run_scoped3A_241, %dma_wait3A_287] : memref<4x2x128xi32, #tpu.memory_space<vmem>> -> memref<1x1x128xi32, #tpu.memory_space<vmem>>
        %dma_wait3A_289 = tpu.memref_squeeze %dma_wait3A_288 : memref<1x1x128xi32, #tpu.memory_space<vmem>> -> memref<128xi32, #tpu.memory_space<vmem>>
        %dma_wait3A_290 = arith.constant 0 : i32
        %dma_wait3A_291 = arith.constant 0 : i32
        %dma_wait3A_292 = tpu.memref_slice %arg12[%dma_wait3A_290, %dma_wait3A_291] : memref<10240x128xf32, #tpu.memory_space<vmem_shared>> -> memref<10240x128xf32, #tpu.memory_space<vmem_shared>>
        tpu.wait_indirect_dma semaphore(%run_scoped3A_280 : memref<!tpu.dma_semaphore, #tpu.memory_space<semaphore_mem>>) src(%arg7 : memref<128x128xf32, #tpu.memory_space<vmem>>) dst(%dma_wait3A_292 : memref<10240x128xf32, #tpu.memory_space<vmem_shared>>)
        tpu.yield
      }) : () -> ()
      %add3A_242 = arith.constant 4 : i32
      %add3A_243 = arith.addi %add3A_231, %add3A_242 : i32
      %lt3A_244 = arith.cmpi slt, %add3A_243, %mul3A_11 : i32
      %convert_element_type3A_245 = arith.extui %lt3A_244 : i1 to i32
      %cond3A_246 = arith.constant 0 : i32
      %cond3A_247 = arith.cmpi ne, %convert_element_type3A_245, %cond3A_246 : i32
      scf.if %cond3A_247 {
        %add3A_280 = arith.constant 4 : i32
        %add3A_281 = arith.addi %add3A_231, %add3A_280 : i32
        %add3A_282 = arith.addi %mul3A_6, %add3A_281 : i32
        %mul3A_283 = arith.constant 128 : i32
        %mul3A_284 = arith.muli %add3A_282, %mul3A_283 : i32
        %dma_start3A_285 = arith.constant 2 : i32
        %dma_start3A_286 = arith.constant 0 : i32
        %dma_start3A_287 = arith.constant 0 : i32
        %dma_start3A_288 = tpu.memref_slice %arg6[%dma_start3A_285, %dma_start3A_286, %dma_start3A_287] : memref<4x2x128xi32, #tpu.memory_space<vmem>> -> memref<1x2x128xi32, #tpu.memory_space<vmem>>
        %dma_start3A_289 = tpu.memref_squeeze %dma_start3A_288 : memref<1x2x128xi32, #tpu.memory_space<vmem>> -> memref<2x128xi32, #tpu.memory_space<vmem>>
        %dma_start3A_290 = arith.constant 0 : i32
        %dma_start3A_291 = tpu.memref_slice %arg3[%dma_start3A_290, %mul3A_284] : memref<2x320000xi32, #tpu.memory_space<hbm>> -> memref<2x128xi32, #tpu.memory_space<hbm>>
        %dma_start3A_292 = arith.constant 0 : i32
        %dma_start3A_293 = arith.constant 0 : i32
        %dma_start3A_294 = tpu.memref_slice %arg6[%dma_start3A_285, %dma_start3A_292, %dma_start3A_293] : memref<4x2x128xi32, #tpu.memory_space<vmem>> -> memref<1x2x128xi32, #tpu.memory_space<vmem>>
        %dma_start3A_295 = tpu.memref_squeeze %dma_start3A_294 : memref<1x2x128xi32, #tpu.memory_space<vmem>> -> memref<2x128xi32, #tpu.memory_space<vmem>>
        %dma_start3A_296 = arith.constant 0 : i32
        %dma_start3A_297 = tpu.memref_slice %arg3[%dma_start3A_296, %mul3A_284] : memref<2x320000xi32, #tpu.memory_space<hbm>> -> memref<2x128xi32, #tpu.memory_space<hbm>>
        tpu.enqueue_dma source(%dma_start3A_297 : memref<2x128xi32, #tpu.memory_space<hbm>>) target(%dma_start3A_295 : memref<2x128xi32, #tpu.memory_space<vmem>>) target_semaphore(%arg10 : memref<!tpu.dma_semaphore, #tpu.memory_space<semaphore_mem>>)
      } else {
      }
      %add3A_248 = arith.constant 2 : i32
      %add3A_249 = arith.addi %add3A_231, %add3A_248 : i32
      %lt3A_250 = arith.cmpi slt, %add3A_249, %mul3A_11 : i32
      %convert_element_type3A_251 = arith.extui %lt3A_250 : i1 to i32
      %cond3A_252 = arith.constant 0 : i32
      %cond3A_253 = arith.cmpi ne, %convert_element_type3A_251, %cond3A_252 : i32
      scf.if %cond3A_253 {
        %add3A_280 = arith.constant 2 : i32
        %add3A_281 = arith.addi %add3A_231, %add3A_280 : i32
        %add3A_282 = arith.addi %mul3A_6, %add3A_281 : i32
        %mul3A_283 = arith.constant 128 : i32
        %mul3A_284 = arith.muli %add3A_282, %mul3A_283 : i32
        %dma_wait3A_285 = arith.constant 0 : i32
        %dma_wait3A_286 = arith.constant 0 : i32
        %dma_wait3A_287 = arith.constant 0 : i32
        %dma_wait3A_288 = tpu.memref_slice %arg6[%dma_wait3A_285, %dma_wait3A_286, %dma_wait3A_287] : memref<4x2x128xi32, #tpu.memory_space<vmem>> -> memref<1x2x128xi32, #tpu.memory_space<vmem>>
        %dma_wait3A_289 = tpu.memref_squeeze %dma_wait3A_288 : memref<1x2x128xi32, #tpu.memory_space<vmem>> -> memref<2x128xi32, #tpu.memory_space<vmem>>
        %dma_wait3A_290 = arith.constant 0 : i32
        %dma_wait3A_291 = tpu.memref_slice %arg3[%dma_wait3A_290, %mul3A_284] : memref<2x320000xi32, #tpu.memory_space<hbm>> -> memref<2x128xi32, #tpu.memory_space<hbm>>
        %dma_wait3A_292 = arith.constant 0 : i32
        %dma_wait3A_293 = arith.constant 0 : i32
        %dma_wait3A_294 = tpu.memref_slice %arg6[%dma_wait3A_285, %dma_wait3A_292, %dma_wait3A_293] : memref<4x2x128xi32, #tpu.memory_space<vmem>> -> memref<1x2x128xi32, #tpu.memory_space<vmem>>
        %dma_wait3A_295 = tpu.memref_squeeze %dma_wait3A_294 : memref<1x2x128xi32, #tpu.memory_space<vmem>> -> memref<2x128xi32, #tpu.memory_space<vmem>>
        %dma_wait3A_296 = arith.constant 0 : i32
        %dma_wait3A_297 = tpu.memref_slice %arg3[%dma_wait3A_296, %mul3A_284] : memref<2x320000xi32, #tpu.memory_space<hbm>> -> memref<2x128xi32, #tpu.memory_space<hbm>>
        tpu.wait_dma2 semaphore(%arg10 : memref<!tpu.dma_semaphore, #tpu.memory_space<semaphore_mem>>) src(%dma_wait3A_297 : memref<2x128xi32, #tpu.memory_space<hbm>>) dst(%dma_wait3A_295 : memref<2x128xi32, #tpu.memory_space<vmem>>)
        %dma_start3A_298 = arith.constant 0 : i32
        %dma_start3A_299 = arith.constant 0 : i32
        %dma_start3A_300 = arith.constant 0 : i32
        %dma_start3A_301 = tpu.memref_slice %arg6[%dma_start3A_298, %dma_start3A_299, %dma_start3A_300] : memref<4x2x128xi32, #tpu.memory_space<vmem>> -> memref<1x1x128xi32, #tpu.memory_space<vmem>>
        %dma_start3A_302 = tpu.memref_squeeze %dma_start3A_301 : memref<1x1x128xi32, #tpu.memory_space<vmem>> -> memref<128xi32, #tpu.memory_space<vmem>>
        %dma_start3A_303 = arith.constant 0 : i32
        %dma_start3A_304 = arith.constant 0 : i32
        %dma_start3A_305 = tpu.memref_slice %arg2[%dma_start3A_303, %dma_start3A_304] : memref<10000x128xf32, #tpu.memory_space<hbm>> -> memref<10000x128xf32, #tpu.memory_space<hbm>>
        tpu.enqueue_indirect_dma source(%dma_start3A_305 : memref<10000x128xf32, #tpu.memory_space<hbm>>) target(%arg7 : memref<128x128xf32, #tpu.memory_space<vmem>>) offsets(%dma_start3A_302 : memref<128xi32, #tpu.memory_space<vmem>>) semaphore(%arg9 : memref<!tpu.dma_semaphore, #tpu.memory_space<semaphore_mem>>)
      } else {
      }
      %mul3A_254 = arith.constant 4 : i32
      %mul3A_255 = arith.muli %while3A_176, %mul3A_254 : i32
      %add3A_256 = arith.constant 3 : i32
      %add3A_257 = arith.addi %mul3A_255, %add3A_256 : i32
      %dma_wait3A_258 = arith.constant 3 : i32
      %dma_wait3A_259 = arith.constant 0 : i32
      %dma_wait3A_260 = arith.constant 0 : i32
      %dma_wait3A_261 = tpu.memref_slice %arg6[%dma_wait3A_258, %dma_wait3A_259, %dma_wait3A_260] : memref<4x2x128xi32, #tpu.memory_space<vmem>> -> memref<1x1x128xi32, #tpu.memory_space<vmem>>
      %dma_wait3A_262 = tpu.memref_squeeze %dma_wait3A_261 : memref<1x1x128xi32, #tpu.memory_space<vmem>> -> memref<128xi32, #tpu.memory_space<vmem>>
      %dma_wait3A_263 = arith.constant 0 : i32
      %dma_wait3A_264 = arith.constant 0 : i32
      %dma_wait3A_265 = tpu.memref_slice %arg2[%dma_wait3A_263, %dma_wait3A_264] : memref<10000x128xf32, #tpu.memory_space<hbm>> -> memref<10000x128xf32, #tpu.memory_space<hbm>>
      tpu.wait_indirect_dma semaphore(%arg9 : memref<!tpu.dma_semaphore, #tpu.memory_space<semaphore_mem>>) src(%dma_wait3A_265 : memref<10000x128xf32, #tpu.memory_space<hbm>>) dst(%arg8 : memref<128x128xf32, #tpu.memory_space<vmem>>)
      %run_scoped3A_266 = arith.constant 3 : i32
      %run_scoped3A_267 = arith.constant 1 : i32
      "tpu.region"() ({
        %run_scoped3A_280 = tpu.sem_alloc : memref<!tpu.dma_semaphore, #tpu.memory_space<semaphore_mem>>
        %dma_start3A_281 = arith.constant 0 : i32
        %dma_start3A_282 = tpu.memref_slice %arg6[%run_scoped3A_266, %run_scoped3A_267, %dma_start3A_281] : memref<4x2x128xi32, #tpu.memory_space<vmem>> -> memref<1x1x128xi32, #tpu.memory_space<vmem>>
        %dma_start3A_283 = tpu.memref_squeeze %dma_start3A_282 : memref<1x1x128xi32, #tpu.memory_space<vmem>> -> memref<128xi32, #tpu.memory_space<vmem>>
        %dma_start3A_284 = arith.constant 0 : i32
        %dma_start3A_285 = arith.constant 0 : i32
        %dma_start3A_286 = tpu.memref_slice %arg12[%dma_start3A_284, %dma_start3A_285] : memref<10240x128xf32, #tpu.memory_space<vmem_shared>> -> memref<10240x128xf32, #tpu.memory_space<vmem_shared>>
        tpu.enqueue_indirect_dma source(%arg8 : memref<128x128xf32, #tpu.memory_space<vmem>>) target(%dma_start3A_286 : memref<10240x128xf32, #tpu.memory_space<vmem_shared>>) offsets(%dma_start3A_283 : memref<128xi32, #tpu.memory_space<vmem>>) semaphore(%run_scoped3A_280 : memref<!tpu.dma_semaphore, #tpu.memory_space<semaphore_mem>>) {add = true}
        %dma_wait3A_287 = arith.constant 0 : i32
        %dma_wait3A_288 = tpu.memref_slice %arg6[%run_scoped3A_266, %run_scoped3A_267, %dma_wait3A_287] : memref<4x2x128xi32, #tpu.memory_space<vmem>> -> memref<1x1x128xi32, #tpu.memory_space<vmem>>
        %dma_wait3A_289 = tpu.memref_squeeze %dma_wait3A_288 : memref<1x1x128xi32, #tpu.memory_space<vmem>> -> memref<128xi32, #tpu.memory_space<vmem>>
        %dma_wait3A_290 = arith.constant 0 : i32
        %dma_wait3A_291 = arith.constant 0 : i32
        %dma_wait3A_292 = tpu.memref_slice %arg12[%dma_wait3A_290, %dma_wait3A_291] : memref<10240x128xf32, #tpu.memory_space<vmem_shared>> -> memref<10240x128xf32, #tpu.memory_space<vmem_shared>>
        tpu.wait_indirect_dma semaphore(%run_scoped3A_280 : memref<!tpu.dma_semaphore, #tpu.memory_space<semaphore_mem>>) src(%arg8 : memref<128x128xf32, #tpu.memory_space<vmem>>) dst(%dma_wait3A_292 : memref<10240x128xf32, #tpu.memory_space<vmem_shared>>)
        tpu.yield
      }) : () -> ()
      %add3A_268 = arith.constant 4 : i32
      %add3A_269 = arith.addi %add3A_257, %add3A_268 : i32
      %lt3A_270 = arith.cmpi slt, %add3A_269, %mul3A_11 : i32
      %convert_element_type3A_271 = arith.extui %lt3A_270 : i1 to i32
      %cond3A_272 = arith.constant 0 : i32
      %cond3A_273 = arith.cmpi ne, %convert_element_type3A_271, %cond3A_272 : i32
      scf.if %cond3A_273 {
        %add3A_280 = arith.constant 4 : i32
        %add3A_281 = arith.addi %add3A_257, %add3A_280 : i32
        %add3A_282 = arith.addi %mul3A_6, %add3A_281 : i32
        %mul3A_283 = arith.constant 128 : i32
        %mul3A_284 = arith.muli %add3A_282, %mul3A_283 : i32
        %dma_start3A_285 = arith.constant 3 : i32
        %dma_start3A_286 = arith.constant 0 : i32
        %dma_start3A_287 = arith.constant 0 : i32
        %dma_start3A_288 = tpu.memref_slice %arg6[%dma_start3A_285, %dma_start3A_286, %dma_start3A_287] : memref<4x2x128xi32, #tpu.memory_space<vmem>> -> memref<1x2x128xi32, #tpu.memory_space<vmem>>
        %dma_start3A_289 = tpu.memref_squeeze %dma_start3A_288 : memref<1x2x128xi32, #tpu.memory_space<vmem>> -> memref<2x128xi32, #tpu.memory_space<vmem>>
        %dma_start3A_290 = arith.constant 0 : i32
        %dma_start3A_291 = tpu.memref_slice %arg3[%dma_start3A_290, %mul3A_284] : memref<2x320000xi32, #tpu.memory_space<hbm>> -> memref<2x128xi32, #tpu.memory_space<hbm>>
        %dma_start3A_292 = arith.constant 0 : i32
        %dma_start3A_293 = arith.constant 0 : i32
        %dma_start3A_294 = tpu.memref_slice %arg6[%dma_start3A_285, %dma_start3A_292, %dma_start3A_293] : memref<4x2x128xi32, #tpu.memory_space<vmem>> -> memref<1x2x128xi32, #tpu.memory_space<vmem>>
        %dma_start3A_295 = tpu.memref_squeeze %dma_start3A_294 : memref<1x2x128xi32, #tpu.memory_space<vmem>> -> memref<2x128xi32, #tpu.memory_space<vmem>>
        %dma_start3A_296 = arith.constant 0 : i32
        %dma_start3A_297 = tpu.memref_slice %arg3[%dma_start3A_296, %mul3A_284] : memref<2x320000xi32, #tpu.memory_space<hbm>> -> memref<2x128xi32, #tpu.memory_space<hbm>>
        tpu.enqueue_dma source(%dma_start3A_297 : memref<2x128xi32, #tpu.memory_space<hbm>>) target(%dma_start3A_295 : memref<2x128xi32, #tpu.memory_space<vmem>>) target_semaphore(%arg10 : memref<!tpu.dma_semaphore, #tpu.memory_space<semaphore_mem>>)
      } else {
      }
      %add3A_274 = arith.constant 2 : i32
      %add3A_275 = arith.addi %add3A_257, %add3A_274 : i32
      %lt3A_276 = arith.cmpi slt, %add3A_275, %mul3A_11 : i32
      %convert_element_type3A_277 = arith.extui %lt3A_276 : i1 to i32
      %cond3A_278 = arith.constant 0 : i32
      %cond3A_279 = arith.cmpi ne, %convert_element_type3A_277, %cond3A_278 : i32
      scf.if %cond3A_279 {
        %add3A_280 = arith.constant 2 : i32
        %add3A_281 = arith.addi %add3A_257, %add3A_280 : i32
        %add3A_282 = arith.addi %mul3A_6, %add3A_281 : i32
        %mul3A_283 = arith.constant 128 : i32
        %mul3A_284 = arith.muli %add3A_282, %mul3A_283 : i32
        %dma_wait3A_285 = arith.constant 1 : i32
        %dma_wait3A_286 = arith.constant 0 : i32
        %dma_wait3A_287 = arith.constant 0 : i32
        %dma_wait3A_288 = tpu.memref_slice %arg6[%dma_wait3A_285, %dma_wait3A_286, %dma_wait3A_287] : memref<4x2x128xi32, #tpu.memory_space<vmem>> -> memref<1x2x128xi32, #tpu.memory_space<vmem>>
        %dma_wait3A_289 = tpu.memref_squeeze %dma_wait3A_288 : memref<1x2x128xi32, #tpu.memory_space<vmem>> -> memref<2x128xi32, #tpu.memory_space<vmem>>
        %dma_wait3A_290 = arith.constant 0 : i32
        %dma_wait3A_291 = tpu.memref_slice %arg3[%dma_wait3A_290, %mul3A_284] : memref<2x320000xi32, #tpu.memory_space<hbm>> -> memref<2x128xi32, #tpu.memory_space<hbm>>
        %dma_wait3A_292 = arith.constant 0 : i32
        %dma_wait3A_293 = arith.constant 0 : i32
        %dma_wait3A_294 = tpu.memref_slice %arg6[%dma_wait3A_285, %dma_wait3A_292, %dma_wait3A_293] : memref<4x2x128xi32, #tpu.memory_space<vmem>> -> memref<1x2x128xi32, #tpu.memory_space<vmem>>
        %dma_wait3A_295 = tpu.memref_squeeze %dma_wait3A_294 : memref<1x2x128xi32, #tpu.memory_space<vmem>> -> memref<2x128xi32, #tpu.memory_space<vmem>>
        %dma_wait3A_296 = arith.constant 0 : i32
        %dma_wait3A_297 = tpu.memref_slice %arg3[%dma_wait3A_296, %mul3A_284] : memref<2x320000xi32, #tpu.memory_space<hbm>> -> memref<2x128xi32, #tpu.memory_space<hbm>>
        tpu.wait_dma2 semaphore(%arg10 : memref<!tpu.dma_semaphore, #tpu.memory_space<semaphore_mem>>) src(%dma_wait3A_297 : memref<2x128xi32, #tpu.memory_space<hbm>>) dst(%dma_wait3A_295 : memref<2x128xi32, #tpu.memory_space<vmem>>)
        %dma_start3A_298 = arith.constant 1 : i32
        %dma_start3A_299 = arith.constant 0 : i32
        %dma_start3A_300 = arith.constant 0 : i32
        %dma_start3A_301 = tpu.memref_slice %arg6[%dma_start3A_298, %dma_start3A_299, %dma_start3A_300] : memref<4x2x128xi32, #tpu.memory_space<vmem>> -> memref<1x1x128xi32, #tpu.memory_space<vmem>>
        %dma_start3A_302 = tpu.memref_squeeze %dma_start3A_301 : memref<1x1x128xi32, #tpu.memory_space<vmem>> -> memref<128xi32, #tpu.memory_space<vmem>>
        %dma_start3A_303 = arith.constant 0 : i32
        %dma_start3A_304 = arith.constant 0 : i32
        %dma_start3A_305 = tpu.memref_slice %arg2[%dma_start3A_303, %dma_start3A_304] : memref<10000x128xf32, #tpu.memory_space<hbm>> -> memref<10000x128xf32, #tpu.memory_space<hbm>>
        tpu.enqueue_indirect_dma source(%dma_start3A_305 : memref<10000x128xf32, #tpu.memory_space<hbm>>) target(%arg8 : memref<128x128xf32, #tpu.memory_space<vmem>>) offsets(%dma_start3A_302 : memref<128xi32, #tpu.memory_space<vmem>>) semaphore(%arg9 : memref<!tpu.dma_semaphore, #tpu.memory_space<semaphore_mem>>)
      } else {
      }
    }
    %barrier3A_165 = arith.constant 0 : index
    tpu.barrier barrier_id(%barrier3A_165)
    %eq3A_166 = arith.constant 0 : i32
    %eq3A_167 = arith.cmpi eq, %arg0, %eq3A_166 : i32
    %convert_element_type3A_168 = arith.extui %eq3A_167 : i1 to i32
    %cond3A_169 = arith.constant 0 : i32
    %cond3A_170 = arith.cmpi ne, %convert_element_type3A_168, %cond3A_169 : i32
    scf.if %cond3A_170 {
      "tpu.region"() ({
        %run_scoped3A = tpu.sem_alloc : memref<!tpu.dma_semaphore, #tpu.memory_space<semaphore_mem>>
        %dma_start3A_181 = arith.constant 0 : i32
        %dma_start3A_182 = tpu.memref_slice %arg4[%mul3A_13, %dma_start3A_181] : memref<10000x128xf32, #tpu.memory_space<hbm>> -> memref<624x128xf32, #tpu.memory_space<hbm>>
        %dma_start3A_183 = arith.constant 0 : i32
        %dma_start3A_184 = tpu.memref_slice %arg12[%mul3A_13, %dma_start3A_183] : memref<10240x128xf32, #tpu.memory_space<vmem_shared>> -> memref<624x128xf32, #tpu.memory_space<vmem_shared>>
        tpu.enqueue_dma source(%dma_start3A_184 : memref<624x128xf32, #tpu.memory_space<vmem_shared>>) target(%dma_start3A_182 : memref<624x128xf32, #tpu.memory_space<hbm>>) target_semaphore(%run_scoped3A : memref<!tpu.dma_semaphore, #tpu.memory_space<semaphore_mem>>)
        %dma_wait3A_185 = arith.constant 0 : i32
        %dma_wait3A_186 = tpu.memref_slice %arg4[%mul3A_13, %dma_wait3A_185] : memref<10000x128xf32, #tpu.memory_space<hbm>> -> memref<624x128xf32, #tpu.memory_space<hbm>>
        %dma_wait3A_187 = arith.constant 0 : i32
        %dma_wait3A_188 = tpu.memref_slice %arg12[%mul3A_13, %dma_wait3A_187] : memref<10240x128xf32, #tpu.memory_space<vmem_shared>> -> memref<624x128xf32, #tpu.memory_space<vmem_shared>>
        tpu.wait_dma2 semaphore(%run_scoped3A : memref<!tpu.dma_semaphore, #tpu.memory_space<semaphore_mem>>) src(%dma_wait3A_188 : memref<624x128xf32, #tpu.memory_space<vmem_shared>>) dst(%dma_wait3A_186 : memref<624x128xf32, #tpu.memory_space<hbm>>)
        tpu.yield
      }) : () -> ()
      %eq3A_176 = arith.constant 15 : i32
      %eq3A_177 = arith.cmpi eq, %arg1, %eq3A_176 : i32
      %convert_element_type3A_178 = arith.extui %eq3A_177 : i1 to i32
      %cond3A_179 = arith.constant 0 : i32
      %cond3A_180 = arith.cmpi ne, %convert_element_type3A_178, %cond3A_179 : i32
      scf.if %cond3A_180 {
        "tpu.region"() ({
          %run_scoped3A = tpu.sem_alloc : memref<!tpu.dma_semaphore, #tpu.memory_space<semaphore_mem>>
          %dma_start3A_181 = arith.constant 9984 : i32
          %dma_start3A_182 = arith.constant 0 : i32
          %dma_start3A_183 = tpu.memref_slice %arg4[%dma_start3A_181, %dma_start3A_182] : memref<10000x128xf32, #tpu.memory_space<hbm>> -> memref<16x128xf32, #tpu.memory_space<hbm>>
          %dma_start3A_184 = arith.constant 9984 : i32
          %dma_start3A_185 = arith.constant 0 : i32
          %dma_start3A_186 = tpu.memref_slice %arg12[%dma_start3A_184, %dma_start3A_185] : memref<10240x128xf32, #tpu.memory_space<vmem_shared>> -> memref<16x128xf32, #tpu.memory_space<vmem_shared>>
          tpu.enqueue_dma source(%dma_start3A_186 : memref<16x128xf32, #tpu.memory_space<vmem_shared>>) target(%dma_start3A_183 : memref<16x128xf32, #tpu.memory_space<hbm>>) target_semaphore(%run_scoped3A : memref<!tpu.dma_semaphore, #tpu.memory_space<semaphore_mem>>)
          %dma_wait3A_187 = arith.constant 9984 : i32
          %dma_wait3A_188 = arith.constant 0 : i32
          %dma_wait3A_189 = tpu.memref_slice %arg4[%dma_wait3A_187, %dma_wait3A_188] : memref<10000x128xf32, #tpu.memory_space<hbm>> -> memref<16x128xf32, #tpu.memory_space<hbm>>
          %dma_wait3A_190 = arith.constant 9984 : i32
          %dma_wait3A_191 = arith.constant 0 : i32
          %dma_wait3A_192 = tpu.memref_slice %arg12[%dma_wait3A_190, %dma_wait3A_191] : memref<10240x128xf32, #tpu.memory_space<vmem_shared>> -> memref<16x128xf32, #tpu.memory_space<vmem_shared>>
          tpu.wait_dma2 semaphore(%run_scoped3A : memref<!tpu.dma_semaphore, #tpu.memory_space<semaphore_mem>>) src(%dma_wait3A_192 : memref<16x128xf32, #tpu.memory_space<vmem_shared>>) dst(%dma_wait3A_189 : memref<16x128xf32, #tpu.memory_space<hbm>>)
          tpu.yield
        }) : () -> ()
      } else {
      }
    } else {
    }
    %eq3A_171 = arith.constant 1 : i32
    %eq3A_172 = arith.cmpi eq, %arg0, %eq3A_171 : i32
    %convert_element_type3A_173 = arith.extui %eq3A_172 : i1 to i32
    %cond3A_174 = arith.constant 0 : i32
    %cond3A_175 = arith.cmpi ne, %convert_element_type3A_173, %cond3A_174 : i32
    scf.if %cond3A_175 {
      "tpu.region"() ({
        %run_scoped3A = tpu.sem_alloc : memref<!tpu.dma_semaphore, #tpu.memory_space<semaphore_mem>>
        %dma_start3A_181 = arith.constant 0 : i32
        %dma_start3A_182 = tpu.memref_slice %arg5[%mul3A_13, %dma_start3A_181] : memref<10000x128xf32, #tpu.memory_space<hbm>> -> memref<624x128xf32, #tpu.memory_space<hbm>>
        %dma_start3A_183 = arith.constant 0 : i32
        %dma_start3A_184 = tpu.memref_slice %arg12[%mul3A_13, %dma_start3A_183] : memref<10240x128xf32, #tpu.memory_space<vmem_shared>> -> memref<624x128xf32, #tpu.memory_space<vmem_shared>>
        tpu.enqueue_dma source(%dma_start3A_184 : memref<624x128xf32, #tpu.memory_space<vmem_shared>>) target(%dma_start3A_182 : memref<624x128xf32, #tpu.memory_space<hbm>>) target_semaphore(%run_scoped3A : memref<!tpu.dma_semaphore, #tpu.memory_space<semaphore_mem>>)
        %dma_wait3A_185 = arith.constant 0 : i32
        %dma_wait3A_186 = tpu.memref_slice %arg5[%mul3A_13, %dma_wait3A_185] : memref<10000x128xf32, #tpu.memory_space<hbm>> -> memref<624x128xf32, #tpu.memory_space<hbm>>
        %dma_wait3A_187 = arith.constant 0 : i32
        %dma_wait3A_188 = tpu.memref_slice %arg12[%mul3A_13, %dma_wait3A_187] : memref<10240x128xf32, #tpu.memory_space<vmem_shared>> -> memref<624x128xf32, #tpu.memory_space<vmem_shared>>
        tpu.wait_dma2 semaphore(%run_scoped3A : memref<!tpu.dma_semaphore, #tpu.memory_space<semaphore_mem>>) src(%dma_wait3A_188 : memref<624x128xf32, #tpu.memory_space<vmem_shared>>) dst(%dma_wait3A_186 : memref<624x128xf32, #tpu.memory_space<hbm>>)
        tpu.yield
      }) : () -> ()
      %eq3A_176 = arith.constant 15 : i32
      %eq3A_177 = arith.cmpi eq, %arg1, %eq3A_176 : i32
      %convert_element_type3A_178 = arith.extui %eq3A_177 : i1 to i32
      %cond3A_179 = arith.constant 0 : i32
      %cond3A_180 = arith.cmpi ne, %convert_element_type3A_178, %cond3A_179 : i32
      scf.if %cond3A_180 {
        "tpu.region"() ({
          %run_scoped3A = tpu.sem_alloc : memref<!tpu.dma_semaphore, #tpu.memory_space<semaphore_mem>>
          %dma_start3A_181 = arith.constant 9984 : i32
          %dma_start3A_182 = arith.constant 0 : i32
          %dma_start3A_183 = tpu.memref_slice %arg5[%dma_start3A_181, %dma_start3A_182] : memref<10000x128xf32, #tpu.memory_space<hbm>> -> memref<16x128xf32, #tpu.memory_space<hbm>>
          %dma_start3A_184 = arith.constant 9984 : i32
          %dma_start3A_185 = arith.constant 0 : i32
          %dma_start3A_186 = tpu.memref_slice %arg12[%dma_start3A_184, %dma_start3A_185] : memref<10240x128xf32, #tpu.memory_space<vmem_shared>> -> memref<16x128xf32, #tpu.memory_space<vmem_shared>>
          tpu.enqueue_dma source(%dma_start3A_186 : memref<16x128xf32, #tpu.memory_space<vmem_shared>>) target(%dma_start3A_183 : memref<16x128xf32, #tpu.memory_space<hbm>>) target_semaphore(%run_scoped3A : memref<!tpu.dma_semaphore, #tpu.memory_space<semaphore_mem>>)
          %dma_wait3A_187 = arith.constant 9984 : i32
          %dma_wait3A_188 = arith.constant 0 : i32
          %dma_wait3A_189 = tpu.memref_slice %arg5[%dma_wait3A_187, %dma_wait3A_188] : memref<10000x128xf32, #tpu.memory_space<hbm>> -> memref<16x128xf32, #tpu.memory_space<hbm>>
          %dma_wait3A_190 = arith.constant 9984 : i32
          %dma_wait3A_191 = arith.constant 0 : i32
          %dma_wait3A_192 = tpu.memref_slice %arg12[%dma_wait3A_190, %dma_wait3A_191] : memref<10240x128xf32, #tpu.memory_space<vmem_shared>> -> memref<16x128xf32, #tpu.memory_space<vmem_shared>>
          tpu.wait_dma2 semaphore(%run_scoped3A : memref<!tpu.dma_semaphore, #tpu.memory_space<semaphore_mem>>) src(%dma_wait3A_192 : memref<16x128xf32, #tpu.memory_space<vmem_shared>>) dst(%dma_wait3A_189 : memref<16x128xf32, #tpu.memory_space<hbm>>)
          tpu.yield
        }) : () -> ()
      } else {
      }
    } else {
    }
    return
  }
}

#map = affine_map<(d0, d1) -> (0, 0)>
module attributes {stable_mosaic.version = 14 : i64} {
  func.func @deg_kernel(%arg0: i32, %arg1: i32, %arg2: memref<2x320000xi32, #tpu.memory_space<hbm>>, %arg3: memref<2x10240xf32, #tpu.memory_space<hbm>>, %arg4: memref<4x2x128xi32, #tpu.memory_space<vmem>>, %arg5: memref<128xf32, #tpu.memory_space<vmem>>, %arg6: memref<640xf32, #tpu.memory_space<vmem>>, %arg7: memref<!tpu.dma_semaphore, #tpu.memory_space<semaphore_mem>>, %arg8: memref<10240xf32, #tpu.memory_space<vmem_shared>>) attributes {dimension_semantics = [#tpu.dimension_semantics<core_parallel>, #tpu.dimension_semantics<subcore_parallel>], iteration_bounds = array<i64: 2, 16>, scalar_prefetch = 0 : i64, scratch_operands = 5 : i64, tpu.core_type = #tpu.core_type<sc_vector_subcore>, window_params = [{transform_indices = #map}, {transform_indices = #map}]} {
    %mul3A = arith.constant 2 : i32
    %mul3A_0 = arith.muli %arg1, %mul3A : i32
    %add3A = arith.addi %mul3A_0, %arg0 : i32
    %mul3A_1 = arith.constant 19 : i32
    %mul3A_2 = arith.muli %add3A, %mul3A_1 : i32
    %min3A = arith.constant 17 : i32
    %min3A_3 = arith.minsi %add3A, %min3A : i32
    %add3A_4 = arith.addi %mul3A_2, %min3A_3 : i32
    %mul3A_5 = arith.constant 4 : i32
    %mul3A_6 = arith.muli %mul3A_5, %add3A_4 : i32
    %lt3A = arith.constant 17 : i32
    %lt3A_7 = arith.cmpi slt, %add3A, %lt3A : i32
    %convert_element_type3A = arith.extui %lt3A_7 : i1 to i32
    %add3A_8 = arith.constant 19 : i32
    %add3A_9 = arith.addi %add3A_8, %convert_element_type3A : i32
    %mul3A_10 = arith.constant 4 : i32
    %mul3A_11 = arith.muli %mul3A_10, %add3A_9 : i32
    %broadcast_in_dim3A = arith.constant 1.000000e+00 : f32
    %broadcast_in_dim3A_12 = vector.broadcast %broadcast_in_dim3A : f32 to vector<16xf32>
    %broadcast_in_dim3A_13 = arith.constant 0.000000e+00 : f32
    %broadcast_in_dim3A_14 = vector.broadcast %broadcast_in_dim3A_13 : f32 to vector<16xf32>
    %swap3A = arith.constant 0 : index
    %swap3A_15 = tpu.vector_load %arg5[%swap3A] {strides = array<i32>} : memref<128xf32, #tpu.memory_space<vmem>>, vector<16xf32>,
    %swap3A_16 = vector.shape_cast %swap3A_15 : vector<16xf32> to vector<16xf32>
    %swap3A_17 = vector.shape_cast %broadcast_in_dim3A_12 : vector<16xf32> to vector<16xf32>
    tpu.vector_store %arg5[%swap3A], %swap3A_17 {strides = array<i32>} : memref<128xf32, #tpu.memory_space<vmem>>, vector<16xf32>,
    %swap3A_18 = arith.constant 16 : index
    %swap3A_19 = tpu.vector_load %arg5[%swap3A_18] {strides = array<i32>} : memref<128xf32, #tpu.memory_space<vmem>>, vector<16xf32>,
    %swap3A_20 = vector.shape_cast %swap3A_19 : vector<16xf32> to vector<16xf32>
    %swap3A_21 = vector.shape_cast %broadcast_in_dim3A_12 : vector<16xf32> to vector<16xf32>
    tpu.vector_store %arg5[%swap3A_18], %swap3A_21 {strides = array<i32>} : memref<128xf32, #tpu.memory_space<vmem>>, vector<16xf32>,
    %swap3A_22 = arith.constant 32 : index
    %swap3A_23 = tpu.vector_load %arg5[%swap3A_22] {strides = array<i32>} : memref<128xf32, #tpu.memory_space<vmem>>, vector<16xf32>,
    %swap3A_24 = vector.shape_cast %swap3A_23 : vector<16xf32> to vector<16xf32>
    %swap3A_25 = vector.shape_cast %broadcast_in_dim3A_12 : vector<16xf32> to vector<16xf32>
    tpu.vector_store %arg5[%swap3A_22], %swap3A_25 {strides = array<i32>} : memref<128xf32, #tpu.memory_space<vmem>>, vector<16xf32>,
    %swap3A_26 = arith.constant 48 : index
    %swap3A_27 = tpu.vector_load %arg5[%swap3A_26] {strides = array<i32>} : memref<128xf32, #tpu.memory_space<vmem>>, vector<16xf32>,
    %swap3A_28 = vector.shape_cast %swap3A_27 : vector<16xf32> to vector<16xf32>
    %swap3A_29 = vector.shape_cast %broadcast_in_dim3A_12 : vector<16xf32> to vector<16xf32>
    tpu.vector_store %arg5[%swap3A_26], %swap3A_29 {strides = array<i32>} : memref<128xf32, #tpu.memory_space<vmem>>, vector<16xf32>,
    %swap3A_30 = arith.constant 64 : index
    %swap3A_31 = tpu.vector_load %arg5[%swap3A_30] {strides = array<i32>} : memref<128xf32, #tpu.memory_space<vmem>>, vector<16xf32>,
    %swap3A_32 = vector.shape_cast %swap3A_31 : vector<16xf32> to vector<16xf32>
    %swap3A_33 = vector.shape_cast %broadcast_in_dim3A_12 : vector<16xf32> to vector<16xf32>
    tpu.vector_store %arg5[%swap3A_30], %swap3A_33 {strides = array<i32>} : memref<128xf32, #tpu.memory_space<vmem>>, vector<16xf32>,
    %swap3A_34 = arith.constant 80 : index
    %swap3A_35 = tpu.vector_load %arg5[%swap3A_34] {strides = array<i32>} : memref<128xf32, #tpu.memory_space<vmem>>, vector<16xf32>,
    %swap3A_36 = vector.shape_cast %swap3A_35 : vector<16xf32> to vector<16xf32>
    %swap3A_37 = vector.shape_cast %broadcast_in_dim3A_12 : vector<16xf32> to vector<16xf32>
    tpu.vector_store %arg5[%swap3A_34], %swap3A_37 {strides = array<i32>} : memref<128xf32, #tpu.memory_space<vmem>>, vector<16xf32>,
    %swap3A_38 = arith.constant 96 : index
    %swap3A_39 = tpu.vector_load %arg5[%swap3A_38] {strides = array<i32>} : memref<128xf32, #tpu.memory_space<vmem>>, vector<16xf32>,
    %swap3A_40 = vector.shape_cast %swap3A_39 : vector<16xf32> to vector<16xf32>
    %swap3A_41 = vector.shape_cast %broadcast_in_dim3A_12 : vector<16xf32> to vector<16xf32>
    tpu.vector_store %arg5[%swap3A_38], %swap3A_41 {strides = array<i32>} : memref<128xf32, #tpu.memory_space<vmem>>, vector<16xf32>,
    %swap3A_42 = arith.constant 112 : index
    %swap3A_43 = tpu.vector_load %arg5[%swap3A_42] {strides = array<i32>} : memref<128xf32, #tpu.memory_space<vmem>>, vector<16xf32>,
    %swap3A_44 = vector.shape_cast %swap3A_43 : vector<16xf32> to vector<16xf32>
    %swap3A_45 = vector.shape_cast %broadcast_in_dim3A_12 : vector<16xf32> to vector<16xf32>
    tpu.vector_store %arg5[%swap3A_42], %swap3A_45 {strides = array<i32>} : memref<128xf32, #tpu.memory_space<vmem>>, vector<16xf32>,
    %scan3A = arith.constant 0 : i32
    %scan3A_46 = arith.constant 40 : i32
    %scan3A_47 = arith.addi %scan3A, %scan3A_46 : i32
    %scan3A_48 = arith.constant 1 : i32
    scf.for %scan3A_148 = %scan3A to %scan3A_47 step %scan3A_48  : i32 {
      %mul3A_149 = arith.constant 16 : i32
      %mul3A_150 = arith.muli %scan3A_148, %mul3A_149 : i32
      %swap3A_151 = arith.index_cast %mul3A_150 : i32 to index
      %swap3A_152 = tpu.vector_load %arg6[%swap3A_151] {strides = array<i32>} : memref<640xf32, #tpu.memory_space<vmem>>, vector<16xf32>,
      %swap3A_153 = vector.shape_cast %swap3A_152 : vector<16xf32> to vector<16xf32>
      %swap3A_154 = vector.shape_cast %broadcast_in_dim3A_14 : vector<16xf32> to vector<16xf32>
      tpu.vector_store %arg6[%swap3A_151], %swap3A_154 {strides = array<i32>} : memref<640xf32, #tpu.memory_space<vmem>>, vector<16xf32>,
    }
    %scan3A_49 = arith.constant 40 : i32
    %add3A_50 = arith.constant 0 : i32
    %add3A_51 = arith.addi %mul3A_6, %add3A_50 : i32
    %mul3A_52 = arith.constant 128 : i32
    %mul3A_53 = arith.muli %add3A_51, %mul3A_52 : i32
    %dma_start3A = arith.constant 0 : i32
    %dma_start3A_54 = arith.constant 0 : i32
    %dma_start3A_55 = arith.constant 0 : i32
    %dma_start3A_56 = tpu.memref_slice %arg4[%dma_start3A, %dma_start3A_54, %dma_start3A_55] : memref<4x2x128xi32, #tpu.memory_space<vmem>> -> memref<1x2x128xi32, #tpu.memory_space<vmem>>
    %dma_start3A_57 = tpu.memref_squeeze %dma_start3A_56 : memref<1x2x128xi32, #tpu.memory_space<vmem>> -> memref<2x128xi32, #tpu.memory_space<vmem>>
    %dma_start3A_58 = arith.constant 0 : i32
    %dma_start3A_59 = tpu.memref_slice %arg2[%dma_start3A_58, %mul3A_53] : memref<2x320000xi32, #tpu.memory_space<hbm>> -> memref<2x128xi32, #tpu.memory_space<hbm>>
    %dma_start3A_60 = arith.constant 0 : i32
    %dma_start3A_61 = arith.constant 0 : i32
    %dma_start3A_62 = tpu.memref_slice %arg4[%dma_start3A, %dma_start3A_60, %dma_start3A_61] : memref<4x2x128xi32, #tpu.memory_space<vmem>> -> memref<1x2x128xi32, #tpu.memory_space<vmem>>
    %dma_start3A_63 = tpu.memref_squeeze %dma_start3A_62 : memref<1x2x128xi32, #tpu.memory_space<vmem>> -> memref<2x128xi32, #tpu.memory_space<vmem>>
    %dma_start3A_64 = arith.constant 0 : i32
    %dma_start3A_65 = tpu.memref_slice %arg2[%dma_start3A_64, %mul3A_53] : memref<2x320000xi32, #tpu.memory_space<hbm>> -> memref<2x128xi32, #tpu.memory_space<hbm>>
    tpu.enqueue_dma source(%dma_start3A_65 : memref<2x128xi32, #tpu.memory_space<hbm>>) target(%dma_start3A_63 : memref<2x128xi32, #tpu.memory_space<vmem>>) target_semaphore(%arg7 : memref<!tpu.dma_semaphore, #tpu.memory_space<semaphore_mem>>)
    %add3A_66 = arith.constant 1 : i32
    %add3A_67 = arith.addi %mul3A_6, %add3A_66 : i32
    %mul3A_68 = arith.constant 128 : i32
    %mul3A_69 = arith.muli %add3A_67, %mul3A_68 : i32
    %dma_start3A_70 = arith.constant 1 : i32
    %dma_start3A_71 = arith.constant 0 : i32
    %dma_start3A_72 = arith.constant 0 : i32
    %dma_start3A_73 = tpu.memref_slice %arg4[%dma_start3A_70, %dma_start3A_71, %dma_start3A_72] : memref<4x2x128xi32, #tpu.memory_space<vmem>> -> memref<1x2x128xi32, #tpu.memory_space<vmem>>
    %dma_start3A_74 = tpu.memref_squeeze %dma_start3A_73 : memref<1x2x128xi32, #tpu.memory_space<vmem>> -> memref<2x128xi32, #tpu.memory_space<vmem>>
    %dma_start3A_75 = arith.constant 0 : i32
    %dma_start3A_76 = tpu.memref_slice %arg2[%dma_start3A_75, %mul3A_69] : memref<2x320000xi32, #tpu.memory_space<hbm>> -> memref<2x128xi32, #tpu.memory_space<hbm>>
    %dma_start3A_77 = arith.constant 0 : i32
    %dma_start3A_78 = arith.constant 0 : i32
    %dma_start3A_79 = tpu.memref_slice %arg4[%dma_start3A_70, %dma_start3A_77, %dma_start3A_78] : memref<4x2x128xi32, #tpu.memory_space<vmem>> -> memref<1x2x128xi32, #tpu.memory_space<vmem>>
    %dma_start3A_80 = tpu.memref_squeeze %dma_start3A_79 : memref<1x2x128xi32, #tpu.memory_space<vmem>> -> memref<2x128xi32, #tpu.memory_space<vmem>>
    %dma_start3A_81 = arith.constant 0 : i32
    %dma_start3A_82 = tpu.memref_slice %arg2[%dma_start3A_81, %mul3A_69] : memref<2x320000xi32, #tpu.memory_space<hbm>> -> memref<2x128xi32, #tpu.memory_space<hbm>>
    tpu.enqueue_dma source(%dma_start3A_82 : memref<2x128xi32, #tpu.memory_space<hbm>>) target(%dma_start3A_80 : memref<2x128xi32, #tpu.memory_space<vmem>>) target_semaphore(%arg7 : memref<!tpu.dma_semaphore, #tpu.memory_space<semaphore_mem>>)
    %add3A_83 = arith.constant 2 : i32
    %add3A_84 = arith.addi %mul3A_6, %add3A_83 : i32
    %mul3A_85 = arith.constant 128 : i32
    %mul3A_86 = arith.muli %add3A_84, %mul3A_85 : i32
    %dma_start3A_87 = arith.constant 2 : i32
    %dma_start3A_88 = arith.constant 0 : i32
    %dma_start3A_89 = arith.constant 0 : i32
    %dma_start3A_90 = tpu.memref_slice %arg4[%dma_start3A_87, %dma_start3A_88, %dma_start3A_89] : memref<4x2x128xi32, #tpu.memory_space<vmem>> -> memref<1x2x128xi32, #tpu.memory_space<vmem>>
    %dma_start3A_91 = tpu.memref_squeeze %dma_start3A_90 : memref<1x2x128xi32, #tpu.memory_space<vmem>> -> memref<2x128xi32, #tpu.memory_space<vmem>>
    %dma_start3A_92 = arith.constant 0 : i32
    %dma_start3A_93 = tpu.memref_slice %arg2[%dma_start3A_92, %mul3A_86] : memref<2x320000xi32, #tpu.memory_space<hbm>> -> memref<2x128xi32, #tpu.memory_space<hbm>>
    %dma_start3A_94 = arith.constant 0 : i32
    %dma_start3A_95 = arith.constant 0 : i32
    %dma_start3A_96 = tpu.memref_slice %arg4[%dma_start3A_87, %dma_start3A_94, %dma_start3A_95] : memref<4x2x128xi32, #tpu.memory_space<vmem>> -> memref<1x2x128xi32, #tpu.memory_space<vmem>>
    %dma_start3A_97 = tpu.memref_squeeze %dma_start3A_96 : memref<1x2x128xi32, #tpu.memory_space<vmem>> -> memref<2x128xi32, #tpu.memory_space<vmem>>
    %dma_start3A_98 = arith.constant 0 : i32
    %dma_start3A_99 = tpu.memref_slice %arg2[%dma_start3A_98, %mul3A_86] : memref<2x320000xi32, #tpu.memory_space<hbm>> -> memref<2x128xi32, #tpu.memory_space<hbm>>
    tpu.enqueue_dma source(%dma_start3A_99 : memref<2x128xi32, #tpu.memory_space<hbm>>) target(%dma_start3A_97 : memref<2x128xi32, #tpu.memory_space<vmem>>) target_semaphore(%arg7 : memref<!tpu.dma_semaphore, #tpu.memory_space<semaphore_mem>>)
    %add3A_100 = arith.constant 3 : i32
    %add3A_101 = arith.addi %mul3A_6, %add3A_100 : i32
    %mul3A_102 = arith.constant 128 : i32
    %mul3A_103 = arith.muli %add3A_101, %mul3A_102 : i32
    %dma_start3A_104 = arith.constant 3 : i32
    %dma_start3A_105 = arith.constant 0 : i32
    %dma_start3A_106 = arith.constant 0 : i32
    %dma_start3A_107 = tpu.memref_slice %arg4[%dma_start3A_104, %dma_start3A_105, %dma_start3A_106] : memref<4x2x128xi32, #tpu.memory_space<vmem>> -> memref<1x2x128xi32, #tpu.memory_space<vmem>>
    %dma_start3A_108 = tpu.memref_squeeze %dma_start3A_107 : memref<1x2x128xi32, #tpu.memory_space<vmem>> -> memref<2x128xi32, #tpu.memory_space<vmem>>
    %dma_start3A_109 = arith.constant 0 : i32
    %dma_start3A_110 = tpu.memref_slice %arg2[%dma_start3A_109, %mul3A_103] : memref<2x320000xi32, #tpu.memory_space<hbm>> -> memref<2x128xi32, #tpu.memory_space<hbm>>
    %dma_start3A_111 = arith.constant 0 : i32
    %dma_start3A_112 = arith.constant 0 : i32
    %dma_start3A_113 = tpu.memref_slice %arg4[%dma_start3A_104, %dma_start3A_111, %dma_start3A_112] : memref<4x2x128xi32, #tpu.memory_space<vmem>> -> memref<1x2x128xi32, #tpu.memory_space<vmem>>
    %dma_start3A_114 = tpu.memref_squeeze %dma_start3A_113 : memref<1x2x128xi32, #tpu.memory_space<vmem>> -> memref<2x128xi32, #tpu.memory_space<vmem>>
    %dma_start3A_115 = arith.constant 0 : i32
    %dma_start3A_116 = tpu.memref_slice %arg2[%dma_start3A_115, %mul3A_103] : memref<2x320000xi32, #tpu.memory_space<hbm>> -> memref<2x128xi32, #tpu.memory_space<hbm>>
    tpu.enqueue_dma source(%dma_start3A_116 : memref<2x128xi32, #tpu.memory_space<hbm>>) target(%dma_start3A_114 : memref<2x128xi32, #tpu.memory_space<vmem>>) target_semaphore(%arg7 : memref<!tpu.dma_semaphore, #tpu.memory_space<semaphore_mem>>)
    %mul3A_117 = arith.constant 640 : i32
    %mul3A_118 = arith.muli %arg1, %mul3A_117 : i32
    "tpu.region"() ({
      %run_scoped3A = tpu.sem_alloc : memref<!tpu.dma_semaphore, #tpu.memory_space<semaphore_mem>>
      %dma_start3A_148 = tpu.memref_slice %arg8[%mul3A_118] : memref<10240xf32, #tpu.memory_space<vmem_shared>> -> memref<640xf32, #tpu.memory_space<vmem_shared>>
      %dma_start3A_149 = tpu.memref_slice %arg8[%mul3A_118] : memref<10240xf32, #tpu.memory_space<vmem_shared>> -> memref<640xf32, #tpu.memory_space<vmem_shared>>
      tpu.enqueue_dma source(%arg6 : memref<640xf32, #tpu.memory_space<vmem>>) target(%dma_start3A_149 : memref<640xf32, #tpu.memory_space<vmem_shared>>) target_semaphore(%run_scoped3A : memref<!tpu.dma_semaphore, #tpu.memory_space<semaphore_mem>>)
      %dma_wait3A = tpu.memref_slice %arg8[%mul3A_118] : memref<10240xf32, #tpu.memory_space<vmem_shared>> -> memref<640xf32, #tpu.memory_space<vmem_shared>>
      %dma_wait3A_150 = tpu.memref_slice %arg8[%mul3A_118] : memref<10240xf32, #tpu.memory_space<vmem_shared>> -> memref<640xf32, #tpu.memory_space<vmem_shared>>
      tpu.wait_dma2 semaphore(%run_scoped3A : memref<!tpu.dma_semaphore, #tpu.memory_space<semaphore_mem>>) src(%arg6 : memref<640xf32, #tpu.memory_space<vmem>>) dst(%dma_wait3A_150 : memref<640xf32, #tpu.memory_space<vmem_shared>>)
      tpu.yield
    }) : () -> ()
    %barrier3A = arith.constant 0 : index
    tpu.barrier barrier_id(%barrier3A)
    %jit3A = arith.constant 4 : i32
    %div3A = arith.divsi %mul3A_11, %jit3A : i32
    %sign3A = arith.constant 0 : i32
    %sign3A_119 = arith.cmpi sgt, %mul3A_11, %sign3A : i32
    %sign3A_120 = arith.extui %sign3A_119 : i1 to i32
    %sign3A_121 = arith.constant 0 : i32
    %sign3A_122 = arith.cmpi slt, %mul3A_11, %sign3A_121 : i32
    %sign3A_123 = arith.extui %sign3A_122 : i1 to i32
    %sign3A_124 = arith.subi %sign3A_120, %sign3A_123 : i32
    %sign3A_125 = arith.constant 0 : i32
    %sign3A_126 = arith.cmpi sgt, %jit3A, %sign3A_125 : i32
    %sign3A_127 = arith.extui %sign3A_126 : i1 to i32
    %sign3A_128 = arith.constant 0 : i32
    %sign3A_129 = arith.cmpi slt, %jit3A, %sign3A_128 : i32
    %sign3A_130 = arith.extui %sign3A_129 : i1 to i32
    %sign3A_131 = arith.subi %sign3A_127, %sign3A_130 : i32
    %ne3A = arith.cmpi ne, %sign3A_124, %sign3A_131 : i32
    %rem3A = arith.remsi %mul3A_11, %jit3A : i32
    %ne3A_132 = arith.constant 0 : i32
    %ne3A_133 = arith.cmpi ne, %rem3A, %ne3A_132 : i32
    %and3A = arith.andi %ne3A, %ne3A_133 : i1
    %sub3A = arith.constant 1 : i32
    %sub3A_134 = arith.subi %div3A, %sub3A : i32
    %select_n3A = arith.select %and3A, %sub3A_134, %div3A : i32
    %while3A = arith.constant 0 : i32
    %while3A_135 = arith.subi %select_n3A, %while3A : i32
    %while3A_136 = arith.addi %while3A, %while3A_135 : i32
    %while3A_137 = arith.constant 1 : i32
    %while3A_138 = arith.divsi %while3A_135, %while3A_137 : i32
    %while3A_139 = arith.muli %while3A_138, %while3A_137 : i32
    %while3A_140 = arith.addi %while3A, %while3A_139 : i32
    %while3A_141 = arith.constant 1 : i32
    scf.for %while3A_148 = %while3A to %while3A_140 step %while3A_141  : i32 {
      %mul3A_149 = arith.constant 4 : i32
      %mul3A_150 = arith.muli %while3A_148, %mul3A_149 : i32
      %add3A_151 = arith.constant 0 : i32
      %add3A_152 = arith.addi %mul3A_150, %add3A_151 : i32
      %add3A_153 = arith.addi %mul3A_6, %add3A_152 : i32
      %mul3A_154 = arith.constant 128 : i32
      %mul3A_155 = arith.muli %add3A_153, %mul3A_154 : i32
      %dma_wait3A = arith.constant 0 : i32
      %dma_wait3A_156 = arith.constant 0 : i32
      %dma_wait3A_157 = arith.constant 0 : i32
      %dma_wait3A_158 = tpu.memref_slice %arg4[%dma_wait3A, %dma_wait3A_156, %dma_wait3A_157] : memref<4x2x128xi32, #tpu.memory_space<vmem>> -> memref<1x2x128xi32, #tpu.memory_space<vmem>>
      %dma_wait3A_159 = tpu.memref_squeeze %dma_wait3A_158 : memref<1x2x128xi32, #tpu.memory_space<vmem>> -> memref<2x128xi32, #tpu.memory_space<vmem>>
      %dma_wait3A_160 = arith.constant 0 : i32
      %dma_wait3A_161 = tpu.memref_slice %arg2[%dma_wait3A_160, %mul3A_155] : memref<2x320000xi32, #tpu.memory_space<hbm>> -> memref<2x128xi32, #tpu.memory_space<hbm>>
      %dma_wait3A_162 = arith.constant 0 : i32
      %dma_wait3A_163 = arith.constant 0 : i32
      %dma_wait3A_164 = tpu.memref_slice %arg4[%dma_wait3A, %dma_wait3A_162, %dma_wait3A_163] : memref<4x2x128xi32, #tpu.memory_space<vmem>> -> memref<1x2x128xi32, #tpu.memory_space<vmem>>
      %dma_wait3A_165 = tpu.memref_squeeze %dma_wait3A_164 : memref<1x2x128xi32, #tpu.memory_space<vmem>> -> memref<2x128xi32, #tpu.memory_space<vmem>>
      %dma_wait3A_166 = arith.constant 0 : i32
      %dma_wait3A_167 = tpu.memref_slice %arg2[%dma_wait3A_166, %mul3A_155] : memref<2x320000xi32, #tpu.memory_space<hbm>> -> memref<2x128xi32, #tpu.memory_space<hbm>>
      tpu.wait_dma2 semaphore(%arg7 : memref<!tpu.dma_semaphore, #tpu.memory_space<semaphore_mem>>) src(%dma_wait3A_167 : memref<2x128xi32, #tpu.memory_space<hbm>>) dst(%dma_wait3A_165 : memref<2x128xi32, #tpu.memory_space<vmem>>)
      %run_scoped3A = arith.constant 0 : i32
      %run_scoped3A_168 = arith.constant 1 : i32
      "tpu.region"() ({
        %run_scoped3A_258 = tpu.sem_alloc : memref<!tpu.dma_semaphore, #tpu.memory_space<semaphore_mem>>
        %dma_start3A_259 = arith.constant 0 : i32
        %dma_start3A_260 = tpu.memref_slice %arg4[%run_scoped3A, %run_scoped3A_168, %dma_start3A_259] : memref<4x2x128xi32, #tpu.memory_space<vmem>> -> memref<1x1x128xi32, #tpu.memory_space<vmem>>
        %dma_start3A_261 = tpu.memref_squeeze %dma_start3A_260 : memref<1x1x128xi32, #tpu.memory_space<vmem>> -> memref<128xi32, #tpu.memory_space<vmem>>
        %dma_start3A_262 = arith.constant 0 : i32
        %dma_start3A_263 = tpu.memref_slice %arg8[%dma_start3A_262] : memref<10240xf32, #tpu.memory_space<vmem_shared>> -> memref<10240xf32, #tpu.memory_space<vmem_shared>>
        tpu.enqueue_indirect_dma source(%arg5 : memref<128xf32, #tpu.memory_space<vmem>>) target(%dma_start3A_263 : memref<10240xf32, #tpu.memory_space<vmem_shared>>) offsets(%dma_start3A_261 : memref<128xi32, #tpu.memory_space<vmem>>) semaphore(%run_scoped3A_258 : memref<!tpu.dma_semaphore, #tpu.memory_space<semaphore_mem>>) {add = true}
        %dma_wait3A_264 = arith.constant 0 : i32
        %dma_wait3A_265 = tpu.memref_slice %arg4[%run_scoped3A, %run_scoped3A_168, %dma_wait3A_264] : memref<4x2x128xi32, #tpu.memory_space<vmem>> -> memref<1x1x128xi32, #tpu.memory_space<vmem>>
        %dma_wait3A_266 = tpu.memref_squeeze %dma_wait3A_265 : memref<1x1x128xi32, #tpu.memory_space<vmem>> -> memref<128xi32, #tpu.memory_space<vmem>>
        %dma_wait3A_267 = arith.constant 0 : i32
        %dma_wait3A_268 = tpu.memref_slice %arg8[%dma_wait3A_267] : memref<10240xf32, #tpu.memory_space<vmem_shared>> -> memref<10240xf32, #tpu.memory_space<vmem_shared>>
        tpu.wait_indirect_dma semaphore(%run_scoped3A_258 : memref<!tpu.dma_semaphore, #tpu.memory_space<semaphore_mem>>) src(%arg5 : memref<128xf32, #tpu.memory_space<vmem>>) dst(%dma_wait3A_268 : memref<10240xf32, #tpu.memory_space<vmem_shared>>)
        tpu.yield
      }) : () -> ()
      %add3A_169 = arith.constant 4 : i32
      %add3A_170 = arith.addi %add3A_152, %add3A_169 : i32
      %lt3A_171 = arith.cmpi slt, %add3A_170, %mul3A_11 : i32
      %convert_element_type3A_172 = arith.extui %lt3A_171 : i1 to i32
      %cond3A = arith.constant 0 : i32
      %cond3A_173 = arith.cmpi ne, %convert_element_type3A_172, %cond3A : i32
      scf.if %cond3A_173 {
        %add3A_258 = arith.constant 4 : i32
        %add3A_259 = arith.addi %add3A_152, %add3A_258 : i32
        %add3A_260 = arith.addi %mul3A_6, %add3A_259 : i32
        %mul3A_261 = arith.constant 128 : i32
        %mul3A_262 = arith.muli %add3A_260, %mul3A_261 : i32
        %dma_start3A_263 = arith.constant 0 : i32
        %dma_start3A_264 = arith.constant 0 : i32
        %dma_start3A_265 = arith.constant 0 : i32
        %dma_start3A_266 = tpu.memref_slice %arg4[%dma_start3A_263, %dma_start3A_264, %dma_start3A_265] : memref<4x2x128xi32, #tpu.memory_space<vmem>> -> memref<1x2x128xi32, #tpu.memory_space<vmem>>
        %dma_start3A_267 = tpu.memref_squeeze %dma_start3A_266 : memref<1x2x128xi32, #tpu.memory_space<vmem>> -> memref<2x128xi32, #tpu.memory_space<vmem>>
        %dma_start3A_268 = arith.constant 0 : i32
        %dma_start3A_269 = tpu.memref_slice %arg2[%dma_start3A_268, %mul3A_262] : memref<2x320000xi32, #tpu.memory_space<hbm>> -> memref<2x128xi32, #tpu.memory_space<hbm>>
        %dma_start3A_270 = arith.constant 0 : i32
        %dma_start3A_271 = arith.constant 0 : i32
        %dma_start3A_272 = tpu.memref_slice %arg4[%dma_start3A_263, %dma_start3A_270, %dma_start3A_271] : memref<4x2x128xi32, #tpu.memory_space<vmem>> -> memref<1x2x128xi32, #tpu.memory_space<vmem>>
        %dma_start3A_273 = tpu.memref_squeeze %dma_start3A_272 : memref<1x2x128xi32, #tpu.memory_space<vmem>> -> memref<2x128xi32, #tpu.memory_space<vmem>>
        %dma_start3A_274 = arith.constant 0 : i32
        %dma_start3A_275 = tpu.memref_slice %arg2[%dma_start3A_274, %mul3A_262] : memref<2x320000xi32, #tpu.memory_space<hbm>> -> memref<2x128xi32, #tpu.memory_space<hbm>>
        tpu.enqueue_dma source(%dma_start3A_275 : memref<2x128xi32, #tpu.memory_space<hbm>>) target(%dma_start3A_273 : memref<2x128xi32, #tpu.memory_space<vmem>>) target_semaphore(%arg7 : memref<!tpu.dma_semaphore, #tpu.memory_space<semaphore_mem>>)
      } else {
      }
      %mul3A_174 = arith.constant 4 : i32
      %mul3A_175 = arith.muli %while3A_148, %mul3A_174 : i32
      %add3A_176 = arith.constant 1 : i32
      %add3A_177 = arith.addi %mul3A_175, %add3A_176 : i32
      %add3A_178 = arith.addi %mul3A_6, %add3A_177 : i32
      %mul3A_179 = arith.constant 128 : i32
      %mul3A_180 = arith.muli %add3A_178, %mul3A_179 : i32
      %dma_wait3A_181 = arith.constant 1 : i32
      %dma_wait3A_182 = arith.constant 0 : i32
      %dma_wait3A_183 = arith.constant 0 : i32
      %dma_wait3A_184 = tpu.memref_slice %arg4[%dma_wait3A_181, %dma_wait3A_182, %dma_wait3A_183] : memref<4x2x128xi32, #tpu.memory_space<vmem>> -> memref<1x2x128xi32, #tpu.memory_space<vmem>>
      %dma_wait3A_185 = tpu.memref_squeeze %dma_wait3A_184 : memref<1x2x128xi32, #tpu.memory_space<vmem>> -> memref<2x128xi32, #tpu.memory_space<vmem>>
      %dma_wait3A_186 = arith.constant 0 : i32
      %dma_wait3A_187 = tpu.memref_slice %arg2[%dma_wait3A_186, %mul3A_180] : memref<2x320000xi32, #tpu.memory_space<hbm>> -> memref<2x128xi32, #tpu.memory_space<hbm>>
      %dma_wait3A_188 = arith.constant 0 : i32
      %dma_wait3A_189 = arith.constant 0 : i32
      %dma_wait3A_190 = tpu.memref_slice %arg4[%dma_wait3A_181, %dma_wait3A_188, %dma_wait3A_189] : memref<4x2x128xi32, #tpu.memory_space<vmem>> -> memref<1x2x128xi32, #tpu.memory_space<vmem>>
      %dma_wait3A_191 = tpu.memref_squeeze %dma_wait3A_190 : memref<1x2x128xi32, #tpu.memory_space<vmem>> -> memref<2x128xi32, #tpu.memory_space<vmem>>
      %dma_wait3A_192 = arith.constant 0 : i32
      %dma_wait3A_193 = tpu.memref_slice %arg2[%dma_wait3A_192, %mul3A_180] : memref<2x320000xi32, #tpu.memory_space<hbm>> -> memref<2x128xi32, #tpu.memory_space<hbm>>
      tpu.wait_dma2 semaphore(%arg7 : memref<!tpu.dma_semaphore, #tpu.memory_space<semaphore_mem>>) src(%dma_wait3A_193 : memref<2x128xi32, #tpu.memory_space<hbm>>) dst(%dma_wait3A_191 : memref<2x128xi32, #tpu.memory_space<vmem>>)
      %run_scoped3A_194 = arith.constant 1 : i32
      %run_scoped3A_195 = arith.constant 1 : i32
      "tpu.region"() ({
        %run_scoped3A_258 = tpu.sem_alloc : memref<!tpu.dma_semaphore, #tpu.memory_space<semaphore_mem>>
        %dma_start3A_259 = arith.constant 0 : i32
        %dma_start3A_260 = tpu.memref_slice %arg4[%run_scoped3A_194, %run_scoped3A_195, %dma_start3A_259] : memref<4x2x128xi32, #tpu.memory_space<vmem>> -> memref<1x1x128xi32, #tpu.memory_space<vmem>>
        %dma_start3A_261 = tpu.memref_squeeze %dma_start3A_260 : memref<1x1x128xi32, #tpu.memory_space<vmem>> -> memref<128xi32, #tpu.memory_space<vmem>>
        %dma_start3A_262 = arith.constant 0 : i32
        %dma_start3A_263 = tpu.memref_slice %arg8[%dma_start3A_262] : memref<10240xf32, #tpu.memory_space<vmem_shared>> -> memref<10240xf32, #tpu.memory_space<vmem_shared>>
        tpu.enqueue_indirect_dma source(%arg5 : memref<128xf32, #tpu.memory_space<vmem>>) target(%dma_start3A_263 : memref<10240xf32, #tpu.memory_space<vmem_shared>>) offsets(%dma_start3A_261 : memref<128xi32, #tpu.memory_space<vmem>>) semaphore(%run_scoped3A_258 : memref<!tpu.dma_semaphore, #tpu.memory_space<semaphore_mem>>) {add = true}
        %dma_wait3A_264 = arith.constant 0 : i32
        %dma_wait3A_265 = tpu.memref_slice %arg4[%run_scoped3A_194, %run_scoped3A_195, %dma_wait3A_264] : memref<4x2x128xi32, #tpu.memory_space<vmem>> -> memref<1x1x128xi32, #tpu.memory_space<vmem>>
        %dma_wait3A_266 = tpu.memref_squeeze %dma_wait3A_265 : memref<1x1x128xi32, #tpu.memory_space<vmem>> -> memref<128xi32, #tpu.memory_space<vmem>>
        %dma_wait3A_267 = arith.constant 0 : i32
        %dma_wait3A_268 = tpu.memref_slice %arg8[%dma_wait3A_267] : memref<10240xf32, #tpu.memory_space<vmem_shared>> -> memref<10240xf32, #tpu.memory_space<vmem_shared>>
        tpu.wait_indirect_dma semaphore(%run_scoped3A_258 : memref<!tpu.dma_semaphore, #tpu.memory_space<semaphore_mem>>) src(%arg5 : memref<128xf32, #tpu.memory_space<vmem>>) dst(%dma_wait3A_268 : memref<10240xf32, #tpu.memory_space<vmem_shared>>)
        tpu.yield
      }) : () -> ()
      %add3A_196 = arith.constant 4 : i32
      %add3A_197 = arith.addi %add3A_177, %add3A_196 : i32
      %lt3A_198 = arith.cmpi slt, %add3A_197, %mul3A_11 : i32
      %convert_element_type3A_199 = arith.extui %lt3A_198 : i1 to i32
      %cond3A_200 = arith.constant 0 : i32
      %cond3A_201 = arith.cmpi ne, %convert_element_type3A_199, %cond3A_200 : i32
      scf.if %cond3A_201 {
        %add3A_258 = arith.constant 4 : i32
        %add3A_259 = arith.addi %add3A_177, %add3A_258 : i32
        %add3A_260 = arith.addi %mul3A_6, %add3A_259 : i32
        %mul3A_261 = arith.constant 128 : i32
        %mul3A_262 = arith.muli %add3A_260, %mul3A_261 : i32
        %dma_start3A_263 = arith.constant 1 : i32
        %dma_start3A_264 = arith.constant 0 : i32
        %dma_start3A_265 = arith.constant 0 : i32
        %dma_start3A_266 = tpu.memref_slice %arg4[%dma_start3A_263, %dma_start3A_264, %dma_start3A_265] : memref<4x2x128xi32, #tpu.memory_space<vmem>> -> memref<1x2x128xi32, #tpu.memory_space<vmem>>
        %dma_start3A_267 = tpu.memref_squeeze %dma_start3A_266 : memref<1x2x128xi32, #tpu.memory_space<vmem>> -> memref<2x128xi32, #tpu.memory_space<vmem>>
        %dma_start3A_268 = arith.constant 0 : i32
        %dma_start3A_269 = tpu.memref_slice %arg2[%dma_start3A_268, %mul3A_262] : memref<2x320000xi32, #tpu.memory_space<hbm>> -> memref<2x128xi32, #tpu.memory_space<hbm>>
        %dma_start3A_270 = arith.constant 0 : i32
        %dma_start3A_271 = arith.constant 0 : i32
        %dma_start3A_272 = tpu.memref_slice %arg4[%dma_start3A_263, %dma_start3A_270, %dma_start3A_271] : memref<4x2x128xi32, #tpu.memory_space<vmem>> -> memref<1x2x128xi32, #tpu.memory_space<vmem>>
        %dma_start3A_273 = tpu.memref_squeeze %dma_start3A_272 : memref<1x2x128xi32, #tpu.memory_space<vmem>> -> memref<2x128xi32, #tpu.memory_space<vmem>>
        %dma_start3A_274 = arith.constant 0 : i32
        %dma_start3A_275 = tpu.memref_slice %arg2[%dma_start3A_274, %mul3A_262] : memref<2x320000xi32, #tpu.memory_space<hbm>> -> memref<2x128xi32, #tpu.memory_space<hbm>>
        tpu.enqueue_dma source(%dma_start3A_275 : memref<2x128xi32, #tpu.memory_space<hbm>>) target(%dma_start3A_273 : memref<2x128xi32, #tpu.memory_space<vmem>>) target_semaphore(%arg7 : memref<!tpu.dma_semaphore, #tpu.memory_space<semaphore_mem>>)
      } else {
      }
      %mul3A_202 = arith.constant 4 : i32
      %mul3A_203 = arith.muli %while3A_148, %mul3A_202 : i32
      %add3A_204 = arith.constant 2 : i32
      %add3A_205 = arith.addi %mul3A_203, %add3A_204 : i32
      %add3A_206 = arith.addi %mul3A_6, %add3A_205 : i32
      %mul3A_207 = arith.constant 128 : i32
      %mul3A_208 = arith.muli %add3A_206, %mul3A_207 : i32
      %dma_wait3A_209 = arith.constant 2 : i32
      %dma_wait3A_210 = arith.constant 0 : i32
      %dma_wait3A_211 = arith.constant 0 : i32
      %dma_wait3A_212 = tpu.memref_slice %arg4[%dma_wait3A_209, %dma_wait3A_210, %dma_wait3A_211] : memref<4x2x128xi32, #tpu.memory_space<vmem>> -> memref<1x2x128xi32, #tpu.memory_space<vmem>>
      %dma_wait3A_213 = tpu.memref_squeeze %dma_wait3A_212 : memref<1x2x128xi32, #tpu.memory_space<vmem>> -> memref<2x128xi32, #tpu.memory_space<vmem>>
      %dma_wait3A_214 = arith.constant 0 : i32
      %dma_wait3A_215 = tpu.memref_slice %arg2[%dma_wait3A_214, %mul3A_208] : memref<2x320000xi32, #tpu.memory_space<hbm>> -> memref<2x128xi32, #tpu.memory_space<hbm>>
      %dma_wait3A_216 = arith.constant 0 : i32
      %dma_wait3A_217 = arith.constant 0 : i32
      %dma_wait3A_218 = tpu.memref_slice %arg4[%dma_wait3A_209, %dma_wait3A_216, %dma_wait3A_217] : memref<4x2x128xi32, #tpu.memory_space<vmem>> -> memref<1x2x128xi32, #tpu.memory_space<vmem>>
      %dma_wait3A_219 = tpu.memref_squeeze %dma_wait3A_218 : memref<1x2x128xi32, #tpu.memory_space<vmem>> -> memref<2x128xi32, #tpu.memory_space<vmem>>
      %dma_wait3A_220 = arith.constant 0 : i32
      %dma_wait3A_221 = tpu.memref_slice %arg2[%dma_wait3A_220, %mul3A_208] : memref<2x320000xi32, #tpu.memory_space<hbm>> -> memref<2x128xi32, #tpu.memory_space<hbm>>
      tpu.wait_dma2 semaphore(%arg7 : memref<!tpu.dma_semaphore, #tpu.memory_space<semaphore_mem>>) src(%dma_wait3A_221 : memref<2x128xi32, #tpu.memory_space<hbm>>) dst(%dma_wait3A_219 : memref<2x128xi32, #tpu.memory_space<vmem>>)
      %run_scoped3A_222 = arith.constant 2 : i32
      %run_scoped3A_223 = arith.constant 1 : i32
      "tpu.region"() ({
        %run_scoped3A_258 = tpu.sem_alloc : memref<!tpu.dma_semaphore, #tpu.memory_space<semaphore_mem>>
        %dma_start3A_259 = arith.constant 0 : i32
        %dma_start3A_260 = tpu.memref_slice %arg4[%run_scoped3A_222, %run_scoped3A_223, %dma_start3A_259] : memref<4x2x128xi32, #tpu.memory_space<vmem>> -> memref<1x1x128xi32, #tpu.memory_space<vmem>>
        %dma_start3A_261 = tpu.memref_squeeze %dma_start3A_260 : memref<1x1x128xi32, #tpu.memory_space<vmem>> -> memref<128xi32, #tpu.memory_space<vmem>>
        %dma_start3A_262 = arith.constant 0 : i32
        %dma_start3A_263 = tpu.memref_slice %arg8[%dma_start3A_262] : memref<10240xf32, #tpu.memory_space<vmem_shared>> -> memref<10240xf32, #tpu.memory_space<vmem_shared>>
        tpu.enqueue_indirect_dma source(%arg5 : memref<128xf32, #tpu.memory_space<vmem>>) target(%dma_start3A_263 : memref<10240xf32, #tpu.memory_space<vmem_shared>>) offsets(%dma_start3A_261 : memref<128xi32, #tpu.memory_space<vmem>>) semaphore(%run_scoped3A_258 : memref<!tpu.dma_semaphore, #tpu.memory_space<semaphore_mem>>) {add = true}
        %dma_wait3A_264 = arith.constant 0 : i32
        %dma_wait3A_265 = tpu.memref_slice %arg4[%run_scoped3A_222, %run_scoped3A_223, %dma_wait3A_264] : memref<4x2x128xi32, #tpu.memory_space<vmem>> -> memref<1x1x128xi32, #tpu.memory_space<vmem>>
        %dma_wait3A_266 = tpu.memref_squeeze %dma_wait3A_265 : memref<1x1x128xi32, #tpu.memory_space<vmem>> -> memref<128xi32, #tpu.memory_space<vmem>>
        %dma_wait3A_267 = arith.constant 0 : i32
        %dma_wait3A_268 = tpu.memref_slice %arg8[%dma_wait3A_267] : memref<10240xf32, #tpu.memory_space<vmem_shared>> -> memref<10240xf32, #tpu.memory_space<vmem_shared>>
        tpu.wait_indirect_dma semaphore(%run_scoped3A_258 : memref<!tpu.dma_semaphore, #tpu.memory_space<semaphore_mem>>) src(%arg5 : memref<128xf32, #tpu.memory_space<vmem>>) dst(%dma_wait3A_268 : memref<10240xf32, #tpu.memory_space<vmem_shared>>)
        tpu.yield
      }) : () -> ()
      %add3A_224 = arith.constant 4 : i32
      %add3A_225 = arith.addi %add3A_205, %add3A_224 : i32
      %lt3A_226 = arith.cmpi slt, %add3A_225, %mul3A_11 : i32
      %convert_element_type3A_227 = arith.extui %lt3A_226 : i1 to i32
      %cond3A_228 = arith.constant 0 : i32
      %cond3A_229 = arith.cmpi ne, %convert_element_type3A_227, %cond3A_228 : i32
      scf.if %cond3A_229 {
        %add3A_258 = arith.constant 4 : i32
        %add3A_259 = arith.addi %add3A_205, %add3A_258 : i32
        %add3A_260 = arith.addi %mul3A_6, %add3A_259 : i32
        %mul3A_261 = arith.constant 128 : i32
        %mul3A_262 = arith.muli %add3A_260, %mul3A_261 : i32
        %dma_start3A_263 = arith.constant 2 : i32
        %dma_start3A_264 = arith.constant 0 : i32
        %dma_start3A_265 = arith.constant 0 : i32
        %dma_start3A_266 = tpu.memref_slice %arg4[%dma_start3A_263, %dma_start3A_264, %dma_start3A_265] : memref<4x2x128xi32, #tpu.memory_space<vmem>> -> memref<1x2x128xi32, #tpu.memory_space<vmem>>
        %dma_start3A_267 = tpu.memref_squeeze %dma_start3A_266 : memref<1x2x128xi32, #tpu.memory_space<vmem>> -> memref<2x128xi32, #tpu.memory_space<vmem>>
        %dma_start3A_268 = arith.constant 0 : i32
        %dma_start3A_269 = tpu.memref_slice %arg2[%dma_start3A_268, %mul3A_262] : memref<2x320000xi32, #tpu.memory_space<hbm>> -> memref<2x128xi32, #tpu.memory_space<hbm>>
        %dma_start3A_270 = arith.constant 0 : i32
        %dma_start3A_271 = arith.constant 0 : i32
        %dma_start3A_272 = tpu.memref_slice %arg4[%dma_start3A_263, %dma_start3A_270, %dma_start3A_271] : memref<4x2x128xi32, #tpu.memory_space<vmem>> -> memref<1x2x128xi32, #tpu.memory_space<vmem>>
        %dma_start3A_273 = tpu.memref_squeeze %dma_start3A_272 : memref<1x2x128xi32, #tpu.memory_space<vmem>> -> memref<2x128xi32, #tpu.memory_space<vmem>>
        %dma_start3A_274 = arith.constant 0 : i32
        %dma_start3A_275 = tpu.memref_slice %arg2[%dma_start3A_274, %mul3A_262] : memref<2x320000xi32, #tpu.memory_space<hbm>> -> memref<2x128xi32, #tpu.memory_space<hbm>>
        tpu.enqueue_dma source(%dma_start3A_275 : memref<2x128xi32, #tpu.memory_space<hbm>>) target(%dma_start3A_273 : memref<2x128xi32, #tpu.memory_space<vmem>>) target_semaphore(%arg7 : memref<!tpu.dma_semaphore, #tpu.memory_space<semaphore_mem>>)
      } else {
      }
      %mul3A_230 = arith.constant 4 : i32
      %mul3A_231 = arith.muli %while3A_148, %mul3A_230 : i32
      %add3A_232 = arith.constant 3 : i32
      %add3A_233 = arith.addi %mul3A_231, %add3A_232 : i32
      %add3A_234 = arith.addi %mul3A_6, %add3A_233 : i32
      %mul3A_235 = arith.constant 128 : i32
      %mul3A_236 = arith.muli %add3A_234, %mul3A_235 : i32
      %dma_wait3A_237 = arith.constant 3 : i32
      %dma_wait3A_238 = arith.constant 0 : i32
      %dma_wait3A_239 = arith.constant 0 : i32
      %dma_wait3A_240 = tpu.memref_slice %arg4[%dma_wait3A_237, %dma_wait3A_238, %dma_wait3A_239] : memref<4x2x128xi32, #tpu.memory_space<vmem>> -> memref<1x2x128xi32, #tpu.memory_space<vmem>>
      %dma_wait3A_241 = tpu.memref_squeeze %dma_wait3A_240 : memref<1x2x128xi32, #tpu.memory_space<vmem>> -> memref<2x128xi32, #tpu.memory_space<vmem>>
      %dma_wait3A_242 = arith.constant 0 : i32
      %dma_wait3A_243 = tpu.memref_slice %arg2[%dma_wait3A_242, %mul3A_236] : memref<2x320000xi32, #tpu.memory_space<hbm>> -> memref<2x128xi32, #tpu.memory_space<hbm>>
      %dma_wait3A_244 = arith.constant 0 : i32
      %dma_wait3A_245 = arith.constant 0 : i32
      %dma_wait3A_246 = tpu.memref_slice %arg4[%dma_wait3A_237, %dma_wait3A_244, %dma_wait3A_245] : memref<4x2x128xi32, #tpu.memory_space<vmem>> -> memref<1x2x128xi32, #tpu.memory_space<vmem>>
      %dma_wait3A_247 = tpu.memref_squeeze %dma_wait3A_246 : memref<1x2x128xi32, #tpu.memory_space<vmem>> -> memref<2x128xi32, #tpu.memory_space<vmem>>
      %dma_wait3A_248 = arith.constant 0 : i32
      %dma_wait3A_249 = tpu.memref_slice %arg2[%dma_wait3A_248, %mul3A_236] : memref<2x320000xi32, #tpu.memory_space<hbm>> -> memref<2x128xi32, #tpu.memory_space<hbm>>
      tpu.wait_dma2 semaphore(%arg7 : memref<!tpu.dma_semaphore, #tpu.memory_space<semaphore_mem>>) src(%dma_wait3A_249 : memref<2x128xi32, #tpu.memory_space<hbm>>) dst(%dma_wait3A_247 : memref<2x128xi32, #tpu.memory_space<vmem>>)
      %run_scoped3A_250 = arith.constant 3 : i32
      %run_scoped3A_251 = arith.constant 1 : i32
      "tpu.region"() ({
        %run_scoped3A_258 = tpu.sem_alloc : memref<!tpu.dma_semaphore, #tpu.memory_space<semaphore_mem>>
        %dma_start3A_259 = arith.constant 0 : i32
        %dma_start3A_260 = tpu.memref_slice %arg4[%run_scoped3A_250, %run_scoped3A_251, %dma_start3A_259] : memref<4x2x128xi32, #tpu.memory_space<vmem>> -> memref<1x1x128xi32, #tpu.memory_space<vmem>>
        %dma_start3A_261 = tpu.memref_squeeze %dma_start3A_260 : memref<1x1x128xi32, #tpu.memory_space<vmem>> -> memref<128xi32, #tpu.memory_space<vmem>>
        %dma_start3A_262 = arith.constant 0 : i32
        %dma_start3A_263 = tpu.memref_slice %arg8[%dma_start3A_262] : memref<10240xf32, #tpu.memory_space<vmem_shared>> -> memref<10240xf32, #tpu.memory_space<vmem_shared>>
        tpu.enqueue_indirect_dma source(%arg5 : memref<128xf32, #tpu.memory_space<vmem>>) target(%dma_start3A_263 : memref<10240xf32, #tpu.memory_space<vmem_shared>>) offsets(%dma_start3A_261 : memref<128xi32, #tpu.memory_space<vmem>>) semaphore(%run_scoped3A_258 : memref<!tpu.dma_semaphore, #tpu.memory_space<semaphore_mem>>) {add = true}
        %dma_wait3A_264 = arith.constant 0 : i32
        %dma_wait3A_265 = tpu.memref_slice %arg4[%run_scoped3A_250, %run_scoped3A_251, %dma_wait3A_264] : memref<4x2x128xi32, #tpu.memory_space<vmem>> -> memref<1x1x128xi32, #tpu.memory_space<vmem>>
        %dma_wait3A_266 = tpu.memref_squeeze %dma_wait3A_265 : memref<1x1x128xi32, #tpu.memory_space<vmem>> -> memref<128xi32, #tpu.memory_space<vmem>>
        %dma_wait3A_267 = arith.constant 0 : i32
        %dma_wait3A_268 = tpu.memref_slice %arg8[%dma_wait3A_267] : memref<10240xf32, #tpu.memory_space<vmem_shared>> -> memref<10240xf32, #tpu.memory_space<vmem_shared>>
        tpu.wait_indirect_dma semaphore(%run_scoped3A_258 : memref<!tpu.dma_semaphore, #tpu.memory_space<semaphore_mem>>) src(%arg5 : memref<128xf32, #tpu.memory_space<vmem>>) dst(%dma_wait3A_268 : memref<10240xf32, #tpu.memory_space<vmem_shared>>)
        tpu.yield
      }) : () -> ()
      %add3A_252 = arith.constant 4 : i32
      %add3A_253 = arith.addi %add3A_233, %add3A_252 : i32
      %lt3A_254 = arith.cmpi slt, %add3A_253, %mul3A_11 : i32
      %convert_element_type3A_255 = arith.extui %lt3A_254 : i1 to i32
      %cond3A_256 = arith.constant 0 : i32
      %cond3A_257 = arith.cmpi ne, %convert_element_type3A_255, %cond3A_256 : i32
      scf.if %cond3A_257 {
        %add3A_258 = arith.constant 4 : i32
        %add3A_259 = arith.addi %add3A_233, %add3A_258 : i32
        %add3A_260 = arith.addi %mul3A_6, %add3A_259 : i32
        %mul3A_261 = arith.constant 128 : i32
        %mul3A_262 = arith.muli %add3A_260, %mul3A_261 : i32
        %dma_start3A_263 = arith.constant 3 : i32
        %dma_start3A_264 = arith.constant 0 : i32
        %dma_start3A_265 = arith.constant 0 : i32
        %dma_start3A_266 = tpu.memref_slice %arg4[%dma_start3A_263, %dma_start3A_264, %dma_start3A_265] : memref<4x2x128xi32, #tpu.memory_space<vmem>> -> memref<1x2x128xi32, #tpu.memory_space<vmem>>
        %dma_start3A_267 = tpu.memref_squeeze %dma_start3A_266 : memref<1x2x128xi32, #tpu.memory_space<vmem>> -> memref<2x128xi32, #tpu.memory_space<vmem>>
        %dma_start3A_268 = arith.constant 0 : i32
        %dma_start3A_269 = tpu.memref_slice %arg2[%dma_start3A_268, %mul3A_262] : memref<2x320000xi32, #tpu.memory_space<hbm>> -> memref<2x128xi32, #tpu.memory_space<hbm>>
        %dma_start3A_270 = arith.constant 0 : i32
        %dma_start3A_271 = arith.constant 0 : i32
        %dma_start3A_272 = tpu.memref_slice %arg4[%dma_start3A_263, %dma_start3A_270, %dma_start3A_271] : memref<4x2x128xi32, #tpu.memory_space<vmem>> -> memref<1x2x128xi32, #tpu.memory_space<vmem>>
        %dma_start3A_273 = tpu.memref_squeeze %dma_start3A_272 : memref<1x2x128xi32, #tpu.memory_space<vmem>> -> memref<2x128xi32, #tpu.memory_space<vmem>>
        %dma_start3A_274 = arith.constant 0 : i32
        %dma_start3A_275 = tpu.memref_slice %arg2[%dma_start3A_274, %mul3A_262] : memref<2x320000xi32, #tpu.memory_space<hbm>> -> memref<2x128xi32, #tpu.memory_space<hbm>>
        tpu.enqueue_dma source(%dma_start3A_275 : memref<2x128xi32, #tpu.memory_space<hbm>>) target(%dma_start3A_273 : memref<2x128xi32, #tpu.memory_space<vmem>>) target_semaphore(%arg7 : memref<!tpu.dma_semaphore, #tpu.memory_space<semaphore_mem>>)
      } else {
      }
    }
    %while3A_142 = arith.constant 1 : i32
    scf.for %while3A_148 = %while3A_140 to %while3A_136 step %while3A_142  : i32 {
      %mul3A_149 = arith.constant 4 : i32
      %mul3A_150 = arith.muli %while3A_148, %mul3A_149 : i32
      %add3A_151 = arith.constant 0 : i32
      %add3A_152 = arith.addi %mul3A_150, %add3A_151 : i32
      %add3A_153 = arith.addi %mul3A_6, %add3A_152 : i32
      %mul3A_154 = arith.constant 128 : i32
      %mul3A_155 = arith.muli %add3A_153, %mul3A_154 : i32
      %dma_wait3A = arith.constant 0 : i32
      %dma_wait3A_156 = arith.constant 0 : i32
      %dma_wait3A_157 = arith.constant 0 : i32
      %dma_wait3A_158 = tpu.memref_slice %arg4[%dma_wait3A, %dma_wait3A_156, %dma_wait3A_157] : memref<4x2x128xi32, #tpu.memory_space<vmem>> -> memref<1x2x128xi32, #tpu.memory_space<vmem>>
      %dma_wait3A_159 = tpu.memref_squeeze %dma_wait3A_158 : memref<1x2x128xi32, #tpu.memory_space<vmem>> -> memref<2x128xi32, #tpu.memory_space<vmem>>
      %dma_wait3A_160 = arith.constant 0 : i32
      %dma_wait3A_161 = tpu.memref_slice %arg2[%dma_wait3A_160, %mul3A_155] : memref<2x320000xi32, #tpu.memory_space<hbm>> -> memref<2x128xi32, #tpu.memory_space<hbm>>
      %dma_wait3A_162 = arith.constant 0 : i32
      %dma_wait3A_163 = arith.constant 0 : i32
      %dma_wait3A_164 = tpu.memref_slice %arg4[%dma_wait3A, %dma_wait3A_162, %dma_wait3A_163] : memref<4x2x128xi32, #tpu.memory_space<vmem>> -> memref<1x2x128xi32, #tpu.memory_space<vmem>>
      %dma_wait3A_165 = tpu.memref_squeeze %dma_wait3A_164 : memref<1x2x128xi32, #tpu.memory_space<vmem>> -> memref<2x128xi32, #tpu.memory_space<vmem>>
      %dma_wait3A_166 = arith.constant 0 : i32
      %dma_wait3A_167 = tpu.memref_slice %arg2[%dma_wait3A_166, %mul3A_155] : memref<2x320000xi32, #tpu.memory_space<hbm>> -> memref<2x128xi32, #tpu.memory_space<hbm>>
      tpu.wait_dma2 semaphore(%arg7 : memref<!tpu.dma_semaphore, #tpu.memory_space<semaphore_mem>>) src(%dma_wait3A_167 : memref<2x128xi32, #tpu.memory_space<hbm>>) dst(%dma_wait3A_165 : memref<2x128xi32, #tpu.memory_space<vmem>>)
      %run_scoped3A = arith.constant 0 : i32
      %run_scoped3A_168 = arith.constant 1 : i32
      "tpu.region"() ({
        %run_scoped3A_258 = tpu.sem_alloc : memref<!tpu.dma_semaphore, #tpu.memory_space<semaphore_mem>>
        %dma_start3A_259 = arith.constant 0 : i32
        %dma_start3A_260 = tpu.memref_slice %arg4[%run_scoped3A, %run_scoped3A_168, %dma_start3A_259] : memref<4x2x128xi32, #tpu.memory_space<vmem>> -> memref<1x1x128xi32, #tpu.memory_space<vmem>>
        %dma_start3A_261 = tpu.memref_squeeze %dma_start3A_260 : memref<1x1x128xi32, #tpu.memory_space<vmem>> -> memref<128xi32, #tpu.memory_space<vmem>>
        %dma_start3A_262 = arith.constant 0 : i32
        %dma_start3A_263 = tpu.memref_slice %arg8[%dma_start3A_262] : memref<10240xf32, #tpu.memory_space<vmem_shared>> -> memref<10240xf32, #tpu.memory_space<vmem_shared>>
        tpu.enqueue_indirect_dma source(%arg5 : memref<128xf32, #tpu.memory_space<vmem>>) target(%dma_start3A_263 : memref<10240xf32, #tpu.memory_space<vmem_shared>>) offsets(%dma_start3A_261 : memref<128xi32, #tpu.memory_space<vmem>>) semaphore(%run_scoped3A_258 : memref<!tpu.dma_semaphore, #tpu.memory_space<semaphore_mem>>) {add = true}
        %dma_wait3A_264 = arith.constant 0 : i32
        %dma_wait3A_265 = tpu.memref_slice %arg4[%run_scoped3A, %run_scoped3A_168, %dma_wait3A_264] : memref<4x2x128xi32, #tpu.memory_space<vmem>> -> memref<1x1x128xi32, #tpu.memory_space<vmem>>
        %dma_wait3A_266 = tpu.memref_squeeze %dma_wait3A_265 : memref<1x1x128xi32, #tpu.memory_space<vmem>> -> memref<128xi32, #tpu.memory_space<vmem>>
        %dma_wait3A_267 = arith.constant 0 : i32
        %dma_wait3A_268 = tpu.memref_slice %arg8[%dma_wait3A_267] : memref<10240xf32, #tpu.memory_space<vmem_shared>> -> memref<10240xf32, #tpu.memory_space<vmem_shared>>
        tpu.wait_indirect_dma semaphore(%run_scoped3A_258 : memref<!tpu.dma_semaphore, #tpu.memory_space<semaphore_mem>>) src(%arg5 : memref<128xf32, #tpu.memory_space<vmem>>) dst(%dma_wait3A_268 : memref<10240xf32, #tpu.memory_space<vmem_shared>>)
        tpu.yield
      }) : () -> ()
      %add3A_169 = arith.constant 4 : i32
      %add3A_170 = arith.addi %add3A_152, %add3A_169 : i32
      %lt3A_171 = arith.cmpi slt, %add3A_170, %mul3A_11 : i32
      %convert_element_type3A_172 = arith.extui %lt3A_171 : i1 to i32
      %cond3A = arith.constant 0 : i32
      %cond3A_173 = arith.cmpi ne, %convert_element_type3A_172, %cond3A : i32
      scf.if %cond3A_173 {
        %add3A_258 = arith.constant 4 : i32
        %add3A_259 = arith.addi %add3A_152, %add3A_258 : i32
        %add3A_260 = arith.addi %mul3A_6, %add3A_259 : i32
        %mul3A_261 = arith.constant 128 : i32
        %mul3A_262 = arith.muli %add3A_260, %mul3A_261 : i32
        %dma_start3A_263 = arith.constant 0 : i32
        %dma_start3A_264 = arith.constant 0 : i32
        %dma_start3A_265 = arith.constant 0 : i32
        %dma_start3A_266 = tpu.memref_slice %arg4[%dma_start3A_263, %dma_start3A_264, %dma_start3A_265] : memref<4x2x128xi32, #tpu.memory_space<vmem>> -> memref<1x2x128xi32, #tpu.memory_space<vmem>>
        %dma_start3A_267 = tpu.memref_squeeze %dma_start3A_266 : memref<1x2x128xi32, #tpu.memory_space<vmem>> -> memref<2x128xi32, #tpu.memory_space<vmem>>
        %dma_start3A_268 = arith.constant 0 : i32
        %dma_start3A_269 = tpu.memref_slice %arg2[%dma_start3A_268, %mul3A_262] : memref<2x320000xi32, #tpu.memory_space<hbm>> -> memref<2x128xi32, #tpu.memory_space<hbm>>
        %dma_start3A_270 = arith.constant 0 : i32
        %dma_start3A_271 = arith.constant 0 : i32
        %dma_start3A_272 = tpu.memref_slice %arg4[%dma_start3A_263, %dma_start3A_270, %dma_start3A_271] : memref<4x2x128xi32, #tpu.memory_space<vmem>> -> memref<1x2x128xi32, #tpu.memory_space<vmem>>
        %dma_start3A_273 = tpu.memref_squeeze %dma_start3A_272 : memref<1x2x128xi32, #tpu.memory_space<vmem>> -> memref<2x128xi32, #tpu.memory_space<vmem>>
        %dma_start3A_274 = arith.constant 0 : i32
        %dma_start3A_275 = tpu.memref_slice %arg2[%dma_start3A_274, %mul3A_262] : memref<2x320000xi32, #tpu.memory_space<hbm>> -> memref<2x128xi32, #tpu.memory_space<hbm>>
        tpu.enqueue_dma source(%dma_start3A_275 : memref<2x128xi32, #tpu.memory_space<hbm>>) target(%dma_start3A_273 : memref<2x128xi32, #tpu.memory_space<vmem>>) target_semaphore(%arg7 : memref<!tpu.dma_semaphore, #tpu.memory_space<semaphore_mem>>)
      } else {
      }
      %mul3A_174 = arith.constant 4 : i32
      %mul3A_175 = arith.muli %while3A_148, %mul3A_174 : i32
      %add3A_176 = arith.constant 1 : i32
      %add3A_177 = arith.addi %mul3A_175, %add3A_176 : i32
      %add3A_178 = arith.addi %mul3A_6, %add3A_177 : i32
      %mul3A_179 = arith.constant 128 : i32
      %mul3A_180 = arith.muli %add3A_178, %mul3A_179 : i32
      %dma_wait3A_181 = arith.constant 1 : i32
      %dma_wait3A_182 = arith.constant 0 : i32
      %dma_wait3A_183 = arith.constant 0 : i32
      %dma_wait3A_184 = tpu.memref_slice %arg4[%dma_wait3A_181, %dma_wait3A_182, %dma_wait3A_183] : memref<4x2x128xi32, #tpu.memory_space<vmem>> -> memref<1x2x128xi32, #tpu.memory_space<vmem>>
      %dma_wait3A_185 = tpu.memref_squeeze %dma_wait3A_184 : memref<1x2x128xi32, #tpu.memory_space<vmem>> -> memref<2x128xi32, #tpu.memory_space<vmem>>
      %dma_wait3A_186 = arith.constant 0 : i32
      %dma_wait3A_187 = tpu.memref_slice %arg2[%dma_wait3A_186, %mul3A_180] : memref<2x320000xi32, #tpu.memory_space<hbm>> -> memref<2x128xi32, #tpu.memory_space<hbm>>
      %dma_wait3A_188 = arith.constant 0 : i32
      %dma_wait3A_189 = arith.constant 0 : i32
      %dma_wait3A_190 = tpu.memref_slice %arg4[%dma_wait3A_181, %dma_wait3A_188, %dma_wait3A_189] : memref<4x2x128xi32, #tpu.memory_space<vmem>> -> memref<1x2x128xi32, #tpu.memory_space<vmem>>
      %dma_wait3A_191 = tpu.memref_squeeze %dma_wait3A_190 : memref<1x2x128xi32, #tpu.memory_space<vmem>> -> memref<2x128xi32, #tpu.memory_space<vmem>>
      %dma_wait3A_192 = arith.constant 0 : i32
      %dma_wait3A_193 = tpu.memref_slice %arg2[%dma_wait3A_192, %mul3A_180] : memref<2x320000xi32, #tpu.memory_space<hbm>> -> memref<2x128xi32, #tpu.memory_space<hbm>>
      tpu.wait_dma2 semaphore(%arg7 : memref<!tpu.dma_semaphore, #tpu.memory_space<semaphore_mem>>) src(%dma_wait3A_193 : memref<2x128xi32, #tpu.memory_space<hbm>>) dst(%dma_wait3A_191 : memref<2x128xi32, #tpu.memory_space<vmem>>)
      %run_scoped3A_194 = arith.constant 1 : i32
      %run_scoped3A_195 = arith.constant 1 : i32
      "tpu.region"() ({
        %run_scoped3A_258 = tpu.sem_alloc : memref<!tpu.dma_semaphore, #tpu.memory_space<semaphore_mem>>
        %dma_start3A_259 = arith.constant 0 : i32
        %dma_start3A_260 = tpu.memref_slice %arg4[%run_scoped3A_194, %run_scoped3A_195, %dma_start3A_259] : memref<4x2x128xi32, #tpu.memory_space<vmem>> -> memref<1x1x128xi32, #tpu.memory_space<vmem>>
        %dma_start3A_261 = tpu.memref_squeeze %dma_start3A_260 : memref<1x1x128xi32, #tpu.memory_space<vmem>> -> memref<128xi32, #tpu.memory_space<vmem>>
        %dma_start3A_262 = arith.constant 0 : i32
        %dma_start3A_263 = tpu.memref_slice %arg8[%dma_start3A_262] : memref<10240xf32, #tpu.memory_space<vmem_shared>> -> memref<10240xf32, #tpu.memory_space<vmem_shared>>
        tpu.enqueue_indirect_dma source(%arg5 : memref<128xf32, #tpu.memory_space<vmem>>) target(%dma_start3A_263 : memref<10240xf32, #tpu.memory_space<vmem_shared>>) offsets(%dma_start3A_261 : memref<128xi32, #tpu.memory_space<vmem>>) semaphore(%run_scoped3A_258 : memref<!tpu.dma_semaphore, #tpu.memory_space<semaphore_mem>>) {add = true}
        %dma_wait3A_264 = arith.constant 0 : i32
        %dma_wait3A_265 = tpu.memref_slice %arg4[%run_scoped3A_194, %run_scoped3A_195, %dma_wait3A_264] : memref<4x2x128xi32, #tpu.memory_space<vmem>> -> memref<1x1x128xi32, #tpu.memory_space<vmem>>
        %dma_wait3A_266 = tpu.memref_squeeze %dma_wait3A_265 : memref<1x1x128xi32, #tpu.memory_space<vmem>> -> memref<128xi32, #tpu.memory_space<vmem>>
        %dma_wait3A_267 = arith.constant 0 : i32
        %dma_wait3A_268 = tpu.memref_slice %arg8[%dma_wait3A_267] : memref<10240xf32, #tpu.memory_space<vmem_shared>> -> memref<10240xf32, #tpu.memory_space<vmem_shared>>
        tpu.wait_indirect_dma semaphore(%run_scoped3A_258 : memref<!tpu.dma_semaphore, #tpu.memory_space<semaphore_mem>>) src(%arg5 : memref<128xf32, #tpu.memory_space<vmem>>) dst(%dma_wait3A_268 : memref<10240xf32, #tpu.memory_space<vmem_shared>>)
        tpu.yield
      }) : () -> ()
      %add3A_196 = arith.constant 4 : i32
      %add3A_197 = arith.addi %add3A_177, %add3A_196 : i32
      %lt3A_198 = arith.cmpi slt, %add3A_197, %mul3A_11 : i32
      %convert_element_type3A_199 = arith.extui %lt3A_198 : i1 to i32
      %cond3A_200 = arith.constant 0 : i32
      %cond3A_201 = arith.cmpi ne, %convert_element_type3A_199, %cond3A_200 : i32
      scf.if %cond3A_201 {
        %add3A_258 = arith.constant 4 : i32
        %add3A_259 = arith.addi %add3A_177, %add3A_258 : i32
        %add3A_260 = arith.addi %mul3A_6, %add3A_259 : i32
        %mul3A_261 = arith.constant 128 : i32
        %mul3A_262 = arith.muli %add3A_260, %mul3A_261 : i32
        %dma_start3A_263 = arith.constant 1 : i32
        %dma_start3A_264 = arith.constant 0 : i32
        %dma_start3A_265 = arith.constant 0 : i32
        %dma_start3A_266 = tpu.memref_slice %arg4[%dma_start3A_263, %dma_start3A_264, %dma_start3A_265] : memref<4x2x128xi32, #tpu.memory_space<vmem>> -> memref<1x2x128xi32, #tpu.memory_space<vmem>>
        %dma_start3A_267 = tpu.memref_squeeze %dma_start3A_266 : memref<1x2x128xi32, #tpu.memory_space<vmem>> -> memref<2x128xi32, #tpu.memory_space<vmem>>
        %dma_start3A_268 = arith.constant 0 : i32
        %dma_start3A_269 = tpu.memref_slice %arg2[%dma_start3A_268, %mul3A_262] : memref<2x320000xi32, #tpu.memory_space<hbm>> -> memref<2x128xi32, #tpu.memory_space<hbm>>
        %dma_start3A_270 = arith.constant 0 : i32
        %dma_start3A_271 = arith.constant 0 : i32
        %dma_start3A_272 = tpu.memref_slice %arg4[%dma_start3A_263, %dma_start3A_270, %dma_start3A_271] : memref<4x2x128xi32, #tpu.memory_space<vmem>> -> memref<1x2x128xi32, #tpu.memory_space<vmem>>
        %dma_start3A_273 = tpu.memref_squeeze %dma_start3A_272 : memref<1x2x128xi32, #tpu.memory_space<vmem>> -> memref<2x128xi32, #tpu.memory_space<vmem>>
        %dma_start3A_274 = arith.constant 0 : i32
        %dma_start3A_275 = tpu.memref_slice %arg2[%dma_start3A_274, %mul3A_262] : memref<2x320000xi32, #tpu.memory_space<hbm>> -> memref<2x128xi32, #tpu.memory_space<hbm>>
        tpu.enqueue_dma source(%dma_start3A_275 : memref<2x128xi32, #tpu.memory_space<hbm>>) target(%dma_start3A_273 : memref<2x128xi32, #tpu.memory_space<vmem>>) target_semaphore(%arg7 : memref<!tpu.dma_semaphore, #tpu.memory_space<semaphore_mem>>)
      } else {
      }
      %mul3A_202 = arith.constant 4 : i32
      %mul3A_203 = arith.muli %while3A_148, %mul3A_202 : i32
      %add3A_204 = arith.constant 2 : i32
      %add3A_205 = arith.addi %mul3A_203, %add3A_204 : i32
      %add3A_206 = arith.addi %mul3A_6, %add3A_205 : i32
      %mul3A_207 = arith.constant 128 : i32
      %mul3A_208 = arith.muli %add3A_206, %mul3A_207 : i32
      %dma_wait3A_209 = arith.constant 2 : i32
      %dma_wait3A_210 = arith.constant 0 : i32
      %dma_wait3A_211 = arith.constant 0 : i32
      %dma_wait3A_212 = tpu.memref_slice %arg4[%dma_wait3A_209, %dma_wait3A_210, %dma_wait3A_211] : memref<4x2x128xi32, #tpu.memory_space<vmem>> -> memref<1x2x128xi32, #tpu.memory_space<vmem>>
      %dma_wait3A_213 = tpu.memref_squeeze %dma_wait3A_212 : memref<1x2x128xi32, #tpu.memory_space<vmem>> -> memref<2x128xi32, #tpu.memory_space<vmem>>
      %dma_wait3A_214 = arith.constant 0 : i32
      %dma_wait3A_215 = tpu.memref_slice %arg2[%dma_wait3A_214, %mul3A_208] : memref<2x320000xi32, #tpu.memory_space<hbm>> -> memref<2x128xi32, #tpu.memory_space<hbm>>
      %dma_wait3A_216 = arith.constant 0 : i32
      %dma_wait3A_217 = arith.constant 0 : i32
      %dma_wait3A_218 = tpu.memref_slice %arg4[%dma_wait3A_209, %dma_wait3A_216, %dma_wait3A_217] : memref<4x2x128xi32, #tpu.memory_space<vmem>> -> memref<1x2x128xi32, #tpu.memory_space<vmem>>
      %dma_wait3A_219 = tpu.memref_squeeze %dma_wait3A_218 : memref<1x2x128xi32, #tpu.memory_space<vmem>> -> memref<2x128xi32, #tpu.memory_space<vmem>>
      %dma_wait3A_220 = arith.constant 0 : i32
      %dma_wait3A_221 = tpu.memref_slice %arg2[%dma_wait3A_220, %mul3A_208] : memref<2x320000xi32, #tpu.memory_space<hbm>> -> memref<2x128xi32, #tpu.memory_space<hbm>>
      tpu.wait_dma2 semaphore(%arg7 : memref<!tpu.dma_semaphore, #tpu.memory_space<semaphore_mem>>) src(%dma_wait3A_221 : memref<2x128xi32, #tpu.memory_space<hbm>>) dst(%dma_wait3A_219 : memref<2x128xi32, #tpu.memory_space<vmem>>)
      %run_scoped3A_222 = arith.constant 2 : i32
      %run_scoped3A_223 = arith.constant 1 : i32
      "tpu.region"() ({
        %run_scoped3A_258 = tpu.sem_alloc : memref<!tpu.dma_semaphore, #tpu.memory_space<semaphore_mem>>
        %dma_start3A_259 = arith.constant 0 : i32
        %dma_start3A_260 = tpu.memref_slice %arg4[%run_scoped3A_222, %run_scoped3A_223, %dma_start3A_259] : memref<4x2x128xi32, #tpu.memory_space<vmem>> -> memref<1x1x128xi32, #tpu.memory_space<vmem>>
        %dma_start3A_261 = tpu.memref_squeeze %dma_start3A_260 : memref<1x1x128xi32, #tpu.memory_space<vmem>> -> memref<128xi32, #tpu.memory_space<vmem>>
        %dma_start3A_262 = arith.constant 0 : i32
        %dma_start3A_263 = tpu.memref_slice %arg8[%dma_start3A_262] : memref<10240xf32, #tpu.memory_space<vmem_shared>> -> memref<10240xf32, #tpu.memory_space<vmem_shared>>
        tpu.enqueue_indirect_dma source(%arg5 : memref<128xf32, #tpu.memory_space<vmem>>) target(%dma_start3A_263 : memref<10240xf32, #tpu.memory_space<vmem_shared>>) offsets(%dma_start3A_261 : memref<128xi32, #tpu.memory_space<vmem>>) semaphore(%run_scoped3A_258 : memref<!tpu.dma_semaphore, #tpu.memory_space<semaphore_mem>>) {add = true}
        %dma_wait3A_264 = arith.constant 0 : i32
        %dma_wait3A_265 = tpu.memref_slice %arg4[%run_scoped3A_222, %run_scoped3A_223, %dma_wait3A_264] : memref<4x2x128xi32, #tpu.memory_space<vmem>> -> memref<1x1x128xi32, #tpu.memory_space<vmem>>
        %dma_wait3A_266 = tpu.memref_squeeze %dma_wait3A_265 : memref<1x1x128xi32, #tpu.memory_space<vmem>> -> memref<128xi32, #tpu.memory_space<vmem>>
        %dma_wait3A_267 = arith.constant 0 : i32
        %dma_wait3A_268 = tpu.memref_slice %arg8[%dma_wait3A_267] : memref<10240xf32, #tpu.memory_space<vmem_shared>> -> memref<10240xf32, #tpu.memory_space<vmem_shared>>
        tpu.wait_indirect_dma semaphore(%run_scoped3A_258 : memref<!tpu.dma_semaphore, #tpu.memory_space<semaphore_mem>>) src(%arg5 : memref<128xf32, #tpu.memory_space<vmem>>) dst(%dma_wait3A_268 : memref<10240xf32, #tpu.memory_space<vmem_shared>>)
        tpu.yield
      }) : () -> ()
      %add3A_224 = arith.constant 4 : i32
      %add3A_225 = arith.addi %add3A_205, %add3A_224 : i32
      %lt3A_226 = arith.cmpi slt, %add3A_225, %mul3A_11 : i32
      %convert_element_type3A_227 = arith.extui %lt3A_226 : i1 to i32
      %cond3A_228 = arith.constant 0 : i32
      %cond3A_229 = arith.cmpi ne, %convert_element_type3A_227, %cond3A_228 : i32
      scf.if %cond3A_229 {
        %add3A_258 = arith.constant 4 : i32
        %add3A_259 = arith.addi %add3A_205, %add3A_258 : i32
        %add3A_260 = arith.addi %mul3A_6, %add3A_259 : i32
        %mul3A_261 = arith.constant 128 : i32
        %mul3A_262 = arith.muli %add3A_260, %mul3A_261 : i32
        %dma_start3A_263 = arith.constant 2 : i32
        %dma_start3A_264 = arith.constant 0 : i32
        %dma_start3A_265 = arith.constant 0 : i32
        %dma_start3A_266 = tpu.memref_slice %arg4[%dma_start3A_263, %dma_start3A_264, %dma_start3A_265] : memref<4x2x128xi32, #tpu.memory_space<vmem>> -> memref<1x2x128xi32, #tpu.memory_space<vmem>>
        %dma_start3A_267 = tpu.memref_squeeze %dma_start3A_266 : memref<1x2x128xi32, #tpu.memory_space<vmem>> -> memref<2x128xi32, #tpu.memory_space<vmem>>
        %dma_start3A_268 = arith.constant 0 : i32
        %dma_start3A_269 = tpu.memref_slice %arg2[%dma_start3A_268, %mul3A_262] : memref<2x320000xi32, #tpu.memory_space<hbm>> -> memref<2x128xi32, #tpu.memory_space<hbm>>
        %dma_start3A_270 = arith.constant 0 : i32
        %dma_start3A_271 = arith.constant 0 : i32
        %dma_start3A_272 = tpu.memref_slice %arg4[%dma_start3A_263, %dma_start3A_270, %dma_start3A_271] : memref<4x2x128xi32, #tpu.memory_space<vmem>> -> memref<1x2x128xi32, #tpu.memory_space<vmem>>
        %dma_start3A_273 = tpu.memref_squeeze %dma_start3A_272 : memref<1x2x128xi32, #tpu.memory_space<vmem>> -> memref<2x128xi32, #tpu.memory_space<vmem>>
        %dma_start3A_274 = arith.constant 0 : i32
        %dma_start3A_275 = tpu.memref_slice %arg2[%dma_start3A_274, %mul3A_262] : memref<2x320000xi32, #tpu.memory_space<hbm>> -> memref<2x128xi32, #tpu.memory_space<hbm>>
        tpu.enqueue_dma source(%dma_start3A_275 : memref<2x128xi32, #tpu.memory_space<hbm>>) target(%dma_start3A_273 : memref<2x128xi32, #tpu.memory_space<vmem>>) target_semaphore(%arg7 : memref<!tpu.dma_semaphore, #tpu.memory_space<semaphore_mem>>)
      } else {
      }
      %mul3A_230 = arith.constant 4 : i32
      %mul3A_231 = arith.muli %while3A_148, %mul3A_230 : i32
      %add3A_232 = arith.constant 3 : i32
      %add3A_233 = arith.addi %mul3A_231, %add3A_232 : i32
      %add3A_234 = arith.addi %mul3A_6, %add3A_233 : i32
      %mul3A_235 = arith.constant 128 : i32
      %mul3A_236 = arith.muli %add3A_234, %mul3A_235 : i32
      %dma_wait3A_237 = arith.constant 3 : i32
      %dma_wait3A_238 = arith.constant 0 : i32
      %dma_wait3A_239 = arith.constant 0 : i32
      %dma_wait3A_240 = tpu.memref_slice %arg4[%dma_wait3A_237, %dma_wait3A_238, %dma_wait3A_239] : memref<4x2x128xi32, #tpu.memory_space<vmem>> -> memref<1x2x128xi32, #tpu.memory_space<vmem>>
      %dma_wait3A_241 = tpu.memref_squeeze %dma_wait3A_240 : memref<1x2x128xi32, #tpu.memory_space<vmem>> -> memref<2x128xi32, #tpu.memory_space<vmem>>
      %dma_wait3A_242 = arith.constant 0 : i32
      %dma_wait3A_243 = tpu.memref_slice %arg2[%dma_wait3A_242, %mul3A_236] : memref<2x320000xi32, #tpu.memory_space<hbm>> -> memref<2x128xi32, #tpu.memory_space<hbm>>
      %dma_wait3A_244 = arith.constant 0 : i32
      %dma_wait3A_245 = arith.constant 0 : i32
      %dma_wait3A_246 = tpu.memref_slice %arg4[%dma_wait3A_237, %dma_wait3A_244, %dma_wait3A_245] : memref<4x2x128xi32, #tpu.memory_space<vmem>> -> memref<1x2x128xi32, #tpu.memory_space<vmem>>
      %dma_wait3A_247 = tpu.memref_squeeze %dma_wait3A_246 : memref<1x2x128xi32, #tpu.memory_space<vmem>> -> memref<2x128xi32, #tpu.memory_space<vmem>>
      %dma_wait3A_248 = arith.constant 0 : i32
      %dma_wait3A_249 = tpu.memref_slice %arg2[%dma_wait3A_248, %mul3A_236] : memref<2x320000xi32, #tpu.memory_space<hbm>> -> memref<2x128xi32, #tpu.memory_space<hbm>>
      tpu.wait_dma2 semaphore(%arg7 : memref<!tpu.dma_semaphore, #tpu.memory_space<semaphore_mem>>) src(%dma_wait3A_249 : memref<2x128xi32, #tpu.memory_space<hbm>>) dst(%dma_wait3A_247 : memref<2x128xi32, #tpu.memory_space<vmem>>)
      %run_scoped3A_250 = arith.constant 3 : i32
      %run_scoped3A_251 = arith.constant 1 : i32
      "tpu.region"() ({
        %run_scoped3A_258 = tpu.sem_alloc : memref<!tpu.dma_semaphore, #tpu.memory_space<semaphore_mem>>
        %dma_start3A_259 = arith.constant 0 : i32
        %dma_start3A_260 = tpu.memref_slice %arg4[%run_scoped3A_250, %run_scoped3A_251, %dma_start3A_259] : memref<4x2x128xi32, #tpu.memory_space<vmem>> -> memref<1x1x128xi32, #tpu.memory_space<vmem>>
        %dma_start3A_261 = tpu.memref_squeeze %dma_start3A_260 : memref<1x1x128xi32, #tpu.memory_space<vmem>> -> memref<128xi32, #tpu.memory_space<vmem>>
        %dma_start3A_262 = arith.constant 0 : i32
        %dma_start3A_263 = tpu.memref_slice %arg8[%dma_start3A_262] : memref<10240xf32, #tpu.memory_space<vmem_shared>> -> memref<10240xf32, #tpu.memory_space<vmem_shared>>
        tpu.enqueue_indirect_dma source(%arg5 : memref<128xf32, #tpu.memory_space<vmem>>) target(%dma_start3A_263 : memref<10240xf32, #tpu.memory_space<vmem_shared>>) offsets(%dma_start3A_261 : memref<128xi32, #tpu.memory_space<vmem>>) semaphore(%run_scoped3A_258 : memref<!tpu.dma_semaphore, #tpu.memory_space<semaphore_mem>>) {add = true}
        %dma_wait3A_264 = arith.constant 0 : i32
        %dma_wait3A_265 = tpu.memref_slice %arg4[%run_scoped3A_250, %run_scoped3A_251, %dma_wait3A_264] : memref<4x2x128xi32, #tpu.memory_space<vmem>> -> memref<1x1x128xi32, #tpu.memory_space<vmem>>
        %dma_wait3A_266 = tpu.memref_squeeze %dma_wait3A_265 : memref<1x1x128xi32, #tpu.memory_space<vmem>> -> memref<128xi32, #tpu.memory_space<vmem>>
        %dma_wait3A_267 = arith.constant 0 : i32
        %dma_wait3A_268 = tpu.memref_slice %arg8[%dma_wait3A_267] : memref<10240xf32, #tpu.memory_space<vmem_shared>> -> memref<10240xf32, #tpu.memory_space<vmem_shared>>
        tpu.wait_indirect_dma semaphore(%run_scoped3A_258 : memref<!tpu.dma_semaphore, #tpu.memory_space<semaphore_mem>>) src(%arg5 : memref<128xf32, #tpu.memory_space<vmem>>) dst(%dma_wait3A_268 : memref<10240xf32, #tpu.memory_space<vmem_shared>>)
        tpu.yield
      }) : () -> ()
      %add3A_252 = arith.constant 4 : i32
      %add3A_253 = arith.addi %add3A_233, %add3A_252 : i32
      %lt3A_254 = arith.cmpi slt, %add3A_253, %mul3A_11 : i32
      %convert_element_type3A_255 = arith.extui %lt3A_254 : i1 to i32
      %cond3A_256 = arith.constant 0 : i32
      %cond3A_257 = arith.cmpi ne, %convert_element_type3A_255, %cond3A_256 : i32
      scf.if %cond3A_257 {
        %add3A_258 = arith.constant 4 : i32
        %add3A_259 = arith.addi %add3A_233, %add3A_258 : i32
        %add3A_260 = arith.addi %mul3A_6, %add3A_259 : i32
        %mul3A_261 = arith.constant 128 : i32
        %mul3A_262 = arith.muli %add3A_260, %mul3A_261 : i32
        %dma_start3A_263 = arith.constant 3 : i32
        %dma_start3A_264 = arith.constant 0 : i32
        %dma_start3A_265 = arith.constant 0 : i32
        %dma_start3A_266 = tpu.memref_slice %arg4[%dma_start3A_263, %dma_start3A_264, %dma_start3A_265] : memref<4x2x128xi32, #tpu.memory_space<vmem>> -> memref<1x2x128xi32, #tpu.memory_space<vmem>>
        %dma_start3A_267 = tpu.memref_squeeze %dma_start3A_266 : memref<1x2x128xi32, #tpu.memory_space<vmem>> -> memref<2x128xi32, #tpu.memory_space<vmem>>
        %dma_start3A_268 = arith.constant 0 : i32
        %dma_start3A_269 = tpu.memref_slice %arg2[%dma_start3A_268, %mul3A_262] : memref<2x320000xi32, #tpu.memory_space<hbm>> -> memref<2x128xi32, #tpu.memory_space<hbm>>
        %dma_start3A_270 = arith.constant 0 : i32
        %dma_start3A_271 = arith.constant 0 : i32
        %dma_start3A_272 = tpu.memref_slice %arg4[%dma_start3A_263, %dma_start3A_270, %dma_start3A_271] : memref<4x2x128xi32, #tpu.memory_space<vmem>> -> memref<1x2x128xi32, #tpu.memory_space<vmem>>
        %dma_start3A_273 = tpu.memref_squeeze %dma_start3A_272 : memref<1x2x128xi32, #tpu.memory_space<vmem>> -> memref<2x128xi32, #tpu.memory_space<vmem>>
        %dma_start3A_274 = arith.constant 0 : i32
        %dma_start3A_275 = tpu.memref_slice %arg2[%dma_start3A_274, %mul3A_262] : memref<2x320000xi32, #tpu.memory_space<hbm>> -> memref<2x128xi32, #tpu.memory_space<hbm>>
        tpu.enqueue_dma source(%dma_start3A_275 : memref<2x128xi32, #tpu.memory_space<hbm>>) target(%dma_start3A_273 : memref<2x128xi32, #tpu.memory_space<vmem>>) target_semaphore(%arg7 : memref<!tpu.dma_semaphore, #tpu.memory_space<semaphore_mem>>)
      } else {
      }
    }
    %barrier3A_143 = arith.constant 0 : index
    tpu.barrier barrier_id(%barrier3A_143)
    %mul3A_144 = arith.constant 640 : i32
    %mul3A_145 = arith.muli %arg1, %mul3A_144 : i32
    %mul3A_146 = arith.constant 640 : i32
    %mul3A_147 = arith.muli %arg1, %mul3A_146 : i32
    "tpu.region"() ({
      %run_scoped3A = tpu.sem_alloc : memref<!tpu.dma_semaphore, #tpu.memory_space<semaphore_mem>>
      %dma_start3A_148 = tpu.memref_slice %arg3[%arg0, %mul3A_147] : memref<2x10240xf32, #tpu.memory_space<hbm>> -> memref<1x640xf32, #tpu.memory_space<hbm>>
      %dma_start3A_149 = tpu.memref_squeeze %dma_start3A_148 : memref<1x640xf32, #tpu.memory_space<hbm>> -> memref<640xf32, #tpu.memory_space<hbm>>
      %dma_start3A_150 = tpu.memref_slice %arg8[%mul3A_145] : memref<10240xf32, #tpu.memory_space<vmem_shared>> -> memref<640xf32, #tpu.memory_space<vmem_shared>>
      tpu.enqueue_dma source(%dma_start3A_150 : memref<640xf32, #tpu.memory_space<vmem_shared>>) target(%dma_start3A_149 : memref<640xf32, #tpu.memory_space<hbm>>) target_semaphore(%run_scoped3A : memref<!tpu.dma_semaphore, #tpu.memory_space<semaphore_mem>>)
      %dma_wait3A = tpu.memref_slice %arg3[%arg0, %mul3A_147] : memref<2x10240xf32, #tpu.memory_space<hbm>> -> memref<1x640xf32, #tpu.memory_space<hbm>>
      %dma_wait3A_151 = tpu.memref_squeeze %dma_wait3A : memref<1x640xf32, #tpu.memory_space<hbm>> -> memref<640xf32, #tpu.memory_space<hbm>>
      %dma_wait3A_152 = tpu.memref_slice %arg8[%mul3A_145] : memref<10240xf32, #tpu.memory_space<vmem_shared>> -> memref<640xf32, #tpu.memory_space<vmem_shared>>
      tpu.wait_dma2 semaphore(%run_scoped3A : memref<!tpu.dma_semaphore, #tpu.memory_space<semaphore_mem>>) src(%dma_wait3A_152 : memref<640xf32, #tpu.memory_space<vmem_shared>>) dst(%dma_wait3A_151 : memref<640xf32, #tpu.memory_space<hbm>>)
      tpu.yield
    }) : () -> ()
    return
  }
}

#map = affine_map<(d0, d1) -> (0, 0)>
module attributes {stable_mosaic.version = 14 : i64} {
  func.func @agg_kernel(%arg0: i32, %arg1: i32, %arg2: memref<10000x128xf32, #tpu.memory_space<hbm>>, %arg3: memref<2x320000xi32, #tpu.memory_space<hbm>>, %arg4: memref<10000x128xf32, #tpu.memory_space<hbm>>, %arg5: memref<10000x128xf32, #tpu.memory_space<hbm>>, %arg6: memref<4x2x128xi32, #tpu.memory_space<vmem>>, %arg7: memref<128x128xf32, #tpu.memory_space<vmem>>, %arg8: memref<128x128xf32, #tpu.memory_space<vmem>>, %arg9: memref<!tpu.dma_semaphore, #tpu.memory_space<semaphore_mem>>, %arg10: memref<!tpu.dma_semaphore, #tpu.memory_space<semaphore_mem>>, %arg11: memref<!tpu.dma_semaphore, #tpu.memory_space<semaphore_mem>>, %arg12: memref<10240x128xf32, #tpu.memory_space<vmem_shared>>) attributes {dimension_semantics = [#tpu.dimension_semantics<core_parallel>, #tpu.dimension_semantics<subcore_parallel>], iteration_bounds = array<i64: 2, 16>, scalar_prefetch = 0 : i64, scratch_operands = 7 : i64, tpu.core_type = #tpu.core_type<sc_vector_subcore>, window_params = [{transform_indices = #map}, {transform_indices = #map}, {transform_indices = #map}, {transform_indices = #map}]} {
    %mul3A = arith.constant 2 : i32
    %mul3A_0 = arith.muli %arg1, %mul3A : i32
    %add3A = arith.addi %mul3A_0, %arg0 : i32
    %mul3A_1 = arith.constant 19 : i32
    %mul3A_2 = arith.muli %add3A, %mul3A_1 : i32
    %min3A = arith.constant 17 : i32
    %min3A_3 = arith.minsi %add3A, %min3A : i32
    %add3A_4 = arith.addi %mul3A_2, %min3A_3 : i32
    %mul3A_5 = arith.constant 4 : i32
    %mul3A_6 = arith.muli %mul3A_5, %add3A_4 : i32
    %lt3A = arith.constant 17 : i32
    %lt3A_7 = arith.cmpi slt, %add3A, %lt3A : i32
    %convert_element_type3A = arith.extui %lt3A_7 : i1 to i32
    %add3A_8 = arith.constant 19 : i32
    %add3A_9 = arith.addi %add3A_8, %convert_element_type3A : i32
    %mul3A_10 = arith.constant 4 : i32
    %mul3A_11 = arith.muli %mul3A_10, %add3A_9 : i32
    %mul3A_12 = arith.constant 624 : i32
    %mul3A_13 = arith.muli %arg1, %mul3A_12 : i32
    %dma_start3A = arith.constant 0 : i32
    %dma_start3A_14 = tpu.memref_slice %arg12[%mul3A_13, %dma_start3A] : memref<10240x128xf32, #tpu.memory_space<vmem_shared>> -> memref<624x128xf32, #tpu.memory_space<vmem_shared>>
    %dma_start3A_15 = arith.constant 0 : i32
    %dma_start3A_16 = tpu.memref_slice %arg2[%mul3A_13, %dma_start3A_15] : memref<10000x128xf32, #tpu.memory_space<hbm>> -> memref<624x128xf32, #tpu.memory_space<hbm>>
    tpu.enqueue_dma source(%dma_start3A_16 : memref<624x128xf32, #tpu.memory_space<hbm>>) target(%dma_start3A_14 : memref<624x128xf32, #tpu.memory_space<vmem_shared>>) target_semaphore(%arg11 : memref<!tpu.dma_semaphore, #tpu.memory_space<semaphore_mem>>)
    %eq3A = arith.constant 15 : i32
    %eq3A_17 = arith.cmpi eq, %arg1, %eq3A : i32
    %convert_element_type3A_18 = arith.extui %eq3A_17 : i1 to i32
    %cond3A = arith.constant 0 : i32
    %cond3A_19 = arith.cmpi ne, %convert_element_type3A_18, %cond3A : i32
    scf.if %cond3A_19 {
      "tpu.region"() ({
        %run_scoped3A = tpu.sem_alloc : memref<!tpu.dma_semaphore, #tpu.memory_space<semaphore_mem>>
        %dma_start3A_176 = arith.constant 9984 : i32
        %dma_start3A_177 = arith.constant 0 : i32
        %dma_start3A_178 = tpu.memref_slice %arg12[%dma_start3A_176, %dma_start3A_177] : memref<10240x128xf32, #tpu.memory_space<vmem_shared>> -> memref<16x128xf32, #tpu.memory_space<vmem_shared>>
        %dma_start3A_179 = arith.constant 9984 : i32
        %dma_start3A_180 = arith.constant 0 : i32
        %dma_start3A_181 = tpu.memref_slice %arg2[%dma_start3A_179, %dma_start3A_180] : memref<10000x128xf32, #tpu.memory_space<hbm>> -> memref<16x128xf32, #tpu.memory_space<hbm>>
        tpu.enqueue_dma source(%dma_start3A_181 : memref<16x128xf32, #tpu.memory_space<hbm>>) target(%dma_start3A_178 : memref<16x128xf32, #tpu.memory_space<vmem_shared>>) target_semaphore(%run_scoped3A : memref<!tpu.dma_semaphore, #tpu.memory_space<semaphore_mem>>)
        %dma_wait3A_182 = arith.constant 9984 : i32
        %dma_wait3A_183 = arith.constant 0 : i32
        %dma_wait3A_184 = tpu.memref_slice %arg12[%dma_wait3A_182, %dma_wait3A_183] : memref<10240x128xf32, #tpu.memory_space<vmem_shared>> -> memref<16x128xf32, #tpu.memory_space<vmem_shared>>
        %dma_wait3A_185 = arith.constant 9984 : i32
        %dma_wait3A_186 = arith.constant 0 : i32
        %dma_wait3A_187 = tpu.memref_slice %arg2[%dma_wait3A_185, %dma_wait3A_186] : memref<10000x128xf32, #tpu.memory_space<hbm>> -> memref<16x128xf32, #tpu.memory_space<hbm>>
        tpu.wait_dma2 semaphore(%run_scoped3A : memref<!tpu.dma_semaphore, #tpu.memory_space<semaphore_mem>>) src(%dma_wait3A_187 : memref<16x128xf32, #tpu.memory_space<hbm>>) dst(%dma_wait3A_184 : memref<16x128xf32, #tpu.memory_space<vmem_shared>>)
        tpu.yield
      }) : () -> ()
    } else {
    }
    %add3A_20 = arith.constant 0 : i32
    %add3A_21 = arith.addi %mul3A_6, %add3A_20 : i32
    %mul3A_22 = arith.constant 128 : i32
    %mul3A_23 = arith.muli %add3A_21, %mul3A_22 : i32
    %dma_start3A_24 = arith.constant 0 : i32
    %dma_start3A_25 = arith.constant 0 : i32
    %dma_start3A_26 = arith.constant 0 : i32
    %dma_start3A_27 = tpu.memref_slice %arg6[%dma_start3A_24, %dma_start3A_25, %dma_start3A_26] : memref<4x2x128xi32, #tpu.memory_space<vmem>> -> memref<1x2x128xi32, #tpu.memory_space<vmem>>
    %dma_start3A_28 = tpu.memref_squeeze %dma_start3A_27 : memref<1x2x128xi32, #tpu.memory_space<vmem>> -> memref<2x128xi32, #tpu.memory_space<vmem>>
    %dma_start3A_29 = arith.constant 0 : i32
    %dma_start3A_30 = tpu.memref_slice %arg3[%dma_start3A_29, %mul3A_23] : memref<2x320000xi32, #tpu.memory_space<hbm>> -> memref<2x128xi32, #tpu.memory_space<hbm>>
    %dma_start3A_31 = arith.constant 0 : i32
    %dma_start3A_32 = arith.constant 0 : i32
    %dma_start3A_33 = tpu.memref_slice %arg6[%dma_start3A_24, %dma_start3A_31, %dma_start3A_32] : memref<4x2x128xi32, #tpu.memory_space<vmem>> -> memref<1x2x128xi32, #tpu.memory_space<vmem>>
    %dma_start3A_34 = tpu.memref_squeeze %dma_start3A_33 : memref<1x2x128xi32, #tpu.memory_space<vmem>> -> memref<2x128xi32, #tpu.memory_space<vmem>>
    %dma_start3A_35 = arith.constant 0 : i32
    %dma_start3A_36 = tpu.memref_slice %arg3[%dma_start3A_35, %mul3A_23] : memref<2x320000xi32, #tpu.memory_space<hbm>> -> memref<2x128xi32, #tpu.memory_space<hbm>>
    tpu.enqueue_dma source(%dma_start3A_36 : memref<2x128xi32, #tpu.memory_space<hbm>>) target(%dma_start3A_34 : memref<2x128xi32, #tpu.memory_space<vmem>>) target_semaphore(%arg10 : memref<!tpu.dma_semaphore, #tpu.memory_space<semaphore_mem>>)
    %add3A_37 = arith.constant 1 : i32
    %add3A_38 = arith.addi %mul3A_6, %add3A_37 : i32
    %mul3A_39 = arith.constant 128 : i32
    %mul3A_40 = arith.muli %add3A_38, %mul3A_39 : i32
    %dma_start3A_41 = arith.constant 1 : i32
    %dma_start3A_42 = arith.constant 0 : i32
    %dma_start3A_43 = arith.constant 0 : i32
    %dma_start3A_44 = tpu.memref_slice %arg6[%dma_start3A_41, %dma_start3A_42, %dma_start3A_43] : memref<4x2x128xi32, #tpu.memory_space<vmem>> -> memref<1x2x128xi32, #tpu.memory_space<vmem>>
    %dma_start3A_45 = tpu.memref_squeeze %dma_start3A_44 : memref<1x2x128xi32, #tpu.memory_space<vmem>> -> memref<2x128xi32, #tpu.memory_space<vmem>>
    %dma_start3A_46 = arith.constant 0 : i32
    %dma_start3A_47 = tpu.memref_slice %arg3[%dma_start3A_46, %mul3A_40] : memref<2x320000xi32, #tpu.memory_space<hbm>> -> memref<2x128xi32, #tpu.memory_space<hbm>>
    %dma_start3A_48 = arith.constant 0 : i32
    %dma_start3A_49 = arith.constant 0 : i32
    %dma_start3A_50 = tpu.memref_slice %arg6[%dma_start3A_41, %dma_start3A_48, %dma_start3A_49] : memref<4x2x128xi32, #tpu.memory_space<vmem>> -> memref<1x2x128xi32, #tpu.memory_space<vmem>>
    %dma_start3A_51 = tpu.memref_squeeze %dma_start3A_50 : memref<1x2x128xi32, #tpu.memory_space<vmem>> -> memref<2x128xi32, #tpu.memory_space<vmem>>
    %dma_start3A_52 = arith.constant 0 : i32
    %dma_start3A_53 = tpu.memref_slice %arg3[%dma_start3A_52, %mul3A_40] : memref<2x320000xi32, #tpu.memory_space<hbm>> -> memref<2x128xi32, #tpu.memory_space<hbm>>
    tpu.enqueue_dma source(%dma_start3A_53 : memref<2x128xi32, #tpu.memory_space<hbm>>) target(%dma_start3A_51 : memref<2x128xi32, #tpu.memory_space<vmem>>) target_semaphore(%arg10 : memref<!tpu.dma_semaphore, #tpu.memory_space<semaphore_mem>>)
    %add3A_54 = arith.constant 0 : i32
    %add3A_55 = arith.addi %mul3A_6, %add3A_54 : i32
    %mul3A_56 = arith.constant 128 : i32
    %mul3A_57 = arith.muli %add3A_55, %mul3A_56 : i32
    %dma_wait3A = arith.constant 0 : i32
    %dma_wait3A_58 = arith.constant 0 : i32
    %dma_wait3A_59 = arith.constant 0 : i32
    %dma_wait3A_60 = tpu.memref_slice %arg6[%dma_wait3A, %dma_wait3A_58, %dma_wait3A_59] : memref<4x2x128xi32, #tpu.memory_space<vmem>> -> memref<1x2x128xi32, #tpu.memory_space<vmem>>
    %dma_wait3A_61 = tpu.memref_squeeze %dma_wait3A_60 : memref<1x2x128xi32, #tpu.memory_space<vmem>> -> memref<2x128xi32, #tpu.memory_space<vmem>>
    %dma_wait3A_62 = arith.constant 0 : i32
    %dma_wait3A_63 = tpu.memref_slice %arg3[%dma_wait3A_62, %mul3A_57] : memref<2x320000xi32, #tpu.memory_space<hbm>> -> memref<2x128xi32, #tpu.memory_space<hbm>>
    %dma_wait3A_64 = arith.constant 0 : i32
    %dma_wait3A_65 = arith.constant 0 : i32
    %dma_wait3A_66 = tpu.memref_slice %arg6[%dma_wait3A, %dma_wait3A_64, %dma_wait3A_65] : memref<4x2x128xi32, #tpu.memory_space<vmem>> -> memref<1x2x128xi32, #tpu.memory_space<vmem>>
    %dma_wait3A_67 = tpu.memref_squeeze %dma_wait3A_66 : memref<1x2x128xi32, #tpu.memory_space<vmem>> -> memref<2x128xi32, #tpu.memory_space<vmem>>
    %dma_wait3A_68 = arith.constant 0 : i32
    %dma_wait3A_69 = tpu.memref_slice %arg3[%dma_wait3A_68, %mul3A_57] : memref<2x320000xi32, #tpu.memory_space<hbm>> -> memref<2x128xi32, #tpu.memory_space<hbm>>
    tpu.wait_dma2 semaphore(%arg10 : memref<!tpu.dma_semaphore, #tpu.memory_space<semaphore_mem>>) src(%dma_wait3A_69 : memref<2x128xi32, #tpu.memory_space<hbm>>) dst(%dma_wait3A_67 : memref<2x128xi32, #tpu.memory_space<vmem>>)
    %dma_start3A_70 = arith.constant 0 : i32
    %dma_start3A_71 = arith.constant 0 : i32
    %dma_start3A_72 = arith.constant 0 : i32
    %dma_start3A_73 = tpu.memref_slice %arg6[%dma_start3A_70, %dma_start3A_71, %dma_start3A_72] : memref<4x2x128xi32, #tpu.memory_space<vmem>> -> memref<1x1x128xi32, #tpu.memory_space<vmem>>
    %dma_start3A_74 = tpu.memref_squeeze %dma_start3A_73 : memref<1x1x128xi32, #tpu.memory_space<vmem>> -> memref<128xi32, #tpu.memory_space<vmem>>
    %dma_start3A_75 = arith.constant 0 : i32
    %dma_start3A_76 = arith.constant 0 : i32
    %dma_start3A_77 = tpu.memref_slice %arg2[%dma_start3A_75, %dma_start3A_76] : memref<10000x128xf32, #tpu.memory_space<hbm>> -> memref<10000x128xf32, #tpu.memory_space<hbm>>
    tpu.enqueue_indirect_dma source(%dma_start3A_77 : memref<10000x128xf32, #tpu.memory_space<hbm>>) target(%arg7 : memref<128x128xf32, #tpu.memory_space<vmem>>) offsets(%dma_start3A_74 : memref<128xi32, #tpu.memory_space<vmem>>) semaphore(%arg9 : memref<!tpu.dma_semaphore, #tpu.memory_space<semaphore_mem>>)
    %add3A_78 = arith.constant 2 : i32
    %add3A_79 = arith.addi %mul3A_6, %add3A_78 : i32
    %mul3A_80 = arith.constant 128 : i32
    %mul3A_81 = arith.muli %add3A_79, %mul3A_80 : i32
    %dma_start3A_82 = arith.constant 2 : i32
    %dma_start3A_83 = arith.constant 0 : i32
    %dma_start3A_84 = arith.constant 0 : i32
    %dma_start3A_85 = tpu.memref_slice %arg6[%dma_start3A_82, %dma_start3A_83, %dma_start3A_84] : memref<4x2x128xi32, #tpu.memory_space<vmem>> -> memref<1x2x128xi32, #tpu.memory_space<vmem>>
    %dma_start3A_86 = tpu.memref_squeeze %dma_start3A_85 : memref<1x2x128xi32, #tpu.memory_space<vmem>> -> memref<2x128xi32, #tpu.memory_space<vmem>>
    %dma_start3A_87 = arith.constant 0 : i32
    %dma_start3A_88 = tpu.memref_slice %arg3[%dma_start3A_87, %mul3A_81] : memref<2x320000xi32, #tpu.memory_space<hbm>> -> memref<2x128xi32, #tpu.memory_space<hbm>>
    %dma_start3A_89 = arith.constant 0 : i32
    %dma_start3A_90 = arith.constant 0 : i32
    %dma_start3A_91 = tpu.memref_slice %arg6[%dma_start3A_82, %dma_start3A_89, %dma_start3A_90] : memref<4x2x128xi32, #tpu.memory_space<vmem>> -> memref<1x2x128xi32, #tpu.memory_space<vmem>>
    %dma_start3A_92 = tpu.memref_squeeze %dma_start3A_91 : memref<1x2x128xi32, #tpu.memory_space<vmem>> -> memref<2x128xi32, #tpu.memory_space<vmem>>
    %dma_start3A_93 = arith.constant 0 : i32
    %dma_start3A_94 = tpu.memref_slice %arg3[%dma_start3A_93, %mul3A_81] : memref<2x320000xi32, #tpu.memory_space<hbm>> -> memref<2x128xi32, #tpu.memory_space<hbm>>
    tpu.enqueue_dma source(%dma_start3A_94 : memref<2x128xi32, #tpu.memory_space<hbm>>) target(%dma_start3A_92 : memref<2x128xi32, #tpu.memory_space<vmem>>) target_semaphore(%arg10 : memref<!tpu.dma_semaphore, #tpu.memory_space<semaphore_mem>>)
    %add3A_95 = arith.constant 1 : i32
    %add3A_96 = arith.addi %mul3A_6, %add3A_95 : i32
    %mul3A_97 = arith.constant 128 : i32
    %mul3A_98 = arith.muli %add3A_96, %mul3A_97 : i32
    %dma_wait3A_99 = arith.constant 1 : i32
    %dma_wait3A_100 = arith.constant 0 : i32
    %dma_wait3A_101 = arith.constant 0 : i32
    %dma_wait3A_102 = tpu.memref_slice %arg6[%dma_wait3A_99, %dma_wait3A_100, %dma_wait3A_101] : memref<4x2x128xi32, #tpu.memory_space<vmem>> -> memref<1x2x128xi32, #tpu.memory_space<vmem>>
    %dma_wait3A_103 = tpu.memref_squeeze %dma_wait3A_102 : memref<1x2x128xi32, #tpu.memory_space<vmem>> -> memref<2x128xi32, #tpu.memory_space<vmem>>
    %dma_wait3A_104 = arith.constant 0 : i32
    %dma_wait3A_105 = tpu.memref_slice %arg3[%dma_wait3A_104, %mul3A_98] : memref<2x320000xi32, #tpu.memory_space<hbm>> -> memref<2x128xi32, #tpu.memory_space<hbm>>
    %dma_wait3A_106 = arith.constant 0 : i32
    %dma_wait3A_107 = arith.constant 0 : i32
    %dma_wait3A_108 = tpu.memref_slice %arg6[%dma_wait3A_99, %dma_wait3A_106, %dma_wait3A_107] : memref<4x2x128xi32, #tpu.memory_space<vmem>> -> memref<1x2x128xi32, #tpu.memory_space<vmem>>
    %dma_wait3A_109 = tpu.memref_squeeze %dma_wait3A_108 : memref<1x2x128xi32, #tpu.memory_space<vmem>> -> memref<2x128xi32, #tpu.memory_space<vmem>>
    %dma_wait3A_110 = arith.constant 0 : i32
    %dma_wait3A_111 = tpu.memref_slice %arg3[%dma_wait3A_110, %mul3A_98] : memref<2x320000xi32, #tpu.memory_space<hbm>> -> memref<2x128xi32, #tpu.memory_space<hbm>>
    tpu.wait_dma2 semaphore(%arg10 : memref<!tpu.dma_semaphore, #tpu.memory_space<semaphore_mem>>) src(%dma_wait3A_111 : memref<2x128xi32, #tpu.memory_space<hbm>>) dst(%dma_wait3A_109 : memref<2x128xi32, #tpu.memory_space<vmem>>)
    %dma_start3A_112 = arith.constant 1 : i32
    %dma_start3A_113 = arith.constant 0 : i32
    %dma_start3A_114 = arith.constant 0 : i32
    %dma_start3A_115 = tpu.memref_slice %arg6[%dma_start3A_112, %dma_start3A_113, %dma_start3A_114] : memref<4x2x128xi32, #tpu.memory_space<vmem>> -> memref<1x1x128xi32, #tpu.memory_space<vmem>>
    %dma_start3A_116 = tpu.memref_squeeze %dma_start3A_115 : memref<1x1x128xi32, #tpu.memory_space<vmem>> -> memref<128xi32, #tpu.memory_space<vmem>>
    %dma_start3A_117 = arith.constant 0 : i32
    %dma_start3A_118 = arith.constant 0 : i32
    %dma_start3A_119 = tpu.memref_slice %arg2[%dma_start3A_117, %dma_start3A_118] : memref<10000x128xf32, #tpu.memory_space<hbm>> -> memref<10000x128xf32, #tpu.memory_space<hbm>>
    tpu.enqueue_indirect_dma source(%dma_start3A_119 : memref<10000x128xf32, #tpu.memory_space<hbm>>) target(%arg8 : memref<128x128xf32, #tpu.memory_space<vmem>>) offsets(%dma_start3A_116 : memref<128xi32, #tpu.memory_space<vmem>>) semaphore(%arg9 : memref<!tpu.dma_semaphore, #tpu.memory_space<semaphore_mem>>)
    %add3A_120 = arith.constant 3 : i32
    %add3A_121 = arith.addi %mul3A_6, %add3A_120 : i32
    %mul3A_122 = arith.constant 128 : i32
    %mul3A_123 = arith.muli %add3A_121, %mul3A_122 : i32
    %dma_start3A_124 = arith.constant 3 : i32
    %dma_start3A_125 = arith.constant 0 : i32
    %dma_start3A_126 = arith.constant 0 : i32
    %dma_start3A_127 = tpu.memref_slice %arg6[%dma_start3A_124, %dma_start3A_125, %dma_start3A_126] : memref<4x2x128xi32, #tpu.memory_space<vmem>> -> memref<1x2x128xi32, #tpu.memory_space<vmem>>
    %dma_start3A_128 = tpu.memref_squeeze %dma_start3A_127 : memref<1x2x128xi32, #tpu.memory_space<vmem>> -> memref<2x128xi32, #tpu.memory_space<vmem>>
    %dma_start3A_129 = arith.constant 0 : i32
    %dma_start3A_130 = tpu.memref_slice %arg3[%dma_start3A_129, %mul3A_123] : memref<2x320000xi32, #tpu.memory_space<hbm>> -> memref<2x128xi32, #tpu.memory_space<hbm>>
    %dma_start3A_131 = arith.constant 0 : i32
    %dma_start3A_132 = arith.constant 0 : i32
    %dma_start3A_133 = tpu.memref_slice %arg6[%dma_start3A_124, %dma_start3A_131, %dma_start3A_132] : memref<4x2x128xi32, #tpu.memory_space<vmem>> -> memref<1x2x128xi32, #tpu.memory_space<vmem>>
    %dma_start3A_134 = tpu.memref_squeeze %dma_start3A_133 : memref<1x2x128xi32, #tpu.memory_space<vmem>> -> memref<2x128xi32, #tpu.memory_space<vmem>>
    %dma_start3A_135 = arith.constant 0 : i32
    %dma_start3A_136 = tpu.memref_slice %arg3[%dma_start3A_135, %mul3A_123] : memref<2x320000xi32, #tpu.memory_space<hbm>> -> memref<2x128xi32, #tpu.memory_space<hbm>>
    tpu.enqueue_dma source(%dma_start3A_136 : memref<2x128xi32, #tpu.memory_space<hbm>>) target(%dma_start3A_134 : memref<2x128xi32, #tpu.memory_space<vmem>>) target_semaphore(%arg10 : memref<!tpu.dma_semaphore, #tpu.memory_space<semaphore_mem>>)
    %dma_wait3A_137 = arith.constant 0 : i32
    %dma_wait3A_138 = tpu.memref_slice %arg12[%mul3A_13, %dma_wait3A_137] : memref<10240x128xf32, #tpu.memory_space<vmem_shared>> -> memref<624x128xf32, #tpu.memory_space<vmem_shared>>
    %dma_wait3A_139 = arith.constant 0 : i32
    %dma_wait3A_140 = tpu.memref_slice %arg2[%mul3A_13, %dma_wait3A_139] : memref<10000x128xf32, #tpu.memory_space<hbm>> -> memref<624x128xf32, #tpu.memory_space<hbm>>
    tpu.wait_dma2 semaphore(%arg11 : memref<!tpu.dma_semaphore, #tpu.memory_space<semaphore_mem>>) src(%dma_wait3A_140 : memref<624x128xf32, #tpu.memory_space<hbm>>) dst(%dma_wait3A_138 : memref<624x128xf32, #tpu.memory_space<vmem_shared>>)
    %barrier3A = arith.constant 0 : index
    tpu.barrier barrier_id(%barrier3A)
    %jit3A = arith.constant 4 : i32
    %div3A = arith.divsi %mul3A_11, %jit3A : i32
    %sign3A = arith.constant 0 : i32
    %sign3A_141 = arith.cmpi sgt, %mul3A_11, %sign3A : i32
    %sign3A_142 = arith.extui %sign3A_141 : i1 to i32
    %sign3A_143 = arith.constant 0 : i32
    %sign3A_144 = arith.cmpi slt, %mul3A_11, %sign3A_143 : i32
    %sign3A_145 = arith.extui %sign3A_144 : i1 to i32
    %sign3A_146 = arith.subi %sign3A_142, %sign3A_145 : i32
    %sign3A_147 = arith.constant 0 : i32
    %sign3A_148 = arith.cmpi sgt, %jit3A, %sign3A_147 : i32
    %sign3A_149 = arith.extui %sign3A_148 : i1 to i32
    %sign3A_150 = arith.constant 0 : i32
    %sign3A_151 = arith.cmpi slt, %jit3A, %sign3A_150 : i32
    %sign3A_152 = arith.extui %sign3A_151 : i1 to i32
    %sign3A_153 = arith.subi %sign3A_149, %sign3A_152 : i32
    %ne3A = arith.cmpi ne, %sign3A_146, %sign3A_153 : i32
    %rem3A = arith.remsi %mul3A_11, %jit3A : i32
    %ne3A_154 = arith.constant 0 : i32
    %ne3A_155 = arith.cmpi ne, %rem3A, %ne3A_154 : i32
    %and3A = arith.andi %ne3A, %ne3A_155 : i1
    %sub3A = arith.constant 1 : i32
    %sub3A_156 = arith.subi %div3A, %sub3A : i32
    %select_n3A = arith.select %and3A, %sub3A_156, %div3A : i32
    %while3A = arith.constant 0 : i32
    %while3A_157 = arith.subi %select_n3A, %while3A : i32
    %while3A_158 = arith.addi %while3A, %while3A_157 : i32
    %while3A_159 = arith.constant 1 : i32
    %while3A_160 = arith.divsi %while3A_157, %while3A_159 : i32
    %while3A_161 = arith.muli %while3A_160, %while3A_159 : i32
    %while3A_162 = arith.addi %while3A, %while3A_161 : i32
    %while3A_163 = arith.constant 1 : i32
    scf.for %while3A_176 = %while3A to %while3A_162 step %while3A_163  : i32 {
      %mul3A_177 = arith.constant 4 : i32
      %mul3A_178 = arith.muli %while3A_176, %mul3A_177 : i32
      %add3A_179 = arith.constant 0 : i32
      %add3A_180 = arith.addi %mul3A_178, %add3A_179 : i32
      %dma_wait3A_181 = arith.constant 0 : i32
      %dma_wait3A_182 = arith.constant 0 : i32
      %dma_wait3A_183 = arith.constant 0 : i32
      %dma_wait3A_184 = tpu.memref_slice %arg6[%dma_wait3A_181, %dma_wait3A_182, %dma_wait3A_183] : memref<4x2x128xi32, #tpu.memory_space<vmem>> -> memref<1x1x128xi32, #tpu.memory_space<vmem>>
      %dma_wait3A_185 = tpu.memref_squeeze %dma_wait3A_184 : memref<1x1x128xi32, #tpu.memory_space<vmem>> -> memref<128xi32, #tpu.memory_space<vmem>>
      %dma_wait3A_186 = arith.constant 0 : i32
      %dma_wait3A_187 = arith.constant 0 : i32
      %dma_wait3A_188 = tpu.memref_slice %arg2[%dma_wait3A_186, %dma_wait3A_187] : memref<10000x128xf32, #tpu.memory_space<hbm>> -> memref<10000x128xf32, #tpu.memory_space<hbm>>
      tpu.wait_indirect_dma semaphore(%arg9 : memref<!tpu.dma_semaphore, #tpu.memory_space<semaphore_mem>>) src(%dma_wait3A_188 : memref<10000x128xf32, #tpu.memory_space<hbm>>) dst(%arg7 : memref<128x128xf32, #tpu.memory_space<vmem>>)
      %run_scoped3A = arith.constant 0 : i32
      %run_scoped3A_189 = arith.constant 1 : i32
      "tpu.region"() ({
        %run_scoped3A_280 = tpu.sem_alloc : memref<!tpu.dma_semaphore, #tpu.memory_space<semaphore_mem>>
        %dma_start3A_281 = arith.constant 0 : i32
        %dma_start3A_282 = tpu.memref_slice %arg6[%run_scoped3A, %run_scoped3A_189, %dma_start3A_281] : memref<4x2x128xi32, #tpu.memory_space<vmem>> -> memref<1x1x128xi32, #tpu.memory_space<vmem>>
        %dma_start3A_283 = tpu.memref_squeeze %dma_start3A_282 : memref<1x1x128xi32, #tpu.memory_space<vmem>> -> memref<128xi32, #tpu.memory_space<vmem>>
        %dma_start3A_284 = arith.constant 0 : i32
        %dma_start3A_285 = arith.constant 0 : i32
        %dma_start3A_286 = tpu.memref_slice %arg12[%dma_start3A_284, %dma_start3A_285] : memref<10240x128xf32, #tpu.memory_space<vmem_shared>> -> memref<10240x128xf32, #tpu.memory_space<vmem_shared>>
        tpu.enqueue_indirect_dma source(%arg7 : memref<128x128xf32, #tpu.memory_space<vmem>>) target(%dma_start3A_286 : memref<10240x128xf32, #tpu.memory_space<vmem_shared>>) offsets(%dma_start3A_283 : memref<128xi32, #tpu.memory_space<vmem>>) semaphore(%run_scoped3A_280 : memref<!tpu.dma_semaphore, #tpu.memory_space<semaphore_mem>>) {add = true}
        %dma_wait3A_287 = arith.constant 0 : i32
        %dma_wait3A_288 = tpu.memref_slice %arg6[%run_scoped3A, %run_scoped3A_189, %dma_wait3A_287] : memref<4x2x128xi32, #tpu.memory_space<vmem>> -> memref<1x1x128xi32, #tpu.memory_space<vmem>>
        %dma_wait3A_289 = tpu.memref_squeeze %dma_wait3A_288 : memref<1x1x128xi32, #tpu.memory_space<vmem>> -> memref<128xi32, #tpu.memory_space<vmem>>
        %dma_wait3A_290 = arith.constant 0 : i32
        %dma_wait3A_291 = arith.constant 0 : i32
        %dma_wait3A_292 = tpu.memref_slice %arg12[%dma_wait3A_290, %dma_wait3A_291] : memref<10240x128xf32, #tpu.memory_space<vmem_shared>> -> memref<10240x128xf32, #tpu.memory_space<vmem_shared>>
        tpu.wait_indirect_dma semaphore(%run_scoped3A_280 : memref<!tpu.dma_semaphore, #tpu.memory_space<semaphore_mem>>) src(%arg7 : memref<128x128xf32, #tpu.memory_space<vmem>>) dst(%dma_wait3A_292 : memref<10240x128xf32, #tpu.memory_space<vmem_shared>>)
        tpu.yield
      }) : () -> ()
      %add3A_190 = arith.constant 4 : i32
      %add3A_191 = arith.addi %add3A_180, %add3A_190 : i32
      %lt3A_192 = arith.cmpi slt, %add3A_191, %mul3A_11 : i32
      %convert_element_type3A_193 = arith.extui %lt3A_192 : i1 to i32
      %cond3A_194 = arith.constant 0 : i32
      %cond3A_195 = arith.cmpi ne, %convert_element_type3A_193, %cond3A_194 : i32
      scf.if %cond3A_195 {
        %add3A_280 = arith.constant 4 : i32
        %add3A_281 = arith.addi %add3A_180, %add3A_280 : i32
        %add3A_282 = arith.addi %mul3A_6, %add3A_281 : i32
        %mul3A_283 = arith.constant 128 : i32
        %mul3A_284 = arith.muli %add3A_282, %mul3A_283 : i32
        %dma_start3A_285 = arith.constant 0 : i32
        %dma_start3A_286 = arith.constant 0 : i32
        %dma_start3A_287 = arith.constant 0 : i32
        %dma_start3A_288 = tpu.memref_slice %arg6[%dma_start3A_285, %dma_start3A_286, %dma_start3A_287] : memref<4x2x128xi32, #tpu.memory_space<vmem>> -> memref<1x2x128xi32, #tpu.memory_space<vmem>>
        %dma_start3A_289 = tpu.memref_squeeze %dma_start3A_288 : memref<1x2x128xi32, #tpu.memory_space<vmem>> -> memref<2x128xi32, #tpu.memory_space<vmem>>
        %dma_start3A_290 = arith.constant 0 : i32
        %dma_start3A_291 = tpu.memref_slice %arg3[%dma_start3A_290, %mul3A_284] : memref<2x320000xi32, #tpu.memory_space<hbm>> -> memref<2x128xi32, #tpu.memory_space<hbm>>
        %dma_start3A_292 = arith.constant 0 : i32
        %dma_start3A_293 = arith.constant 0 : i32
        %dma_start3A_294 = tpu.memref_slice %arg6[%dma_start3A_285, %dma_start3A_292, %dma_start3A_293] : memref<4x2x128xi32, #tpu.memory_space<vmem>> -> memref<1x2x128xi32, #tpu.memory_space<vmem>>
        %dma_start3A_295 = tpu.memref_squeeze %dma_start3A_294 : memref<1x2x128xi32, #tpu.memory_space<vmem>> -> memref<2x128xi32, #tpu.memory_space<vmem>>
        %dma_start3A_296 = arith.constant 0 : i32
        %dma_start3A_297 = tpu.memref_slice %arg3[%dma_start3A_296, %mul3A_284] : memref<2x320000xi32, #tpu.memory_space<hbm>> -> memref<2x128xi32, #tpu.memory_space<hbm>>
        tpu.enqueue_dma source(%dma_start3A_297 : memref<2x128xi32, #tpu.memory_space<hbm>>) target(%dma_start3A_295 : memref<2x128xi32, #tpu.memory_space<vmem>>) target_semaphore(%arg10 : memref<!tpu.dma_semaphore, #tpu.memory_space<semaphore_mem>>)
      } else {
      }
      %add3A_196 = arith.constant 2 : i32
      %add3A_197 = arith.addi %add3A_180, %add3A_196 : i32
      %lt3A_198 = arith.cmpi slt, %add3A_197, %mul3A_11 : i32
      %convert_element_type3A_199 = arith.extui %lt3A_198 : i1 to i32
      %cond3A_200 = arith.constant 0 : i32
      %cond3A_201 = arith.cmpi ne, %convert_element_type3A_199, %cond3A_200 : i32
      scf.if %cond3A_201 {
        %add3A_280 = arith.constant 2 : i32
        %add3A_281 = arith.addi %add3A_180, %add3A_280 : i32
        %add3A_282 = arith.addi %mul3A_6, %add3A_281 : i32
        %mul3A_283 = arith.constant 128 : i32
        %mul3A_284 = arith.muli %add3A_282, %mul3A_283 : i32
        %dma_wait3A_285 = arith.constant 2 : i32
        %dma_wait3A_286 = arith.constant 0 : i32
        %dma_wait3A_287 = arith.constant 0 : i32
        %dma_wait3A_288 = tpu.memref_slice %arg6[%dma_wait3A_285, %dma_wait3A_286, %dma_wait3A_287] : memref<4x2x128xi32, #tpu.memory_space<vmem>> -> memref<1x2x128xi32, #tpu.memory_space<vmem>>
        %dma_wait3A_289 = tpu.memref_squeeze %dma_wait3A_288 : memref<1x2x128xi32, #tpu.memory_space<vmem>> -> memref<2x128xi32, #tpu.memory_space<vmem>>
        %dma_wait3A_290 = arith.constant 0 : i32
        %dma_wait3A_291 = tpu.memref_slice %arg3[%dma_wait3A_290, %mul3A_284] : memref<2x320000xi32, #tpu.memory_space<hbm>> -> memref<2x128xi32, #tpu.memory_space<hbm>>
        %dma_wait3A_292 = arith.constant 0 : i32
        %dma_wait3A_293 = arith.constant 0 : i32
        %dma_wait3A_294 = tpu.memref_slice %arg6[%dma_wait3A_285, %dma_wait3A_292, %dma_wait3A_293] : memref<4x2x128xi32, #tpu.memory_space<vmem>> -> memref<1x2x128xi32, #tpu.memory_space<vmem>>
        %dma_wait3A_295 = tpu.memref_squeeze %dma_wait3A_294 : memref<1x2x128xi32, #tpu.memory_space<vmem>> -> memref<2x128xi32, #tpu.memory_space<vmem>>
        %dma_wait3A_296 = arith.constant 0 : i32
        %dma_wait3A_297 = tpu.memref_slice %arg3[%dma_wait3A_296, %mul3A_284] : memref<2x320000xi32, #tpu.memory_space<hbm>> -> memref<2x128xi32, #tpu.memory_space<hbm>>
        tpu.wait_dma2 semaphore(%arg10 : memref<!tpu.dma_semaphore, #tpu.memory_space<semaphore_mem>>) src(%dma_wait3A_297 : memref<2x128xi32, #tpu.memory_space<hbm>>) dst(%dma_wait3A_295 : memref<2x128xi32, #tpu.memory_space<vmem>>)
        %dma_start3A_298 = arith.constant 2 : i32
        %dma_start3A_299 = arith.constant 0 : i32
        %dma_start3A_300 = arith.constant 0 : i32
        %dma_start3A_301 = tpu.memref_slice %arg6[%dma_start3A_298, %dma_start3A_299, %dma_start3A_300] : memref<4x2x128xi32, #tpu.memory_space<vmem>> -> memref<1x1x128xi32, #tpu.memory_space<vmem>>
        %dma_start3A_302 = tpu.memref_squeeze %dma_start3A_301 : memref<1x1x128xi32, #tpu.memory_space<vmem>> -> memref<128xi32, #tpu.memory_space<vmem>>
        %dma_start3A_303 = arith.constant 0 : i32
        %dma_start3A_304 = arith.constant 0 : i32
        %dma_start3A_305 = tpu.memref_slice %arg2[%dma_start3A_303, %dma_start3A_304] : memref<10000x128xf32, #tpu.memory_space<hbm>> -> memref<10000x128xf32, #tpu.memory_space<hbm>>
        tpu.enqueue_indirect_dma source(%dma_start3A_305 : memref<10000x128xf32, #tpu.memory_space<hbm>>) target(%arg7 : memref<128x128xf32, #tpu.memory_space<vmem>>) offsets(%dma_start3A_302 : memref<128xi32, #tpu.memory_space<vmem>>) semaphore(%arg9 : memref<!tpu.dma_semaphore, #tpu.memory_space<semaphore_mem>>)
      } else {
      }
      %mul3A_202 = arith.constant 4 : i32
      %mul3A_203 = arith.muli %while3A_176, %mul3A_202 : i32
      %add3A_204 = arith.constant 1 : i32
      %add3A_205 = arith.addi %mul3A_203, %add3A_204 : i32
      %dma_wait3A_206 = arith.constant 1 : i32
      %dma_wait3A_207 = arith.constant 0 : i32
      %dma_wait3A_208 = arith.constant 0 : i32
      %dma_wait3A_209 = tpu.memref_slice %arg6[%dma_wait3A_206, %dma_wait3A_207, %dma_wait3A_208] : memref<4x2x128xi32, #tpu.memory_space<vmem>> -> memref<1x1x128xi32, #tpu.memory_space<vmem>>
      %dma_wait3A_210 = tpu.memref_squeeze %dma_wait3A_209 : memref<1x1x128xi32, #tpu.memory_space<vmem>> -> memref<128xi32, #tpu.memory_space<vmem>>
      %dma_wait3A_211 = arith.constant 0 : i32
      %dma_wait3A_212 = arith.constant 0 : i32
      %dma_wait3A_213 = tpu.memref_slice %arg2[%dma_wait3A_211, %dma_wait3A_212] : memref<10000x128xf32, #tpu.memory_space<hbm>> -> memref<10000x128xf32, #tpu.memory_space<hbm>>
      tpu.wait_indirect_dma semaphore(%arg9 : memref<!tpu.dma_semaphore, #tpu.memory_space<semaphore_mem>>) src(%dma_wait3A_213 : memref<10000x128xf32, #tpu.memory_space<hbm>>) dst(%arg8 : memref<128x128xf32, #tpu.memory_space<vmem>>)
      %run_scoped3A_214 = arith.constant 1 : i32
      %run_scoped3A_215 = arith.constant 1 : i32
      "tpu.region"() ({
        %run_scoped3A_280 = tpu.sem_alloc : memref<!tpu.dma_semaphore, #tpu.memory_space<semaphore_mem>>
        %dma_start3A_281 = arith.constant 0 : i32
        %dma_start3A_282 = tpu.memref_slice %arg6[%run_scoped3A_214, %run_scoped3A_215, %dma_start3A_281] : memref<4x2x128xi32, #tpu.memory_space<vmem>> -> memref<1x1x128xi32, #tpu.memory_space<vmem>>
        %dma_start3A_283 = tpu.memref_squeeze %dma_start3A_282 : memref<1x1x128xi32, #tpu.memory_space<vmem>> -> memref<128xi32, #tpu.memory_space<vmem>>
        %dma_start3A_284 = arith.constant 0 : i32
        %dma_start3A_285 = arith.constant 0 : i32
        %dma_start3A_286 = tpu.memref_slice %arg12[%dma_start3A_284, %dma_start3A_285] : memref<10240x128xf32, #tpu.memory_space<vmem_shared>> -> memref<10240x128xf32, #tpu.memory_space<vmem_shared>>
        tpu.enqueue_indirect_dma source(%arg8 : memref<128x128xf32, #tpu.memory_space<vmem>>) target(%dma_start3A_286 : memref<10240x128xf32, #tpu.memory_space<vmem_shared>>) offsets(%dma_start3A_283 : memref<128xi32, #tpu.memory_space<vmem>>) semaphore(%run_scoped3A_280 : memref<!tpu.dma_semaphore, #tpu.memory_space<semaphore_mem>>) {add = true}
        %dma_wait3A_287 = arith.constant 0 : i32
        %dma_wait3A_288 = tpu.memref_slice %arg6[%run_scoped3A_214, %run_scoped3A_215, %dma_wait3A_287] : memref<4x2x128xi32, #tpu.memory_space<vmem>> -> memref<1x1x128xi32, #tpu.memory_space<vmem>>
        %dma_wait3A_289 = tpu.memref_squeeze %dma_wait3A_288 : memref<1x1x128xi32, #tpu.memory_space<vmem>> -> memref<128xi32, #tpu.memory_space<vmem>>
        %dma_wait3A_290 = arith.constant 0 : i32
        %dma_wait3A_291 = arith.constant 0 : i32
        %dma_wait3A_292 = tpu.memref_slice %arg12[%dma_wait3A_290, %dma_wait3A_291] : memref<10240x128xf32, #tpu.memory_space<vmem_shared>> -> memref<10240x128xf32, #tpu.memory_space<vmem_shared>>
        tpu.wait_indirect_dma semaphore(%run_scoped3A_280 : memref<!tpu.dma_semaphore, #tpu.memory_space<semaphore_mem>>) src(%arg8 : memref<128x128xf32, #tpu.memory_space<vmem>>) dst(%dma_wait3A_292 : memref<10240x128xf32, #tpu.memory_space<vmem_shared>>)
        tpu.yield
      }) : () -> ()
      %add3A_216 = arith.constant 4 : i32
      %add3A_217 = arith.addi %add3A_205, %add3A_216 : i32
      %lt3A_218 = arith.cmpi slt, %add3A_217, %mul3A_11 : i32
      %convert_element_type3A_219 = arith.extui %lt3A_218 : i1 to i32
      %cond3A_220 = arith.constant 0 : i32
      %cond3A_221 = arith.cmpi ne, %convert_element_type3A_219, %cond3A_220 : i32
      scf.if %cond3A_221 {
        %add3A_280 = arith.constant 4 : i32
        %add3A_281 = arith.addi %add3A_205, %add3A_280 : i32
        %add3A_282 = arith.addi %mul3A_6, %add3A_281 : i32
        %mul3A_283 = arith.constant 128 : i32
        %mul3A_284 = arith.muli %add3A_282, %mul3A_283 : i32
        %dma_start3A_285 = arith.constant 1 : i32
        %dma_start3A_286 = arith.constant 0 : i32
        %dma_start3A_287 = arith.constant 0 : i32
        %dma_start3A_288 = tpu.memref_slice %arg6[%dma_start3A_285, %dma_start3A_286, %dma_start3A_287] : memref<4x2x128xi32, #tpu.memory_space<vmem>> -> memref<1x2x128xi32, #tpu.memory_space<vmem>>
        %dma_start3A_289 = tpu.memref_squeeze %dma_start3A_288 : memref<1x2x128xi32, #tpu.memory_space<vmem>> -> memref<2x128xi32, #tpu.memory_space<vmem>>
        %dma_start3A_290 = arith.constant 0 : i32
        %dma_start3A_291 = tpu.memref_slice %arg3[%dma_start3A_290, %mul3A_284] : memref<2x320000xi32, #tpu.memory_space<hbm>> -> memref<2x128xi32, #tpu.memory_space<hbm>>
        %dma_start3A_292 = arith.constant 0 : i32
        %dma_start3A_293 = arith.constant 0 : i32
        %dma_start3A_294 = tpu.memref_slice %arg6[%dma_start3A_285, %dma_start3A_292, %dma_start3A_293] : memref<4x2x128xi32, #tpu.memory_space<vmem>> -> memref<1x2x128xi32, #tpu.memory_space<vmem>>
        %dma_start3A_295 = tpu.memref_squeeze %dma_start3A_294 : memref<1x2x128xi32, #tpu.memory_space<vmem>> -> memref<2x128xi32, #tpu.memory_space<vmem>>
        %dma_start3A_296 = arith.constant 0 : i32
        %dma_start3A_297 = tpu.memref_slice %arg3[%dma_start3A_296, %mul3A_284] : memref<2x320000xi32, #tpu.memory_space<hbm>> -> memref<2x128xi32, #tpu.memory_space<hbm>>
        tpu.enqueue_dma source(%dma_start3A_297 : memref<2x128xi32, #tpu.memory_space<hbm>>) target(%dma_start3A_295 : memref<2x128xi32, #tpu.memory_space<vmem>>) target_semaphore(%arg10 : memref<!tpu.dma_semaphore, #tpu.memory_space<semaphore_mem>>)
      } else {
      }
      %add3A_222 = arith.constant 2 : i32
      %add3A_223 = arith.addi %add3A_205, %add3A_222 : i32
      %lt3A_224 = arith.cmpi slt, %add3A_223, %mul3A_11 : i32
      %convert_element_type3A_225 = arith.extui %lt3A_224 : i1 to i32
      %cond3A_226 = arith.constant 0 : i32
      %cond3A_227 = arith.cmpi ne, %convert_element_type3A_225, %cond3A_226 : i32
      scf.if %cond3A_227 {
        %add3A_280 = arith.constant 2 : i32
        %add3A_281 = arith.addi %add3A_205, %add3A_280 : i32
        %add3A_282 = arith.addi %mul3A_6, %add3A_281 : i32
        %mul3A_283 = arith.constant 128 : i32
        %mul3A_284 = arith.muli %add3A_282, %mul3A_283 : i32
        %dma_wait3A_285 = arith.constant 3 : i32
        %dma_wait3A_286 = arith.constant 0 : i32
        %dma_wait3A_287 = arith.constant 0 : i32
        %dma_wait3A_288 = tpu.memref_slice %arg6[%dma_wait3A_285, %dma_wait3A_286, %dma_wait3A_287] : memref<4x2x128xi32, #tpu.memory_space<vmem>> -> memref<1x2x128xi32, #tpu.memory_space<vmem>>
        %dma_wait3A_289 = tpu.memref_squeeze %dma_wait3A_288 : memref<1x2x128xi32, #tpu.memory_space<vmem>> -> memref<2x128xi32, #tpu.memory_space<vmem>>
        %dma_wait3A_290 = arith.constant 0 : i32
        %dma_wait3A_291 = tpu.memref_slice %arg3[%dma_wait3A_290, %mul3A_284] : memref<2x320000xi32, #tpu.memory_space<hbm>> -> memref<2x128xi32, #tpu.memory_space<hbm>>
        %dma_wait3A_292 = arith.constant 0 : i32
        %dma_wait3A_293 = arith.constant 0 : i32
        %dma_wait3A_294 = tpu.memref_slice %arg6[%dma_wait3A_285, %dma_wait3A_292, %dma_wait3A_293] : memref<4x2x128xi32, #tpu.memory_space<vmem>> -> memref<1x2x128xi32, #tpu.memory_space<vmem>>
        %dma_wait3A_295 = tpu.memref_squeeze %dma_wait3A_294 : memref<1x2x128xi32, #tpu.memory_space<vmem>> -> memref<2x128xi32, #tpu.memory_space<vmem>>
        %dma_wait3A_296 = arith.constant 0 : i32
        %dma_wait3A_297 = tpu.memref_slice %arg3[%dma_wait3A_296, %mul3A_284] : memref<2x320000xi32, #tpu.memory_space<hbm>> -> memref<2x128xi32, #tpu.memory_space<hbm>>
        tpu.wait_dma2 semaphore(%arg10 : memref<!tpu.dma_semaphore, #tpu.memory_space<semaphore_mem>>) src(%dma_wait3A_297 : memref<2x128xi32, #tpu.memory_space<hbm>>) dst(%dma_wait3A_295 : memref<2x128xi32, #tpu.memory_space<vmem>>)
        %dma_start3A_298 = arith.constant 3 : i32
        %dma_start3A_299 = arith.constant 0 : i32
        %dma_start3A_300 = arith.constant 0 : i32
        %dma_start3A_301 = tpu.memref_slice %arg6[%dma_start3A_298, %dma_start3A_299, %dma_start3A_300] : memref<4x2x128xi32, #tpu.memory_space<vmem>> -> memref<1x1x128xi32, #tpu.memory_space<vmem>>
        %dma_start3A_302 = tpu.memref_squeeze %dma_start3A_301 : memref<1x1x128xi32, #tpu.memory_space<vmem>> -> memref<128xi32, #tpu.memory_space<vmem>>
        %dma_start3A_303 = arith.constant 0 : i32
        %dma_start3A_304 = arith.constant 0 : i32
        %dma_start3A_305 = tpu.memref_slice %arg2[%dma_start3A_303, %dma_start3A_304] : memref<10000x128xf32, #tpu.memory_space<hbm>> -> memref<10000x128xf32, #tpu.memory_space<hbm>>
        tpu.enqueue_indirect_dma source(%dma_start3A_305 : memref<10000x128xf32, #tpu.memory_space<hbm>>) target(%arg8 : memref<128x128xf32, #tpu.memory_space<vmem>>) offsets(%dma_start3A_302 : memref<128xi32, #tpu.memory_space<vmem>>) semaphore(%arg9 : memref<!tpu.dma_semaphore, #tpu.memory_space<semaphore_mem>>)
      } else {
      }
      %mul3A_228 = arith.constant 4 : i32
      %mul3A_229 = arith.muli %while3A_176, %mul3A_228 : i32
      %add3A_230 = arith.constant 2 : i32
      %add3A_231 = arith.addi %mul3A_229, %add3A_230 : i32
      %dma_wait3A_232 = arith.constant 2 : i32
      %dma_wait3A_233 = arith.constant 0 : i32
      %dma_wait3A_234 = arith.constant 0 : i32
      %dma_wait3A_235 = tpu.memref_slice %arg6[%dma_wait3A_232, %dma_wait3A_233, %dma_wait3A_234] : memref<4x2x128xi32, #tpu.memory_space<vmem>> -> memref<1x1x128xi32, #tpu.memory_space<vmem>>
      %dma_wait3A_236 = tpu.memref_squeeze %dma_wait3A_235 : memref<1x1x128xi32, #tpu.memory_space<vmem>> -> memref<128xi32, #tpu.memory_space<vmem>>
      %dma_wait3A_237 = arith.constant 0 : i32
      %dma_wait3A_238 = arith.constant 0 : i32
      %dma_wait3A_239 = tpu.memref_slice %arg2[%dma_wait3A_237, %dma_wait3A_238] : memref<10000x128xf32, #tpu.memory_space<hbm>> -> memref<10000x128xf32, #tpu.memory_space<hbm>>
      tpu.wait_indirect_dma semaphore(%arg9 : memref<!tpu.dma_semaphore, #tpu.memory_space<semaphore_mem>>) src(%dma_wait3A_239 : memref<10000x128xf32, #tpu.memory_space<hbm>>) dst(%arg7 : memref<128x128xf32, #tpu.memory_space<vmem>>)
      %run_scoped3A_240 = arith.constant 2 : i32
      %run_scoped3A_241 = arith.constant 1 : i32
      "tpu.region"() ({
        %run_scoped3A_280 = tpu.sem_alloc : memref<!tpu.dma_semaphore, #tpu.memory_space<semaphore_mem>>
        %dma_start3A_281 = arith.constant 0 : i32
        %dma_start3A_282 = tpu.memref_slice %arg6[%run_scoped3A_240, %run_scoped3A_241, %dma_start3A_281] : memref<4x2x128xi32, #tpu.memory_space<vmem>> -> memref<1x1x128xi32, #tpu.memory_space<vmem>>
        %dma_start3A_283 = tpu.memref_squeeze %dma_start3A_282 : memref<1x1x128xi32, #tpu.memory_space<vmem>> -> memref<128xi32, #tpu.memory_space<vmem>>
        %dma_start3A_284 = arith.constant 0 : i32
        %dma_start3A_285 = arith.constant 0 : i32
        %dma_start3A_286 = tpu.memref_slice %arg12[%dma_start3A_284, %dma_start3A_285] : memref<10240x128xf32, #tpu.memory_space<vmem_shared>> -> memref<10240x128xf32, #tpu.memory_space<vmem_shared>>
        tpu.enqueue_indirect_dma source(%arg7 : memref<128x128xf32, #tpu.memory_space<vmem>>) target(%dma_start3A_286 : memref<10240x128xf32, #tpu.memory_space<vmem_shared>>) offsets(%dma_start3A_283 : memref<128xi32, #tpu.memory_space<vmem>>) semaphore(%run_scoped3A_280 : memref<!tpu.dma_semaphore, #tpu.memory_space<semaphore_mem>>) {add = true}
        %dma_wait3A_287 = arith.constant 0 : i32
        %dma_wait3A_288 = tpu.memref_slice %arg6[%run_scoped3A_240, %run_scoped3A_241, %dma_wait3A_287] : memref<4x2x128xi32, #tpu.memory_space<vmem>> -> memref<1x1x128xi32, #tpu.memory_space<vmem>>
        %dma_wait3A_289 = tpu.memref_squeeze %dma_wait3A_288 : memref<1x1x128xi32, #tpu.memory_space<vmem>> -> memref<128xi32, #tpu.memory_space<vmem>>
        %dma_wait3A_290 = arith.constant 0 : i32
        %dma_wait3A_291 = arith.constant 0 : i32
        %dma_wait3A_292 = tpu.memref_slice %arg12[%dma_wait3A_290, %dma_wait3A_291] : memref<10240x128xf32, #tpu.memory_space<vmem_shared>> -> memref<10240x128xf32, #tpu.memory_space<vmem_shared>>
        tpu.wait_indirect_dma semaphore(%run_scoped3A_280 : memref<!tpu.dma_semaphore, #tpu.memory_space<semaphore_mem>>) src(%arg7 : memref<128x128xf32, #tpu.memory_space<vmem>>) dst(%dma_wait3A_292 : memref<10240x128xf32, #tpu.memory_space<vmem_shared>>)
        tpu.yield
      }) : () -> ()
      %add3A_242 = arith.constant 4 : i32
      %add3A_243 = arith.addi %add3A_231, %add3A_242 : i32
      %lt3A_244 = arith.cmpi slt, %add3A_243, %mul3A_11 : i32
      %convert_element_type3A_245 = arith.extui %lt3A_244 : i1 to i32
      %cond3A_246 = arith.constant 0 : i32
      %cond3A_247 = arith.cmpi ne, %convert_element_type3A_245, %cond3A_246 : i32
      scf.if %cond3A_247 {
        %add3A_280 = arith.constant 4 : i32
        %add3A_281 = arith.addi %add3A_231, %add3A_280 : i32
        %add3A_282 = arith.addi %mul3A_6, %add3A_281 : i32
        %mul3A_283 = arith.constant 128 : i32
        %mul3A_284 = arith.muli %add3A_282, %mul3A_283 : i32
        %dma_start3A_285 = arith.constant 2 : i32
        %dma_start3A_286 = arith.constant 0 : i32
        %dma_start3A_287 = arith.constant 0 : i32
        %dma_start3A_288 = tpu.memref_slice %arg6[%dma_start3A_285, %dma_start3A_286, %dma_start3A_287] : memref<4x2x128xi32, #tpu.memory_space<vmem>> -> memref<1x2x128xi32, #tpu.memory_space<vmem>>
        %dma_start3A_289 = tpu.memref_squeeze %dma_start3A_288 : memref<1x2x128xi32, #tpu.memory_space<vmem>> -> memref<2x128xi32, #tpu.memory_space<vmem>>
        %dma_start3A_290 = arith.constant 0 : i32
        %dma_start3A_291 = tpu.memref_slice %arg3[%dma_start3A_290, %mul3A_284] : memref<2x320000xi32, #tpu.memory_space<hbm>> -> memref<2x128xi32, #tpu.memory_space<hbm>>
        %dma_start3A_292 = arith.constant 0 : i32
        %dma_start3A_293 = arith.constant 0 : i32
        %dma_start3A_294 = tpu.memref_slice %arg6[%dma_start3A_285, %dma_start3A_292, %dma_start3A_293] : memref<4x2x128xi32, #tpu.memory_space<vmem>> -> memref<1x2x128xi32, #tpu.memory_space<vmem>>
        %dma_start3A_295 = tpu.memref_squeeze %dma_start3A_294 : memref<1x2x128xi32, #tpu.memory_space<vmem>> -> memref<2x128xi32, #tpu.memory_space<vmem>>
        %dma_start3A_296 = arith.constant 0 : i32
        %dma_start3A_297 = tpu.memref_slice %arg3[%dma_start3A_296, %mul3A_284] : memref<2x320000xi32, #tpu.memory_space<hbm>> -> memref<2x128xi32, #tpu.memory_space<hbm>>
        tpu.enqueue_dma source(%dma_start3A_297 : memref<2x128xi32, #tpu.memory_space<hbm>>) target(%dma_start3A_295 : memref<2x128xi32, #tpu.memory_space<vmem>>) target_semaphore(%arg10 : memref<!tpu.dma_semaphore, #tpu.memory_space<semaphore_mem>>)
      } else {
      }
      %add3A_248 = arith.constant 2 : i32
      %add3A_249 = arith.addi %add3A_231, %add3A_248 : i32
      %lt3A_250 = arith.cmpi slt, %add3A_249, %mul3A_11 : i32
      %convert_element_type3A_251 = arith.extui %lt3A_250 : i1 to i32
      %cond3A_252 = arith.constant 0 : i32
      %cond3A_253 = arith.cmpi ne, %convert_element_type3A_251, %cond3A_252 : i32
      scf.if %cond3A_253 {
        %add3A_280 = arith.constant 2 : i32
        %add3A_281 = arith.addi %add3A_231, %add3A_280 : i32
        %add3A_282 = arith.addi %mul3A_6, %add3A_281 : i32
        %mul3A_283 = arith.constant 128 : i32
        %mul3A_284 = arith.muli %add3A_282, %mul3A_283 : i32
        %dma_wait3A_285 = arith.constant 0 : i32
        %dma_wait3A_286 = arith.constant 0 : i32
        %dma_wait3A_287 = arith.constant 0 : i32
        %dma_wait3A_288 = tpu.memref_slice %arg6[%dma_wait3A_285, %dma_wait3A_286, %dma_wait3A_287] : memref<4x2x128xi32, #tpu.memory_space<vmem>> -> memref<1x2x128xi32, #tpu.memory_space<vmem>>
        %dma_wait3A_289 = tpu.memref_squeeze %dma_wait3A_288 : memref<1x2x128xi32, #tpu.memory_space<vmem>> -> memref<2x128xi32, #tpu.memory_space<vmem>>
        %dma_wait3A_290 = arith.constant 0 : i32
        %dma_wait3A_291 = tpu.memref_slice %arg3[%dma_wait3A_290, %mul3A_284] : memref<2x320000xi32, #tpu.memory_space<hbm>> -> memref<2x128xi32, #tpu.memory_space<hbm>>
        %dma_wait3A_292 = arith.constant 0 : i32
        %dma_wait3A_293 = arith.constant 0 : i32
        %dma_wait3A_294 = tpu.memref_slice %arg6[%dma_wait3A_285, %dma_wait3A_292, %dma_wait3A_293] : memref<4x2x128xi32, #tpu.memory_space<vmem>> -> memref<1x2x128xi32, #tpu.memory_space<vmem>>
        %dma_wait3A_295 = tpu.memref_squeeze %dma_wait3A_294 : memref<1x2x128xi32, #tpu.memory_space<vmem>> -> memref<2x128xi32, #tpu.memory_space<vmem>>
        %dma_wait3A_296 = arith.constant 0 : i32
        %dma_wait3A_297 = tpu.memref_slice %arg3[%dma_wait3A_296, %mul3A_284] : memref<2x320000xi32, #tpu.memory_space<hbm>> -> memref<2x128xi32, #tpu.memory_space<hbm>>
        tpu.wait_dma2 semaphore(%arg10 : memref<!tpu.dma_semaphore, #tpu.memory_space<semaphore_mem>>) src(%dma_wait3A_297 : memref<2x128xi32, #tpu.memory_space<hbm>>) dst(%dma_wait3A_295 : memref<2x128xi32, #tpu.memory_space<vmem>>)
        %dma_start3A_298 = arith.constant 0 : i32
        %dma_start3A_299 = arith.constant 0 : i32
        %dma_start3A_300 = arith.constant 0 : i32
        %dma_start3A_301 = tpu.memref_slice %arg6[%dma_start3A_298, %dma_start3A_299, %dma_start3A_300] : memref<4x2x128xi32, #tpu.memory_space<vmem>> -> memref<1x1x128xi32, #tpu.memory_space<vmem>>
        %dma_start3A_302 = tpu.memref_squeeze %dma_start3A_301 : memref<1x1x128xi32, #tpu.memory_space<vmem>> -> memref<128xi32, #tpu.memory_space<vmem>>
        %dma_start3A_303 = arith.constant 0 : i32
        %dma_start3A_304 = arith.constant 0 : i32
        %dma_start3A_305 = tpu.memref_slice %arg2[%dma_start3A_303, %dma_start3A_304] : memref<10000x128xf32, #tpu.memory_space<hbm>> -> memref<10000x128xf32, #tpu.memory_space<hbm>>
        tpu.enqueue_indirect_dma source(%dma_start3A_305 : memref<10000x128xf32, #tpu.memory_space<hbm>>) target(%arg7 : memref<128x128xf32, #tpu.memory_space<vmem>>) offsets(%dma_start3A_302 : memref<128xi32, #tpu.memory_space<vmem>>) semaphore(%arg9 : memref<!tpu.dma_semaphore, #tpu.memory_space<semaphore_mem>>)
      } else {
      }
      %mul3A_254 = arith.constant 4 : i32
      %mul3A_255 = arith.muli %while3A_176, %mul3A_254 : i32
      %add3A_256 = arith.constant 3 : i32
      %add3A_257 = arith.addi %mul3A_255, %add3A_256 : i32
      %dma_wait3A_258 = arith.constant 3 : i32
      %dma_wait3A_259 = arith.constant 0 : i32
      %dma_wait3A_260 = arith.constant 0 : i32
      %dma_wait3A_261 = tpu.memref_slice %arg6[%dma_wait3A_258, %dma_wait3A_259, %dma_wait3A_260] : memref<4x2x128xi32, #tpu.memory_space<vmem>> -> memref<1x1x128xi32, #tpu.memory_space<vmem>>
      %dma_wait3A_262 = tpu.memref_squeeze %dma_wait3A_261 : memref<1x1x128xi32, #tpu.memory_space<vmem>> -> memref<128xi32, #tpu.memory_space<vmem>>
      %dma_wait3A_263 = arith.constant 0 : i32
      %dma_wait3A_264 = arith.constant 0 : i32
      %dma_wait3A_265 = tpu.memref_slice %arg2[%dma_wait3A_263, %dma_wait3A_264] : memref<10000x128xf32, #tpu.memory_space<hbm>> -> memref<10000x128xf32, #tpu.memory_space<hbm>>
      tpu.wait_indirect_dma semaphore(%arg9 : memref<!tpu.dma_semaphore, #tpu.memory_space<semaphore_mem>>) src(%dma_wait3A_265 : memref<10000x128xf32, #tpu.memory_space<hbm>>) dst(%arg8 : memref<128x128xf32, #tpu.memory_space<vmem>>)
      %run_scoped3A_266 = arith.constant 3 : i32
      %run_scoped3A_267 = arith.constant 1 : i32
      "tpu.region"() ({
        %run_scoped3A_280 = tpu.sem_alloc : memref<!tpu.dma_semaphore, #tpu.memory_space<semaphore_mem>>
        %dma_start3A_281 = arith.constant 0 : i32
        %dma_start3A_282 = tpu.memref_slice %arg6[%run_scoped3A_266, %run_scoped3A_267, %dma_start3A_281] : memref<4x2x128xi32, #tpu.memory_space<vmem>> -> memref<1x1x128xi32, #tpu.memory_space<vmem>>
        %dma_start3A_283 = tpu.memref_squeeze %dma_start3A_282 : memref<1x1x128xi32, #tpu.memory_space<vmem>> -> memref<128xi32, #tpu.memory_space<vmem>>
        %dma_start3A_284 = arith.constant 0 : i32
        %dma_start3A_285 = arith.constant 0 : i32
        %dma_start3A_286 = tpu.memref_slice %arg12[%dma_start3A_284, %dma_start3A_285] : memref<10240x128xf32, #tpu.memory_space<vmem_shared>> -> memref<10240x128xf32, #tpu.memory_space<vmem_shared>>
        tpu.enqueue_indirect_dma source(%arg8 : memref<128x128xf32, #tpu.memory_space<vmem>>) target(%dma_start3A_286 : memref<10240x128xf32, #tpu.memory_space<vmem_shared>>) offsets(%dma_start3A_283 : memref<128xi32, #tpu.memory_space<vmem>>) semaphore(%run_scoped3A_280 : memref<!tpu.dma_semaphore, #tpu.memory_space<semaphore_mem>>) {add = true}
        %dma_wait3A_287 = arith.constant 0 : i32
        %dma_wait3A_288 = tpu.memref_slice %arg6[%run_scoped3A_266, %run_scoped3A_267, %dma_wait3A_287] : memref<4x2x128xi32, #tpu.memory_space<vmem>> -> memref<1x1x128xi32, #tpu.memory_space<vmem>>
        %dma_wait3A_289 = tpu.memref_squeeze %dma_wait3A_288 : memref<1x1x128xi32, #tpu.memory_space<vmem>> -> memref<128xi32, #tpu.memory_space<vmem>>
        %dma_wait3A_290 = arith.constant 0 : i32
        %dma_wait3A_291 = arith.constant 0 : i32
        %dma_wait3A_292 = tpu.memref_slice %arg12[%dma_wait3A_290, %dma_wait3A_291] : memref<10240x128xf32, #tpu.memory_space<vmem_shared>> -> memref<10240x128xf32, #tpu.memory_space<vmem_shared>>
        tpu.wait_indirect_dma semaphore(%run_scoped3A_280 : memref<!tpu.dma_semaphore, #tpu.memory_space<semaphore_mem>>) src(%arg8 : memref<128x128xf32, #tpu.memory_space<vmem>>) dst(%dma_wait3A_292 : memref<10240x128xf32, #tpu.memory_space<vmem_shared>>)
        tpu.yield
      }) : () -> ()
      %add3A_268 = arith.constant 4 : i32
      %add3A_269 = arith.addi %add3A_257, %add3A_268 : i32
      %lt3A_270 = arith.cmpi slt, %add3A_269, %mul3A_11 : i32
      %convert_element_type3A_271 = arith.extui %lt3A_270 : i1 to i32
      %cond3A_272 = arith.constant 0 : i32
      %cond3A_273 = arith.cmpi ne, %convert_element_type3A_271, %cond3A_272 : i32
      scf.if %cond3A_273 {
        %add3A_280 = arith.constant 4 : i32
        %add3A_281 = arith.addi %add3A_257, %add3A_280 : i32
        %add3A_282 = arith.addi %mul3A_6, %add3A_281 : i32
        %mul3A_283 = arith.constant 128 : i32
        %mul3A_284 = arith.muli %add3A_282, %mul3A_283 : i32
        %dma_start3A_285 = arith.constant 3 : i32
        %dma_start3A_286 = arith.constant 0 : i32
        %dma_start3A_287 = arith.constant 0 : i32
        %dma_start3A_288 = tpu.memref_slice %arg6[%dma_start3A_285, %dma_start3A_286, %dma_start3A_287] : memref<4x2x128xi32, #tpu.memory_space<vmem>> -> memref<1x2x128xi32, #tpu.memory_space<vmem>>
        %dma_start3A_289 = tpu.memref_squeeze %dma_start3A_288 : memref<1x2x128xi32, #tpu.memory_space<vmem>> -> memref<2x128xi32, #tpu.memory_space<vmem>>
        %dma_start3A_290 = arith.constant 0 : i32
        %dma_start3A_291 = tpu.memref_slice %arg3[%dma_start3A_290, %mul3A_284] : memref<2x320000xi32, #tpu.memory_space<hbm>> -> memref<2x128xi32, #tpu.memory_space<hbm>>
        %dma_start3A_292 = arith.constant 0 : i32
        %dma_start3A_293 = arith.constant 0 : i32
        %dma_start3A_294 = tpu.memref_slice %arg6[%dma_start3A_285, %dma_start3A_292, %dma_start3A_293] : memref<4x2x128xi32, #tpu.memory_space<vmem>> -> memref<1x2x128xi32, #tpu.memory_space<vmem>>
        %dma_start3A_295 = tpu.memref_squeeze %dma_start3A_294 : memref<1x2x128xi32, #tpu.memory_space<vmem>> -> memref<2x128xi32, #tpu.memory_space<vmem>>
        %dma_start3A_296 = arith.constant 0 : i32
        %dma_start3A_297 = tpu.memref_slice %arg3[%dma_start3A_296, %mul3A_284] : memref<2x320000xi32, #tpu.memory_space<hbm>> -> memref<2x128xi32, #tpu.memory_space<hbm>>
        tpu.enqueue_dma source(%dma_start3A_297 : memref<2x128xi32, #tpu.memory_space<hbm>>) target(%dma_start3A_295 : memref<2x128xi32, #tpu.memory_space<vmem>>) target_semaphore(%arg10 : memref<!tpu.dma_semaphore, #tpu.memory_space<semaphore_mem>>)
      } else {
      }
      %add3A_274 = arith.constant 2 : i32
      %add3A_275 = arith.addi %add3A_257, %add3A_274 : i32
      %lt3A_276 = arith.cmpi slt, %add3A_275, %mul3A_11 : i32
      %convert_element_type3A_277 = arith.extui %lt3A_276 : i1 to i32
      %cond3A_278 = arith.constant 0 : i32
      %cond3A_279 = arith.cmpi ne, %convert_element_type3A_277, %cond3A_278 : i32
      scf.if %cond3A_279 {
        %add3A_280 = arith.constant 2 : i32
        %add3A_281 = arith.addi %add3A_257, %add3A_280 : i32
        %add3A_282 = arith.addi %mul3A_6, %add3A_281 : i32
        %mul3A_283 = arith.constant 128 : i32
        %mul3A_284 = arith.muli %add3A_282, %mul3A_283 : i32
        %dma_wait3A_285 = arith.constant 1 : i32
        %dma_wait3A_286 = arith.constant 0 : i32
        %dma_wait3A_287 = arith.constant 0 : i32
        %dma_wait3A_288 = tpu.memref_slice %arg6[%dma_wait3A_285, %dma_wait3A_286, %dma_wait3A_287] : memref<4x2x128xi32, #tpu.memory_space<vmem>> -> memref<1x2x128xi32, #tpu.memory_space<vmem>>
        %dma_wait3A_289 = tpu.memref_squeeze %dma_wait3A_288 : memref<1x2x128xi32, #tpu.memory_space<vmem>> -> memref<2x128xi32, #tpu.memory_space<vmem>>
        %dma_wait3A_290 = arith.constant 0 : i32
        %dma_wait3A_291 = tpu.memref_slice %arg3[%dma_wait3A_290, %mul3A_284] : memref<2x320000xi32, #tpu.memory_space<hbm>> -> memref<2x128xi32, #tpu.memory_space<hbm>>
        %dma_wait3A_292 = arith.constant 0 : i32
        %dma_wait3A_293 = arith.constant 0 : i32
        %dma_wait3A_294 = tpu.memref_slice %arg6[%dma_wait3A_285, %dma_wait3A_292, %dma_wait3A_293] : memref<4x2x128xi32, #tpu.memory_space<vmem>> -> memref<1x2x128xi32, #tpu.memory_space<vmem>>
        %dma_wait3A_295 = tpu.memref_squeeze %dma_wait3A_294 : memref<1x2x128xi32, #tpu.memory_space<vmem>> -> memref<2x128xi32, #tpu.memory_space<vmem>>
        %dma_wait3A_296 = arith.constant 0 : i32
        %dma_wait3A_297 = tpu.memref_slice %arg3[%dma_wait3A_296, %mul3A_284] : memref<2x320000xi32, #tpu.memory_space<hbm>> -> memref<2x128xi32, #tpu.memory_space<hbm>>
        tpu.wait_dma2 semaphore(%arg10 : memref<!tpu.dma_semaphore, #tpu.memory_space<semaphore_mem>>) src(%dma_wait3A_297 : memref<2x128xi32, #tpu.memory_space<hbm>>) dst(%dma_wait3A_295 : memref<2x128xi32, #tpu.memory_space<vmem>>)
        %dma_start3A_298 = arith.constant 1 : i32
        %dma_start3A_299 = arith.constant 0 : i32
        %dma_start3A_300 = arith.constant 0 : i32
        %dma_start3A_301 = tpu.memref_slice %arg6[%dma_start3A_298, %dma_start3A_299, %dma_start3A_300] : memref<4x2x128xi32, #tpu.memory_space<vmem>> -> memref<1x1x128xi32, #tpu.memory_space<vmem>>
        %dma_start3A_302 = tpu.memref_squeeze %dma_start3A_301 : memref<1x1x128xi32, #tpu.memory_space<vmem>> -> memref<128xi32, #tpu.memory_space<vmem>>
        %dma_start3A_303 = arith.constant 0 : i32
        %dma_start3A_304 = arith.constant 0 : i32
        %dma_start3A_305 = tpu.memref_slice %arg2[%dma_start3A_303, %dma_start3A_304] : memref<10000x128xf32, #tpu.memory_space<hbm>> -> memref<10000x128xf32, #tpu.memory_space<hbm>>
        tpu.enqueue_indirect_dma source(%dma_start3A_305 : memref<10000x128xf32, #tpu.memory_space<hbm>>) target(%arg8 : memref<128x128xf32, #tpu.memory_space<vmem>>) offsets(%dma_start3A_302 : memref<128xi32, #tpu.memory_space<vmem>>) semaphore(%arg9 : memref<!tpu.dma_semaphore, #tpu.memory_space<semaphore_mem>>)
      } else {
      }
    }
    %while3A_164 = arith.constant 1 : i32
    scf.for %while3A_176 = %while3A_162 to %while3A_158 step %while3A_164  : i32 {
      %mul3A_177 = arith.constant 4 : i32
      %mul3A_178 = arith.muli %while3A_176, %mul3A_177 : i32
      %add3A_179 = arith.constant 0 : i32
      %add3A_180 = arith.addi %mul3A_178, %add3A_179 : i32
      %dma_wait3A_181 = arith.constant 0 : i32
      %dma_wait3A_182 = arith.constant 0 : i32
      %dma_wait3A_183 = arith.constant 0 : i32
      %dma_wait3A_184 = tpu.memref_slice %arg6[%dma_wait3A_181, %dma_wait3A_182, %dma_wait3A_183] : memref<4x2x128xi32, #tpu.memory_space<vmem>> -> memref<1x1x128xi32, #tpu.memory_space<vmem>>
      %dma_wait3A_185 = tpu.memref_squeeze %dma_wait3A_184 : memref<1x1x128xi32, #tpu.memory_space<vmem>> -> memref<128xi32, #tpu.memory_space<vmem>>
      %dma_wait3A_186 = arith.constant 0 : i32
      %dma_wait3A_187 = arith.constant 0 : i32
      %dma_wait3A_188 = tpu.memref_slice %arg2[%dma_wait3A_186, %dma_wait3A_187] : memref<10000x128xf32, #tpu.memory_space<hbm>> -> memref<10000x128xf32, #tpu.memory_space<hbm>>
      tpu.wait_indirect_dma semaphore(%arg9 : memref<!tpu.dma_semaphore, #tpu.memory_space<semaphore_mem>>) src(%dma_wait3A_188 : memref<10000x128xf32, #tpu.memory_space<hbm>>) dst(%arg7 : memref<128x128xf32, #tpu.memory_space<vmem>>)
      %run_scoped3A = arith.constant 0 : i32
      %run_scoped3A_189 = arith.constant 1 : i32
      "tpu.region"() ({
        %run_scoped3A_280 = tpu.sem_alloc : memref<!tpu.dma_semaphore, #tpu.memory_space<semaphore_mem>>
        %dma_start3A_281 = arith.constant 0 : i32
        %dma_start3A_282 = tpu.memref_slice %arg6[%run_scoped3A, %run_scoped3A_189, %dma_start3A_281] : memref<4x2x128xi32, #tpu.memory_space<vmem>> -> memref<1x1x128xi32, #tpu.memory_space<vmem>>
        %dma_start3A_283 = tpu.memref_squeeze %dma_start3A_282 : memref<1x1x128xi32, #tpu.memory_space<vmem>> -> memref<128xi32, #tpu.memory_space<vmem>>
        %dma_start3A_284 = arith.constant 0 : i32
        %dma_start3A_285 = arith.constant 0 : i32
        %dma_start3A_286 = tpu.memref_slice %arg12[%dma_start3A_284, %dma_start3A_285] : memref<10240x128xf32, #tpu.memory_space<vmem_shared>> -> memref<10240x128xf32, #tpu.memory_space<vmem_shared>>
        tpu.enqueue_indirect_dma source(%arg7 : memref<128x128xf32, #tpu.memory_space<vmem>>) target(%dma_start3A_286 : memref<10240x128xf32, #tpu.memory_space<vmem_shared>>) offsets(%dma_start3A_283 : memref<128xi32, #tpu.memory_space<vmem>>) semaphore(%run_scoped3A_280 : memref<!tpu.dma_semaphore, #tpu.memory_space<semaphore_mem>>) {add = true}
        %dma_wait3A_287 = arith.constant 0 : i32
        %dma_wait3A_288 = tpu.memref_slice %arg6[%run_scoped3A, %run_scoped3A_189, %dma_wait3A_287] : memref<4x2x128xi32, #tpu.memory_space<vmem>> -> memref<1x1x128xi32, #tpu.memory_space<vmem>>
        %dma_wait3A_289 = tpu.memref_squeeze %dma_wait3A_288 : memref<1x1x128xi32, #tpu.memory_space<vmem>> -> memref<128xi32, #tpu.memory_space<vmem>>
        %dma_wait3A_290 = arith.constant 0 : i32
        %dma_wait3A_291 = arith.constant 0 : i32
        %dma_wait3A_292 = tpu.memref_slice %arg12[%dma_wait3A_290, %dma_wait3A_291] : memref<10240x128xf32, #tpu.memory_space<vmem_shared>> -> memref<10240x128xf32, #tpu.memory_space<vmem_shared>>
        tpu.wait_indirect_dma semaphore(%run_scoped3A_280 : memref<!tpu.dma_semaphore, #tpu.memory_space<semaphore_mem>>) src(%arg7 : memref<128x128xf32, #tpu.memory_space<vmem>>) dst(%dma_wait3A_292 : memref<10240x128xf32, #tpu.memory_space<vmem_shared>>)
        tpu.yield
      }) : () -> ()
      %add3A_190 = arith.constant 4 : i32
      %add3A_191 = arith.addi %add3A_180, %add3A_190 : i32
      %lt3A_192 = arith.cmpi slt, %add3A_191, %mul3A_11 : i32
      %convert_element_type3A_193 = arith.extui %lt3A_192 : i1 to i32
      %cond3A_194 = arith.constant 0 : i32
      %cond3A_195 = arith.cmpi ne, %convert_element_type3A_193, %cond3A_194 : i32
      scf.if %cond3A_195 {
        %add3A_280 = arith.constant 4 : i32
        %add3A_281 = arith.addi %add3A_180, %add3A_280 : i32
        %add3A_282 = arith.addi %mul3A_6, %add3A_281 : i32
        %mul3A_283 = arith.constant 128 : i32
        %mul3A_284 = arith.muli %add3A_282, %mul3A_283 : i32
        %dma_start3A_285 = arith.constant 0 : i32
        %dma_start3A_286 = arith.constant 0 : i32
        %dma_start3A_287 = arith.constant 0 : i32
        %dma_start3A_288 = tpu.memref_slice %arg6[%dma_start3A_285, %dma_start3A_286, %dma_start3A_287] : memref<4x2x128xi32, #tpu.memory_space<vmem>> -> memref<1x2x128xi32, #tpu.memory_space<vmem>>
        %dma_start3A_289 = tpu.memref_squeeze %dma_start3A_288 : memref<1x2x128xi32, #tpu.memory_space<vmem>> -> memref<2x128xi32, #tpu.memory_space<vmem>>
        %dma_start3A_290 = arith.constant 0 : i32
        %dma_start3A_291 = tpu.memref_slice %arg3[%dma_start3A_290, %mul3A_284] : memref<2x320000xi32, #tpu.memory_space<hbm>> -> memref<2x128xi32, #tpu.memory_space<hbm>>
        %dma_start3A_292 = arith.constant 0 : i32
        %dma_start3A_293 = arith.constant 0 : i32
        %dma_start3A_294 = tpu.memref_slice %arg6[%dma_start3A_285, %dma_start3A_292, %dma_start3A_293] : memref<4x2x128xi32, #tpu.memory_space<vmem>> -> memref<1x2x128xi32, #tpu.memory_space<vmem>>
        %dma_start3A_295 = tpu.memref_squeeze %dma_start3A_294 : memref<1x2x128xi32, #tpu.memory_space<vmem>> -> memref<2x128xi32, #tpu.memory_space<vmem>>
        %dma_start3A_296 = arith.constant 0 : i32
        %dma_start3A_297 = tpu.memref_slice %arg3[%dma_start3A_296, %mul3A_284] : memref<2x320000xi32, #tpu.memory_space<hbm>> -> memref<2x128xi32, #tpu.memory_space<hbm>>
        tpu.enqueue_dma source(%dma_start3A_297 : memref<2x128xi32, #tpu.memory_space<hbm>>) target(%dma_start3A_295 : memref<2x128xi32, #tpu.memory_space<vmem>>) target_semaphore(%arg10 : memref<!tpu.dma_semaphore, #tpu.memory_space<semaphore_mem>>)
      } else {
      }
      %add3A_196 = arith.constant 2 : i32
      %add3A_197 = arith.addi %add3A_180, %add3A_196 : i32
      %lt3A_198 = arith.cmpi slt, %add3A_197, %mul3A_11 : i32
      %convert_element_type3A_199 = arith.extui %lt3A_198 : i1 to i32
      %cond3A_200 = arith.constant 0 : i32
      %cond3A_201 = arith.cmpi ne, %convert_element_type3A_199, %cond3A_200 : i32
      scf.if %cond3A_201 {
        %add3A_280 = arith.constant 2 : i32
        %add3A_281 = arith.addi %add3A_180, %add3A_280 : i32
        %add3A_282 = arith.addi %mul3A_6, %add3A_281 : i32
        %mul3A_283 = arith.constant 128 : i32
        %mul3A_284 = arith.muli %add3A_282, %mul3A_283 : i32
        %dma_wait3A_285 = arith.constant 2 : i32
        %dma_wait3A_286 = arith.constant 0 : i32
        %dma_wait3A_287 = arith.constant 0 : i32
        %dma_wait3A_288 = tpu.memref_slice %arg6[%dma_wait3A_285, %dma_wait3A_286, %dma_wait3A_287] : memref<4x2x128xi32, #tpu.memory_space<vmem>> -> memref<1x2x128xi32, #tpu.memory_space<vmem>>
        %dma_wait3A_289 = tpu.memref_squeeze %dma_wait3A_288 : memref<1x2x128xi32, #tpu.memory_space<vmem>> -> memref<2x128xi32, #tpu.memory_space<vmem>>
        %dma_wait3A_290 = arith.constant 0 : i32
        %dma_wait3A_291 = tpu.memref_slice %arg3[%dma_wait3A_290, %mul3A_284] : memref<2x320000xi32, #tpu.memory_space<hbm>> -> memref<2x128xi32, #tpu.memory_space<hbm>>
        %dma_wait3A_292 = arith.constant 0 : i32
        %dma_wait3A_293 = arith.constant 0 : i32
        %dma_wait3A_294 = tpu.memref_slice %arg6[%dma_wait3A_285, %dma_wait3A_292, %dma_wait3A_293] : memref<4x2x128xi32, #tpu.memory_space<vmem>> -> memref<1x2x128xi32, #tpu.memory_space<vmem>>
        %dma_wait3A_295 = tpu.memref_squeeze %dma_wait3A_294 : memref<1x2x128xi32, #tpu.memory_space<vmem>> -> memref<2x128xi32, #tpu.memory_space<vmem>>
        %dma_wait3A_296 = arith.constant 0 : i32
        %dma_wait3A_297 = tpu.memref_slice %arg3[%dma_wait3A_296, %mul3A_284] : memref<2x320000xi32, #tpu.memory_space<hbm>> -> memref<2x128xi32, #tpu.memory_space<hbm>>
        tpu.wait_dma2 semaphore(%arg10 : memref<!tpu.dma_semaphore, #tpu.memory_space<semaphore_mem>>) src(%dma_wait3A_297 : memref<2x128xi32, #tpu.memory_space<hbm>>) dst(%dma_wait3A_295 : memref<2x128xi32, #tpu.memory_space<vmem>>)
        %dma_start3A_298 = arith.constant 2 : i32
        %dma_start3A_299 = arith.constant 0 : i32
        %dma_start3A_300 = arith.constant 0 : i32
        %dma_start3A_301 = tpu.memref_slice %arg6[%dma_start3A_298, %dma_start3A_299, %dma_start3A_300] : memref<4x2x128xi32, #tpu.memory_space<vmem>> -> memref<1x1x128xi32, #tpu.memory_space<vmem>>
        %dma_start3A_302 = tpu.memref_squeeze %dma_start3A_301 : memref<1x1x128xi32, #tpu.memory_space<vmem>> -> memref<128xi32, #tpu.memory_space<vmem>>
        %dma_start3A_303 = arith.constant 0 : i32
        %dma_start3A_304 = arith.constant 0 : i32
        %dma_start3A_305 = tpu.memref_slice %arg2[%dma_start3A_303, %dma_start3A_304] : memref<10000x128xf32, #tpu.memory_space<hbm>> -> memref<10000x128xf32, #tpu.memory_space<hbm>>
        tpu.enqueue_indirect_dma source(%dma_start3A_305 : memref<10000x128xf32, #tpu.memory_space<hbm>>) target(%arg7 : memref<128x128xf32, #tpu.memory_space<vmem>>) offsets(%dma_start3A_302 : memref<128xi32, #tpu.memory_space<vmem>>) semaphore(%arg9 : memref<!tpu.dma_semaphore, #tpu.memory_space<semaphore_mem>>)
      } else {
      }
      %mul3A_202 = arith.constant 4 : i32
      %mul3A_203 = arith.muli %while3A_176, %mul3A_202 : i32
      %add3A_204 = arith.constant 1 : i32
      %add3A_205 = arith.addi %mul3A_203, %add3A_204 : i32
      %dma_wait3A_206 = arith.constant 1 : i32
      %dma_wait3A_207 = arith.constant 0 : i32
      %dma_wait3A_208 = arith.constant 0 : i32
      %dma_wait3A_209 = tpu.memref_slice %arg6[%dma_wait3A_206, %dma_wait3A_207, %dma_wait3A_208] : memref<4x2x128xi32, #tpu.memory_space<vmem>> -> memref<1x1x128xi32, #tpu.memory_space<vmem>>
      %dma_wait3A_210 = tpu.memref_squeeze %dma_wait3A_209 : memref<1x1x128xi32, #tpu.memory_space<vmem>> -> memref<128xi32, #tpu.memory_space<vmem>>
      %dma_wait3A_211 = arith.constant 0 : i32
      %dma_wait3A_212 = arith.constant 0 : i32
      %dma_wait3A_213 = tpu.memref_slice %arg2[%dma_wait3A_211, %dma_wait3A_212] : memref<10000x128xf32, #tpu.memory_space<hbm>> -> memref<10000x128xf32, #tpu.memory_space<hbm>>
      tpu.wait_indirect_dma semaphore(%arg9 : memref<!tpu.dma_semaphore, #tpu.memory_space<semaphore_mem>>) src(%dma_wait3A_213 : memref<10000x128xf32, #tpu.memory_space<hbm>>) dst(%arg8 : memref<128x128xf32, #tpu.memory_space<vmem>>)
      %run_scoped3A_214 = arith.constant 1 : i32
      %run_scoped3A_215 = arith.constant 1 : i32
      "tpu.region"() ({
        %run_scoped3A_280 = tpu.sem_alloc : memref<!tpu.dma_semaphore, #tpu.memory_space<semaphore_mem>>
        %dma_start3A_281 = arith.constant 0 : i32
        %dma_start3A_282 = tpu.memref_slice %arg6[%run_scoped3A_214, %run_scoped3A_215, %dma_start3A_281] : memref<4x2x128xi32, #tpu.memory_space<vmem>> -> memref<1x1x128xi32, #tpu.memory_space<vmem>>
        %dma_start3A_283 = tpu.memref_squeeze %dma_start3A_282 : memref<1x1x128xi32, #tpu.memory_space<vmem>> -> memref<128xi32, #tpu.memory_space<vmem>>
        %dma_start3A_284 = arith.constant 0 : i32
        %dma_start3A_285 = arith.constant 0 : i32
        %dma_start3A_286 = tpu.memref_slice %arg12[%dma_start3A_284, %dma_start3A_285] : memref<10240x128xf32, #tpu.memory_space<vmem_shared>> -> memref<10240x128xf32, #tpu.memory_space<vmem_shared>>
        tpu.enqueue_indirect_dma source(%arg8 : memref<128x128xf32, #tpu.memory_space<vmem>>) target(%dma_start3A_286 : memref<10240x128xf32, #tpu.memory_space<vmem_shared>>) offsets(%dma_start3A_283 : memref<128xi32, #tpu.memory_space<vmem>>) semaphore(%run_scoped3A_280 : memref<!tpu.dma_semaphore, #tpu.memory_space<semaphore_mem>>) {add = true}
        %dma_wait3A_287 = arith.constant 0 : i32
        %dma_wait3A_288 = tpu.memref_slice %arg6[%run_scoped3A_214, %run_scoped3A_215, %dma_wait3A_287] : memref<4x2x128xi32, #tpu.memory_space<vmem>> -> memref<1x1x128xi32, #tpu.memory_space<vmem>>
        %dma_wait3A_289 = tpu.memref_squeeze %dma_wait3A_288 : memref<1x1x128xi32, #tpu.memory_space<vmem>> -> memref<128xi32, #tpu.memory_space<vmem>>
        %dma_wait3A_290 = arith.constant 0 : i32
        %dma_wait3A_291 = arith.constant 0 : i32
        %dma_wait3A_292 = tpu.memref_slice %arg12[%dma_wait3A_290, %dma_wait3A_291] : memref<10240x128xf32, #tpu.memory_space<vmem_shared>> -> memref<10240x128xf32, #tpu.memory_space<vmem_shared>>
        tpu.wait_indirect_dma semaphore(%run_scoped3A_280 : memref<!tpu.dma_semaphore, #tpu.memory_space<semaphore_mem>>) src(%arg8 : memref<128x128xf32, #tpu.memory_space<vmem>>) dst(%dma_wait3A_292 : memref<10240x128xf32, #tpu.memory_space<vmem_shared>>)
        tpu.yield
      }) : () -> ()
      %add3A_216 = arith.constant 4 : i32
      %add3A_217 = arith.addi %add3A_205, %add3A_216 : i32
      %lt3A_218 = arith.cmpi slt, %add3A_217, %mul3A_11 : i32
      %convert_element_type3A_219 = arith.extui %lt3A_218 : i1 to i32
      %cond3A_220 = arith.constant 0 : i32
      %cond3A_221 = arith.cmpi ne, %convert_element_type3A_219, %cond3A_220 : i32
      scf.if %cond3A_221 {
        %add3A_280 = arith.constant 4 : i32
        %add3A_281 = arith.addi %add3A_205, %add3A_280 : i32
        %add3A_282 = arith.addi %mul3A_6, %add3A_281 : i32
        %mul3A_283 = arith.constant 128 : i32
        %mul3A_284 = arith.muli %add3A_282, %mul3A_283 : i32
        %dma_start3A_285 = arith.constant 1 : i32
        %dma_start3A_286 = arith.constant 0 : i32
        %dma_start3A_287 = arith.constant 0 : i32
        %dma_start3A_288 = tpu.memref_slice %arg6[%dma_start3A_285, %dma_start3A_286, %dma_start3A_287] : memref<4x2x128xi32, #tpu.memory_space<vmem>> -> memref<1x2x128xi32, #tpu.memory_space<vmem>>
        %dma_start3A_289 = tpu.memref_squeeze %dma_start3A_288 : memref<1x2x128xi32, #tpu.memory_space<vmem>> -> memref<2x128xi32, #tpu.memory_space<vmem>>
        %dma_start3A_290 = arith.constant 0 : i32
        %dma_start3A_291 = tpu.memref_slice %arg3[%dma_start3A_290, %mul3A_284] : memref<2x320000xi32, #tpu.memory_space<hbm>> -> memref<2x128xi32, #tpu.memory_space<hbm>>
        %dma_start3A_292 = arith.constant 0 : i32
        %dma_start3A_293 = arith.constant 0 : i32
        %dma_start3A_294 = tpu.memref_slice %arg6[%dma_start3A_285, %dma_start3A_292, %dma_start3A_293] : memref<4x2x128xi32, #tpu.memory_space<vmem>> -> memref<1x2x128xi32, #tpu.memory_space<vmem>>
        %dma_start3A_295 = tpu.memref_squeeze %dma_start3A_294 : memref<1x2x128xi32, #tpu.memory_space<vmem>> -> memref<2x128xi32, #tpu.memory_space<vmem>>
        %dma_start3A_296 = arith.constant 0 : i32
        %dma_start3A_297 = tpu.memref_slice %arg3[%dma_start3A_296, %mul3A_284] : memref<2x320000xi32, #tpu.memory_space<hbm>> -> memref<2x128xi32, #tpu.memory_space<hbm>>
        tpu.enqueue_dma source(%dma_start3A_297 : memref<2x128xi32, #tpu.memory_space<hbm>>) target(%dma_start3A_295 : memref<2x128xi32, #tpu.memory_space<vmem>>) target_semaphore(%arg10 : memref<!tpu.dma_semaphore, #tpu.memory_space<semaphore_mem>>)
      } else {
      }
      %add3A_222 = arith.constant 2 : i32
      %add3A_223 = arith.addi %add3A_205, %add3A_222 : i32
      %lt3A_224 = arith.cmpi slt, %add3A_223, %mul3A_11 : i32
      %convert_element_type3A_225 = arith.extui %lt3A_224 : i1 to i32
      %cond3A_226 = arith.constant 0 : i32
      %cond3A_227 = arith.cmpi ne, %convert_element_type3A_225, %cond3A_226 : i32
      scf.if %cond3A_227 {
        %add3A_280 = arith.constant 2 : i32
        %add3A_281 = arith.addi %add3A_205, %add3A_280 : i32
        %add3A_282 = arith.addi %mul3A_6, %add3A_281 : i32
        %mul3A_283 = arith.constant 128 : i32
        %mul3A_284 = arith.muli %add3A_282, %mul3A_283 : i32
        %dma_wait3A_285 = arith.constant 3 : i32
        %dma_wait3A_286 = arith.constant 0 : i32
        %dma_wait3A_287 = arith.constant 0 : i32
        %dma_wait3A_288 = tpu.memref_slice %arg6[%dma_wait3A_285, %dma_wait3A_286, %dma_wait3A_287] : memref<4x2x128xi32, #tpu.memory_space<vmem>> -> memref<1x2x128xi32, #tpu.memory_space<vmem>>
        %dma_wait3A_289 = tpu.memref_squeeze %dma_wait3A_288 : memref<1x2x128xi32, #tpu.memory_space<vmem>> -> memref<2x128xi32, #tpu.memory_space<vmem>>
        %dma_wait3A_290 = arith.constant 0 : i32
        %dma_wait3A_291 = tpu.memref_slice %arg3[%dma_wait3A_290, %mul3A_284] : memref<2x320000xi32, #tpu.memory_space<hbm>> -> memref<2x128xi32, #tpu.memory_space<hbm>>
        %dma_wait3A_292 = arith.constant 0 : i32
        %dma_wait3A_293 = arith.constant 0 : i32
        %dma_wait3A_294 = tpu.memref_slice %arg6[%dma_wait3A_285, %dma_wait3A_292, %dma_wait3A_293] : memref<4x2x128xi32, #tpu.memory_space<vmem>> -> memref<1x2x128xi32, #tpu.memory_space<vmem>>
        %dma_wait3A_295 = tpu.memref_squeeze %dma_wait3A_294 : memref<1x2x128xi32, #tpu.memory_space<vmem>> -> memref<2x128xi32, #tpu.memory_space<vmem>>
        %dma_wait3A_296 = arith.constant 0 : i32
        %dma_wait3A_297 = tpu.memref_slice %arg3[%dma_wait3A_296, %mul3A_284] : memref<2x320000xi32, #tpu.memory_space<hbm>> -> memref<2x128xi32, #tpu.memory_space<hbm>>
        tpu.wait_dma2 semaphore(%arg10 : memref<!tpu.dma_semaphore, #tpu.memory_space<semaphore_mem>>) src(%dma_wait3A_297 : memref<2x128xi32, #tpu.memory_space<hbm>>) dst(%dma_wait3A_295 : memref<2x128xi32, #tpu.memory_space<vmem>>)
        %dma_start3A_298 = arith.constant 3 : i32
        %dma_start3A_299 = arith.constant 0 : i32
        %dma_start3A_300 = arith.constant 0 : i32
        %dma_start3A_301 = tpu.memref_slice %arg6[%dma_start3A_298, %dma_start3A_299, %dma_start3A_300] : memref<4x2x128xi32, #tpu.memory_space<vmem>> -> memref<1x1x128xi32, #tpu.memory_space<vmem>>
        %dma_start3A_302 = tpu.memref_squeeze %dma_start3A_301 : memref<1x1x128xi32, #tpu.memory_space<vmem>> -> memref<128xi32, #tpu.memory_space<vmem>>
        %dma_start3A_303 = arith.constant 0 : i32
        %dma_start3A_304 = arith.constant 0 : i32
        %dma_start3A_305 = tpu.memref_slice %arg2[%dma_start3A_303, %dma_start3A_304] : memref<10000x128xf32, #tpu.memory_space<hbm>> -> memref<10000x128xf32, #tpu.memory_space<hbm>>
        tpu.enqueue_indirect_dma source(%dma_start3A_305 : memref<10000x128xf32, #tpu.memory_space<hbm>>) target(%arg8 : memref<128x128xf32, #tpu.memory_space<vmem>>) offsets(%dma_start3A_302 : memref<128xi32, #tpu.memory_space<vmem>>) semaphore(%arg9 : memref<!tpu.dma_semaphore, #tpu.memory_space<semaphore_mem>>)
      } else {
      }
      %mul3A_228 = arith.constant 4 : i32
      %mul3A_229 = arith.muli %while3A_176, %mul3A_228 : i32
      %add3A_230 = arith.constant 2 : i32
      %add3A_231 = arith.addi %mul3A_229, %add3A_230 : i32
      %dma_wait3A_232 = arith.constant 2 : i32
      %dma_wait3A_233 = arith.constant 0 : i32
      %dma_wait3A_234 = arith.constant 0 : i32
      %dma_wait3A_235 = tpu.memref_slice %arg6[%dma_wait3A_232, %dma_wait3A_233, %dma_wait3A_234] : memref<4x2x128xi32, #tpu.memory_space<vmem>> -> memref<1x1x128xi32, #tpu.memory_space<vmem>>
      %dma_wait3A_236 = tpu.memref_squeeze %dma_wait3A_235 : memref<1x1x128xi32, #tpu.memory_space<vmem>> -> memref<128xi32, #tpu.memory_space<vmem>>
      %dma_wait3A_237 = arith.constant 0 : i32
      %dma_wait3A_238 = arith.constant 0 : i32
      %dma_wait3A_239 = tpu.memref_slice %arg2[%dma_wait3A_237, %dma_wait3A_238] : memref<10000x128xf32, #tpu.memory_space<hbm>> -> memref<10000x128xf32, #tpu.memory_space<hbm>>
      tpu.wait_indirect_dma semaphore(%arg9 : memref<!tpu.dma_semaphore, #tpu.memory_space<semaphore_mem>>) src(%dma_wait3A_239 : memref<10000x128xf32, #tpu.memory_space<hbm>>) dst(%arg7 : memref<128x128xf32, #tpu.memory_space<vmem>>)
      %run_scoped3A_240 = arith.constant 2 : i32
      %run_scoped3A_241 = arith.constant 1 : i32
      "tpu.region"() ({
        %run_scoped3A_280 = tpu.sem_alloc : memref<!tpu.dma_semaphore, #tpu.memory_space<semaphore_mem>>
        %dma_start3A_281 = arith.constant 0 : i32
        %dma_start3A_282 = tpu.memref_slice %arg6[%run_scoped3A_240, %run_scoped3A_241, %dma_start3A_281] : memref<4x2x128xi32, #tpu.memory_space<vmem>> -> memref<1x1x128xi32, #tpu.memory_space<vmem>>
        %dma_start3A_283 = tpu.memref_squeeze %dma_start3A_282 : memref<1x1x128xi32, #tpu.memory_space<vmem>> -> memref<128xi32, #tpu.memory_space<vmem>>
        %dma_start3A_284 = arith.constant 0 : i32
        %dma_start3A_285 = arith.constant 0 : i32
        %dma_start3A_286 = tpu.memref_slice %arg12[%dma_start3A_284, %dma_start3A_285] : memref<10240x128xf32, #tpu.memory_space<vmem_shared>> -> memref<10240x128xf32, #tpu.memory_space<vmem_shared>>
        tpu.enqueue_indirect_dma source(%arg7 : memref<128x128xf32, #tpu.memory_space<vmem>>) target(%dma_start3A_286 : memref<10240x128xf32, #tpu.memory_space<vmem_shared>>) offsets(%dma_start3A_283 : memref<128xi32, #tpu.memory_space<vmem>>) semaphore(%run_scoped3A_280 : memref<!tpu.dma_semaphore, #tpu.memory_space<semaphore_mem>>) {add = true}
        %dma_wait3A_287 = arith.constant 0 : i32
        %dma_wait3A_288 = tpu.memref_slice %arg6[%run_scoped3A_240, %run_scoped3A_241, %dma_wait3A_287] : memref<4x2x128xi32, #tpu.memory_space<vmem>> -> memref<1x1x128xi32, #tpu.memory_space<vmem>>
        %dma_wait3A_289 = tpu.memref_squeeze %dma_wait3A_288 : memref<1x1x128xi32, #tpu.memory_space<vmem>> -> memref<128xi32, #tpu.memory_space<vmem>>
        %dma_wait3A_290 = arith.constant 0 : i32
        %dma_wait3A_291 = arith.constant 0 : i32
        %dma_wait3A_292 = tpu.memref_slice %arg12[%dma_wait3A_290, %dma_wait3A_291] : memref<10240x128xf32, #tpu.memory_space<vmem_shared>> -> memref<10240x128xf32, #tpu.memory_space<vmem_shared>>
        tpu.wait_indirect_dma semaphore(%run_scoped3A_280 : memref<!tpu.dma_semaphore, #tpu.memory_space<semaphore_mem>>) src(%arg7 : memref<128x128xf32, #tpu.memory_space<vmem>>) dst(%dma_wait3A_292 : memref<10240x128xf32, #tpu.memory_space<vmem_shared>>)
        tpu.yield
      }) : () -> ()
      %add3A_242 = arith.constant 4 : i32
      %add3A_243 = arith.addi %add3A_231, %add3A_242 : i32
      %lt3A_244 = arith.cmpi slt, %add3A_243, %mul3A_11 : i32
      %convert_element_type3A_245 = arith.extui %lt3A_244 : i1 to i32
      %cond3A_246 = arith.constant 0 : i32
      %cond3A_247 = arith.cmpi ne, %convert_element_type3A_245, %cond3A_246 : i32
      scf.if %cond3A_247 {
        %add3A_280 = arith.constant 4 : i32
        %add3A_281 = arith.addi %add3A_231, %add3A_280 : i32
        %add3A_282 = arith.addi %mul3A_6, %add3A_281 : i32
        %mul3A_283 = arith.constant 128 : i32
        %mul3A_284 = arith.muli %add3A_282, %mul3A_283 : i32
        %dma_start3A_285 = arith.constant 2 : i32
        %dma_start3A_286 = arith.constant 0 : i32
        %dma_start3A_287 = arith.constant 0 : i32
        %dma_start3A_288 = tpu.memref_slice %arg6[%dma_start3A_285, %dma_start3A_286, %dma_start3A_287] : memref<4x2x128xi32, #tpu.memory_space<vmem>> -> memref<1x2x128xi32, #tpu.memory_space<vmem>>
        %dma_start3A_289 = tpu.memref_squeeze %dma_start3A_288 : memref<1x2x128xi32, #tpu.memory_space<vmem>> -> memref<2x128xi32, #tpu.memory_space<vmem>>
        %dma_start3A_290 = arith.constant 0 : i32
        %dma_start3A_291 = tpu.memref_slice %arg3[%dma_start3A_290, %mul3A_284] : memref<2x320000xi32, #tpu.memory_space<hbm>> -> memref<2x128xi32, #tpu.memory_space<hbm>>
        %dma_start3A_292 = arith.constant 0 : i32
        %dma_start3A_293 = arith.constant 0 : i32
        %dma_start3A_294 = tpu.memref_slice %arg6[%dma_start3A_285, %dma_start3A_292, %dma_start3A_293] : memref<4x2x128xi32, #tpu.memory_space<vmem>> -> memref<1x2x128xi32, #tpu.memory_space<vmem>>
        %dma_start3A_295 = tpu.memref_squeeze %dma_start3A_294 : memref<1x2x128xi32, #tpu.memory_space<vmem>> -> memref<2x128xi32, #tpu.memory_space<vmem>>
        %dma_start3A_296 = arith.constant 0 : i32
        %dma_start3A_297 = tpu.memref_slice %arg3[%dma_start3A_296, %mul3A_284] : memref<2x320000xi32, #tpu.memory_space<hbm>> -> memref<2x128xi32, #tpu.memory_space<hbm>>
        tpu.enqueue_dma source(%dma_start3A_297 : memref<2x128xi32, #tpu.memory_space<hbm>>) target(%dma_start3A_295 : memref<2x128xi32, #tpu.memory_space<vmem>>) target_semaphore(%arg10 : memref<!tpu.dma_semaphore, #tpu.memory_space<semaphore_mem>>)
      } else {
      }
      %add3A_248 = arith.constant 2 : i32
      %add3A_249 = arith.addi %add3A_231, %add3A_248 : i32
      %lt3A_250 = arith.cmpi slt, %add3A_249, %mul3A_11 : i32
      %convert_element_type3A_251 = arith.extui %lt3A_250 : i1 to i32
      %cond3A_252 = arith.constant 0 : i32
      %cond3A_253 = arith.cmpi ne, %convert_element_type3A_251, %cond3A_252 : i32
      scf.if %cond3A_253 {
        %add3A_280 = arith.constant 2 : i32
        %add3A_281 = arith.addi %add3A_231, %add3A_280 : i32
        %add3A_282 = arith.addi %mul3A_6, %add3A_281 : i32
        %mul3A_283 = arith.constant 128 : i32
        %mul3A_284 = arith.muli %add3A_282, %mul3A_283 : i32
        %dma_wait3A_285 = arith.constant 0 : i32
        %dma_wait3A_286 = arith.constant 0 : i32
        %dma_wait3A_287 = arith.constant 0 : i32
        %dma_wait3A_288 = tpu.memref_slice %arg6[%dma_wait3A_285, %dma_wait3A_286, %dma_wait3A_287] : memref<4x2x128xi32, #tpu.memory_space<vmem>> -> memref<1x2x128xi32, #tpu.memory_space<vmem>>
        %dma_wait3A_289 = tpu.memref_squeeze %dma_wait3A_288 : memref<1x2x128xi32, #tpu.memory_space<vmem>> -> memref<2x128xi32, #tpu.memory_space<vmem>>
        %dma_wait3A_290 = arith.constant 0 : i32
        %dma_wait3A_291 = tpu.memref_slice %arg3[%dma_wait3A_290, %mul3A_284] : memref<2x320000xi32, #tpu.memory_space<hbm>> -> memref<2x128xi32, #tpu.memory_space<hbm>>
        %dma_wait3A_292 = arith.constant 0 : i32
        %dma_wait3A_293 = arith.constant 0 : i32
        %dma_wait3A_294 = tpu.memref_slice %arg6[%dma_wait3A_285, %dma_wait3A_292, %dma_wait3A_293] : memref<4x2x128xi32, #tpu.memory_space<vmem>> -> memref<1x2x128xi32, #tpu.memory_space<vmem>>
        %dma_wait3A_295 = tpu.memref_squeeze %dma_wait3A_294 : memref<1x2x128xi32, #tpu.memory_space<vmem>> -> memref<2x128xi32, #tpu.memory_space<vmem>>
        %dma_wait3A_296 = arith.constant 0 : i32
        %dma_wait3A_297 = tpu.memref_slice %arg3[%dma_wait3A_296, %mul3A_284] : memref<2x320000xi32, #tpu.memory_space<hbm>> -> memref<2x128xi32, #tpu.memory_space<hbm>>
        tpu.wait_dma2 semaphore(%arg10 : memref<!tpu.dma_semaphore, #tpu.memory_space<semaphore_mem>>) src(%dma_wait3A_297 : memref<2x128xi32, #tpu.memory_space<hbm>>) dst(%dma_wait3A_295 : memref<2x128xi32, #tpu.memory_space<vmem>>)
        %dma_start3A_298 = arith.constant 0 : i32
        %dma_start3A_299 = arith.constant 0 : i32
        %dma_start3A_300 = arith.constant 0 : i32
        %dma_start3A_301 = tpu.memref_slice %arg6[%dma_start3A_298, %dma_start3A_299, %dma_start3A_300] : memref<4x2x128xi32, #tpu.memory_space<vmem>> -> memref<1x1x128xi32, #tpu.memory_space<vmem>>
        %dma_start3A_302 = tpu.memref_squeeze %dma_start3A_301 : memref<1x1x128xi32, #tpu.memory_space<vmem>> -> memref<128xi32, #tpu.memory_space<vmem>>
        %dma_start3A_303 = arith.constant 0 : i32
        %dma_start3A_304 = arith.constant 0 : i32
        %dma_start3A_305 = tpu.memref_slice %arg2[%dma_start3A_303, %dma_start3A_304] : memref<10000x128xf32, #tpu.memory_space<hbm>> -> memref<10000x128xf32, #tpu.memory_space<hbm>>
        tpu.enqueue_indirect_dma source(%dma_start3A_305 : memref<10000x128xf32, #tpu.memory_space<hbm>>) target(%arg7 : memref<128x128xf32, #tpu.memory_space<vmem>>) offsets(%dma_start3A_302 : memref<128xi32, #tpu.memory_space<vmem>>) semaphore(%arg9 : memref<!tpu.dma_semaphore, #tpu.memory_space<semaphore_mem>>)
      } else {
      }
      %mul3A_254 = arith.constant 4 : i32
      %mul3A_255 = arith.muli %while3A_176, %mul3A_254 : i32
      %add3A_256 = arith.constant 3 : i32
      %add3A_257 = arith.addi %mul3A_255, %add3A_256 : i32
      %dma_wait3A_258 = arith.constant 3 : i32
      %dma_wait3A_259 = arith.constant 0 : i32
      %dma_wait3A_260 = arith.constant 0 : i32
      %dma_wait3A_261 = tpu.memref_slice %arg6[%dma_wait3A_258, %dma_wait3A_259, %dma_wait3A_260] : memref<4x2x128xi32, #tpu.memory_space<vmem>> -> memref<1x1x128xi32, #tpu.memory_space<vmem>>
      %dma_wait3A_262 = tpu.memref_squeeze %dma_wait3A_261 : memref<1x1x128xi32, #tpu.memory_space<vmem>> -> memref<128xi32, #tpu.memory_space<vmem>>
      %dma_wait3A_263 = arith.constant 0 : i32
      %dma_wait3A_264 = arith.constant 0 : i32
      %dma_wait3A_265 = tpu.memref_slice %arg2[%dma_wait3A_263, %dma_wait3A_264] : memref<10000x128xf32, #tpu.memory_space<hbm>> -> memref<10000x128xf32, #tpu.memory_space<hbm>>
      tpu.wait_indirect_dma semaphore(%arg9 : memref<!tpu.dma_semaphore, #tpu.memory_space<semaphore_mem>>) src(%dma_wait3A_265 : memref<10000x128xf32, #tpu.memory_space<hbm>>) dst(%arg8 : memref<128x128xf32, #tpu.memory_space<vmem>>)
      %run_scoped3A_266 = arith.constant 3 : i32
      %run_scoped3A_267 = arith.constant 1 : i32
      "tpu.region"() ({
        %run_scoped3A_280 = tpu.sem_alloc : memref<!tpu.dma_semaphore, #tpu.memory_space<semaphore_mem>>
        %dma_start3A_281 = arith.constant 0 : i32
        %dma_start3A_282 = tpu.memref_slice %arg6[%run_scoped3A_266, %run_scoped3A_267, %dma_start3A_281] : memref<4x2x128xi32, #tpu.memory_space<vmem>> -> memref<1x1x128xi32, #tpu.memory_space<vmem>>
        %dma_start3A_283 = tpu.memref_squeeze %dma_start3A_282 : memref<1x1x128xi32, #tpu.memory_space<vmem>> -> memref<128xi32, #tpu.memory_space<vmem>>
        %dma_start3A_284 = arith.constant 0 : i32
        %dma_start3A_285 = arith.constant 0 : i32
        %dma_start3A_286 = tpu.memref_slice %arg12[%dma_start3A_284, %dma_start3A_285] : memref<10240x128xf32, #tpu.memory_space<vmem_shared>> -> memref<10240x128xf32, #tpu.memory_space<vmem_shared>>
        tpu.enqueue_indirect_dma source(%arg8 : memref<128x128xf32, #tpu.memory_space<vmem>>) target(%dma_start3A_286 : memref<10240x128xf32, #tpu.memory_space<vmem_shared>>) offsets(%dma_start3A_283 : memref<128xi32, #tpu.memory_space<vmem>>) semaphore(%run_scoped3A_280 : memref<!tpu.dma_semaphore, #tpu.memory_space<semaphore_mem>>) {add = true}
        %dma_wait3A_287 = arith.constant 0 : i32
        %dma_wait3A_288 = tpu.memref_slice %arg6[%run_scoped3A_266, %run_scoped3A_267, %dma_wait3A_287] : memref<4x2x128xi32, #tpu.memory_space<vmem>> -> memref<1x1x128xi32, #tpu.memory_space<vmem>>
        %dma_wait3A_289 = tpu.memref_squeeze %dma_wait3A_288 : memref<1x1x128xi32, #tpu.memory_space<vmem>> -> memref<128xi32, #tpu.memory_space<vmem>>
        %dma_wait3A_290 = arith.constant 0 : i32
        %dma_wait3A_291 = arith.constant 0 : i32
        %dma_wait3A_292 = tpu.memref_slice %arg12[%dma_wait3A_290, %dma_wait3A_291] : memref<10240x128xf32, #tpu.memory_space<vmem_shared>> -> memref<10240x128xf32, #tpu.memory_space<vmem_shared>>
        tpu.wait_indirect_dma semaphore(%run_scoped3A_280 : memref<!tpu.dma_semaphore, #tpu.memory_space<semaphore_mem>>) src(%arg8 : memref<128x128xf32, #tpu.memory_space<vmem>>) dst(%dma_wait3A_292 : memref<10240x128xf32, #tpu.memory_space<vmem_shared>>)
        tpu.yield
      }) : () -> ()
      %add3A_268 = arith.constant 4 : i32
      %add3A_269 = arith.addi %add3A_257, %add3A_268 : i32
      %lt3A_270 = arith.cmpi slt, %add3A_269, %mul3A_11 : i32
      %convert_element_type3A_271 = arith.extui %lt3A_270 : i1 to i32
      %cond3A_272 = arith.constant 0 : i32
      %cond3A_273 = arith.cmpi ne, %convert_element_type3A_271, %cond3A_272 : i32
      scf.if %cond3A_273 {
        %add3A_280 = arith.constant 4 : i32
        %add3A_281 = arith.addi %add3A_257, %add3A_280 : i32
        %add3A_282 = arith.addi %mul3A_6, %add3A_281 : i32
        %mul3A_283 = arith.constant 128 : i32
        %mul3A_284 = arith.muli %add3A_282, %mul3A_283 : i32
        %dma_start3A_285 = arith.constant 3 : i32
        %dma_start3A_286 = arith.constant 0 : i32
        %dma_start3A_287 = arith.constant 0 : i32
        %dma_start3A_288 = tpu.memref_slice %arg6[%dma_start3A_285, %dma_start3A_286, %dma_start3A_287] : memref<4x2x128xi32, #tpu.memory_space<vmem>> -> memref<1x2x128xi32, #tpu.memory_space<vmem>>
        %dma_start3A_289 = tpu.memref_squeeze %dma_start3A_288 : memref<1x2x128xi32, #tpu.memory_space<vmem>> -> memref<2x128xi32, #tpu.memory_space<vmem>>
        %dma_start3A_290 = arith.constant 0 : i32
        %dma_start3A_291 = tpu.memref_slice %arg3[%dma_start3A_290, %mul3A_284] : memref<2x320000xi32, #tpu.memory_space<hbm>> -> memref<2x128xi32, #tpu.memory_space<hbm>>
        %dma_start3A_292 = arith.constant 0 : i32
        %dma_start3A_293 = arith.constant 0 : i32
        %dma_start3A_294 = tpu.memref_slice %arg6[%dma_start3A_285, %dma_start3A_292, %dma_start3A_293] : memref<4x2x128xi32, #tpu.memory_space<vmem>> -> memref<1x2x128xi32, #tpu.memory_space<vmem>>
        %dma_start3A_295 = tpu.memref_squeeze %dma_start3A_294 : memref<1x2x128xi32, #tpu.memory_space<vmem>> -> memref<2x128xi32, #tpu.memory_space<vmem>>
        %dma_start3A_296 = arith.constant 0 : i32
        %dma_start3A_297 = tpu.memref_slice %arg3[%dma_start3A_296, %mul3A_284] : memref<2x320000xi32, #tpu.memory_space<hbm>> -> memref<2x128xi32, #tpu.memory_space<hbm>>
        tpu.enqueue_dma source(%dma_start3A_297 : memref<2x128xi32, #tpu.memory_space<hbm>>) target(%dma_start3A_295 : memref<2x128xi32, #tpu.memory_space<vmem>>) target_semaphore(%arg10 : memref<!tpu.dma_semaphore, #tpu.memory_space<semaphore_mem>>)
      } else {
      }
      %add3A_274 = arith.constant 2 : i32
      %add3A_275 = arith.addi %add3A_257, %add3A_274 : i32
      %lt3A_276 = arith.cmpi slt, %add3A_275, %mul3A_11 : i32
      %convert_element_type3A_277 = arith.extui %lt3A_276 : i1 to i32
      %cond3A_278 = arith.constant 0 : i32
      %cond3A_279 = arith.cmpi ne, %convert_element_type3A_277, %cond3A_278 : i32
      scf.if %cond3A_279 {
        %add3A_280 = arith.constant 2 : i32
        %add3A_281 = arith.addi %add3A_257, %add3A_280 : i32
        %add3A_282 = arith.addi %mul3A_6, %add3A_281 : i32
        %mul3A_283 = arith.constant 128 : i32
        %mul3A_284 = arith.muli %add3A_282, %mul3A_283 : i32
        %dma_wait3A_285 = arith.constant 1 : i32
        %dma_wait3A_286 = arith.constant 0 : i32
        %dma_wait3A_287 = arith.constant 0 : i32
        %dma_wait3A_288 = tpu.memref_slice %arg6[%dma_wait3A_285, %dma_wait3A_286, %dma_wait3A_287] : memref<4x2x128xi32, #tpu.memory_space<vmem>> -> memref<1x2x128xi32, #tpu.memory_space<vmem>>
        %dma_wait3A_289 = tpu.memref_squeeze %dma_wait3A_288 : memref<1x2x128xi32, #tpu.memory_space<vmem>> -> memref<2x128xi32, #tpu.memory_space<vmem>>
        %dma_wait3A_290 = arith.constant 0 : i32
        %dma_wait3A_291 = tpu.memref_slice %arg3[%dma_wait3A_290, %mul3A_284] : memref<2x320000xi32, #tpu.memory_space<hbm>> -> memref<2x128xi32, #tpu.memory_space<hbm>>
        %dma_wait3A_292 = arith.constant 0 : i32
        %dma_wait3A_293 = arith.constant 0 : i32
        %dma_wait3A_294 = tpu.memref_slice %arg6[%dma_wait3A_285, %dma_wait3A_292, %dma_wait3A_293] : memref<4x2x128xi32, #tpu.memory_space<vmem>> -> memref<1x2x128xi32, #tpu.memory_space<vmem>>
        %dma_wait3A_295 = tpu.memref_squeeze %dma_wait3A_294 : memref<1x2x128xi32, #tpu.memory_space<vmem>> -> memref<2x128xi32, #tpu.memory_space<vmem>>
        %dma_wait3A_296 = arith.constant 0 : i32
        %dma_wait3A_297 = tpu.memref_slice %arg3[%dma_wait3A_296, %mul3A_284] : memref<2x320000xi32, #tpu.memory_space<hbm>> -> memref<2x128xi32, #tpu.memory_space<hbm>>
        tpu.wait_dma2 semaphore(%arg10 : memref<!tpu.dma_semaphore, #tpu.memory_space<semaphore_mem>>) src(%dma_wait3A_297 : memref<2x128xi32, #tpu.memory_space<hbm>>) dst(%dma_wait3A_295 : memref<2x128xi32, #tpu.memory_space<vmem>>)
        %dma_start3A_298 = arith.constant 1 : i32
        %dma_start3A_299 = arith.constant 0 : i32
        %dma_start3A_300 = arith.constant 0 : i32
        %dma_start3A_301 = tpu.memref_slice %arg6[%dma_start3A_298, %dma_start3A_299, %dma_start3A_300] : memref<4x2x128xi32, #tpu.memory_space<vmem>> -> memref<1x1x128xi32, #tpu.memory_space<vmem>>
        %dma_start3A_302 = tpu.memref_squeeze %dma_start3A_301 : memref<1x1x128xi32, #tpu.memory_space<vmem>> -> memref<128xi32, #tpu.memory_space<vmem>>
        %dma_start3A_303 = arith.constant 0 : i32
        %dma_start3A_304 = arith.constant 0 : i32
        %dma_start3A_305 = tpu.memref_slice %arg2[%dma_start3A_303, %dma_start3A_304] : memref<10000x128xf32, #tpu.memory_space<hbm>> -> memref<10000x128xf32, #tpu.memory_space<hbm>>
        tpu.enqueue_indirect_dma source(%dma_start3A_305 : memref<10000x128xf32, #tpu.memory_space<hbm>>) target(%arg8 : memref<128x128xf32, #tpu.memory_space<vmem>>) offsets(%dma_start3A_302 : memref<128xi32, #tpu.memory_space<vmem>>) semaphore(%arg9 : memref<!tpu.dma_semaphore, #tpu.memory_space<semaphore_mem>>)
      } else {
      }
    }
    %barrier3A_165 = arith.constant 0 : index
    tpu.barrier barrier_id(%barrier3A_165)
    %eq3A_166 = arith.constant 0 : i32
    %eq3A_167 = arith.cmpi eq, %arg0, %eq3A_166 : i32
    %convert_element_type3A_168 = arith.extui %eq3A_167 : i1 to i32
    %cond3A_169 = arith.constant 0 : i32
    %cond3A_170 = arith.cmpi ne, %convert_element_type3A_168, %cond3A_169 : i32
    scf.if %cond3A_170 {
      "tpu.region"() ({
        %run_scoped3A = tpu.sem_alloc : memref<!tpu.dma_semaphore, #tpu.memory_space<semaphore_mem>>
        %dma_start3A_181 = arith.constant 0 : i32
        %dma_start3A_182 = tpu.memref_slice %arg4[%mul3A_13, %dma_start3A_181] : memref<10000x128xf32, #tpu.memory_space<hbm>> -> memref<624x128xf32, #tpu.memory_space<hbm>>
        %dma_start3A_183 = arith.constant 0 : i32
        %dma_start3A_184 = tpu.memref_slice %arg12[%mul3A_13, %dma_start3A_183] : memref<10240x128xf32, #tpu.memory_space<vmem_shared>> -> memref<624x128xf32, #tpu.memory_space<vmem_shared>>
        tpu.enqueue_dma source(%dma_start3A_184 : memref<624x128xf32, #tpu.memory_space<vmem_shared>>) target(%dma_start3A_182 : memref<624x128xf32, #tpu.memory_space<hbm>>) target_semaphore(%run_scoped3A : memref<!tpu.dma_semaphore, #tpu.memory_space<semaphore_mem>>)
        %dma_wait3A_185 = arith.constant 0 : i32
        %dma_wait3A_186 = tpu.memref_slice %arg4[%mul3A_13, %dma_wait3A_185] : memref<10000x128xf32, #tpu.memory_space<hbm>> -> memref<624x128xf32, #tpu.memory_space<hbm>>
        %dma_wait3A_187 = arith.constant 0 : i32
        %dma_wait3A_188 = tpu.memref_slice %arg12[%mul3A_13, %dma_wait3A_187] : memref<10240x128xf32, #tpu.memory_space<vmem_shared>> -> memref<624x128xf32, #tpu.memory_space<vmem_shared>>
        tpu.wait_dma2 semaphore(%run_scoped3A : memref<!tpu.dma_semaphore, #tpu.memory_space<semaphore_mem>>) src(%dma_wait3A_188 : memref<624x128xf32, #tpu.memory_space<vmem_shared>>) dst(%dma_wait3A_186 : memref<624x128xf32, #tpu.memory_space<hbm>>)
        tpu.yield
      }) : () -> ()
      %eq3A_176 = arith.constant 15 : i32
      %eq3A_177 = arith.cmpi eq, %arg1, %eq3A_176 : i32
      %convert_element_type3A_178 = arith.extui %eq3A_177 : i1 to i32
      %cond3A_179 = arith.constant 0 : i32
      %cond3A_180 = arith.cmpi ne, %convert_element_type3A_178, %cond3A_179 : i32
      scf.if %cond3A_180 {
        "tpu.region"() ({
          %run_scoped3A = tpu.sem_alloc : memref<!tpu.dma_semaphore, #tpu.memory_space<semaphore_mem>>
          %dma_start3A_181 = arith.constant 9984 : i32
          %dma_start3A_182 = arith.constant 0 : i32
          %dma_start3A_183 = tpu.memref_slice %arg4[%dma_start3A_181, %dma_start3A_182] : memref<10000x128xf32, #tpu.memory_space<hbm>> -> memref<16x128xf32, #tpu.memory_space<hbm>>
          %dma_start3A_184 = arith.constant 9984 : i32
          %dma_start3A_185 = arith.constant 0 : i32
          %dma_start3A_186 = tpu.memref_slice %arg12[%dma_start3A_184, %dma_start3A_185] : memref<10240x128xf32, #tpu.memory_space<vmem_shared>> -> memref<16x128xf32, #tpu.memory_space<vmem_shared>>
          tpu.enqueue_dma source(%dma_start3A_186 : memref<16x128xf32, #tpu.memory_space<vmem_shared>>) target(%dma_start3A_183 : memref<16x128xf32, #tpu.memory_space<hbm>>) target_semaphore(%run_scoped3A : memref<!tpu.dma_semaphore, #tpu.memory_space<semaphore_mem>>)
          %dma_wait3A_187 = arith.constant 9984 : i32
          %dma_wait3A_188 = arith.constant 0 : i32
          %dma_wait3A_189 = tpu.memref_slice %arg4[%dma_wait3A_187, %dma_wait3A_188] : memref<10000x128xf32, #tpu.memory_space<hbm>> -> memref<16x128xf32, #tpu.memory_space<hbm>>
          %dma_wait3A_190 = arith.constant 9984 : i32
          %dma_wait3A_191 = arith.constant 0 : i32
          %dma_wait3A_192 = tpu.memref_slice %arg12[%dma_wait3A_190, %dma_wait3A_191] : memref<10240x128xf32, #tpu.memory_space<vmem_shared>> -> memref<16x128xf32, #tpu.memory_space<vmem_shared>>
          tpu.wait_dma2 semaphore(%run_scoped3A : memref<!tpu.dma_semaphore, #tpu.memory_space<semaphore_mem>>) src(%dma_wait3A_192 : memref<16x128xf32, #tpu.memory_space<vmem_shared>>) dst(%dma_wait3A_189 : memref<16x128xf32, #tpu.memory_space<hbm>>)
          tpu.yield
        }) : () -> ()
      } else {
      }
    } else {
    }
    %eq3A_171 = arith.constant 1 : i32
    %eq3A_172 = arith.cmpi eq, %arg0, %eq3A_171 : i32
    %convert_element_type3A_173 = arith.extui %eq3A_172 : i1 to i32
    %cond3A_174 = arith.constant 0 : i32
    %cond3A_175 = arith.cmpi ne, %convert_element_type3A_173, %cond3A_174 : i32
    scf.if %cond3A_175 {
      "tpu.region"() ({
        %run_scoped3A = tpu.sem_alloc : memref<!tpu.dma_semaphore, #tpu.memory_space<semaphore_mem>>
        %dma_start3A_181 = arith.constant 0 : i32
        %dma_start3A_182 = tpu.memref_slice %arg5[%mul3A_13, %dma_start3A_181] : memref<10000x128xf32, #tpu.memory_space<hbm>> -> memref<624x128xf32, #tpu.memory_space<hbm>>
        %dma_start3A_183 = arith.constant 0 : i32
        %dma_start3A_184 = tpu.memref_slice %arg12[%mul3A_13, %dma_start3A_183] : memref<10240x128xf32, #tpu.memory_space<vmem_shared>> -> memref<624x128xf32, #tpu.memory_space<vmem_shared>>
        tpu.enqueue_dma source(%dma_start3A_184 : memref<624x128xf32, #tpu.memory_space<vmem_shared>>) target(%dma_start3A_182 : memref<624x128xf32, #tpu.memory_space<hbm>>) target_semaphore(%run_scoped3A : memref<!tpu.dma_semaphore, #tpu.memory_space<semaphore_mem>>)
        %dma_wait3A_185 = arith.constant 0 : i32
        %dma_wait3A_186 = tpu.memref_slice %arg5[%mul3A_13, %dma_wait3A_185] : memref<10000x128xf32, #tpu.memory_space<hbm>> -> memref<624x128xf32, #tpu.memory_space<hbm>>
        %dma_wait3A_187 = arith.constant 0 : i32
        %dma_wait3A_188 = tpu.memref_slice %arg12[%mul3A_13, %dma_wait3A_187] : memref<10240x128xf32, #tpu.memory_space<vmem_shared>> -> memref<624x128xf32, #tpu.memory_space<vmem_shared>>
        tpu.wait_dma2 semaphore(%run_scoped3A : memref<!tpu.dma_semaphore, #tpu.memory_space<semaphore_mem>>) src(%dma_wait3A_188 : memref<624x128xf32, #tpu.memory_space<vmem_shared>>) dst(%dma_wait3A_186 : memref<624x128xf32, #tpu.memory_space<hbm>>)
        tpu.yield
      }) : () -> ()
      %eq3A_176 = arith.constant 15 : i32
      %eq3A_177 = arith.cmpi eq, %arg1, %eq3A_176 : i32
      %convert_element_type3A_178 = arith.extui %eq3A_177 : i1 to i32
      %cond3A_179 = arith.constant 0 : i32
      %cond3A_180 = arith.cmpi ne, %convert_element_type3A_178, %cond3A_179 : i32
      scf.if %cond3A_180 {
        "tpu.region"() ({
          %run_scoped3A = tpu.sem_alloc : memref<!tpu.dma_semaphore, #tpu.memory_space<semaphore_mem>>
          %dma_start3A_181 = arith.constant 9984 : i32
          %dma_start3A_182 = arith.constant 0 : i32
          %dma_start3A_183 = tpu.memref_slice %arg5[%dma_start3A_181, %dma_start3A_182] : memref<10000x128xf32, #tpu.memory_space<hbm>> -> memref<16x128xf32, #tpu.memory_space<hbm>>
          %dma_start3A_184 = arith.constant 9984 : i32
          %dma_start3A_185 = arith.constant 0 : i32
          %dma_start3A_186 = tpu.memref_slice %arg12[%dma_start3A_184, %dma_start3A_185] : memref<10240x128xf32, #tpu.memory_space<vmem_shared>> -> memref<16x128xf32, #tpu.memory_space<vmem_shared>>
          tpu.enqueue_dma source(%dma_start3A_186 : memref<16x128xf32, #tpu.memory_space<vmem_shared>>) target(%dma_start3A_183 : memref<16x128xf32, #tpu.memory_space<hbm>>) target_semaphore(%run_scoped3A : memref<!tpu.dma_semaphore, #tpu.memory_space<semaphore_mem>>)
          %dma_wait3A_187 = arith.constant 9984 : i32
          %dma_wait3A_188 = arith.constant 0 : i32
          %dma_wait3A_189 = tpu.memref_slice %arg5[%dma_wait3A_187, %dma_wait3A_188] : memref<10000x128xf32, #tpu.memory_space<hbm>> -> memref<16x128xf32, #tpu.memory_space<hbm>>
          %dma_wait3A_190 = arith.constant 9984 : i32
          %dma_wait3A_191 = arith.constant 0 : i32
          %dma_wait3A_192 = tpu.memref_slice %arg12[%dma_wait3A_190, %dma_wait3A_191] : memref<10240x128xf32, #tpu.memory_space<vmem_shared>> -> memref<16x128xf32, #tpu.memory_space<vmem_shared>>
          tpu.wait_dma2 semaphore(%run_scoped3A : memref<!tpu.dma_semaphore, #tpu.memory_space<semaphore_mem>>) src(%dma_wait3A_192 : memref<16x128xf32, #tpu.memory_space<vmem_shared>>) dst(%dma_wait3A_189 : memref<16x128xf32, #tpu.memory_space<hbm>>)
          tpu.yield
        }) : () -> ()
      } else {
      }
    } else {
    }
    return
  }
}

module attributes {stable_mosaic.version = 14 : i64} {
  func.func @body(%arg0: i32, %arg1: memref<5000x128xf32, #tpu.memory_space<vmem>>, %arg2: memref<5000x128xf32, #tpu.memory_space<vmem>>, %arg3: memref<5000x128xf32, #tpu.memory_space<vmem>>, %arg4: memref<5000x1xf32, #tpu.memory_space<vmem>>, %arg5: memref<1x128xf32, #tpu.memory_space<vmem>>, %arg6: memref<128x128xf32, #tpu.memory_space<vmem>>, %arg7: memref<5000x128xf32, #tpu.memory_space<vmem>>) attributes {dimension_semantics = [#tpu.dimension_semantics<arbitrary>], iteration_bounds = array<i64: 2>, scalar_prefetch = 0 : i64, scratch_operands = 0 : i64, tpu.core_type = #tpu.core_type<tc>, window_params = [{transform_indices = @transform_0, window_bounds = array<i64: 5000, 128>}, {transform_indices = @transform_1, window_bounds = array<i64: 5000, 128>}, {transform_indices = @transform_2, window_bounds = array<i64: 5000, 128>}, {transform_indices = @transform_3, window_bounds = array<i64: 5000, 1>}, {pipeline_mode = #tpu.pipeline_mode<synchronous>, transform_indices = @transform_4, window_bounds = array<i64: 1, 128>}, {pipeline_mode = #tpu.pipeline_mode<synchronous>, transform_indices = @transform_5, window_bounds = array<i64: 128, 128>}, {transform_indices = @transform_6, window_bounds = array<i64: 5000, 128>}]} {
    %get3A = arith.constant 0 : index
    %get3A_0 = arith.constant 0 : index
    %get3A_1 = vector.load %arg1[%get3A, %get3A_0] : memref<5000x128xf32, #tpu.memory_space<vmem>>, vector<5000x128xf32>
    %get3A_2 = arith.constant 0 : index
    %get3A_3 = arith.constant 0 : index
    %get3A_4 = vector.load %arg2[%get3A_2, %get3A_3] : memref<5000x128xf32, #tpu.memory_space<vmem>>, vector<5000x128xf32>
    %add3A = arith.addf %get3A_1, %get3A_4 : vector<5000x128xf32>
    %get3A_5 = arith.constant 0 : index
    %get3A_6 = arith.constant 0 : index
    %get3A_7 = vector.load %arg3[%get3A_5, %get3A_6] : memref<5000x128xf32, #tpu.memory_space<vmem>>, vector<5000x128xf32>
    %sub3A = arith.subf %add3A, %get3A_7 : vector<5000x128xf32>
    %get3A_8 = arith.constant 0 : index
    %get3A_9 = arith.constant 0 : index
    %get3A_10 = vector.load %arg4[%get3A_8, %get3A_9] : memref<5000x1xf32, #tpu.memory_space<vmem>>, vector<5000x1xf32>
    %mul3A = vector.broadcast %get3A_10 : vector<5000x1xf32> to vector<5000x128xf32>
    %mul3A_11 = arith.mulf %mul3A, %sub3A : vector<5000x128xf32>
    %get3A_12 = arith.constant 0 : index
    %get3A_13 = arith.constant 0 : index
    %get3A_14 = vector.load %arg5[%get3A_12, %get3A_13] : memref<1x128xf32, #tpu.memory_space<vmem>>, vector<1x128xf32>
    %add3A_15 = vector.broadcast %get3A_14 : vector<1x128xf32> to vector<5000x128xf32>
    %add3A_16 = arith.addf %mul3A_11, %add3A_15 : vector<5000x128xf32>
    %max3A = arith.constant 0.000000e+00 : f32
    %max3A_17 = vector.broadcast %max3A : f32 to vector<5000x128xf32>
    %max3A_18 = arith.maximumf %add3A_16, %max3A_17 : vector<5000x128xf32>
    %get3A_19 = arith.constant 0 : index
    %get3A_20 = arith.constant 0 : index
    %get3A_21 = vector.load %arg4[%get3A_19, %get3A_20] : memref<5000x1xf32, #tpu.memory_space<vmem>>, vector<5000x1xf32>
    %get3A_22 = arith.constant 0 : index
    %get3A_23 = arith.constant 0 : index
    %get3A_24 = vector.load %arg6[%get3A_22, %get3A_23] : memref<128x128xf32, #tpu.memory_space<vmem>>, vector<128x128xf32>
    %dot_general3A = arith.constant dense<0.000000e+00> : vector<5000x128xf32>
    %dot_general3A_25 = tpu.matmul %max3A_18, %get3A_24, %dot_general3A {dimension_numbers = #tpu.dot_dimension_numbers<[1], [0], [0], [1], [0, 0, 1, 1], [], []>, transpose_lhs_hint = false} : vector<5000x128xf32>, vector<128x128xf32>, vector<5000x128xf32> -> vector<5000x128xf32>
    %mul3A_26 = vector.broadcast %get3A_21 : vector<5000x1xf32> to vector<5000x128xf32>
    %mul3A_27 = arith.mulf %mul3A_26, %dot_general3A_25 : vector<5000x128xf32>
    %swap3A = arith.constant 0 : index
    %swap3A_28 = arith.constant 0 : index
    %swap3A_29 = vector.load %arg7[%swap3A, %swap3A_28] : memref<5000x128xf32, #tpu.memory_space<vmem>>, vector<5000x128xf32>
    tpu.vector_store %arg7[%swap3A, %swap3A_28], %mul3A_27 {strides = array<i32>} : memref<5000x128xf32, #tpu.memory_space<vmem>>, vector<5000x128xf32>,
    return
  }
  func.func @transform_0(%arg0: i32) -> (i32, i32) {
    %c0_i32 = arith.constant 0 : i32
    %c0_i32_0 = arith.constant 0 : i32
    return %arg0, %c0_i32 : i32, i32
  }
  func.func @transform_1(%arg0: i32) -> (i32, i32) {
    %c0_i32 = arith.constant 0 : i32
    %c0_i32_0 = arith.constant 0 : i32
    return %arg0, %c0_i32 : i32, i32
  }
  func.func @transform_2(%arg0: i32) -> (i32, i32) {
    %c0_i32 = arith.constant 0 : i32
    %c0_i32_0 = arith.constant 0 : i32
    return %arg0, %c0_i32 : i32, i32
  }
  func.func @transform_3(%arg0: i32) -> (i32, i32) {
    %c0_i32 = arith.constant 0 : i32
    %c0_i32_0 = arith.constant 0 : i32
    return %arg0, %c0_i32 : i32, i32
  }
  func.func @transform_4(%arg0: i32) -> (i32, i32) {
    %c0_i32 = arith.constant 0 : i32
    %c0_i32_0 = arith.constant 0 : i32
    %c0_i32_1 = arith.constant 0 : i32
    return %c0_i32, %c0_i32_0 : i32, i32
  }
  func.func @transform_5(%arg0: i32) -> (i32, i32) {
    %c0_i32 = arith.constant 0 : i32
    %c0_i32_0 = arith.constant 0 : i32
    %c0_i32_1 = arith.constant 0 : i32
    return %c0_i32, %c0_i32_0 : i32, i32
  }
  func.func @transform_6(%arg0: i32) -> (i32, i32) {
    %c0_i32 = arith.constant 0 : i32
    %c0_i32_0 = arith.constant 0 : i32
    return %arg0, %c0_i32 : i32, i32
  }
}

module attributes {stable_mosaic.version = 14 : i64} {
  func.func @body(%arg0: i32, %arg1: memref<5000x128xf32, #tpu.memory_space<vmem>>, %arg2: memref<5000x128xf32, #tpu.memory_space<vmem>>, %arg3: memref<5000x128xf32, #tpu.memory_space<vmem>>, %arg4: memref<5000x1xf32, #tpu.memory_space<vmem>>, %arg5: memref<1x128xf32, #tpu.memory_space<vmem>>, %arg6: memref<128x128xf32, #tpu.memory_space<vmem>>, %arg7: memref<5000x128xf32, #tpu.memory_space<vmem>>, %arg8: memref<5000x128xf32, #tpu.memory_space<vmem>>) attributes {dimension_semantics = [#tpu.dimension_semantics<arbitrary>], iteration_bounds = array<i64: 2>, scalar_prefetch = 0 : i64, scratch_operands = 0 : i64, tpu.core_type = #tpu.core_type<tc>, window_params = [{transform_indices = @transform_0, window_bounds = array<i64: 5000, 128>}, {transform_indices = @transform_1, window_bounds = array<i64: 5000, 128>}, {transform_indices = @transform_2, window_bounds = array<i64: 5000, 128>}, {transform_indices = @transform_3, window_bounds = array<i64: 5000, 1>}, {pipeline_mode = #tpu.pipeline_mode<synchronous>, transform_indices = @transform_4, window_bounds = array<i64: 1, 128>}, {pipeline_mode = #tpu.pipeline_mode<synchronous>, transform_indices = @transform_5, window_bounds = array<i64: 128, 128>}, {transform_indices = @transform_6, window_bounds = array<i64: 5000, 128>}, {transform_indices = @transform_7, window_bounds = array<i64: 5000, 128>}]} {
    %get3A = arith.constant 0 : index
    %get3A_0 = arith.constant 0 : index
    %get3A_1 = vector.load %arg1[%get3A, %get3A_0] : memref<5000x128xf32, #tpu.memory_space<vmem>>, vector<5000x128xf32>
    %get3A_2 = arith.constant 0 : index
    %get3A_3 = arith.constant 0 : index
    %get3A_4 = vector.load %arg2[%get3A_2, %get3A_3] : memref<5000x128xf32, #tpu.memory_space<vmem>>, vector<5000x128xf32>
    %add3A = arith.addf %get3A_1, %get3A_4 : vector<5000x128xf32>
    %get3A_5 = arith.constant 0 : index
    %get3A_6 = arith.constant 0 : index
    %get3A_7 = vector.load %arg3[%get3A_5, %get3A_6] : memref<5000x128xf32, #tpu.memory_space<vmem>>, vector<5000x128xf32>
    %sub3A = arith.subf %add3A, %get3A_7 : vector<5000x128xf32>
    %get3A_8 = arith.constant 0 : index
    %get3A_9 = arith.constant 0 : index
    %get3A_10 = vector.load %arg4[%get3A_8, %get3A_9] : memref<5000x1xf32, #tpu.memory_space<vmem>>, vector<5000x1xf32>
    %mul3A = vector.broadcast %get3A_10 : vector<5000x1xf32> to vector<5000x128xf32>
    %mul3A_11 = arith.mulf %mul3A, %sub3A : vector<5000x128xf32>
    %get3A_12 = arith.constant 0 : index
    %get3A_13 = arith.constant 0 : index
    %get3A_14 = vector.load %arg5[%get3A_12, %get3A_13] : memref<1x128xf32, #tpu.memory_space<vmem>>, vector<1x128xf32>
    %add3A_15 = vector.broadcast %get3A_14 : vector<1x128xf32> to vector<5000x128xf32>
    %add3A_16 = arith.addf %mul3A_11, %add3A_15 : vector<5000x128xf32>
    %get3A_17 = arith.constant 0 : index
    %get3A_18 = arith.constant 0 : index
    %get3A_19 = vector.load %arg4[%get3A_17, %get3A_18] : memref<5000x1xf32, #tpu.memory_space<vmem>>, vector<5000x1xf32>
    %get3A_20 = arith.constant 0 : index
    %get3A_21 = arith.constant 0 : index
    %get3A_22 = vector.load %arg6[%get3A_20, %get3A_21] : memref<128x128xf32, #tpu.memory_space<vmem>>, vector<128x128xf32>
    %dot_general3A = arith.constant dense<0.000000e+00> : vector<5000x128xf32>
    %dot_general3A_23 = tpu.matmul %add3A_16, %get3A_22, %dot_general3A {dimension_numbers = #tpu.dot_dimension_numbers<[1], [0], [0], [1], [0, 0, 1, 1], [], []>, transpose_lhs_hint = false} : vector<5000x128xf32>, vector<128x128xf32>, vector<5000x128xf32> -> vector<5000x128xf32>
    %mul3A_24 = vector.broadcast %get3A_19 : vector<5000x1xf32> to vector<5000x128xf32>
    %mul3A_25 = arith.mulf %mul3A_24, %dot_general3A_23 : vector<5000x128xf32>
    %swap3A = arith.constant 0 : index
    %swap3A_26 = arith.constant 0 : index
    %swap3A_27 = vector.load %arg7[%swap3A, %swap3A_26] : memref<5000x128xf32, #tpu.memory_space<vmem>>, vector<5000x128xf32>
    tpu.vector_store %arg7[%swap3A, %swap3A_26], %add3A_16 {strides = array<i32>} : memref<5000x128xf32, #tpu.memory_space<vmem>>, vector<5000x128xf32>,
    %swap3A_28 = arith.constant 0 : index
    %swap3A_29 = arith.constant 0 : index
    %swap3A_30 = vector.load %arg8[%swap3A_28, %swap3A_29] : memref<5000x128xf32, #tpu.memory_space<vmem>>, vector<5000x128xf32>
    tpu.vector_store %arg8[%swap3A_28, %swap3A_29], %mul3A_25 {strides = array<i32>} : memref<5000x128xf32, #tpu.memory_space<vmem>>, vector<5000x128xf32>,
    return
  }
  func.func @transform_0(%arg0: i32) -> (i32, i32) {
    %c0_i32 = arith.constant 0 : i32
    %c0_i32_0 = arith.constant 0 : i32
    return %arg0, %c0_i32 : i32, i32
  }
  func.func @transform_1(%arg0: i32) -> (i32, i32) {
    %c0_i32 = arith.constant 0 : i32
    %c0_i32_0 = arith.constant 0 : i32
    return %arg0, %c0_i32 : i32, i32
  }
  func.func @transform_2(%arg0: i32) -> (i32, i32) {
    %c0_i32 = arith.constant 0 : i32
    %c0_i32_0 = arith.constant 0 : i32
    return %arg0, %c0_i32 : i32, i32
  }
  func.func @transform_3(%arg0: i32) -> (i32, i32) {
    %c0_i32 = arith.constant 0 : i32
    %c0_i32_0 = arith.constant 0 : i32
    return %arg0, %c0_i32 : i32, i32
  }
  func.func @transform_4(%arg0: i32) -> (i32, i32) {
    %c0_i32 = arith.constant 0 : i32
    %c0_i32_0 = arith.constant 0 : i32
    %c0_i32_1 = arith.constant 0 : i32
    return %c0_i32, %c0_i32_0 : i32, i32
  }
  func.func @transform_5(%arg0: i32) -> (i32, i32) {
    %c0_i32 = arith.constant 0 : i32
    %c0_i32_0 = arith.constant 0 : i32
    %c0_i32_1 = arith.constant 0 : i32
    return %c0_i32, %c0_i32_0 : i32, i32
  }
  func.func @transform_6(%arg0: i32) -> (i32, i32) {
    %c0_i32 = arith.constant 0 : i32
    %c0_i32_0 = arith.constant 0 : i32
    return %arg0, %c0_i32 : i32, i32
  }
  func.func @transform_7(%arg0: i32) -> (i32, i32) {
    %c0_i32 = arith.constant 0 : i32
    %c0_i32_0 = arith.constant 0 : i32
    return %arg0, %c0_i32 : i32, i32
  }
}

module attributes {stable_mosaic.version = 14 : i64} {
  func.func @body(%arg0: i32, %arg1: memref<5000x128xf32, #tpu.memory_space<vmem>>, %arg2: memref<128x128xf32, #tpu.memory_space<vmem>>, %arg3: memref<5000x2xf32, #tpu.memory_space<vmem>>, %arg4: memref<5000x128xf32, #tpu.memory_space<vmem>>, %arg5: memref<5000x1xf32, #tpu.memory_space<vmem>>) attributes {dimension_semantics = [#tpu.dimension_semantics<arbitrary>], iteration_bounds = array<i64: 2>, scalar_prefetch = 0 : i64, scratch_operands = 0 : i64, tpu.core_type = #tpu.core_type<tc>, window_params = [{transform_indices = @transform_0, window_bounds = array<i64: 5000, 128>}, {pipeline_mode = #tpu.pipeline_mode<synchronous>, transform_indices = @transform_1, window_bounds = array<i64: 128, 128>}, {transform_indices = @transform_2, window_bounds = array<i64: 5000, 2>}, {transform_indices = @transform_3, window_bounds = array<i64: 5000, 128>}, {transform_indices = @transform_4, window_bounds = array<i64: 5000, 1>}]} {
    %get3A = arith.constant 0 : index
    %get3A_0 = arith.constant 0 : index
    %get3A_1 = vector.load %arg3[%get3A, %get3A_0] : memref<5000x2xf32, #tpu.memory_space<vmem>>, vector<5000x1xf32>
    %get3A_2 = arith.constant 0 : index
    %get3A_3 = arith.constant 1 : index
    %get3A_4 = vector.load %arg3[%get3A_2, %get3A_3] : memref<5000x2xf32, #tpu.memory_space<vmem>>, vector<5000x1xf32>
    %add3A = arith.addf %get3A_1, %get3A_4 : vector<5000x1xf32>
    %add3A_5 = arith.constant 1.000000e+00 : f32
    %add3A_6 = vector.broadcast %add3A_5 : f32 to vector<5000x1xf32>
    %add3A_7 = arith.addf %add3A, %add3A_6 : vector<5000x1xf32>
    %rsqrt3A = math.rsqrt %add3A_7 : vector<5000x1xf32>
    %get3A_8 = arith.constant 0 : index
    %get3A_9 = arith.constant 0 : index
    %get3A_10 = vector.load %arg1[%get3A_8, %get3A_9] : memref<5000x128xf32, #tpu.memory_space<vmem>>, vector<5000x128xf32>
    %get3A_11 = arith.constant 0 : index
    %get3A_12 = arith.constant 0 : index
    %get3A_13 = vector.load %arg2[%get3A_11, %get3A_12] : memref<128x128xf32, #tpu.memory_space<vmem>>, vector<128x128xf32>
    %dot_general3A = arith.constant dense<0.000000e+00> : vector<5000x128xf32>
    %dot_general3A_14 = tpu.matmul %get3A_10, %get3A_13, %dot_general3A {dimension_numbers = #tpu.dot_dimension_numbers<[1], [0], [0], [1], [0, 0, 1, 1], [], []>, transpose_lhs_hint = false} : vector<5000x128xf32>, vector<128x128xf32>, vector<5000x128xf32> -> vector<5000x128xf32>
    %mul3A = vector.broadcast %rsqrt3A : vector<5000x1xf32> to vector<5000x128xf32>
    %mul3A_15 = arith.mulf %mul3A, %dot_general3A_14 : vector<5000x128xf32>
    %swap3A = arith.constant 0 : index
    %swap3A_16 = arith.constant 0 : index
    %swap3A_17 = vector.load %arg4[%swap3A, %swap3A_16] : memref<5000x128xf32, #tpu.memory_space<vmem>>, vector<5000x128xf32>
    tpu.vector_store %arg4[%swap3A, %swap3A_16], %mul3A_15 {strides = array<i32>} : memref<5000x128xf32, #tpu.memory_space<vmem>>, vector<5000x128xf32>,
    %swap3A_18 = arith.constant 0 : index
    %swap3A_19 = arith.constant 0 : index
    %swap3A_20 = vector.load %arg5[%swap3A_18, %swap3A_19] : memref<5000x1xf32, #tpu.memory_space<vmem>>, vector<5000x1xf32>
    tpu.vector_store %arg5[%swap3A_18, %swap3A_19], %rsqrt3A {strides = array<i32>} : memref<5000x1xf32, #tpu.memory_space<vmem>>, vector<5000x1xf32>,
    return
  }
  func.func @transform_0(%arg0: i32) -> (i32, i32) {
    %c0_i32 = arith.constant 0 : i32
    %c0_i32_0 = arith.constant 0 : i32
    return %arg0, %c0_i32 : i32, i32
  }
  func.func @transform_1(%arg0: i32) -> (i32, i32) {
    %c0_i32 = arith.constant 0 : i32
    %c0_i32_0 = arith.constant 0 : i32
    %c0_i32_1 = arith.constant 0 : i32
    return %c0_i32, %c0_i32_0 : i32, i32
  }
  func.func @transform_2(%arg0: i32) -> (i32, i32) {
    %c0_i32 = arith.constant 0 : i32
    %c0_i32_0 = arith.constant 0 : i32
    return %arg0, %c0_i32 : i32, i32
  }
  func.func @transform_3(%arg0: i32) -> (i32, i32) {
    %c0_i32 = arith.constant 0 : i32
    %c0_i32_0 = arith.constant 0 : i32
    return %arg0, %c0_i32 : i32, i32
  }
  func.func @transform_4(%arg0: i32) -> (i32, i32) {
    %c0_i32 = arith.constant 0 : i32
    %c0_i32_0 = arith.constant 0 : i32
    return %arg0, %c0_i32 : i32, i32
  }
}

module attributes {stable_mosaic.version = 14 : i64} {
  func.func @body(%arg0: i32, %arg1: memref<5000x128xf32, #tpu.memory_space<vmem>>, %arg2: memref<5000x128xf32, #tpu.memory_space<vmem>>, %arg3: memref<5000x128xf32, #tpu.memory_space<vmem>>, %arg4: memref<5000x1xf32, #tpu.memory_space<vmem>>, %arg5: memref<1x128xf32, #tpu.memory_space<vmem>>, %arg6: memref<5000x128xf32, #tpu.memory_space<vmem>>, %arg7: memref<5000x128xf32, #tpu.memory_space<vmem>>) attributes {dimension_semantics = [#tpu.dimension_semantics<arbitrary>], iteration_bounds = array<i64: 2>, scalar_prefetch = 0 : i64, scratch_operands = 0 : i64, tpu.core_type = #tpu.core_type<tc>, window_params = [{transform_indices = @transform_0, window_bounds = array<i64: 5000, 128>}, {transform_indices = @transform_1, window_bounds = array<i64: 5000, 128>}, {transform_indices = @transform_2, window_bounds = array<i64: 5000, 128>}, {transform_indices = @transform_3, window_bounds = array<i64: 5000, 1>}, {pipeline_mode = #tpu.pipeline_mode<synchronous>, transform_indices = @transform_4, window_bounds = array<i64: 1, 128>}, {transform_indices = @transform_5, window_bounds = array<i64: 5000, 128>}, {transform_indices = @transform_6, window_bounds = array<i64: 5000, 128>}]} {
    %get3A = arith.constant 0 : index
    %get3A_0 = arith.constant 0 : index
    %get3A_1 = vector.load %arg1[%get3A, %get3A_0] : memref<5000x128xf32, #tpu.memory_space<vmem>>, vector<5000x128xf32>
    %get3A_2 = arith.constant 0 : index
    %get3A_3 = arith.constant 0 : index
    %get3A_4 = vector.load %arg2[%get3A_2, %get3A_3] : memref<5000x128xf32, #tpu.memory_space<vmem>>, vector<5000x128xf32>
    %add3A = arith.addf %get3A_1, %get3A_4 : vector<5000x128xf32>
    %get3A_5 = arith.constant 0 : index
    %get3A_6 = arith.constant 0 : index
    %get3A_7 = vector.load %arg3[%get3A_5, %get3A_6] : memref<5000x128xf32, #tpu.memory_space<vmem>>, vector<5000x128xf32>
    %sub3A = arith.subf %add3A, %get3A_7 : vector<5000x128xf32>
    %get3A_8 = arith.constant 0 : index
    %get3A_9 = arith.constant 0 : index
    %get3A_10 = vector.load %arg4[%get3A_8, %get3A_9] : memref<5000x1xf32, #tpu.memory_space<vmem>>, vector<5000x1xf32>
    %mul3A = vector.broadcast %get3A_10 : vector<5000x1xf32> to vector<5000x128xf32>
    %mul3A_11 = arith.mulf %mul3A, %sub3A : vector<5000x128xf32>
    %get3A_12 = arith.constant 0 : index
    %get3A_13 = arith.constant 0 : index
    %get3A_14 = vector.load %arg5[%get3A_12, %get3A_13] : memref<1x128xf32, #tpu.memory_space<vmem>>, vector<1x128xf32>
    %add3A_15 = vector.broadcast %get3A_14 : vector<1x128xf32> to vector<5000x128xf32>
    %add3A_16 = arith.addf %mul3A_11, %add3A_15 : vector<5000x128xf32>
    %max3A = arith.constant 0.000000e+00 : f32
    %max3A_17 = vector.broadcast %max3A : f32 to vector<5000x128xf32>
    %max3A_18 = arith.maximumf %add3A_16, %max3A_17 : vector<5000x128xf32>
    %get3A_19 = arith.constant 0 : index
    %get3A_20 = arith.constant 0 : index
    %get3A_21 = vector.load %arg6[%get3A_19, %get3A_20] : memref<5000x128xf32, #tpu.memory_space<vmem>>, vector<5000x128xf32>
    %add3A_22 = arith.addf %max3A_18, %get3A_21 : vector<5000x128xf32>
    %swap3A = arith.constant 0 : index
    %swap3A_23 = arith.constant 0 : index
    %swap3A_24 = vector.load %arg7[%swap3A, %swap3A_23] : memref<5000x128xf32, #tpu.memory_space<vmem>>, vector<5000x128xf32>
    tpu.vector_store %arg7[%swap3A, %swap3A_23], %add3A_22 {strides = array<i32>} : memref<5000x128xf32, #tpu.memory_space<vmem>>, vector<5000x128xf32>,
    return
  }
  func.func @transform_0(%arg0: i32) -> (i32, i32) {
    %c0_i32 = arith.constant 0 : i32
    %c0_i32_0 = arith.constant 0 : i32
    return %arg0, %c0_i32 : i32, i32
  }
  func.func @transform_1(%arg0: i32) -> (i32, i32) {
    %c0_i32 = arith.constant 0 : i32
    %c0_i32_0 = arith.constant 0 : i32
    return %arg0, %c0_i32 : i32, i32
  }
  func.func @transform_2(%arg0: i32) -> (i32, i32) {
    %c0_i32 = arith.constant 0 : i32
    %c0_i32_0 = arith.constant 0 : i32
    return %arg0, %c0_i32 : i32, i32
  }
  func.func @transform_3(%arg0: i32) -> (i32, i32) {
    %c0_i32 = arith.constant 0 : i32
    %c0_i32_0 = arith.constant 0 : i32
    return %arg0, %c0_i32 : i32, i32
  }
  func.func @transform_4(%arg0: i32) -> (i32, i32) {
    %c0_i32 = arith.constant 0 : i32
    %c0_i32_0 = arith.constant 0 : i32
    %c0_i32_1 = arith.constant 0 : i32
    return %c0_i32, %c0_i32_0 : i32, i32
  }
  func.func @transform_5(%arg0: i32) -> (i32, i32) {
    %c0_i32 = arith.constant 0 : i32
    %c0_i32_0 = arith.constant 0 : i32
    return %arg0, %c0_i32 : i32, i32
  }
  func.func @transform_6(%arg0: i32) -> (i32, i32) {
    %c0_i32 = arith.constant 0 : i32
    %c0_i32_0 = arith.constant 0 : i32
    return %arg0, %c0_i32 : i32, i32
  }
}

</mosaic_0001>

<sc_bundles>
// kernel: kernel.10.cloned.1.call-start
scs
__scs_entry_jumppad:
0x0: {  	(pc) =	sbr.rel $0x88, $3  }
0x1: {  	(tag) =	ssettag $0x0;
	lr =	simm.s32 $0x1  }
0x2: {  	[smem:$0x3F99] =	sst lr;
	_ =	strace $0xD0000000  }
0x3: {  	_ = 	snop  }
0x4: {  	_ = 	snop  }
0x5: {  	_ = 	snop  }
0x6: {  	_ = 	snop  }
0x7: {  	_ = 	snop  }
__scs_overlays_trampoline_lowered:
0x8: {  	[smem:$0x3FA8] =	sst s0  }
0x9: {  	[smem:$0x3FA9] =	sst s1  }
0xa: {  	[smem:$0x3FAA] =	sst s2  }
0xb: {  	[smem:$0x3FAB] =	sst s3  }
0xc: {  	[smem:$0x3FAC] =	sst s4  }
0xd: {  	[smem:$0x3FAD] =	sst s5  }
0xe: {  	[smem:$0x3FAE] =	sst s6  }
0xf: {  	[smem:$0x3FAF] =	sst s7  }
0x10: {  	[smem:$0x3FB0] =	sst s8  }
0x11: {  	[smem:$0x3FB1] =	sst s9;
	s0 =	simm.s32 @!p0 $0x0  }
0x12: {  	s1 =	sld [smem:$0x3F97];
	s0 =	simm.s32 @p0 $0x1  }
0x13: {  	[smem:$0x3FB2] =	sst s0;
	s0 =	simm.s32 @!p1 $0x0  }
0x14: {  	s2 =	sld [smem:$0x3F96];
	s0 =	simm.s32 @p1 $0x1  }
0x15: {  	[smem:$0x3FB3] =	sst s0;
	s0 =	simm.s32 @!p2 $0x0  }
0x16: {  	s3 =	sld [smem:$0x3FDB];
	s0 =	simm.s32 @p2 $0x1  }
0x17: {  	s4 =	simm.s32 $0x1BF5;
	[smem:$0x3FB5] =	sst s0  }
0x18: {  	s0 =	sld [smem:$0x3F98];
	_ =	swait.ge [sflag:s4], $0x0  }
0x19: {  	s7 =	sld [smem:$0x3F99]  }
0x1a: {  	s8 =	sadd.s32 $0xFFFFE003, lr  }
0x1b: {  	s9 =	sadd.s32 $0xFFFFFEF7, lr;
	s5 =	simm.s32 $0xFFFFFFFF;
	p2 =	slt.u32 s8, $0xFFFFF086  }
0x1c: {  	p1 =	slt.u32 s9, $0xF7A;
	s5 =	simm.s32 @!p2 $0x0  }
0x1d: {  	s5 =	simm.s32 @p1 $0x1;
	p0 =	seq.s32 s7, s2  }
0x1e: {  	s7 =	smul.u32 @!p0 $0xF7A, s2;
	p2 =	seq.s32 @!p0 s5, $0x0  }
0x1f: {  	s9 =	smul.u32 $0xF7A, s1;
	s8 =	simm.s32 @!p0 $0x1BF5;
	p2 =	por !p2, p0  }
0x20: {  	[sflag:s8] =	ssyncset.s32 @!p0 $0xFFFFF086;
	s6 =	sadd.s32 @!p0 s3, s7;
	s7 =	simm.s32 @!p0 $0x108  }
0x21: {  	s3 =	sadd.s32 s3, s9;
	s6 =	sadd.s32 @!p0 $0x88, s6;
	s7 =	simm.s32 @p2 $0x1082  }
0x22: {  	[simem:s7], [sflag:s8] =	dma.local @!p0 [hbm:s6], $0xF7A  }
0x23: {  	s9 =	sor.u32 $0xD0000000, s2;
	s6 =	simm.s32 $0x108;
	_ =	swait.ge @!p0 [sflag:s8], $0x0  }
0x24: {  	s3 =	sadd.s32 $0x88, s3;
	s6 =	simm.s32 @!p1 $0x1082;
	[sflag:s4] =	ssyncset.s32 $0xFFFFF086  }
0x25: {  	[simem:s6], [sflag:s4] =	dma.local [hbm:s3], $0xF7A  }
0x26: {  	[smem:$0x3F99] =	sst s1;
	(tag) =	ssettag s2;
	_ =	strace s9  }
0x27: {  	s1 =	sld [smem:$0x3FA9]  }
0x28: {  	s2 =	sld [smem:$0x3FAA]  }
0x29: {  	s4 =	sld [smem:$0x3FAC]  }
0x2a: {  	p0 =	seq.s32 s5, $0x0;
	s5 =	sld [smem:$0x3FAD]  }
0x2b: {  	s6 =	sld [smem:$0x3FAE]  }
0x2c: {  	s7 =	sld [smem:$0x3FAF]  }
0x2d: {  	s3 =	simm.s32 $0x108;
	s8 =	sld [smem:$0x3FB0]  }
0x2e: {  	s3 =	simm.s32 @!p0 $0x1082;
	s9 =	sld [smem:$0x3FB1]  }
0x2f: {  	lr =	sadd.s32 s0, s3;
	s0 =	sld [smem:$0x3FA8]  }
0x30: {  	s3 =	sld [smem:$0x3FAB]  }
0x31: {  	[smem:$0x3FB4] =	sst s10  }
0x32: {  	s10 =	sld [smem:$0x3FB2];
	_ =	sdelay $0x3  }
0x33: {  	p0 =	seq.s32 s10, $0x1;
	s10 =	sld [smem:$0x3FB4];
	_ =	sdelay $0x3  }
0x34: {  	[smem:$0x3FB4] =	sst s10  }
0x35: {  	s10 =	sld [smem:$0x3FB3];
	_ =	sdelay $0x3  }
0x36: {  	p1 =	seq.s32 s10, $0x1;
	s10 =	sld [smem:$0x3FB4];
	_ =	sdelay $0x3  }
0x37: {  	[smem:$0x3FB4] =	sst s10  }
0x38: {  	s10 =	sld [smem:$0x3FB5]  }
0x39: {  	_ = 	snop;
	(pc) =	sbr.ind lr, $3  }
0x3a: {  	_ = 	snop  }
0x3b: {  	_ = 	snop  }
0x3c: {  	p2 =	seq.s32 s10, $0x1;
	s10 =	sld [smem:$0x3FB4]  }
0x3d: {  	_ =	shalt  }
0x3e: {  	_ =	shalt  }
0x3f: {  	_ =	shalt  }
0x40: {  	_ =	shalt  }
0x41: {  	_ =	shalt  }
0x42: {  	_ =	shalt  }
0x43: {  	_ =	shalt  }
0x44: {  	_ =	shalt  }
0x45: {  	_ =	shalt  }
0x46: {  	_ =	shalt  }
0x47: {  	_ =	shalt  }
0x48: {  	_ =	shalt  }
0x49: {  	_ =	shalt  }
0x4a: {  	_ =	shalt  }
0x4b: {  	_ =	shalt  }
0x4c: {  	_ =	shalt  }
0x4d: {  	_ =	shalt  }
0x4e: {  	_ =	shalt  }
0x4f: {  	_ =	shalt  }
0x50: {  	_ =	shalt  }
0x51: {  	_ =	shalt  }
0x52: {  	_ =	shalt  }
0x53: {  	_ =	shalt  }
0x54: {  	_ =	shalt  }
0x55: {  	_ =	shalt  }
0x56: {  	_ =	shalt  }
0x57: {  	_ =	shalt  }
0x58: {  	_ =	shalt  }
0x59: {  	_ =	shalt  }
0x5a: {  	_ =	shalt  }
0x5b: {  	_ =	shalt  }
0x5c: {  	_ =	shalt  }
0x5d: {  	_ =	shalt  }
0x5e: {  	_ =	shalt  }
0x5f: {  	_ =	shalt  }
0x60: {  	_ =	shalt  }
0x61: {  	_ =	shalt  }
0x62: {  	_ =	shalt  }
0x63: {  	_ =	shalt  }
0x64: {  	_ =	shalt  }
0x65: {  	_ =	shalt  }
0x66: {  	_ =	shalt  }
0x67: {  	_ =	shalt  }
0x68: {  	_ =	shalt  }
0x69: {  	_ =	shalt  }
0x6a: {  	_ =	shalt  }
0x6b: {  	_ =	shalt  }
0x6c: {  	_ =	shalt  }
0x6d: {  	_ =	shalt  }
0x6e: {  	_ =	shalt  }
0x6f: {  	_ =	shalt  }
0x70: {  	_ =	shalt  }
0x71: {  	_ =	shalt  }
0x72: {  	_ =	shalt  }
0x73: {  	_ =	shalt  }
0x74: {  	_ =	shalt  }
0x75: {  	_ =	shalt  }
0x76: {  	_ =	shalt  }
0x77: {  	_ =	shalt  }
0x78: {  	_ =	shalt  }
0x79: {  	_ =	shalt  }
0x7a: {  	_ =	shalt  }
0x7b: {  	_ =	shalt  }
0x7c: {  	_ =	shalt  }
0x7d: {  	_ =	shalt  }
0x7e: {  	_ =	shalt  }
0x7f: {  	_ =	shalt  }
0x80: {  	_ =	shalt  }
0x81: {  	_ =	shalt  }
0x82: {  	_ =	shalt  }
0x83: {  	_ =	shalt  }
0x84: {  	_ =	shalt  }
0x85: {  	_ =	shalt  }
0x86: {  	_ =	shalt  }
0x87: {  	_ =	shalt  }
.Lfunc_end0:
.L_simem_size_0:
called_computation_lowered:
.L_overlay_start_0:
0x88: {  	s2 =	sld [smem:$0x3FD9]  }
0x89: {  	s3 =	sld [smem:$0x3FFE];
	_ =	sdelay $0x1  }
0x8a: {  	s1 =	srdreg.scid  }
0x8b: {  	s0 =	sand.u32 $0x1, s1  }
0x8c: {  	s18 =	sshll.u32 s0, $0xA;
	s2 =	sadd.s32 s3, s2  }
0x8d: {  	s2 =	sadd.s32 s2, s18  }
0x8e: {  	[smem:$0x3FC0] =	sst s2  }
0x8f: {  	_ = 	snop  }
0x90: {  	s2 =	sld [smem:$0x3FC8]  }
0x91: {  	s19 =	sld [smem:$0x3FD0];
	(tm) =	ssettm $0x1  }
0x92: {  	s4 =	sld [smem:$0x3FFB];
	_ =	sdelay $0x3  }
0x93: {  	_ =	strace s4  }
0x94: {  	s4 =	sld [smem:$0x3FFC];
	_ =	sdelay $0x3  }
0x95: {  	_ =	strace s4  }
0x96: {  	s4 =	sld [smem:$0x3FFD];
	_ =	sdelay $0x3  }
0x97: {  	_ =	strace s4  }
0x98: {  	_ =	strace $0x8FFFFFFF  }
0x99: {  	s20 =	sld [smem:$0x3FDB];
	_ =	sdelay $0x1  }
0x9a: {  	s5 =	simm.s32 $_scs_section_size  }
0x9b: {  	s6 =	simm.s32 $_size__tile_overlayer_lowered;
	s7 =	simm.s32 $_tile_overlayer_lowered  }
0x9c: {  	s23 =	simm.s32 $0x1BFF;
	s22 =	sshll.u32 s7, $0x1;
	s4 =	sadd.s32 s5, s20  }
0x9d: {  	s8 =	simm.s32 $0x0;
	s21 =	sshll.u32 s6, $0x1;
	s6 =	sadd.s32 s22, s4  }
0x9e: {  	[timem:s8], [sflag:s23] =	dma.local [hbm:s6], s21  }
0x9f: {  	_ =	swait.ge [sflag:s23], s21  }
0xa0: {  	s5 =	ssub.s32 $0x0, s21;
	[sflag:s23] =	ssyncset.done $0x0  }
0xa1: {  	[sflag:s23] =	ssyncadd.s32 s5;
	_ =	sdelay $0x1  }
0xa2: {  	s24 =	simm.s32 $0x1B8B  }
0xa3: {  	_ =	swait.ge [sflag:s24], $0x1  }
0xa4: {  	[sflag:s24] =	ssyncset.done $0x0  }
0xa5: {  	s25 =	simm.s32 $0x1B8E;
	[sflag:s24] =	ssyncadd.s32 $0xFFFFFFFF  }
0xa6: {  	s26 =	simm.s32 $execute0_lowered;
	[smem:$0x3FD2] =	sst s25  }
0xa7: {  	s5 =	sshll.u32 s26, $0x1;
	_ =	strace $0x80000046;
	[dreg:$0x1] =	wrdreg $0xFFFFFFFF  }
0xa8: {  	s28 =	simm.s32 $_size_execute0_lowered;
	s4 =	sadd.s32 s4, s5;
	[dreg:$0x0] =	wrdreg $0x0  }
0xa9: {  	s5 =	sshll.u32 s28, $0x1;
	[dreg:$0x2] =	wrdreg s4  }
0xaa: {  	[dreg:$0x3] =	wrdreg s5  }
0xab: {  	[dreg:$0x4] =	wrdreg $0xC0  }
0xac: {  	_ =	task [dreg:s8], $0x5FFFF  }
0xad: {  	[dreg:$0x1] =	wrdreg $0xFFFFFFFF  }
0xae: {  	[dreg:$0x0] =	wrdreg $0x60  }
0xaf: {  	[dreg:$0x2] =	wrdreg s2  }
0xb0: {  	[dreg:$0x3] =	wrdreg s19  }
0xb1: {  	[dreg:$0x4] =	wrdreg $0x7000  }
0xb2: {  	[dreg:$0x5] =	wrdreg $0x9  }
0xb3: {  	_ =	task.clear_ibuf [dreg:s8], $0x6FFFF;
	_ =	strace $0x90000046  }
0xb4: {  	s29 =	simm.s32 $0x9;
	_ =	strace $0x80000048  }
0xb5: {  	_ =	swait.ge [sflag:s29], $0x1  }
0xb6: {  	[sflag:s29] =	ssyncadd.s32 $0xFFFFFFFF  }
0xb7: {  	_ =	strace $0x90000048  }
0xb8: {  	_ =	sfence  }
0xb9: {  	s30 =	sld [smem:$0x0];
	_ =	sdelay $0x2  }
0xba: {  	s31 =	sshll.u32 s1, $0xD;
	s1 =	sshrl.u32 s1, $0x2  }
0xbb: {  	s3 =	sand.u32 $0x4000, s31;
	s1 =	sadd.s32 s1, s30  }
0xbc: {  	s0 =	sor.u32 s3, s0;
	s1 =	sshll.u32 s1, $0x11  }
0xbd: {  	s0 =	sor.u32 s1, s0  }
0xbe: {  	s0 =	sadd.s32 $0x8F2B, s0  }
0xbf: {  	[sflag:s0] =	ssyncadd.remote.s32 $0x1  }
0xc0: {  	_ =	sfence.sel $0xFFFF  }
0xc1: {  	[dreg:$0x0] =	wrdreg $0xFFFFFFFF;
	(pc) =	sbr.abs _section_cstart, $3  }
0xc2: {  	[dreg:$0x1] =	wrdreg $0xFFFFFFFF  }
0xc3: {  	_ =	task.clear_ibuf [dreg:s8], $0x2FFFF;
	_ =	strace $0x9FFFFFFF  }
0xc4: {  	(tm) =	ssettm $0x7FFFFFFF  }
0xc5: {  	_ =	shalt  }
tec
execute0_lowered:
.L_overlay_start_1:
0x0: {  	(tag) =	ssettag $0x1  }
0x1: {  	s0 =	rddreg [dreg:$0x0]  }
0x2: {  	s1 =	rddreg [dreg:$0x1];
	s3 =	srdreg.scid  }
0x3: {  	s14 =	stileid.u32;
	s2 =	rddreg [dreg:$0x2];
	s19 =	simm.s32 $0x480  }
0x4: {  	s20 =	simm.s32 $0x2;
	s21 =	simm.s32 $0x1;
	s22 =	simm.s32 $0x80  }
0x5: {  	s23 =	simm.s32 $0x400;
	s28 =	simm.s32 $0x20;
	s29 =	simm.s32 $0x10  }
0x6: {  	s30 =	simm.s32 $0x0;
	s8 =	sand.u32 $0x1, s3;
	s10 =	smul.u32 $0x26, s14  }
0x7: {  	s4 =	sshll.u32 s14, $0x1;
	s3 =	simm.s32 $0x0;
	s13 =	smul.u32 $0x500, s14  }
0x8: {  	s14 =	smul.u32 $0xA00, s14;
	s4 =	sor.u32 s8, s4;
	[smem:$0x7FF] =	sst s3  }
0x9: {  	s5 =	ssub.s32 $0x2, s8;
	s11 =	smul.u32 $0x13, s8;
	s15 =	sshll.u32 s8, $0x7  }
0xa: {  	s6 =	smul.u32 $0x13, s4;
	_ =	strace $0x80000047;
	s7 =	sshrl.u32 s5, $0x1  }
0xb: {  	s9 =	smin.u32 s4, $0x11;
	p0 =	slt.u32 s4, $0x11;
	s4 =	simm.s32 $0x50  }
0xc: {  	s25 =	sor.u32 s15, s13;
	s26 =	sshrl.u32 s14, $0x2;
	s12 =	ssub.s32 s5, s7  }
0xd: {  	s4 =	simm.s32 @!p0 $0x4C;
	s10 =	sadd.s32 s11, s10;
	s11 =	sshrl.u32 s25, $0x3  }
0xe: {  	s25 =	simm.s32 $0x280;
	s24 =	sadd.s32 s9, s6;
	s9 =	sadd.s32 s9, s10  }
0xf: {  	s10 =	sadd.s32 s1, s11;
	s12 =	smax.u32 s12, $0x1;
	s13 =	sshll.u32 s4, $0x5  }
0x10: {  	s5 =	sshll.u32 s24, $0x7;
	s31 =	sshll.u32 s9, $0x7;
	s9 =	sadd.s32 s26, s2  }
0x11: {  	s24 =	simm.s32 $0x180;
	s26 =	simm.s32 $0x380;
	s5 =	sadd.s32 s0, s5  }
0x12: {  	s11 =	sadd.s32 s31, s0;
	s6 =	sadd.s32 $0x20, s5;
	s7 =	sadd.s32 $0x40, s5  }
0x13: {  	v0 =	vimm.f32 $1.000000000e+00;
	v1 =	vimm.f32 $0.0e+00;
	s8 =	sadd.s32 $0x60, s5;
	s14 =	sadd.s32 $0x80, s11;
	s15 =	sadd.s32 $0xC0, s11  }
.LBB2_1:
0x14: {  	[tilespmem:$0x400] =	vst v0  }
0x15: {  	[tilespmem:$0x410] =	vst v0  }
0x16: {  	[tilespmem:$0x420] =	vst v0  }
0x17: {  	[tilespmem:$0x430] =	vst v0  }
0x18: {  	[tilespmem:$0x440] =	vst v0  }
0x19: {  	[tilespmem:$0x450] =	vst v0  }
0x1a: {  	[tilespmem:$0x460] =	vst v0  }
0x1b: {  	[tilespmem:$0x470] =	vst v0  }
0x1c: {  	[tilespmem:$0x480] =	vst v1  }
0x1d: {  	[tilespmem:$0x490] =	vst v1  }
0x1e: {  	[tilespmem:$0x4A0] =	vst v1  }
0x1f: {  	[tilespmem:$0x4B0] =	vst v1  }
0x20: {  	[tilespmem:$0x4C0] =	vst v1  }
0x21: {  	[tilespmem:$0x4D0] =	vst v1  }
0x22: {  	[tilespmem:$0x4E0] =	vst v1  }
0x23: {  	[tilespmem:$0x4F0] =	vst v1  }
0x24: {  	[tilespmem:$0x500] =	vst v1  }
0x25: {  	[tilespmem:$0x510] =	vst v1  }
0x26: {  	[tilespmem:$0x520] =	vst v1  }
0x27: {  	[tilespmem:$0x530] =	vst v1  }
0x28: {  	[tilespmem:$0x540] =	vst v1  }
0x29: {  	[tilespmem:$0x550] =	vst v1  }
0x2a: {  	[tilespmem:$0x560] =	vst v1  }
0x2b: {  	[tilespmem:$0x570] =	vst v1  }
0x2c: {  	[tilespmem:$0x580] =	vst v1  }
0x2d: {  	[tilespmem:$0x590] =	vst v1  }
0x2e: {  	[tilespmem:$0x5A0] =	vst v1  }
0x2f: {  	[tilespmem:$0x5B0] =	vst v1  }
0x30: {  	[tilespmem:$0x5C0] =	vst v1  }
0x31: {  	[tilespmem:$0x5D0] =	vst v1  }
0x32: {  	[tilespmem:$0x5E0] =	vst v1  }
0x33: {  	[tilespmem:$0x5F0] =	vst v1  }
0x34: {  	[tilespmem:$0x600] =	vst v1  }
0x35: {  	[tilespmem:$0x610] =	vst v1  }
0x36: {  	[tilespmem:$0x620] =	vst v1  }
0x37: {  	[tilespmem:$0x630] =	vst v1  }
0x38: {  	[tilespmem:$0x640] =	vst v1  }
0x39: {  	[tilespmem:$0x650] =	vst v1  }
0x3a: {  	[tilespmem:$0x660] =	vst v1  }
0x3b: {  	[tilespmem:$0x670] =	vst v1  }
0x3c: {  	[tilespmem:$0x680] =	vst v1  }
0x3d: {  	[tilespmem:$0x690] =	vst v1  }
0x3e: {  	[tilespmem:$0x6A0] =	vst v1  }
0x3f: {  	[tilespmem:$0x6B0] =	vst v1  }
0x40: {  	[tilespmem:$0x6C0] =	vst v1  }
0x41: {  	[tilespmem:$0x6D0] =	vst v1  }
0x42: {  	[tilespmem:$0x6E0] =	vst v1  }
0x43: {  	[tilespmem:$0x6F0] =	vst v1  }
0x44: {  	[tilespmem:s3], [sflag:$0x1] =	stream.linear.gather [hbm4b:s5+s3], $0x100, $0x38;
	[tilespmem:$0x980] =	vst v63  }
0x45: {  	s0 =	simm.s32 $0x100  }
0x46: {  	[tilespmem:s0], [sflag:$0x1] =	stream.linear.gather [hbm4b:s6+s3], $0x100, $0x38;
	[tilespmem:$0x980] =	vst v63  }
0x47: {  	s17 =	simm.s32 $0x200  }
0x48: {  	[tilespmem:s17], [sflag:$0x1] =	stream.linear.gather [hbm4b:s7+s3], $0x100, $0x38;
	[tilespmem:$0x980] =	vst v63  }
0x49: {  	s18 =	simm.s32 $0x300  }
0x4a: {  	[tilespmem:s18], [sflag:$0x1] =	stream.linear.gather [hbm4b:s8+s3], $0x100, $0x38;
	[tilespmem:$0x980] =	vst v63  }
0x4b: {  	_ = 	snop  }
0x4c: {  	[spmem:s9] =	stream.linear.scatter [tilespmem:s19], [sflag:$0x2], $0x280, $0x38;
	[tilespmem:$0x980] =	vst v63  }
0x4d: {  	_ =	swait.ge [sflag:s20], $0x280  }
0x4e: {  	[sflag:s20] =	ssyncset.done $0x0  }
0x4f: {  	[sflag:s20] =	ssyncadd.s32 $0xFFFFFD80  }
0x50: {  	[bflag:$0x0] =	sbarrier.arrive $0xFFFF  }
0x51: {  	_ =	swait.ge [sflag:s21], $0x100  }
0x52: {  	[sflag:s21] =	ssyncset.done $0x0  }
0x53: {  	[sflag:s21] =	ssyncadd.s32 $0xFFFFFF00  }
0x54: {  	[spmem:s2] =	stream.indirect.scatter.add.f32 [tilespmem:s23], [sflag:$0x2], $0x1, s22, s22, $0xb8;
	[tilespmem:$0x980] =	vst v63  }
0x55: {  	_ =	swait.ge [sflag:s20], $0x80  }
0x56: {  	p0 =	sle.u32 s4, $0x4;
	[sflag:s20] =	ssyncset.done $0x0  }
0x57: {  	s1 =	simm.s32 @!p0 $0x0;
	s0 =	sadd.s32 @!p0 $0x0, s14;
	[sflag:s20] =	ssyncadd.s32 $0xFFFFFF80  }
0x58: {  	[tilespmem:s1], [sflag:$0x1] =	stream.linear.gather @!p0 [hbm4b:s0+s1], $0x100, $0x38;
	[tilespmem:$0x980] =	vst v63  }
0x59: {  	_ =	swait.ge [sflag:s21], $0x100  }
0x5a: {  	[sflag:s21] =	ssyncset.done $0x0  }
0x5b: {  	[sflag:s21] =	ssyncadd.s32 $0xFFFFFF00  }
0x5c: {  	[spmem:s2] =	stream.indirect.scatter.add.f32 [tilespmem:s23], [sflag:$0x2], $0x1, s24, s22, $0xb8;
	[tilespmem:$0x980] =	vst v63  }
0x5d: {  	p0 =	sle.u32 s4, $0x5;
	_ =	swait.ge [sflag:s20], $0x80  }
0x5e: {  	s0 =	sadd.s32 @!p0 $0x0, s11;
	s1 =	simm.s32 @!p0 $0x100;
	[sflag:s20] =	ssyncset.done $0x0  }
0x5f: {  	s16 =	simm.s32 @!p0 $0x0;
	s0 =	sadd.s32 @!p0 $0xA0, s0;
	[sflag:s20] =	ssyncadd.s32 $0xFFFFFF80  }
0x60: {  	[tilespmem:s1], [sflag:$0x1] =	stream.linear.gather @!p0 [hbm4b:s0+s16], $0x100, $0x38;
	[tilespmem:$0x980] =	vst v63  }
0x61: {  	_ =	swait.ge [sflag:s21], $0x100  }
0x62: {  	[sflag:s21] =	ssyncset.done $0x0  }
0x63: {  	[sflag:s21] =	ssyncadd.s32 $0xFFFFFF00  }
0x64: {  	[spmem:s2] =	stream.indirect.scatter.add.f32 [tilespmem:s23], [sflag:$0x2], $0x1, s25, s22, $0xb8;
	[tilespmem:$0x980] =	vst v63  }
0x65: {  	p0 =	sle.u32 s4, $0x6;
	_ =	swait.ge [sflag:s20], $0x80  }
0x66: {  	s0 =	sadd.s32 @!p0 $0x0, s15;
	[sflag:s20] =	ssyncset.done $0x0  }
0x67: {  	s1 =	simm.s32 @!p0 $0x0;
	s16 =	simm.s32 @!p0 $0x200;
	[sflag:s20] =	ssyncadd.s32 $0xFFFFFF80  }
0x68: {  	[tilespmem:s16], [sflag:$0x1] =	stream.linear.gather @!p0 [hbm4b:s0+s1], $0x100, $0x38;
	[tilespmem:$0x980] =	vst v63  }
0x69: {  	p0 =	sne.s32 s13, $0x80;
	_ =	swait.ge [sflag:s21], $0x100  }
.Ltmp0:
0x6a: {  	[sflag:s21] =	ssyncset.done $0x0;
	(pc) =	sbr.rel @!p0 .LBB2_3-.Ltmp0, $4  }
0x6b: {  	s31 =	simm.s32 $0x80;
	[sflag:s21] =	ssyncadd.s32 $0xFFFFFF00  }
0x6c: {  	[spmem:s2] =	stream.indirect.scatter.add.f32 [tilespmem:s23], [sflag:$0x2], $0x1, s26, s22, $0xb8;
	[tilespmem:$0x980] =	vst v63  }
0x6d: {  	p1 =	sle.u32 s4, $0x7;
	s1 =	simm.s32 $0x8;
	_ =	swait.ge [sflag:s20], $0x80  }
0x6e: {  	s16 =	sadd.s32 @!p1 $0x0, s11;
	s0 =	simm.s32 @!p1 $0x300;
	[sflag:s20] =	ssyncset.done $0x0  }
.LBB2_2:
0x6f: {  	[sflag:s20] =	ssyncadd.s32 $0xFFFFFF80;
	s16 =	sadd.s32 @!p1 $0xE0, s16;
	s17 =	simm.s32 @!p1 $0x0  }
0x70: {  	[tilespmem:s0], [sflag:$0x1] =	stream.linear.gather @!p1 [hbm4b:s16+s17], $0x100, $0x38;
	[tilespmem:$0x980] =	vst v63  }
0x71: {  	s0 =	smov.u32 s31;
	s31 =	sadd.s32 $0x80, s31;
	_ =	swait.ge [sflag:s21], $0x100  }
0x72: {  	p0 =	sne.s32 s13, s31;
	[sflag:s21] =	ssyncset.done $0x0  }
0x73: {  	[sflag:s21] =	ssyncadd.s32 $0xFFFFFF00  }
0x74: {  	[spmem:s2] =	stream.indirect.scatter.add.f32 [tilespmem:s23], [sflag:$0x2], $0x1, s22, s22, $0xb8;
	[tilespmem:$0x980] =	vst v63  }
0x75: {  	p1 =	sge.u32 s1, s4;
	_ =	swait.ge [sflag:s20], $0x80  }
0x76: {  	s16 =	sadd.s32 @!p1 s0, s14;
	s17 =	simm.s32 @!p1 $0x0;
	[sflag:s20] =	ssyncset.done $0x0  }
0x77: {  	[sflag:s20] =	ssyncadd.s32 $0xFFFFFF80  }
0x78: {  	[tilespmem:s17], [sflag:$0x1] =	stream.linear.gather @!p1 [hbm4b:s16+s17], $0x100, $0x38;
	[tilespmem:$0x980] =	vst v63  }
0x79: {  	_ =	swait.ge [sflag:s21], $0x100  }
0x7a: {  	s16 =	sadd.s32 $0x1, s1;
	[sflag:s21] =	ssyncset.done $0x0  }
0x7b: {  	p1 =	sge.u32 s16, s4;
	[sflag:s21] =	ssyncadd.s32 $0xFFFFFF00  }
0x7c: {  	[spmem:s2] =	stream.indirect.scatter.add.f32 [tilespmem:s23], [sflag:$0x2], $0x1, s24, s22, $0xb8;
	[tilespmem:$0x980] =	vst v63  }
0x7d: {  	s16 =	sadd.s32 @!p1 s0, s11;
	s17 =	simm.s32 @!p1 $0x100;
	_ =	swait.ge [sflag:s20], $0x80  }
0x7e: {  	s18 =	simm.s32 @!p1 $0x0;
	s16 =	sadd.s32 @!p1 $0xA0, s16;
	[sflag:s20] =	ssyncset.done $0x0  }
0x7f: {  	[sflag:s20] =	ssyncadd.s32 $0xFFFFFF80  }
0x80: {  	[tilespmem:s17], [sflag:$0x1] =	stream.linear.gather @!p1 [hbm4b:s16+s18], $0x100, $0x38;
	[tilespmem:$0x980] =	vst v63  }
0x81: {  	_ =	swait.ge [sflag:s21], $0x100  }
0x82: {  	[sflag:s21] =	ssyncset.done $0x0  }
0x83: {  	s16 =	sadd.s32 $0x2, s1;
	[sflag:s21] =	ssyncadd.s32 $0xFFFFFF00  }
0x84: {  	[spmem:s2] =	stream.indirect.scatter.add.f32 [tilespmem:s23], [sflag:$0x2], $0x1, s25, s22, $0xb8;
	[tilespmem:$0x980] =	vst v63  }
0x85: {  	p1 =	sge.u32 s16, s4;
	_ =	swait.ge [sflag:s20], $0x80  }
0x86: {  	s16 =	sadd.s32 @!p1 s0, s15;
	s17 =	simm.s32 @!p1 $0x0;
	[sflag:s20] =	ssyncset.done $0x0  }
0x87: {  	s18 =	simm.s32 @!p1 $0x200;
	[sflag:s20] =	ssyncadd.s32 $0xFFFFFF80  }
0x88: {  	[tilespmem:s18], [sflag:$0x1] =	stream.linear.gather @!p1 [hbm4b:s16+s17], $0x100, $0x38;
	[tilespmem:$0x980] =	vst v63  }
0x89: {  	_ =	swait.ge [sflag:s21], $0x100  }
.Ltmp1:
0x8a: {  	[sflag:s21] =	ssyncset.done $0x0;
	(pc) =	sbr.rel @p0 .LBB2_2-.Ltmp1, $4  }
0x8b: {  	s16 =	sadd.s32 $0x3, s1;
	[sflag:s21] =	ssyncadd.s32 $0xFFFFFF00  }
0x8c: {  	[spmem:s2] =	stream.indirect.scatter.add.f32 [tilespmem:s23], [sflag:$0x2], $0x1, s26, s22, $0xb8;
	[tilespmem:$0x980] =	vst v63  }
0x8d: {  	s1 =	sadd.s32 $0x4, s1;
	p1 =	sge.u32 s16, s4;
	_ =	swait.ge [sflag:s20], $0x80  }
0x8e: {  	s16 =	sadd.s32 @!p1 s0, s11;
	s0 =	simm.s32 @!p1 $0x300;
	[sflag:s20] =	ssyncset.done $0x0  }
.LBB2_3:
0x8f: {  	[sflag:s20] =	ssyncadd.s32 $0xFFFFFF80;
	s1 =	sadd.s32 @!p1 $0xE0, s16  }
0x90: {  	s16 =	simm.s32 @!p1 $0x0;
	s18 =	stileid.u32;
	s30 =	sadd.s32 $0x1, s30  }
0x91: {  	[tilespmem:s0], [sflag:$0x1] =	stream.linear.gather @!p1 [hbm4b:s1+s16], $0x100, $0x38;
	[tilespmem:$0x980] =	vst v63  }
0x92: {  	s31 =	sshrl.u32 s9, $0x3;
	s0 =	sshll.u32 s18, $0x6;
	p0 =	sne.s32 s30, s12  }
.Ltmp2:
0x93: {  	[bflag:$0x0] =	sbarrier.arrive $0xFFFF;
	s0 =	sor.u32 $0x1C02, s0;
	(pc) =	sbr.rel @p0 .LBB2_1-.Ltmp2, $4  }
0x94: {  	[hbm:s10@s28], [sflag:s0] =	dma.strided [spmem:s31@s29], $0x50, s21, $0x10   }
0x95: {  	_ =	swait.ge [sflag:s20], $0x50  }
0x96: {  	[sflag:s20] =	ssyncset.done $0x0  }
0x97: {  	[sflag:s20] =	ssyncadd.s32 $0xFFFFFFB0  }
0x98: {  	_ =	sfence.sel $0x180000  }
0x99: {  	[bflag:$0x0] =	sbarrier.arrive $0xFFFF  }
0x9a: {  	_ =	strace $0x90000047  }
0x9b: {  	s0 =	stileid.u32;
	[bflag:$0x2] =	sbarrier.arrive $0xFFFF  }
0x9c: {  	p0 =	sne.s32 s0, $0x0;
	s0 =	rddreg [dreg:$0x3]  }
0x9d: {  	s0 =	sadd.s32 @!p0 $0x100000, s0  }
0x9e: {  	[sflag:s0] =	ssyncadd.tile.s32 @!p0 $0x1;
	_ =	shalt  }
.Lfunc_end2:
_tile_overlayer_lowered:
.L_overlay_start_2:
0x9f: {  	(tag) =	ssettag $0x2  }
0xa0: {  	s0 =	rddreg [dreg:$0x0];
	s2 =	stileid.u32  }
0xa1: {  	s1 =	rddreg [dreg:$0x1];
	p0 =	sne.s32 s2, $0x0  }
0xa2: {  	s3 =	rddreg [dreg:$0x2];
	[bflag:$0x3] =	sbarrier.arrive $0xFFFF;
	s2 =	simm.s32 @!p0 $0x1C02  }
0xa3: {  	[timem:s3], [sflag:s2] =	dma.local @!p0 [hbm:s0], s1  }
0xa4: {  	s0 =	simm.s32 @!p0 $0x2  }
0xa5: {  	_ =	swait.ge @!p0 [sflag:s0], s1  }
0xa6: {  	s1 =	ssub.s32 @!p0 $0x0, s1;
	[sflag:s0] =	ssyncset.done @!p0 $0x0  }
0xa7: {  	[sflag:s0] =	ssyncadd.s32 @!p0 s1  }
0xa8: {  	[bflag:$0x3] =	sbarrier.arrive $0xFFFF  }
0xa9: {  	_ =	shalt  }

// kernel: kernel.13.cloned.1.call-start
scs
__scs_entry_jumppad:
0x0: {  	(pc) =	sbr.rel $0x88, $3  }
0x1: {  	(tag) =	ssettag $0x0;
	lr =	simm.s32 $0x1  }
0x2: {  	[smem:$0x3F99] =	sst lr;
	_ =	strace $0xD0000000  }
0x3: {  	_ = 	snop  }
0x4: {  	_ = 	snop  }
0x5: {  	_ = 	snop  }
0x6: {  	_ = 	snop  }
0x7: {  	_ = 	snop  }
__scs_overlays_trampoline_lowered:
0x8: {  	[smem:$0x3FA8] =	sst s0  }
0x9: {  	[smem:$0x3FA9] =	sst s1  }
0xa: {  	[smem:$0x3FAA] =	sst s2  }
0xb: {  	[smem:$0x3FAB] =	sst s3  }
0xc: {  	[smem:$0x3FAC] =	sst s4  }
0xd: {  	[smem:$0x3FAD] =	sst s5  }
0xe: {  	[smem:$0x3FAE] =	sst s6  }
0xf: {  	[smem:$0x3FAF] =	sst s7  }
0x10: {  	[smem:$0x3FB0] =	sst s8  }
0x11: {  	[smem:$0x3FB1] =	sst s9;
	s0 =	simm.s32 @!p0 $0x0  }
0x12: {  	s1 =	sld [smem:$0x3F97];
	s0 =	simm.s32 @p0 $0x1  }
0x13: {  	[smem:$0x3FB2] =	sst s0;
	s0 =	simm.s32 @!p1 $0x0  }
0x14: {  	s2 =	sld [smem:$0x3F96];
	s0 =	simm.s32 @p1 $0x1  }
0x15: {  	[smem:$0x3FB3] =	sst s0;
	s0 =	simm.s32 @!p2 $0x0  }
0x16: {  	s3 =	sld [smem:$0x3FDB];
	s0 =	simm.s32 @p2 $0x1  }
0x17: {  	s4 =	simm.s32 $0x1BF5;
	[smem:$0x3FB5] =	sst s0  }
0x18: {  	s0 =	sld [smem:$0x3F98];
	_ =	swait.ge [sflag:s4], $0x0  }
0x19: {  	s7 =	sld [smem:$0x3F99]  }
0x1a: {  	s8 =	sadd.s32 $0xFFFFE003, lr  }
0x1b: {  	s9 =	sadd.s32 $0xFFFFFEF7, lr;
	s5 =	simm.s32 $0xFFFFFFFF;
	p2 =	slt.u32 s8, $0xFFFFF086  }
0x1c: {  	p1 =	slt.u32 s9, $0xF7A;
	s5 =	simm.s32 @!p2 $0x0  }
0x1d: {  	s5 =	simm.s32 @p1 $0x1;
	p0 =	seq.s32 s7, s2  }
0x1e: {  	s7 =	smul.u32 @!p0 $0xF7A, s2;
	p2 =	seq.s32 @!p0 s5, $0x0  }
0x1f: {  	s9 =	smul.u32 $0xF7A, s1;
	s8 =	simm.s32 @!p0 $0x1BF5;
	p2 =	por !p2, p0  }
0x20: {  	[sflag:s8] =	ssyncset.s32 @!p0 $0xFFFFF086;
	s6 =	sadd.s32 @!p0 s3, s7;
	s7 =	simm.s32 @!p0 $0x108  }
0x21: {  	s3 =	sadd.s32 s3, s9;
	s6 =	sadd.s32 @!p0 $0x88, s6;
	s7 =	simm.s32 @p2 $0x1082  }
0x22: {  	[simem:s7], [sflag:s8] =	dma.local @!p0 [hbm:s6], $0xF7A  }
0x23: {  	s9 =	sor.u32 $0xD0000000, s2;
	s6 =	simm.s32 $0x108;
	_ =	swait.ge @!p0 [sflag:s8], $0x0  }
0x24: {  	s3 =	sadd.s32 $0x88, s3;
	s6 =	simm.s32 @!p1 $0x1082;
	[sflag:s4] =	ssyncset.s32 $0xFFFFF086  }
0x25: {  	[simem:s6], [sflag:s4] =	dma.local [hbm:s3], $0xF7A  }
0x26: {  	[smem:$0x3F99] =	sst s1;
	(tag) =	ssettag s2;
	_ =	strace s9  }
0x27: {  	s1 =	sld [smem:$0x3FA9]  }
0x28: {  	s2 =	sld [smem:$0x3FAA]  }
0x29: {  	s4 =	sld [smem:$0x3FAC]  }
0x2a: {  	p0 =	seq.s32 s5, $0x0;
	s5 =	sld [smem:$0x3FAD]  }
0x2b: {  	s6 =	sld [smem:$0x3FAE]  }
0x2c: {  	s7 =	sld [smem:$0x3FAF]  }
0x2d: {  	s3 =	simm.s32 $0x108;
	s8 =	sld [smem:$0x3FB0]  }
0x2e: {  	s3 =	simm.s32 @!p0 $0x1082;
	s9 =	sld [smem:$0x3FB1]  }
0x2f: {  	lr =	sadd.s32 s0, s3;
	s0 =	sld [smem:$0x3FA8]  }
0x30: {  	s3 =	sld [smem:$0x3FAB]  }
0x31: {  	[smem:$0x3FB4] =	sst s10  }
0x32: {  	s10 =	sld [smem:$0x3FB2];
	_ =	sdelay $0x3  }
0x33: {  	p0 =	seq.s32 s10, $0x1;
	s10 =	sld [smem:$0x3FB4];
	_ =	sdelay $0x3  }
0x34: {  	[smem:$0x3FB4] =	sst s10  }
0x35: {  	s10 =	sld [smem:$0x3FB3];
	_ =	sdelay $0x3  }
0x36: {  	p1 =	seq.s32 s10, $0x1;
	s10 =	sld [smem:$0x3FB4];
	_ =	sdelay $0x3  }
0x37: {  	[smem:$0x3FB4] =	sst s10  }
0x38: {  	s10 =	sld [smem:$0x3FB5]  }
0x39: {  	_ = 	snop;
	(pc) =	sbr.ind lr, $3  }
0x3a: {  	_ = 	snop  }
0x3b: {  	_ = 	snop  }
0x3c: {  	p2 =	seq.s32 s10, $0x1;
	s10 =	sld [smem:$0x3FB4]  }
0x3d: {  	_ =	shalt  }
0x3e: {  	_ =	shalt  }
0x3f: {  	_ =	shalt  }
0x40: {  	_ =	shalt  }
0x41: {  	_ =	shalt  }
0x42: {  	_ =	shalt  }
0x43: {  	_ =	shalt  }
0x44: {  	_ =	shalt  }
0x45: {  	_ =	shalt  }
0x46: {  	_ =	shalt  }
0x47: {  	_ =	shalt  }
0x48: {  	_ =	shalt  }
0x49: {  	_ =	shalt  }
0x4a: {  	_ =	shalt  }
0x4b: {  	_ =	shalt  }
0x4c: {  	_ =	shalt  }
0x4d: {  	_ =	shalt  }
0x4e: {  	_ =	shalt  }
0x4f: {  	_ =	shalt  }
0x50: {  	_ =	shalt  }
0x51: {  	_ =	shalt  }
0x52: {  	_ =	shalt  }
0x53: {  	_ =	shalt  }
0x54: {  	_ =	shalt  }
0x55: {  	_ =	shalt  }
0x56: {  	_ =	shalt  }
0x57: {  	_ =	shalt  }
0x58: {  	_ =	shalt  }
0x59: {  	_ =	shalt  }
0x5a: {  	_ =	shalt  }
0x5b: {  	_ =	shalt  }
0x5c: {  	_ =	shalt  }
0x5d: {  	_ =	shalt  }
0x5e: {  	_ =	shalt  }
0x5f: {  	_ =	shalt  }
0x60: {  	_ =	shalt  }
0x61: {  	_ =	shalt  }
0x62: {  	_ =	shalt  }
0x63: {  	_ =	shalt  }
0x64: {  	_ =	shalt  }
0x65: {  	_ =	shalt  }
0x66: {  	_ =	shalt  }
0x67: {  	_ =	shalt  }
0x68: {  	_ =	shalt  }
0x69: {  	_ =	shalt  }
0x6a: {  	_ =	shalt  }
0x6b: {  	_ =	shalt  }
0x6c: {  	_ =	shalt  }
0x6d: {  	_ =	shalt  }
0x6e: {  	_ =	shalt  }
0x6f: {  	_ =	shalt  }
0x70: {  	_ =	shalt  }
0x71: {  	_ =	shalt  }
0x72: {  	_ =	shalt  }
0x73: {  	_ =	shalt  }
0x74: {  	_ =	shalt  }
0x75: {  	_ =	shalt  }
0x76: {  	_ =	shalt  }
0x77: {  	_ =	shalt  }
0x78: {  	_ =	shalt  }
0x79: {  	_ =	shalt  }
0x7a: {  	_ =	shalt  }
0x7b: {  	_ =	shalt  }
0x7c: {  	_ =	shalt  }
0x7d: {  	_ =	shalt  }
0x7e: {  	_ =	shalt  }
0x7f: {  	_ =	shalt  }
0x80: {  	_ =	shalt  }
0x81: {  	_ =	shalt  }
0x82: {  	_ =	shalt  }
0x83: {  	_ =	shalt  }
0x84: {  	_ =	shalt  }
0x85: {  	_ =	shalt  }
0x86: {  	_ =	shalt  }
0x87: {  	_ =	shalt  }
.Lfunc_end0:
.L_simem_size_0:
called_computation.1_lowered:
.L_overlay_start_0:
0x88: {  	s2 =	sld [smem:$0x3FD9]  }
0x89: {  	s3 =	sld [smem:$0x3FFE];
	_ =	sdelay $0x1  }
0x8a: {  	s1 =	srdreg.scid  }
0x8b: {  	s0 =	sand.u32 $0x1, s1  }
0x8c: {  	s17 =	sshll.u32 s0, $0xA;
	s2 =	sadd.s32 s3, s2  }
0x8d: {  	s2 =	sadd.s32 s2, s17  }
0x8e: {  	[smem:$0x3FC0] =	sst s2  }
0x8f: {  	_ = 	snop  }
0x90: {  	s2 =	sld [smem:$0x3FC8]  }
0x91: {  	s18 =	sld [smem:$0x3FD0];
	(tm) =	ssettm $0x1  }
0x92: {  	s4 =	sld [smem:$0x3FFB];
	_ =	sdelay $0x3  }
0x93: {  	_ =	strace s4  }
0x94: {  	s4 =	sld [smem:$0x3FFC];
	_ =	sdelay $0x3  }
0x95: {  	_ =	strace s4  }
0x96: {  	s4 =	sld [smem:$0x3FFD];
	_ =	sdelay $0x3  }
0x97: {  	_ =	strace s4  }
0x98: {  	_ =	strace $0x8FFFFFFF  }
0x99: {  	s19 =	sld [smem:$0x3FDB];
	_ =	sdelay $0x1  }
0x9a: {  	s5 =	simm.s32 $_scs_section_size  }
0x9b: {  	s6 =	simm.s32 $_size__tile_overlayer_lowered;
	s7 =	simm.s32 $_tile_overlayer_lowered  }
0x9c: {  	s22 =	simm.s32 $0x1BFF;
	s21 =	sshll.u32 s7, $0x1;
	s4 =	sadd.s32 s5, s19  }
0x9d: {  	s8 =	simm.s32 $0x0;
	s20 =	sshll.u32 s6, $0x1;
	s6 =	sadd.s32 s21, s4  }
0x9e: {  	[timem:s8], [sflag:s22] =	dma.local [hbm:s6], s20  }
0x9f: {  	_ =	swait.ge [sflag:s22], s20  }
0xa0: {  	s5 =	ssub.s32 $0x0, s20;
	[sflag:s22] =	ssyncset.done $0x0  }
0xa1: {  	[sflag:s22] =	ssyncadd.s32 s5;
	_ =	sdelay $0x1  }
0xa2: {  	s23 =	simm.s32 $0x1B8B  }
0xa3: {  	_ =	swait.ge [sflag:s23], $0x1  }
0xa4: {  	[sflag:s23] =	ssyncset.done $0x0  }
0xa5: {  	s25 =	simm.s32 $0x1B8E;
	s24 =	sld [smem:$0x3FFE];
	[sflag:s23] =	ssyncadd.s32 $0xFFFFFFFF  }
0xa6: {  	s26 =	simm.s32 $execute0_lowered;
	[smem:$0x3FD2] =	sst s25  }
0xa7: {  	s6 =	sshll.u32 s26, $0x1;
	_ =	strace $0x80000049;
	[dreg:$0x1] =	wrdreg $0xFFFFFFFF  }
0xa8: {  	s28 =	simm.s32 $_size_execute0_lowered;
	s4 =	sadd.s32 s4, s6;
	[dreg:$0x0] =	wrdreg $0x0  }
0xa9: {  	s6 =	sshll.u32 s28, $0x1;
	[dreg:$0x2] =	wrdreg s4  }
0xaa: {  	[dreg:$0x3] =	wrdreg s6  }
0xab: {  	[dreg:$0x4] =	wrdreg $0xC0  }
0xac: {  	_ =	task [dreg:s8], $0x5FFFF  }
0xad: {  	[dreg:$0x1] =	wrdreg $0xFFFFFFFF  }
0xae: {  	[dreg:$0x0] =	wrdreg $0x60  }
0xaf: {  	[dreg:$0x2] =	wrdreg s18  }
0xb0: {  	[dreg:$0x3] =	wrdreg s2  }
0xb1: {  	[dreg:$0x4] =	wrdreg s24  }
0xb2: {  	[dreg:$0x5] =	wrdreg $0x84000  }
0xb3: {  	[dreg:$0x6] =	wrdreg $0x9  }
0xb4: {  	_ =	task.clear_ibuf [dreg:s8], $0x7FFFF;
	_ =	strace $0x90000049  }
0xb5: {  	s29 =	simm.s32 $0x9;
	_ =	strace $0x8000004B  }
0xb6: {  	_ =	swait.ge [sflag:s29], $0x1  }
0xb7: {  	[sflag:s29] =	ssyncadd.s32 $0xFFFFFFFF  }
0xb8: {  	_ =	strace $0x9000004B  }
0xb9: {  	_ =	sfence  }
0xba: {  	s30 =	sld [smem:$0x0];
	_ =	sdelay $0x2  }
0xbb: {  	s31 =	sshll.u32 s1, $0xD;
	s1 =	sshrl.u32 s1, $0x2  }
0xbc: {  	s3 =	sand.u32 $0x4000, s31;
	s1 =	sadd.s32 s1, s30  }
0xbd: {  	s0 =	sor.u32 s3, s0;
	s1 =	sshll.u32 s1, $0x11  }
0xbe: {  	s0 =	sor.u32 s1, s0  }
0xbf: {  	s0 =	sadd.s32 $0x8F2B, s0  }
0xc0: {  	[sflag:s0] =	ssyncadd.remote.s32 $0x1  }
0xc1: {  	_ =	sfence.sel $0xFFFF  }
0xc2: {  	[dreg:$0x0] =	wrdreg $0xFFFFFFFF;
	(pc) =	sbr.abs _section_cstart, $3  }
0xc3: {  	[dreg:$0x1] =	wrdreg $0xFFFFFFFF  }
0xc4: {  	_ =	task.clear_ibuf [dreg:s8], $0x2FFFF;
	_ =	strace $0x9FFFFFFF  }
0xc5: {  	(tm) =	ssettm $0x7FFFFFFF  }
tec
execute0_lowered:
.L_overlay_start_1:
0x0: {  	(tag) =	ssettag $0x1  }
0x1: {  	s1 =	rddreg [dreg:$0x0]  }
0x2: {  	s0 =	rddreg [dreg:$0x1]  }
0x3: {  	s3 =	rddreg [dreg:$0x2]  }
0x4: {  	s2 =	rddreg [dreg:$0x3];
	s4 =	simm.s32 $0x0  }
0x5: {  	s5 =	srdreg.scid;
	s15 =	stileid.u32;
	s28 =	simm.s32 $0x80  }
0x6: {  	s29 =	simm.s32 $0x400;
	s31 =	simm.s32 $0x4400;
	[smem:$0x7FF] =	sst s4  }
0x7: {  	s5 =	sand.u32 $0x1, s5;
	s6 =	sshll.u32 s15, $0x1;
	s16 =	sadd.s32 $0x2C800, s3  }
0x8: {  	s17 =	sadd.s32 $0x53A00, s3;
	s10 =	smul.u32 $0x4E000, s15;
	s12 =	sadd.s32 $0x138000, s2  }
0x9: {  	s26 =	sadd.s32 $0x27000, s1;
	s30 =	smul.u32 $0x26, s15;
	p1 =	sne.s32 s15, $0xF  }
0xa: {  	p2 =	seq.s32 s15, $0xF;
	_ =	strace $0x8000004A;
	[dreg:$0xf] =	wrdreg s26  }
0xb: {  	s7 =	ssub.s32 $0x2, s5;
	s6 =	sor.u32 s5, s6;
	[dreg:$0xa] =	wrdreg s16  }
0xc: {  	s13 =	smul.u32 $0x13, s5;
	[dreg:$0xb] =	wrdreg s17;
	s26 =	simm.s32 $0x280  }
0xd: {  	s24 =	sshrl.u32 s7, $0x1;
	s8 =	smul.u32 $0x13, s6;
	s9 =	smin.u32 s6, $0x11  }
0xe: {  	p0 =	slt.u32 s6, $0x11;
	s6 =	smul.u32 $0x2700, s15;
	s10 =	sshrl.u32 s10, $0x2  }
0xf: {  	[dreg:$0x8] =	wrdreg s26;
	s26 =	simm.s32 $0x2;
	s10 =	sadd.s32 s10, s2  }
0x10: {  	s3 =	ssub.s32 s7, s24;
	[dreg:$0xc] =	wrdreg s10;
	s25 =	sadd.s32 s1, s6  }
0x11: {  	s7 =	simm.s32 $0x50;
	s24 =	sadd.s32 s16, s6;
	[dreg:$0xd] =	wrdreg s25  }
0x12: {  	s8 =	sadd.s32 s9, s8;
	s6 =	sadd.s32 s17, s6;
	[dreg:$0x14] =	wrdreg s24  }
0x13: {  	s10 =	sshll.u32 s15, $0x6;
	s3 =	smax.u32 s3, $0x1;
	[dreg:$0x15] =	wrdreg s6  }
0x14: {  	s7 =	simm.s32 @!p0 $0x4C;
	s11 =	sor.u32 $0x1C03, s10;
	[dreg:$0x16] =	wrdreg s3  }
0x15: {  	p0 =	seq.s32 s5, $0x1;
	s19 =	sadd.s32 $0xFFFFFFFE, s7;
	[dreg:$0xe] =	wrdreg s11  }
0x16: {  	s8 =	sshll.u32 s8, $0x7;
	s21 =	sshrl.u32 s7, $0x2;
	[dreg:$0x5] =	wrdreg s19  }
0x17: {  	s22 =	sadd.s32 $0xFFFFFFFD, s7;
	s25 =	simm.s32 $0x180;
	[dreg:$0x13] =	wrdreg s21  }
0x18: {  	s3 =	simm.s32 $0x3;
	s6 =	simm.s32 $0x4;
	[dreg:$0x7] =	wrdreg s22  }
0x19: {  	s14 =	sadd.s32 s0, s8;
	s8 =	sadd.s32 s13, s30;
	[dreg:$0x6] =	wrdreg s25  }
0x1a: {  	s30 =	simm.s32 $0x380;
	s25 =	simm.s32 $0x100;
	s19 =	simm.s32 $0x0  }
.Ltmp0:
0x1b: {  	s18 =	sadd.s32 $0x20, s14;
	[dreg:$0x9] =	wrdreg s30;
	(pc) =	sbr.rel .LBB2_1-.Ltmp0, $4  }
0x1c: {  	s20 =	sadd.s32 $0x60, s14;
	s23 =	sadd.s32 s9, s8;
	[dreg:$0x10] =	wrdreg s18  }
0x1d: {  	s18 =	sadd.s32 $0x40, s14;
	[dreg:$0x12] =	wrdreg s20;
	s5 =	sshll.u32 s23, $0x7  }
0x1e: {  	[dreg:$0x11] =	wrdreg s18;
	s0 =	sadd.s32 s5, s0;
	s5 =	simm.s32 $0x1  }
0x1f: {  	s11 =	sadd.s32 $0x80, s0;
	s23 =	sadd.s32 $0xA0, s0;
	s24 =	sadd.s32 $0xC0, s0  }
.LBB2_6:
0x20: {  	s8 =	sadd.s32 $0x27000, s8;
	s9 =	sshrl.u32 s12, $0x3  }
0x21: {  	[hbm:s8], [sflag:s0] =	dma.local [spmem:s9], $0x100  }
0x22: {  	_ =	swait.ge [sflag:s6], $0x100  }
0x23: {  	[sflag:s6] =	ssyncset.done $0x0  }
0x24: {  	[sflag:s6] =	ssyncadd.s32 $0xFFFFFF00  }
.LBB2_7:
0x25: {  	s19 =	sadd.s32 $0x1, s19;
	s0 =	rddreg [dreg:$0x16]  }
0x26: {  	p3 =	sne.s32 s19, s0  }
.Ltmp1:
0x27: {  	_ = 	snop;
	(pc) =	sbr.rel @!p3 .LBB2_8-.Ltmp1, $1  }
0x28: {  	_ =	sdelay $0x3  }
.LBB2_1:
0x29: {  	s0 =	rddreg [dreg:$0xc]  }
0x2a: {  	s17 =	rddreg [dreg:$0xd]  }
0x2b: {  	s8 =	rddreg [dreg:$0xe];
	s20 =	sshrl.u32 s0, $0x3  }
0x2c: {  	[spmem:s20], [sflag:s8] =	dma.local [hbm:s17], $0x2700  }
0x2d: {  	s0 =	sshrl.u32 @!p1 s12, $0x3;
	s8 =	simm.s32 @!p1 $0x1FC4;
	s9 =	rddreg [dreg:$0xf]  }
0x2e: {  	[spmem:s0], [sflag:s8] =	dma.local @!p1 [hbm:s9], $0x100  }
0x2f: {  	s0 =	simm.s32 @!p1 $0x4  }
0x30: {  	_ =	swait.ge @!p1 [sflag:s0], $0x100  }
0x31: {  	[sflag:s0] =	ssyncset.done @!p1 $0x0  }
0x32: {  	[sflag:s0] =	ssyncadd.s32 @!p1 $0xFFFFFF00  }
0x33: {  	[tilespmem:s4], [sflag:$0x2] =	stream.linear.gather [hbm4b:s14+s4], $0x100, $0x38;
	[tilespmem:$0x1C400] =	vst v63  }
0x34: {  	s18 =	rddreg [dreg:$0x10]  }
0x35: {  	[tilespmem:s25], [sflag:$0x2] =	stream.linear.gather [hbm4b:s18+s4], $0x100, $0x38;
	[tilespmem:$0x1C400] =	vst v63  }
0x36: {  	_ =	swait.ge [sflag:s26], $0x100  }
0x37: {  	[sflag:s26] =	ssyncset.done $0x0  }
0x38: {  	[sflag:s26] =	ssyncadd.s32 $0xFFFFFF00  }
0x39: {  	[tilespmem:s29], [sflag:$0x1] =	stream.indirect.gather [hbm4b:s1+s28], $0x80, s4, s28, $0xb8;
	[tilespmem:$0x1C400] =	vst v63  }
0x3a: {  	s22 =	simm.s32 $0x200;
	s21 =	rddreg [dreg:$0x11]  }
0x3b: {  	[tilespmem:s22], [sflag:$0x2] =	stream.linear.gather [hbm4b:s21+s4], $0x100, $0x38;
	[tilespmem:$0x1C400] =	vst v63  }
0x3c: {  	_ =	swait.ge [sflag:s26], $0x100  }
0x3d: {  	[sflag:s26] =	ssyncset.done $0x0  }
0x3e: {  	[sflag:s26] =	ssyncadd.s32 $0xFFFFFF00  }
0x3f: {  	[tilespmem:s31], [sflag:$0x1] =	stream.indirect.gather [hbm4b:s1+s28], $0x80, s25, s28, $0xb8;
	[tilespmem:$0x1C400] =	vst v63  }
0x40: {  	s13 =	simm.s32 $0x300;
	s9 =	rddreg [dreg:$0x12]  }
0x41: {  	[tilespmem:s13], [sflag:$0x2] =	stream.linear.gather [hbm4b:s9+s4], $0x100, $0x38;
	[tilespmem:$0x1C400] =	vst v63  }
0x42: {  	_ =	swait.ge [sflag:s3], $0x2700  }
0x43: {  	[sflag:s3] =	ssyncset.done $0x0  }
0x44: {  	[sflag:s3] =	ssyncadd.s32 $0xFFFFD900  }
0x45: {  	[bflag:$0x0] =	sbarrier.arrive $0xFFFF  }
0x46: {  	_ =	swait.ge [sflag:s5], $0x4000  }
0x47: {  	[sflag:s5] =	ssyncset.done $0x0  }
0x48: {  	[sflag:s5] =	ssyncadd.s32 $0xFFFFC000  }
0x49: {  	[spmem:s2] =	stream.indirect.scatter.add.f32 [tilespmem:s29], [sflag:$0x4], $0x80, s28, s28, $0xb8;
	[tilespmem:$0x1C400] =	vst v63  }
0x4a: {  	_ =	swait.ge [sflag:s6], $0x4000  }
0x4b: {  	p4 =	sle.u32 s7, $0x4;
	[sflag:s6] =	ssyncset.done $0x0;
	s15 =	rddreg [dreg:$0x5]  }
0x4c: {  	s8 =	simm.s32 @!p4 $0x0;
	[sflag:s6] =	ssyncadd.s32 $0xFFFFC000;
	p3 =	sle.u32 s15, $0x0  }
0x4d: {  	[tilespmem:s8], [sflag:$0x2] =	stream.linear.gather @!p4 [hbm4b:s11+s8], $0x100, $0x38;
	[tilespmem:$0x1C400] =	vst v63  }
0x4e: {  	s0 =	simm.s32 @!p3 $0x2  }
0x4f: {  	_ =	swait.ge @!p3 [sflag:s0], $0x100  }
0x50: {  	s9 =	simm.s32 @!p3 $0x400;
	[sflag:s0] =	ssyncset.done @!p3 $0x0  }
0x51: {  	s13 =	simm.s32 @!p3 $0x200;
	[sflag:s0] =	ssyncadd.s32 @!p3 $0xFFFFFF00;
	s0 =	simm.s32 @!p3 $0x80  }
0x52: {  	[tilespmem:s9], [sflag:$0x1] =	stream.indirect.gather @!p3 [hbm4b:s1+s0], $0x80, s13, s0, $0xb8;
	[tilespmem:$0x1C400] =	vst v63  }
0x53: {  	_ =	swait.ge [sflag:s5], $0x4000  }
0x54: {  	[sflag:s5] =	ssyncset.done $0x0  }
0x55: {  	s16 =	rddreg [dreg:$0x6];
	[sflag:s5] =	ssyncadd.s32 $0xFFFFC000  }
0x56: {  	[spmem:s2] =	stream.indirect.scatter.add.f32 [tilespmem:s31], [sflag:$0x4], $0x80, s16, s28, $0xb8;
	[tilespmem:$0x1C400] =	vst v63  }
0x57: {  	p3 =	sle.u32 s7, $0x5;
	_ =	swait.ge [sflag:s6], $0x4000  }
0x58: {  	s9 =	simm.s32 @!p3 $0x0;
	[sflag:s6] =	ssyncset.done $0x0;
	s17 =	rddreg [dreg:$0x7]  }
0x59: {  	s13 =	simm.s32 @!p3 $0x100;
	[sflag:s6] =	ssyncadd.s32 $0xFFFFC000;
	p5 =	sle.u32 s17, $0x0  }
0x5a: {  	[tilespmem:s13], [sflag:$0x2] =	stream.linear.gather @!p3 [hbm4b:s23+s9], $0x100, $0x38;
	[tilespmem:$0x1C400] =	vst v63  }
0x5b: {  	s0 =	simm.s32 @!p5 $0x2  }
0x5c: {  	_ =	swait.ge @!p5 [sflag:s0], $0x100  }
0x5d: {  	s9 =	simm.s32 @!p5 $0x4400;
	[sflag:s0] =	ssyncset.done @!p5 $0x0  }
0x5e: {  	s15 =	simm.s32 @!p5 $0x300;
	[sflag:s0] =	ssyncadd.s32 @!p5 $0xFFFFFF00;
	s0 =	simm.s32 @!p5 $0x80  }
0x5f: {  	[tilespmem:s9], [sflag:$0x1] =	stream.indirect.gather @!p5 [hbm4b:s1+s0], $0x80, s15, s0, $0xb8;
	[tilespmem:$0x1C400] =	vst v63  }
0x60: {  	_ =	swait.ge [sflag:s5], $0x4000  }
0x61: {  	[sflag:s5] =	ssyncset.done $0x0  }
0x62: {  	s18 =	rddreg [dreg:$0x8];
	[sflag:s5] =	ssyncadd.s32 $0xFFFFC000  }
0x63: {  	[spmem:s2] =	stream.indirect.scatter.add.f32 [tilespmem:s29], [sflag:$0x4], $0x80, s18, s28, $0xb8;
	[tilespmem:$0x1C400] =	vst v63  }
0x64: {  	_ =	swait.ge [sflag:s6], $0x4000  }
0x65: {  	p5 =	sle.u32 s7, $0x6;
	s0 =	simm.s32 @!p4 $0x2;
	[sflag:s6] =	ssyncset.done $0x0  }
0x66: {  	s9 =	simm.s32 @!p5 $0x0;
	s15 =	simm.s32 @!p5 $0x200;
	[sflag:s6] =	ssyncadd.s32 $0xFFFFC000  }
0x67: {  	[tilespmem:s15], [sflag:$0x2] =	stream.linear.gather @!p5 [hbm4b:s24+s9], $0x100, $0x38;
	[tilespmem:$0x1C400] =	vst v63  }
0x68: {  	_ =	swait.ge @!p4 [sflag:s0], $0x100  }
0x69: {  	[sflag:s0] =	ssyncset.done @!p4 $0x0  }
0x6a: {  	s9 =	simm.s32 @!p4 $0x400;
	[sflag:s0] =	ssyncadd.s32 @!p4 $0xFFFFFF00;
	s0 =	simm.s32 @!p4 $0x80  }
0x6b: {  	[tilespmem:s9], [sflag:$0x1] =	stream.indirect.gather @!p4 [hbm4b:s1+s0], $0x80, s8, s0, $0xb8;
	[tilespmem:$0x1C400] =	vst v63  }
0x6c: {  	s17 =	simm.s32 @!p3 $0x4400;
	p5 =	sle.u32 s7, $0x7;
	_ =	swait.ge [sflag:s5], $0x4000  }
0x6d: {  	s15 =	simm.s32 @!p3 $0x2;
	[sflag:s5] =	ssyncset.done $0x0;
	s22 =	rddreg [dreg:$0x13]  }
0x6e: {  	s21 =	rddreg [dreg:$0x9];
	[sflag:s5] =	ssyncadd.s32 $0xFFFFC000;
	s30 =	sadd.s32 $0xFFFFFFFF, s22  }
0x6f: {  	[spmem:s2] =	stream.indirect.scatter.add.f32 [tilespmem:s31], [sflag:$0x4], $0x80, s21, s28, $0xb8;
	[tilespmem:$0x1C400] =	vst v63  }
0x70: {  	s16 =	simm.s32 @!p5 $0x0;
	p4 =	sne.s32 s30, $0x0;
	_ =	swait.ge [sflag:s6], $0x4000  }
.Ltmp2:
0x71: {  	s0 =	simm.s32 $0x4;
	[sflag:s6] =	ssyncset.done $0x0;
	(pc) =	sbr.rel @!p4 .LBB2_3-.Ltmp2, $4  }
0x72: {  	s8 =	simm.s32 @!p5 $0x300;
	s9 =	sadd.s32 @!p5 $0x40, s23;
	[sflag:s6] =	ssyncadd.s32 $0xFFFFC000  }
0x73: {  	[tilespmem:s8], [sflag:$0x2] =	stream.linear.gather @!p5 [hbm4b:s9+s16], $0x100, $0x38;
	[tilespmem:$0x1C400] =	vst v63  }
0x74: {  	s22 =	smov.u32 s11;
	s8 =	sadd.s32 $0x80, s23;
	_ =	swait.ge @!p3 [sflag:s15], $0x100  }
0x75: {  	s9 =	sadd.s32 $0x80, s24;
	s16 =	simm.s32 @!p3 $0x80;
	[sflag:s15] =	ssyncset.done @!p3 $0x0  }
.LBB2_2:
0x76: {  	[sflag:s15] =	ssyncadd.s32 @!p3 $0xFFFFFF00  }
0x77: {  	[tilespmem:s17], [sflag:$0x1] =	stream.indirect.gather @!p3 [hbm4b:s1+s16], $0x80, s13, s16, $0xb8;
	[tilespmem:$0x1C400] =	vst v63  }
0x78: {  	_ =	swait.ge [sflag:s5], $0x4000  }
0x79: {  	[sflag:s5] =	ssyncset.done $0x0  }
0x7a: {  	s22 =	sadd.s32 $0x80, s22;
	[sflag:s5] =	ssyncadd.s32 $0xFFFFC000  }
0x7b: {  	[spmem:s2] =	stream.indirect.scatter.add.f32 [tilespmem:s29], [sflag:$0x4], $0x80, s28, s28, $0xb8;
	[tilespmem:$0x1C400] =	vst v63  }
0x7c: {  	s15 =	smov.u32 s0;
	s0 =	sadd.s32 $0x4, s0;
	_ =	swait.ge [sflag:s6], $0x4000  }
0x7d: {  	p5 =	sge.u32 s0, s7;
	[sflag:s6] =	ssyncset.done $0x0;
	s21 =	rddreg [dreg:$0x5]  }
0x7e: {  	s16 =	simm.s32 @!p5 $0x0;
	[sflag:s6] =	ssyncadd.s32 $0xFFFFC000;
	p3 =	sge.u32 s15, s21  }
0x7f: {  	[tilespmem:s16], [sflag:$0x2] =	stream.linear.gather @!p5 [hbm4b:s22+s16], $0x100, $0x38;
	[tilespmem:$0x1C400] =	vst v63  }
0x80: {  	s13 =	simm.s32 @!p3 $0x2  }
0x81: {  	_ =	swait.ge @!p3 [sflag:s13], $0x100  }
0x82: {  	s17 =	simm.s32 @!p3 $0x400;
	[sflag:s13] =	ssyncset.done @!p3 $0x0  }
0x83: {  	s18 =	simm.s32 @!p3 $0x200;
	[sflag:s13] =	ssyncadd.s32 @!p3 $0xFFFFFF00;
	s13 =	simm.s32 @!p3 $0x80  }
0x84: {  	[tilespmem:s17], [sflag:$0x1] =	stream.indirect.gather @!p3 [hbm4b:s1+s13], $0x80, s18, s13, $0xb8;
	[tilespmem:$0x1C400] =	vst v63  }
0x85: {  	_ =	swait.ge [sflag:s5], $0x4000  }
0x86: {  	[sflag:s5] =	ssyncset.done $0x0  }
0x87: {  	s18 =	sadd.s32 $0x5, s15;
	s17 =	rddreg [dreg:$0x6];
	[sflag:s5] =	ssyncadd.s32 $0xFFFFC000  }
0x88: {  	[spmem:s2] =	stream.indirect.scatter.add.f32 [tilespmem:s31], [sflag:$0x4], $0x80, s17, s28, $0xb8;
	[tilespmem:$0x1C400] =	vst v63  }
0x89: {  	p3 =	sge.u32 s18, s7;
	_ =	swait.ge [sflag:s6], $0x4000  }
0x8a: {  	s18 =	simm.s32 @!p3 $0x0;
	[sflag:s6] =	ssyncset.done $0x0;
	s21 =	rddreg [dreg:$0x7]  }
0x8b: {  	s13 =	simm.s32 @!p3 $0x100;
	[sflag:s6] =	ssyncadd.s32 $0xFFFFC000;
	p6 =	sge.u32 s15, s21  }
0x8c: {  	[tilespmem:s13], [sflag:$0x2] =	stream.linear.gather @!p3 [hbm4b:s8+s18], $0x100, $0x38;
	[tilespmem:$0x1C400] =	vst v63  }
0x8d: {  	s17 =	simm.s32 @!p6 $0x2  }
0x8e: {  	_ =	swait.ge @!p6 [sflag:s17], $0x100  }
0x8f: {  	s18 =	simm.s32 @!p6 $0x4400;
	[sflag:s17] =	ssyncset.done @!p6 $0x0  }
0x90: {  	s21 =	simm.s32 @!p6 $0x300;
	[sflag:s17] =	ssyncadd.s32 @!p6 $0xFFFFFF00;
	s17 =	simm.s32 @!p6 $0x80  }
0x91: {  	[tilespmem:s18], [sflag:$0x1] =	stream.indirect.gather @!p6 [hbm4b:s1+s17], $0x80, s21, s17, $0xb8;
	[tilespmem:$0x1C400] =	vst v63  }
0x92: {  	_ =	swait.ge [sflag:s5], $0x4000  }
0x93: {  	[sflag:s5] =	ssyncset.done $0x0  }
0x94: {  	s21 =	rddreg [dreg:$0x8];
	[sflag:s5] =	ssyncadd.s32 $0xFFFFC000  }
0x95: {  	[spmem:s2] =	stream.indirect.scatter.add.f32 [tilespmem:s29], [sflag:$0x4], $0x80, s21, s28, $0xb8;
	[tilespmem:$0x1C400] =	vst v63  }
0x96: {  	s18 =	sadd.s32 $0x6, s15;
	_ =	swait.ge [sflag:s6], $0x4000  }
0x97: {  	s17 =	simm.s32 @!p5 $0x2;
	p6 =	sge.u32 s18, s7;
	[sflag:s6] =	ssyncset.done $0x0  }
0x98: {  	s18 =	simm.s32 @!p6 $0x0;
	s21 =	simm.s32 @!p6 $0x200;
	[sflag:s6] =	ssyncadd.s32 $0xFFFFC000  }
0x99: {  	[tilespmem:s21], [sflag:$0x2] =	stream.linear.gather @!p6 [hbm4b:s9+s18], $0x100, $0x38;
	[tilespmem:$0x1C400] =	vst v63  }
0x9a: {  	_ =	swait.ge @!p5 [sflag:s17], $0x100  }
0x9b: {  	[sflag:s17] =	ssyncset.done @!p5 $0x0  }
0x9c: {  	s18 =	simm.s32 @!p5 $0x400;
	[sflag:s17] =	ssyncadd.s32 @!p5 $0xFFFFFF00;
	s17 =	simm.s32 @!p5 $0x80  }
0x9d: {  	[tilespmem:s18], [sflag:$0x1] =	stream.indirect.gather @!p5 [hbm4b:s1+s17], $0x80, s16, s17, $0xb8;
	[tilespmem:$0x1C400] =	vst v63  }
0x9e: {  	s30 =	sadd.s32 $0xFFFFFFFF, s30;
	_ =	swait.ge [sflag:s5], $0x4000  }
0x9f: {  	p4 =	sne.s32 s30, $0x0;
	[sflag:s5] =	ssyncset.done $0x0  }
0xa0: {  	s15 =	sadd.s32 $0x7, s15;
	s21 =	rddreg [dreg:$0x9];
	[sflag:s5] =	ssyncadd.s32 $0xFFFFC000  }
0xa1: {  	[spmem:s2] =	stream.indirect.scatter.add.f32 [tilespmem:s31], [sflag:$0x4], $0x80, s21, s28, $0xb8;
	[tilespmem:$0x1C400] =	vst v63  }
0xa2: {  	p5 =	sge.u32 s15, s7;
	s15 =	simm.s32 @!p3 $0x2;
	_ =	swait.ge [sflag:s6], $0x4000  }
.Ltmp3:
0xa3: {  	s16 =	simm.s32 @!p5 $0x300;
	[sflag:s6] =	ssyncset.done $0x0;
	(pc) =	sbr.rel @p4 .LBB2_2-.Ltmp3, $4  }
0xa4: {  	s17 =	sadd.s32 @!p5 $0x40, s8;
	s18 =	simm.s32 @!p5 $0x0;
	[sflag:s6] =	ssyncadd.s32 $0xFFFFC000  }
0xa5: {  	[tilespmem:s16], [sflag:$0x2] =	stream.linear.gather @!p5 [hbm4b:s17+s18], $0x100, $0x38;
	[tilespmem:$0x1C400] =	vst v63  }
0xa6: {  	s9 =	sadd.s32 $0x80, s9;
	s8 =	sadd.s32 $0x80, s8;
	_ =	swait.ge @!p3 [sflag:s15], $0x100  }
0xa7: {  	s16 =	simm.s32 @!p3 $0x80;
	s17 =	simm.s32 @!p3 $0x4400;
	[sflag:s15] =	ssyncset.done @!p3 $0x0  }
.LBB2_3:
.Ltmp4:
0xa8: {  	(pc) =	sbr.rel @!p0 .LBB2_4-.Ltmp4, $4  }
0xa9: {  	[sflag:s15] =	ssyncadd.s32 @!p3 $0xFFFFFF00  }
0xaa: {  	[tilespmem:s17], [sflag:$0x1] =	stream.indirect.gather @!p3 [hbm4b:s1+s16], $0x80, s13, s16, $0xb8;
	[tilespmem:$0x1C400] =	vst v63  }
0xab: {  	[bflag:$0x0] =	sbarrier.arrive $0xFFFF  }
0xac: {  	s0 =	sor.u32 $0x1C04, s10  }
0xad: {  	s0 =	sor.u32 $0x1C04, s10;
	s8 =	rddreg [dreg:$0x15]  }
0xae: {  	[hbm:s8], [sflag:s0] =	dma.local [spmem:s20], $0x2700  }
.Ltmp5:
0xaf: {  	_ = 	snop;
	(pc) =	sbr.rel @p1 .LBB2_7-.Ltmp5, $4  }
.Ltmp6:
0xb0: {  	_ = 	snop;
	(pc) =	sbr.rel @!p1 .LBB2_6-.Ltmp6, $4  }
0xb1: {  	_ =	swait.ge [sflag:s6], $0x2700  }
0xb2: {  	[sflag:s6] =	ssyncset.done $0x0  }
0xb3: {  	s8 =	rddreg [dreg:$0xb];
	[sflag:s6] =	ssyncadd.s32 $0xFFFFD900  }
0xb4: {  	_ = 	snop  }
.LBB2_4:
0xb5: {  	s8 =	rddreg [dreg:$0x14]  }
0xb6: {  	[hbm:s8], [sflag:s0] =	dma.local [spmem:s20], $0x2700  }
.Ltmp7:
0xb7: {  	_ = 	snop;
	(pc) =	sbr.rel @p2 .LBB2_6-.Ltmp7, $4  }
.Ltmp8:
0xb8: {  	_ = 	snop;
	(pc) =	sbr.rel @!p2 .LBB2_7-.Ltmp8, $4  }
0xb9: {  	_ =	swait.ge [sflag:s6], $0x2700  }
0xba: {  	[sflag:s6] =	ssyncset.done $0x0  }
0xbb: {  	s8 =	rddreg [dreg:$0xa];
	[sflag:s6] =	ssyncadd.s32 $0xFFFFD900  }
0xbc: {  	_ = 	snop  }
.LBB2_8:
0xbd: {  	_ =	sfence.sel $0x180000  }
0xbe: {  	[bflag:$0x0] =	sbarrier.arrive $0xFFFF  }
0xbf: {  	_ =	strace $0x9000004A  }
0xc0: {  	s0 =	stileid.u32;
	[bflag:$0x2] =	sbarrier.arrive $0xFFFF  }
0xc1: {  	p0 =	sne.s32 s0, $0x0;
	s0 =	rddreg [dreg:$0x4]  }
0xc2: {  	s0 =	sadd.s32 @!p0 $0x100000, s0  }
0xc3: {  	[sflag:s0] =	ssyncadd.tile.s32 @!p0 $0x1;
	_ =	shalt  }
.Lfunc_end2:
_tile_overlayer_lowered:
.L_overlay_start_2:
0xc4: {  	(tag) =	ssettag $0x2  }
0xc5: {  	s0 =	rddreg [dreg:$0x0];
	s2 =	stileid.u32  }
0xc6: {  	s1 =	rddreg [dreg:$0x1];
	p0 =	sne.s32 s2, $0x0  }
0xc7: {  	s3 =	rddreg [dreg:$0x2];
	[bflag:$0x3] =	sbarrier.arrive $0xFFFF;
	s2 =	simm.s32 @!p0 $0x1C04  }
0xc8: {  	[timem:s3], [sflag:s2] =	dma.local @!p0 [hbm:s0], s1  }
0xc9: {  	s0 =	simm.s32 @!p0 $0x4  }
0xca: {  	_ =	swait.ge @!p0 [sflag:s0], s1  }
0xcb: {  	s1 =	ssub.s32 @!p0 $0x0, s1;
	[sflag:s0] =	ssyncset.done @!p0 $0x0  }
0xcc: {  	[sflag:s0] =	ssyncadd.s32 @!p0 s1  }
0xcd: {  	[bflag:$0x3] =	sbarrier.arrive $0xFFFF  }
0xce: {  	_ =	shalt  }

// kernel: kernel.16.cloned.1.call-start
scs
__scs_entry_jumppad:
0x0: {  	(pc) =	sbr.rel $0x88, $3  }
0x1: {  	(tag) =	ssettag $0x0;
	lr =	simm.s32 $0x1  }
0x2: {  	[smem:$0x3F99] =	sst lr;
	_ =	strace $0xD0000000  }
0x3: {  	_ = 	snop  }
0x4: {  	_ = 	snop  }
0x5: {  	_ = 	snop  }
0x6: {  	_ = 	snop  }
0x7: {  	_ = 	snop  }
__scs_overlays_trampoline_lowered:
0x8: {  	[smem:$0x3FA8] =	sst s0  }
0x9: {  	[smem:$0x3FA9] =	sst s1  }
0xa: {  	[smem:$0x3FAA] =	sst s2  }
0xb: {  	[smem:$0x3FAB] =	sst s3  }
0xc: {  	[smem:$0x3FAC] =	sst s4  }
0xd: {  	[smem:$0x3FAD] =	sst s5  }
0xe: {  	[smem:$0x3FAE] =	sst s6  }
0xf: {  	[smem:$0x3FAF] =	sst s7  }
0x10: {  	[smem:$0x3FB0] =	sst s8  }
0x11: {  	[smem:$0x3FB1] =	sst s9;
	s0 =	simm.s32 @!p0 $0x0  }
0x12: {  	s1 =	sld [smem:$0x3F97];
	s0 =	simm.s32 @p0 $0x1  }
0x13: {  	[smem:$0x3FB2] =	sst s0;
	s0 =	simm.s32 @!p1 $0x0  }
0x14: {  	s2 =	sld [smem:$0x3F96];
	s0 =	simm.s32 @p1 $0x1  }
0x15: {  	[smem:$0x3FB3] =	sst s0;
	s0 =	simm.s32 @!p2 $0x0  }
0x16: {  	s3 =	sld [smem:$0x3FDB];
	s0 =	simm.s32 @p2 $0x1  }
0x17: {  	s4 =	simm.s32 $0x1BF5;
	[smem:$0x3FB5] =	sst s0  }
0x18: {  	s0 =	sld [smem:$0x3F98];
	_ =	swait.ge [sflag:s4], $0x0  }
0x19: {  	s7 =	sld [smem:$0x3F99]  }
0x1a: {  	s8 =	sadd.s32 $0xFFFFE003, lr  }
0x1b: {  	s9 =	sadd.s32 $0xFFFFFEF7, lr;
	s5 =	simm.s32 $0xFFFFFFFF;
	p2 =	slt.u32 s8, $0xFFFFF086  }
0x1c: {  	p1 =	slt.u32 s9, $0xF7A;
	s5 =	simm.s32 @!p2 $0x0  }
0x1d: {  	s5 =	simm.s32 @p1 $0x1;
	p0 =	seq.s32 s7, s2  }
0x1e: {  	s7 =	smul.u32 @!p0 $0xF7A, s2;
	p2 =	seq.s32 @!p0 s5, $0x0  }
0x1f: {  	s9 =	smul.u32 $0xF7A, s1;
	s8 =	simm.s32 @!p0 $0x1BF5;
	p2 =	por !p2, p0  }
0x20: {  	[sflag:s8] =	ssyncset.s32 @!p0 $0xFFFFF086;
	s6 =	sadd.s32 @!p0 s3, s7;
	s7 =	simm.s32 @!p0 $0x108  }
0x21: {  	s3 =	sadd.s32 s3, s9;
	s6 =	sadd.s32 @!p0 $0x88, s6;
	s7 =	simm.s32 @p2 $0x1082  }
0x22: {  	[simem:s7], [sflag:s8] =	dma.local @!p0 [hbm:s6], $0xF7A  }
0x23: {  	s9 =	sor.u32 $0xD0000000, s2;
	s6 =	simm.s32 $0x108;
	_ =	swait.ge @!p0 [sflag:s8], $0x0  }
0x24: {  	s3 =	sadd.s32 $0x88, s3;
	s6 =	simm.s32 @!p1 $0x1082;
	[sflag:s4] =	ssyncset.s32 $0xFFFFF086  }
0x25: {  	[simem:s6], [sflag:s4] =	dma.local [hbm:s3], $0xF7A  }
0x26: {  	[smem:$0x3F99] =	sst s1;
	(tag) =	ssettag s2;
	_ =	strace s9  }
0x27: {  	s1 =	sld [smem:$0x3FA9]  }
0x28: {  	s2 =	sld [smem:$0x3FAA]  }
0x29: {  	s4 =	sld [smem:$0x3FAC]  }
0x2a: {  	p0 =	seq.s32 s5, $0x0;
	s5 =	sld [smem:$0x3FAD]  }
0x2b: {  	s6 =	sld [smem:$0x3FAE]  }
0x2c: {  	s7 =	sld [smem:$0x3FAF]  }
0x2d: {  	s3 =	simm.s32 $0x108;
	s8 =	sld [smem:$0x3FB0]  }
0x2e: {  	s3 =	simm.s32 @!p0 $0x1082;
	s9 =	sld [smem:$0x3FB1]  }
0x2f: {  	lr =	sadd.s32 s0, s3;
	s0 =	sld [smem:$0x3FA8]  }
0x30: {  	s3 =	sld [smem:$0x3FAB]  }
0x31: {  	[smem:$0x3FB4] =	sst s10  }
0x32: {  	s10 =	sld [smem:$0x3FB2];
	_ =	sdelay $0x3  }
0x33: {  	p0 =	seq.s32 s10, $0x1;
	s10 =	sld [smem:$0x3FB4];
	_ =	sdelay $0x3  }
0x34: {  	[smem:$0x3FB4] =	sst s10  }
0x35: {  	s10 =	sld [smem:$0x3FB3];
	_ =	sdelay $0x3  }
0x36: {  	p1 =	seq.s32 s10, $0x1;
	s10 =	sld [smem:$0x3FB4];
	_ =	sdelay $0x3  }
0x37: {  	[smem:$0x3FB4] =	sst s10  }
0x38: {  	s10 =	sld [smem:$0x3FB5]  }
0x39: {  	_ = 	snop;
	(pc) =	sbr.ind lr, $3  }
0x3a: {  	_ = 	snop  }
0x3b: {  	_ = 	snop  }
0x3c: {  	p2 =	seq.s32 s10, $0x1;
	s10 =	sld [smem:$0x3FB4]  }
0x3d: {  	_ =	shalt  }
0x3e: {  	_ =	shalt  }
0x3f: {  	_ =	shalt  }
0x40: {  	_ =	shalt  }
0x41: {  	_ =	shalt  }
0x42: {  	_ =	shalt  }
0x43: {  	_ =	shalt  }
0x44: {  	_ =	shalt  }
0x45: {  	_ =	shalt  }
0x46: {  	_ =	shalt  }
0x47: {  	_ =	shalt  }
0x48: {  	_ =	shalt  }
0x49: {  	_ =	shalt  }
0x4a: {  	_ =	shalt  }
0x4b: {  	_ =	shalt  }
0x4c: {  	_ =	shalt  }
0x4d: {  	_ =	shalt  }
0x4e: {  	_ =	shalt  }
0x4f: {  	_ =	shalt  }
0x50: {  	_ =	shalt  }
0x51: {  	_ =	shalt  }
0x52: {  	_ =	shalt  }
0x53: {  	_ =	shalt  }
0x54: {  	_ =	shalt  }
0x55: {  	_ =	shalt  }
0x56: {  	_ =	shalt  }
0x57: {  	_ =	shalt  }
0x58: {  	_ =	shalt  }
0x59: {  	_ =	shalt  }
0x5a: {  	_ =	shalt  }
0x5b: {  	_ =	shalt  }
0x5c: {  	_ =	shalt  }
0x5d: {  	_ =	shalt  }
0x5e: {  	_ =	shalt  }
0x5f: {  	_ =	shalt  }
0x60: {  	_ =	shalt  }
0x61: {  	_ =	shalt  }
0x62: {  	_ =	shalt  }
0x63: {  	_ =	shalt  }
0x64: {  	_ =	shalt  }
0x65: {  	_ =	shalt  }
0x66: {  	_ =	shalt  }
0x67: {  	_ =	shalt  }
0x68: {  	_ =	shalt  }
0x69: {  	_ =	shalt  }
0x6a: {  	_ =	shalt  }
0x6b: {  	_ =	shalt  }
0x6c: {  	_ =	shalt  }
0x6d: {  	_ =	shalt  }
0x6e: {  	_ =	shalt  }
0x6f: {  	_ =	shalt  }
0x70: {  	_ =	shalt  }
0x71: {  	_ =	shalt  }
0x72: {  	_ =	shalt  }
0x73: {  	_ =	shalt  }
0x74: {  	_ =	shalt  }
0x75: {  	_ =	shalt  }
0x76: {  	_ =	shalt  }
0x77: {  	_ =	shalt  }
0x78: {  	_ =	shalt  }
0x79: {  	_ =	shalt  }
0x7a: {  	_ =	shalt  }
0x7b: {  	_ =	shalt  }
0x7c: {  	_ =	shalt  }
0x7d: {  	_ =	shalt  }
0x7e: {  	_ =	shalt  }
0x7f: {  	_ =	shalt  }
0x80: {  	_ =	shalt  }
0x81: {  	_ =	shalt  }
0x82: {  	_ =	shalt  }
0x83: {  	_ =	shalt  }
0x84: {  	_ =	shalt  }
0x85: {  	_ =	shalt  }
0x86: {  	_ =	shalt  }
0x87: {  	_ =	shalt  }
.Lfunc_end0:
.L_simem_size_0:
called_computation.2_lowered:
.L_overlay_start_0:
0x88: {  	s2 =	sld [smem:$0x3FD9]  }
0x89: {  	s3 =	sld [smem:$0x3FFE];
	_ =	sdelay $0x1  }
0x8a: {  	s1 =	srdreg.scid  }
0x8b: {  	s0 =	sand.u32 $0x1, s1  }
0x8c: {  	s17 =	sshll.u32 s0, $0xA;
	s2 =	sadd.s32 s3, s2  }
0x8d: {  	s2 =	sadd.s32 s2, s17  }
0x8e: {  	[smem:$0x3FC0] =	sst s2  }
0x8f: {  	_ = 	snop  }
0x90: {  	s2 =	sld [smem:$0x3FC8]  }
0x91: {  	s18 =	sld [smem:$0x3FD0];
	(tm) =	ssettm $0x1  }
0x92: {  	s4 =	sld [smem:$0x3FFB];
	_ =	sdelay $0x3  }
0x93: {  	_ =	strace s4  }
0x94: {  	s4 =	sld [smem:$0x3FFC];
	_ =	sdelay $0x3  }
0x95: {  	_ =	strace s4  }
0x96: {  	s4 =	sld [smem:$0x3FFD];
	_ =	sdelay $0x3  }
0x97: {  	_ =	strace s4  }
0x98: {  	_ =	strace $0x8FFFFFFF  }
0x99: {  	s19 =	sld [smem:$0x3FDB];
	_ =	sdelay $0x1  }
0x9a: {  	s5 =	simm.s32 $_scs_section_size  }
0x9b: {  	s6 =	simm.s32 $_size__tile_overlayer_lowered;
	s7 =	simm.s32 $_tile_overlayer_lowered  }
0x9c: {  	s22 =	simm.s32 $0x1BFF;
	s21 =	sshll.u32 s7, $0x1;
	s4 =	sadd.s32 s5, s19  }
0x9d: {  	s8 =	simm.s32 $0x0;
	s20 =	sshll.u32 s6, $0x1;
	s6 =	sadd.s32 s21, s4  }
0x9e: {  	[timem:s8], [sflag:s22] =	dma.local [hbm:s6], s20  }
0x9f: {  	_ =	swait.ge [sflag:s22], s20  }
0xa0: {  	s5 =	ssub.s32 $0x0, s20;
	[sflag:s22] =	ssyncset.done $0x0  }
0xa1: {  	[sflag:s22] =	ssyncadd.s32 s5;
	_ =	sdelay $0x1  }
0xa2: {  	s23 =	simm.s32 $0x1B8B  }
0xa3: {  	_ =	swait.ge [sflag:s23], $0x1  }
0xa4: {  	[sflag:s23] =	ssyncset.done $0x0  }
0xa5: {  	s25 =	simm.s32 $0x1B8E;
	s24 =	sld [smem:$0x3FFE];
	[sflag:s23] =	ssyncadd.s32 $0xFFFFFFFF  }
0xa6: {  	s26 =	simm.s32 $execute0_lowered;
	[smem:$0x3FD2] =	sst s25  }
0xa7: {  	s6 =	sshll.u32 s26, $0x1;
	_ =	strace $0x8000004C;
	[dreg:$0x1] =	wrdreg $0xFFFFFFFF  }
0xa8: {  	s28 =	simm.s32 $_size_execute0_lowered;
	s4 =	sadd.s32 s4, s6;
	[dreg:$0x0] =	wrdreg $0x0  }
0xa9: {  	s6 =	sshll.u32 s28, $0x1;
	[dreg:$0x2] =	wrdreg s4  }
0xaa: {  	[dreg:$0x3] =	wrdreg s6  }
0xab: {  	[dreg:$0x4] =	wrdreg $0xC0  }
0xac: {  	_ =	task [dreg:s8], $0x5FFFF  }
0xad: {  	[dreg:$0x1] =	wrdreg $0xFFFFFFFF  }
0xae: {  	[dreg:$0x0] =	wrdreg $0x60  }
0xaf: {  	[dreg:$0x2] =	wrdreg s18  }
0xb0: {  	[dreg:$0x3] =	wrdreg s2  }
0xb1: {  	[dreg:$0x4] =	wrdreg s24  }
0xb2: {  	[dreg:$0x5] =	wrdreg $0x84000  }
0xb3: {  	[dreg:$0x6] =	wrdreg $0x9  }
0xb4: {  	_ =	task.clear_ibuf [dreg:s8], $0x7FFFF;
	_ =	strace $0x9000004C  }
0xb5: {  	s29 =	simm.s32 $0x9;
	_ =	strace $0x8000004E  }
0xb6: {  	_ =	swait.ge [sflag:s29], $0x1  }
0xb7: {  	[sflag:s29] =	ssyncadd.s32 $0xFFFFFFFF  }
0xb8: {  	_ =	strace $0x9000004E  }
0xb9: {  	_ =	sfence  }
0xba: {  	s30 =	sld [smem:$0x0];
	_ =	sdelay $0x2  }
0xbb: {  	s31 =	sshll.u32 s1, $0xD;
	s1 =	sshrl.u32 s1, $0x2  }
0xbc: {  	s3 =	sand.u32 $0x4000, s31;
	s1 =	sadd.s32 s1, s30  }
0xbd: {  	s0 =	sor.u32 s3, s0;
	s1 =	sshll.u32 s1, $0x11  }
0xbe: {  	s0 =	sor.u32 s1, s0  }
0xbf: {  	s0 =	sadd.s32 $0x8F2B, s0  }
0xc0: {  	[sflag:s0] =	ssyncadd.remote.s32 $0x1  }
0xc1: {  	_ =	sfence.sel $0xFFFF  }
0xc2: {  	[dreg:$0x0] =	wrdreg $0xFFFFFFFF;
	(pc) =	sbr.abs _section_cstart, $3  }
0xc3: {  	[dreg:$0x1] =	wrdreg $0xFFFFFFFF  }
0xc4: {  	_ =	task.clear_ibuf [dreg:s8], $0x2FFFF;
	_ =	strace $0x9FFFFFFF  }
0xc5: {  	(tm) =	ssettm $0x7FFFFFFF  }
tec
execute0_lowered:
.L_overlay_start_1:
0x0: {  	(tag) =	ssettag $0x1  }
0x1: {  	s1 =	rddreg [dreg:$0x0]  }
0x2: {  	s0 =	rddreg [dreg:$0x1]  }
0x3: {  	s3 =	rddreg [dreg:$0x2]  }
0x4: {  	s2 =	rddreg [dreg:$0x3];
	s4 =	simm.s32 $0x0  }
0x5: {  	s5 =	srdreg.scid;
	s15 =	stileid.u32;
	s28 =	simm.s32 $0x80  }
0x6: {  	s29 =	simm.s32 $0x400;
	s31 =	simm.s32 $0x4400;
	[smem:$0x7FF] =	sst s4  }
0x7: {  	s5 =	sand.u32 $0x1, s5;
	s6 =	sshll.u32 s15, $0x1;
	s16 =	sadd.s32 $0x53A00, s3  }
0x8: {  	s17 =	sadd.s32 $0x7AC00, s3;
	s10 =	smul.u32 $0x4E000, s15;
	s12 =	sadd.s32 $0x138000, s2  }
0x9: {  	s26 =	sadd.s32 $0x27000, s1;
	s30 =	smul.u32 $0x26, s15;
	p1 =	sne.s32 s15, $0xF  }
0xa: {  	p2 =	seq.s32 s15, $0xF;
	_ =	strace $0x8000004D;
	[dreg:$0xf] =	wrdreg s26  }
0xb: {  	s7 =	ssub.s32 $0x2, s5;
	s6 =	sor.u32 s5, s6;
	[dreg:$0xa] =	wrdreg s16  }
0xc: {  	s13 =	smul.u32 $0x13, s5;
	[dreg:$0xb] =	wrdreg s17;
	s26 =	simm.s32 $0x280  }
0xd: {  	s24 =	sshrl.u32 s7, $0x1;
	s8 =	smul.u32 $0x13, s6;
	s9 =	smin.u32 s6, $0x11  }
0xe: {  	p0 =	slt.u32 s6, $0x11;
	s6 =	smul.u32 $0x2700, s15;
	s10 =	sshrl.u32 s10, $0x2  }
0xf: {  	[dreg:$0x8] =	wrdreg s26;
	s26 =	simm.s32 $0x2;
	s10 =	sadd.s32 s10, s2  }
0x10: {  	s3 =	ssub.s32 s7, s24;
	[dreg:$0xc] =	wrdreg s10;
	s25 =	sadd.s32 s1, s6  }
0x11: {  	s7 =	simm.s32 $0x50;
	s24 =	sadd.s32 s16, s6;
	[dreg:$0xd] =	wrdreg s25  }
0x12: {  	s8 =	sadd.s32 s9, s8;
	s6 =	sadd.s32 s17, s6;
	[dreg:$0x14] =	wrdreg s24  }
0x13: {  	s10 =	sshll.u32 s15, $0x6;
	s3 =	smax.u32 s3, $0x1;
	[dreg:$0x15] =	wrdreg s6  }
0x14: {  	s7 =	simm.s32 @!p0 $0x4C;
	s11 =	sor.u32 $0x1C03, s10;
	[dreg:$0x16] =	wrdreg s3  }
0x15: {  	p0 =	seq.s32 s5, $0x1;
	s19 =	sadd.s32 $0xFFFFFFFE, s7;
	[dreg:$0xe] =	wrdreg s11  }
0x16: {  	s8 =	sshll.u32 s8, $0x7;
	s21 =	sshrl.u32 s7, $0x2;
	[dreg:$0x5] =	wrdreg s19  }
0x17: {  	s22 =	sadd.s32 $0xFFFFFFFD, s7;
	s25 =	simm.s32 $0x180;
	[dreg:$0x13] =	wrdreg s21  }
0x18: {  	s3 =	simm.s32 $0x3;
	s6 =	simm.s32 $0x4;
	[dreg:$0x7] =	wrdreg s22  }
0x19: {  	s14 =	sadd.s32 s0, s8;
	s8 =	sadd.s32 s13, s30;
	[dreg:$0x6] =	wrdreg s25  }
0x1a: {  	s30 =	simm.s32 $0x380;
	s25 =	simm.s32 $0x100;
	s19 =	simm.s32 $0x0  }
.Ltmp0:
0x1b: {  	s18 =	sadd.s32 $0x20, s14;
	[dreg:$0x9] =	wrdreg s30;
	(pc) =	sbr.rel .LBB2_1-.Ltmp0, $4  }
0x1c: {  	s20 =	sadd.s32 $0x60, s14;
	s23 =	sadd.s32 s9, s8;
	[dreg:$0x10] =	wrdreg s18  }
0x1d: {  	s18 =	sadd.s32 $0x40, s14;
	[dreg:$0x12] =	wrdreg s20;
	s5 =	sshll.u32 s23, $0x7  }
0x1e: {  	[dreg:$0x11] =	wrdreg s18;
	s0 =	sadd.s32 s5, s0;
	s5 =	simm.s32 $0x1  }
0x1f: {  	s11 =	sadd.s32 $0x80, s0;
	s23 =	sadd.s32 $0xA0, s0;
	s24 =	sadd.s32 $0xC0, s0  }
.LBB2_6:
0x20: {  	s8 =	sadd.s32 $0x27000, s8;
	s9 =	sshrl.u32 s12, $0x3  }
0x21: {  	[hbm:s8], [sflag:s0] =	dma.local [spmem:s9], $0x100  }
0x22: {  	_ =	swait.ge [sflag:s6], $0x100  }
0x23: {  	[sflag:s6] =	ssyncset.done $0x0  }
0x24: {  	[sflag:s6] =	ssyncadd.s32 $0xFFFFFF00  }
.LBB2_7:
0x25: {  	s19 =	sadd.s32 $0x1, s19;
	s0 =	rddreg [dreg:$0x16]  }
0x26: {  	p3 =	sne.s32 s19, s0  }
.Ltmp1:
0x27: {  	_ = 	snop;
	(pc) =	sbr.rel @!p3 .LBB2_8-.Ltmp1, $1  }
0x28: {  	_ =	sdelay $0x3  }
.LBB2_1:
0x29: {  	s0 =	rddreg [dreg:$0xc]  }
0x2a: {  	s17 =	rddreg [dreg:$0xd]  }
0x2b: {  	s8 =	rddreg [dreg:$0xe];
	s20 =	sshrl.u32 s0, $0x3  }
0x2c: {  	[spmem:s20], [sflag:s8] =	dma.local [hbm:s17], $0x2700  }
0x2d: {  	s0 =	sshrl.u32 @!p1 s12, $0x3;
	s8 =	simm.s32 @!p1 $0x1FC4;
	s9 =	rddreg [dreg:$0xf]  }
0x2e: {  	[spmem:s0], [sflag:s8] =	dma.local @!p1 [hbm:s9], $0x100  }
0x2f: {  	s0 =	simm.s32 @!p1 $0x4  }
0x30: {  	_ =	swait.ge @!p1 [sflag:s0], $0x100  }
0x31: {  	[sflag:s0] =	ssyncset.done @!p1 $0x0  }
0x32: {  	[sflag:s0] =	ssyncadd.s32 @!p1 $0xFFFFFF00  }
0x33: {  	[tilespmem:s4], [sflag:$0x2] =	stream.linear.gather [hbm4b:s14+s4], $0x100, $0x38;
	[tilespmem:$0x1C400] =	vst v63  }
0x34: {  	s18 =	rddreg [dreg:$0x10]  }
0x35: {  	[tilespmem:s25], [sflag:$0x2] =	stream.linear.gather [hbm4b:s18+s4], $0x100, $0x38;
	[tilespmem:$0x1C400] =	vst v63  }
0x36: {  	_ =	swait.ge [sflag:s26], $0x100  }
0x37: {  	[sflag:s26] =	ssyncset.done $0x0  }
0x38: {  	[sflag:s26] =	ssyncadd.s32 $0xFFFFFF00  }
0x39: {  	[tilespmem:s29], [sflag:$0x1] =	stream.indirect.gather [hbm4b:s1+s28], $0x80, s4, s28, $0xb8;
	[tilespmem:$0x1C400] =	vst v63  }
0x3a: {  	s22 =	simm.s32 $0x200;
	s21 =	rddreg [dreg:$0x11]  }
0x3b: {  	[tilespmem:s22], [sflag:$0x2] =	stream.linear.gather [hbm4b:s21+s4], $0x100, $0x38;
	[tilespmem:$0x1C400] =	vst v63  }
0x3c: {  	_ =	swait.ge [sflag:s26], $0x100  }
0x3d: {  	[sflag:s26] =	ssyncset.done $0x0  }
0x3e: {  	[sflag:s26] =	ssyncadd.s32 $0xFFFFFF00  }
0x3f: {  	[tilespmem:s31], [sflag:$0x1] =	stream.indirect.gather [hbm4b:s1+s28], $0x80, s25, s28, $0xb8;
	[tilespmem:$0x1C400] =	vst v63  }
0x40: {  	s13 =	simm.s32 $0x300;
	s9 =	rddreg [dreg:$0x12]  }
0x41: {  	[tilespmem:s13], [sflag:$0x2] =	stream.linear.gather [hbm4b:s9+s4], $0x100, $0x38;
	[tilespmem:$0x1C400] =	vst v63  }
0x42: {  	_ =	swait.ge [sflag:s3], $0x2700  }
0x43: {  	[sflag:s3] =	ssyncset.done $0x0  }
0x44: {  	[sflag:s3] =	ssyncadd.s32 $0xFFFFD900  }
0x45: {  	[bflag:$0x0] =	sbarrier.arrive $0xFFFF  }
0x46: {  	_ =	swait.ge [sflag:s5], $0x4000  }
0x47: {  	[sflag:s5] =	ssyncset.done $0x0  }
0x48: {  	[sflag:s5] =	ssyncadd.s32 $0xFFFFC000  }
0x49: {  	[spmem:s2] =	stream.indirect.scatter.add.f32 [tilespmem:s29], [sflag:$0x4], $0x80, s28, s28, $0xb8;
	[tilespmem:$0x1C400] =	vst v63  }
0x4a: {  	_ =	swait.ge [sflag:s6], $0x4000  }
0x4b: {  	p4 =	sle.u32 s7, $0x4;
	[sflag:s6] =	ssyncset.done $0x0;
	s15 =	rddreg [dreg:$0x5]  }
0x4c: {  	s8 =	simm.s32 @!p4 $0x0;
	[sflag:s6] =	ssyncadd.s32 $0xFFFFC000;
	p3 =	sle.u32 s15, $0x0  }
0x4d: {  	[tilespmem:s8], [sflag:$0x2] =	stream.linear.gather @!p4 [hbm4b:s11+s8], $0x100, $0x38;
	[tilespmem:$0x1C400] =	vst v63  }
0x4e: {  	s0 =	simm.s32 @!p3 $0x2  }
0x4f: {  	_ =	swait.ge @!p3 [sflag:s0], $0x100  }
0x50: {  	s9 =	simm.s32 @!p3 $0x400;
	[sflag:s0] =	ssyncset.done @!p3 $0x0  }
0x51: {  	s13 =	simm.s32 @!p3 $0x200;
	[sflag:s0] =	ssyncadd.s32 @!p3 $0xFFFFFF00;
	s0 =	simm.s32 @!p3 $0x80  }
0x52: {  	[tilespmem:s9], [sflag:$0x1] =	stream.indirect.gather @!p3 [hbm4b:s1+s0], $0x80, s13, s0, $0xb8;
	[tilespmem:$0x1C400] =	vst v63  }
0x53: {  	_ =	swait.ge [sflag:s5], $0x4000  }
0x54: {  	[sflag:s5] =	ssyncset.done $0x0  }
0x55: {  	s16 =	rddreg [dreg:$0x6];
	[sflag:s5] =	ssyncadd.s32 $0xFFFFC000  }
0x56: {  	[spmem:s2] =	stream.indirect.scatter.add.f32 [tilespmem:s31], [sflag:$0x4], $0x80, s16, s28, $0xb8;
	[tilespmem:$0x1C400] =	vst v63  }
0x57: {  	p3 =	sle.u32 s7, $0x5;
	_ =	swait.ge [sflag:s6], $0x4000  }
0x58: {  	s9 =	simm.s32 @!p3 $0x0;
	[sflag:s6] =	ssyncset.done $0x0;
	s17 =	rddreg [dreg:$0x7]  }
0x59: {  	s13 =	simm.s32 @!p3 $0x100;
	[sflag:s6] =	ssyncadd.s32 $0xFFFFC000;
	p5 =	sle.u32 s17, $0x0  }
0x5a: {  	[tilespmem:s13], [sflag:$0x2] =	stream.linear.gather @!p3 [hbm4b:s23+s9], $0x100, $0x38;
	[tilespmem:$0x1C400] =	vst v63  }
0x5b: {  	s0 =	simm.s32 @!p5 $0x2  }
0x5c: {  	_ =	swait.ge @!p5 [sflag:s0], $0x100  }
0x5d: {  	s9 =	simm.s32 @!p5 $0x4400;
	[sflag:s0] =	ssyncset.done @!p5 $0x0  }
0x5e: {  	s15 =	simm.s32 @!p5 $0x300;
	[sflag:s0] =	ssyncadd.s32 @!p5 $0xFFFFFF00;
	s0 =	simm.s32 @!p5 $0x80  }
0x5f: {  	[tilespmem:s9], [sflag:$0x1] =	stream.indirect.gather @!p5 [hbm4b:s1+s0], $0x80, s15, s0, $0xb8;
	[tilespmem:$0x1C400] =	vst v63  }
0x60: {  	_ =	swait.ge [sflag:s5], $0x4000  }
0x61: {  	[sflag:s5] =	ssyncset.done $0x0  }
0x62: {  	s18 =	rddreg [dreg:$0x8];
	[sflag:s5] =	ssyncadd.s32 $0xFFFFC000  }
0x63: {  	[spmem:s2] =	stream.indirect.scatter.add.f32 [tilespmem:s29], [sflag:$0x4], $0x80, s18, s28, $0xb8;
	[tilespmem:$0x1C400] =	vst v63  }
0x64: {  	_ =	swait.ge [sflag:s6], $0x4000  }
0x65: {  	p5 =	sle.u32 s7, $0x6;
	s0 =	simm.s32 @!p4 $0x2;
	[sflag:s6] =	ssyncset.done $0x0  }
0x66: {  	s9 =	simm.s32 @!p5 $0x0;
	s15 =	simm.s32 @!p5 $0x200;
	[sflag:s6] =	ssyncadd.s32 $0xFFFFC000  }
0x67: {  	[tilespmem:s15], [sflag:$0x2] =	stream.linear.gather @!p5 [hbm4b:s24+s9], $0x100, $0x38;
	[tilespmem:$0x1C400] =	vst v63  }
0x68: {  	_ =	swait.ge @!p4 [sflag:s0], $0x100  }
0x69: {  	[sflag:s0] =	ssyncset.done @!p4 $0x0  }
0x6a: {  	s9 =	simm.s32 @!p4 $0x400;
	[sflag:s0] =	ssyncadd.s32 @!p4 $0xFFFFFF00;
	s0 =	simm.s32 @!p4 $0x80  }
0x6b: {  	[tilespmem:s9], [sflag:$0x1] =	stream.indirect.gather @!p4 [hbm4b:s1+s0], $0x80, s8, s0, $0xb8;
	[tilespmem:$0x1C400] =	vst v63  }
0x6c: {  	s17 =	simm.s32 @!p3 $0x4400;
	p5 =	sle.u32 s7, $0x7;
	_ =	swait.ge [sflag:s5], $0x4000  }
0x6d: {  	s15 =	simm.s32 @!p3 $0x2;
	[sflag:s5] =	ssyncset.done $0x0;
	s22 =	rddreg [dreg:$0x13]  }
0x6e: {  	s21 =	rddreg [dreg:$0x9];
	[sflag:s5] =	ssyncadd.s32 $0xFFFFC000;
	s30 =	sadd.s32 $0xFFFFFFFF, s22  }
0x6f: {  	[spmem:s2] =	stream.indirect.scatter.add.f32 [tilespmem:s31], [sflag:$0x4], $0x80, s21, s28, $0xb8;
	[tilespmem:$0x1C400] =	vst v63  }
0x70: {  	s16 =	simm.s32 @!p5 $0x0;
	p4 =	sne.s32 s30, $0x0;
	_ =	swait.ge [sflag:s6], $0x4000  }
.Ltmp2:
0x71: {  	s0 =	simm.s32 $0x4;
	[sflag:s6] =	ssyncset.done $0x0;
	(pc) =	sbr.rel @!p4 .LBB2_3-.Ltmp2, $4  }
0x72: {  	s8 =	simm.s32 @!p5 $0x300;
	s9 =	sadd.s32 @!p5 $0x40, s23;
	[sflag:s6] =	ssyncadd.s32 $0xFFFFC000  }
0x73: {  	[tilespmem:s8], [sflag:$0x2] =	stream.linear.gather @!p5 [hbm4b:s9+s16], $0x100, $0x38;
	[tilespmem:$0x1C400] =	vst v63  }
0x74: {  	s22 =	smov.u32 s11;
	s8 =	sadd.s32 $0x80, s23;
	_ =	swait.ge @!p3 [sflag:s15], $0x100  }
0x75: {  	s9 =	sadd.s32 $0x80, s24;
	s16 =	simm.s32 @!p3 $0x80;
	[sflag:s15] =	ssyncset.done @!p3 $0x0  }
.LBB2_2:
0x76: {  	[sflag:s15] =	ssyncadd.s32 @!p3 $0xFFFFFF00  }
0x77: {  	[tilespmem:s17], [sflag:$0x1] =	stream.indirect.gather @!p3 [hbm4b:s1+s16], $0x80, s13, s16, $0xb8;
	[tilespmem:$0x1C400] =	vst v63  }
0x78: {  	_ =	swait.ge [sflag:s5], $0x4000  }
0x79: {  	[sflag:s5] =	ssyncset.done $0x0  }
0x7a: {  	s22 =	sadd.s32 $0x80, s22;
	[sflag:s5] =	ssyncadd.s32 $0xFFFFC000  }
0x7b: {  	[spmem:s2] =	stream.indirect.scatter.add.f32 [tilespmem:s29], [sflag:$0x4], $0x80, s28, s28, $0xb8;
	[tilespmem:$0x1C400] =	vst v63  }
0x7c: {  	s15 =	smov.u32 s0;
	s0 =	sadd.s32 $0x4, s0;
	_ =	swait.ge [sflag:s6], $0x4000  }
0x7d: {  	p5 =	sge.u32 s0, s7;
	[sflag:s6] =	ssyncset.done $0x0;
	s21 =	rddreg [dreg:$0x5]  }
0x7e: {  	s16 =	simm.s32 @!p5 $0x0;
	[sflag:s6] =	ssyncadd.s32 $0xFFFFC000;
	p3 =	sge.u32 s15, s21  }
0x7f: {  	[tilespmem:s16], [sflag:$0x2] =	stream.linear.gather @!p5 [hbm4b:s22+s16], $0x100, $0x38;
	[tilespmem:$0x1C400] =	vst v63  }
0x80: {  	s13 =	simm.s32 @!p3 $0x2  }
0x81: {  	_ =	swait.ge @!p3 [sflag:s13], $0x100  }
0x82: {  	s17 =	simm.s32 @!p3 $0x400;
	[sflag:s13] =	ssyncset.done @!p3 $0x0  }
0x83: {  	s18 =	simm.s32 @!p3 $0x200;
	[sflag:s13] =	ssyncadd.s32 @!p3 $0xFFFFFF00;
	s13 =	simm.s32 @!p3 $0x80  }
0x84: {  	[tilespmem:s17], [sflag:$0x1] =	stream.indirect.gather @!p3 [hbm4b:s1+s13], $0x80, s18, s13, $0xb8;
	[tilespmem:$0x1C400] =	vst v63  }
0x85: {  	_ =	swait.ge [sflag:s5], $0x4000  }
0x86: {  	[sflag:s5] =	ssyncset.done $0x0  }
0x87: {  	s18 =	sadd.s32 $0x5, s15;
	s17 =	rddreg [dreg:$0x6];
	[sflag:s5] =	ssyncadd.s32 $0xFFFFC000  }
0x88: {  	[spmem:s2] =	stream.indirect.scatter.add.f32 [tilespmem:s31], [sflag:$0x4], $0x80, s17, s28, $0xb8;
	[tilespmem:$0x1C400] =	vst v63  }
0x89: {  	p3 =	sge.u32 s18, s7;
	_ =	swait.ge [sflag:s6], $0x4000  }
0x8a: {  	s18 =	simm.s32 @!p3 $0x0;
	[sflag:s6] =	ssyncset.done $0x0;
	s21 =	rddreg [dreg:$0x7]  }
0x8b: {  	s13 =	simm.s32 @!p3 $0x100;
	[sflag:s6] =	ssyncadd.s32 $0xFFFFC000;
	p6 =	sge.u32 s15, s21  }
0x8c: {  	[tilespmem:s13], [sflag:$0x2] =	stream.linear.gather @!p3 [hbm4b:s8+s18], $0x100, $0x38;
	[tilespmem:$0x1C400] =	vst v63  }
0x8d: {  	s17 =	simm.s32 @!p6 $0x2  }
0x8e: {  	_ =	swait.ge @!p6 [sflag:s17], $0x100  }
0x8f: {  	s18 =	simm.s32 @!p6 $0x4400;
	[sflag:s17] =	ssyncset.done @!p6 $0x0  }
0x90: {  	s21 =	simm.s32 @!p6 $0x300;
	[sflag:s17] =	ssyncadd.s32 @!p6 $0xFFFFFF00;
	s17 =	simm.s32 @!p6 $0x80  }
0x91: {  	[tilespmem:s18], [sflag:$0x1] =	stream.indirect.gather @!p6 [hbm4b:s1+s17], $0x80, s21, s17, $0xb8;
	[tilespmem:$0x1C400] =	vst v63  }
0x92: {  	_ =	swait.ge [sflag:s5], $0x4000  }
0x93: {  	[sflag:s5] =	ssyncset.done $0x0  }
0x94: {  	s21 =	rddreg [dreg:$0x8];
	[sflag:s5] =	ssyncadd.s32 $0xFFFFC000  }
0x95: {  	[spmem:s2] =	stream.indirect.scatter.add.f32 [tilespmem:s29], [sflag:$0x4], $0x80, s21, s28, $0xb8;
	[tilespmem:$0x1C400] =	vst v63  }
0x96: {  	s18 =	sadd.s32 $0x6, s15;
	_ =	swait.ge [sflag:s6], $0x4000  }
0x97: {  	s17 =	simm.s32 @!p5 $0x2;
	p6 =	sge.u32 s18, s7;
	[sflag:s6] =	ssyncset.done $0x0  }
0x98: {  	s18 =	simm.s32 @!p6 $0x0;
	s21 =	simm.s32 @!p6 $0x200;
	[sflag:s6] =	ssyncadd.s32 $0xFFFFC000  }
0x99: {  	[tilespmem:s21], [sflag:$0x2] =	stream.linear.gather @!p6 [hbm4b:s9+s18], $0x100, $0x38;
	[tilespmem:$0x1C400] =	vst v63  }
0x9a: {  	_ =	swait.ge @!p5 [sflag:s17], $0x100  }
0x9b: {  	[sflag:s17] =	ssyncset.done @!p5 $0x0  }
0x9c: {  	s18 =	simm.s32 @!p5 $0x400;
	[sflag:s17] =	ssyncadd.s32 @!p5 $0xFFFFFF00;
	s17 =	simm.s32 @!p5 $0x80  }
0x9d: {  	[tilespmem:s18], [sflag:$0x1] =	stream.indirect.gather @!p5 [hbm4b:s1+s17], $0x80, s16, s17, $0xb8;
	[tilespmem:$0x1C400] =	vst v63  }
0x9e: {  	s30 =	sadd.s32 $0xFFFFFFFF, s30;
	_ =	swait.ge [sflag:s5], $0x4000  }
0x9f: {  	p4 =	sne.s32 s30, $0x0;
	[sflag:s5] =	ssyncset.done $0x0  }
0xa0: {  	s15 =	sadd.s32 $0x7, s15;
	s21 =	rddreg [dreg:$0x9];
	[sflag:s5] =	ssyncadd.s32 $0xFFFFC000  }
0xa1: {  	[spmem:s2] =	stream.indirect.scatter.add.f32 [tilespmem:s31], [sflag:$0x4], $0x80, s21, s28, $0xb8;
	[tilespmem:$0x1C400] =	vst v63  }
0xa2: {  	p5 =	sge.u32 s15, s7;
	s15 =	simm.s32 @!p3 $0x2;
	_ =	swait.ge [sflag:s6], $0x4000  }
.Ltmp3:
0xa3: {  	s16 =	simm.s32 @!p5 $0x300;
	[sflag:s6] =	ssyncset.done $0x0;
	(pc) =	sbr.rel @p4 .LBB2_2-.Ltmp3, $4  }
0xa4: {  	s17 =	sadd.s32 @!p5 $0x40, s8;
	s18 =	simm.s32 @!p5 $0x0;
	[sflag:s6] =	ssyncadd.s32 $0xFFFFC000  }
0xa5: {  	[tilespmem:s16], [sflag:$0x2] =	stream.linear.gather @!p5 [hbm4b:s17+s18], $0x100, $0x38;
	[tilespmem:$0x1C400] =	vst v63  }
0xa6: {  	s9 =	sadd.s32 $0x80, s9;
	s8 =	sadd.s32 $0x80, s8;
	_ =	swait.ge @!p3 [sflag:s15], $0x100  }
0xa7: {  	s16 =	simm.s32 @!p3 $0x80;
	s17 =	simm.s32 @!p3 $0x4400;
	[sflag:s15] =	ssyncset.done @!p3 $0x0  }
.LBB2_3:
.Ltmp4:
0xa8: {  	(pc) =	sbr.rel @!p0 .LBB2_4-.Ltmp4, $4  }
0xa9: {  	[sflag:s15] =	ssyncadd.s32 @!p3 $0xFFFFFF00  }
0xaa: {  	[tilespmem:s17], [sflag:$0x1] =	stream.indirect.gather @!p3 [hbm4b:s1+s16], $0x80, s13, s16, $0xb8;
	[tilespmem:$0x1C400] =	vst v63  }
0xab: {  	[bflag:$0x0] =	sbarrier.arrive $0xFFFF  }
0xac: {  	s0 =	sor.u32 $0x1C04, s10  }
0xad: {  	s0 =	sor.u32 $0x1C04, s10;
	s8 =	rddreg [dreg:$0x15]  }
0xae: {  	[hbm:s8], [sflag:s0] =	dma.local [spmem:s20], $0x2700  }
.Ltmp5:
0xaf: {  	_ = 	snop;
	(pc) =	sbr.rel @p1 .LBB2_7-.Ltmp5, $4  }
.Ltmp6:
0xb0: {  	_ = 	snop;
	(pc) =	sbr.rel @!p1 .LBB2_6-.Ltmp6, $4  }
0xb1: {  	_ =	swait.ge [sflag:s6], $0x2700  }
0xb2: {  	[sflag:s6] =	ssyncset.done $0x0  }
0xb3: {  	s8 =	rddreg [dreg:$0xb];
	[sflag:s6] =	ssyncadd.s32 $0xFFFFD900  }
0xb4: {  	_ = 	snop  }
.LBB2_4:
0xb5: {  	s8 =	rddreg [dreg:$0x14]  }
0xb6: {  	[hbm:s8], [sflag:s0] =	dma.local [spmem:s20], $0x2700  }
.Ltmp7:
0xb7: {  	_ = 	snop;
	(pc) =	sbr.rel @p2 .LBB2_6-.Ltmp7, $4  }
.Ltmp8:
0xb8: {  	_ = 	snop;
	(pc) =	sbr.rel @!p2 .LBB2_7-.Ltmp8, $4  }
0xb9: {  	_ =	swait.ge [sflag:s6], $0x2700  }
0xba: {  	[sflag:s6] =	ssyncset.done $0x0  }
0xbb: {  	s8 =	rddreg [dreg:$0xa];
	[sflag:s6] =	ssyncadd.s32 $0xFFFFD900  }
0xbc: {  	_ = 	snop  }
.LBB2_8:
0xbd: {  	_ =	sfence.sel $0x180000  }
0xbe: {  	[bflag:$0x0] =	sbarrier.arrive $0xFFFF  }
0xbf: {  	_ =	strace $0x9000004D  }
0xc0: {  	s0 =	stileid.u32;
	[bflag:$0x2] =	sbarrier.arrive $0xFFFF  }
0xc1: {  	p0 =	sne.s32 s0, $0x0;
	s0 =	rddreg [dreg:$0x4]  }
0xc2: {  	s0 =	sadd.s32 @!p0 $0x100000, s0  }
0xc3: {  	[sflag:s0] =	ssyncadd.tile.s32 @!p0 $0x1;
	_ =	shalt  }
.Lfunc_end2:
_tile_overlayer_lowered:
.L_overlay_start_2:
0xc4: {  	(tag) =	ssettag $0x2  }
0xc5: {  	s0 =	rddreg [dreg:$0x0];
	s2 =	stileid.u32  }
0xc6: {  	s1 =	rddreg [dreg:$0x1];
	p0 =	sne.s32 s2, $0x0  }
0xc7: {  	s3 =	rddreg [dreg:$0x2];
	[bflag:$0x3] =	sbarrier.arrive $0xFFFF;
	s2 =	simm.s32 @!p0 $0x1C04  }
0xc8: {  	[timem:s3], [sflag:s2] =	dma.local @!p0 [hbm:s0], s1  }
0xc9: {  	s0 =	simm.s32 @!p0 $0x4  }
0xca: {  	_ =	swait.ge @!p0 [sflag:s0], s1  }
0xcb: {  	s1 =	ssub.s32 @!p0 $0x0, s1;
	[sflag:s0] =	ssyncset.done @!p0 $0x0  }
0xcc: {  	[sflag:s0] =	ssyncadd.s32 @!p0 s1  }
0xcd: {  	[bflag:$0x3] =	sbarrier.arrive $0xFFFF  }
0xce: {  	_ =	shalt  }

// kernel: kernel.19.cloned.1.call-start
scs
__scs_entry_jumppad:
0x0: {  	(pc) =	sbr.rel $0x88, $3  }
0x1: {  	(tag) =	ssettag $0x0;
	lr =	simm.s32 $0x1  }
0x2: {  	[smem:$0x3F99] =	sst lr;
	_ =	strace $0xD0000000  }
0x3: {  	_ = 	snop  }
0x4: {  	_ = 	snop  }
0x5: {  	_ = 	snop  }
0x6: {  	_ = 	snop  }
0x7: {  	_ = 	snop  }
__scs_overlays_trampoline_lowered:
0x8: {  	[smem:$0x3FA8] =	sst s0  }
0x9: {  	[smem:$0x3FA9] =	sst s1  }
0xa: {  	[smem:$0x3FAA] =	sst s2  }
0xb: {  	[smem:$0x3FAB] =	sst s3  }
0xc: {  	[smem:$0x3FAC] =	sst s4  }
0xd: {  	[smem:$0x3FAD] =	sst s5  }
0xe: {  	[smem:$0x3FAE] =	sst s6  }
0xf: {  	[smem:$0x3FAF] =	sst s7  }
0x10: {  	[smem:$0x3FB0] =	sst s8  }
0x11: {  	[smem:$0x3FB1] =	sst s9;
	s0 =	simm.s32 @!p0 $0x0  }
0x12: {  	s1 =	sld [smem:$0x3F97];
	s0 =	simm.s32 @p0 $0x1  }
0x13: {  	[smem:$0x3FB2] =	sst s0;
	s0 =	simm.s32 @!p1 $0x0  }
0x14: {  	s2 =	sld [smem:$0x3F96];
	s0 =	simm.s32 @p1 $0x1  }
0x15: {  	[smem:$0x3FB3] =	sst s0;
	s0 =	simm.s32 @!p2 $0x0  }
0x16: {  	s3 =	sld [smem:$0x3FDB];
	s0 =	simm.s32 @p2 $0x1  }
0x17: {  	s4 =	simm.s32 $0x1BF5;
	[smem:$0x3FB5] =	sst s0  }
0x18: {  	s0 =	sld [smem:$0x3F98];
	_ =	swait.ge [sflag:s4], $0x0  }
0x19: {  	s7 =	sld [smem:$0x3F99]  }
0x1a: {  	s8 =	sadd.s32 $0xFFFFE003, lr  }
0x1b: {  	s9 =	sadd.s32 $0xFFFFFEF7, lr;
	s5 =	simm.s32 $0xFFFFFFFF;
	p2 =	slt.u32 s8, $0xFFFFF086  }
0x1c: {  	p1 =	slt.u32 s9, $0xF7A;
	s5 =	simm.s32 @!p2 $0x0  }
0x1d: {  	s5 =	simm.s32 @p1 $0x1;
	p0 =	seq.s32 s7, s2  }
0x1e: {  	s7 =	smul.u32 @!p0 $0xF7A, s2;
	p2 =	seq.s32 @!p0 s5, $0x0  }
0x1f: {  	s9 =	smul.u32 $0xF7A, s1;
	s8 =	simm.s32 @!p0 $0x1BF5;
	p2 =	por !p2, p0  }
0x20: {  	[sflag:s8] =	ssyncset.s32 @!p0 $0xFFFFF086;
	s6 =	sadd.s32 @!p0 s3, s7;
	s7 =	simm.s32 @!p0 $0x108  }
0x21: {  	s3 =	sadd.s32 s3, s9;
	s6 =	sadd.s32 @!p0 $0x88, s6;
	s7 =	simm.s32 @p2 $0x1082  }
0x22: {  	[simem:s7], [sflag:s8] =	dma.local @!p0 [hbm:s6], $0xF7A  }
0x23: {  	s9 =	sor.u32 $0xD0000000, s2;
	s6 =	simm.s32 $0x108;
	_ =	swait.ge @!p0 [sflag:s8], $0x0  }
0x24: {  	s3 =	sadd.s32 $0x88, s3;
	s6 =	simm.s32 @!p1 $0x1082;
	[sflag:s4] =	ssyncset.s32 $0xFFFFF086  }
0x25: {  	[simem:s6], [sflag:s4] =	dma.local [hbm:s3], $0xF7A  }
0x26: {  	[smem:$0x3F99] =	sst s1;
	(tag) =	ssettag s2;
	_ =	strace s9  }
0x27: {  	s1 =	sld [smem:$0x3FA9]  }
0x28: {  	s2 =	sld [smem:$0x3FAA]  }
0x29: {  	s4 =	sld [smem:$0x3FAC]  }
0x2a: {  	p0 =	seq.s32 s5, $0x0;
	s5 =	sld [smem:$0x3FAD]  }
0x2b: {  	s6 =	sld [smem:$0x3FAE]  }
0x2c: {  	s7 =	sld [smem:$0x3FAF]  }
0x2d: {  	s3 =	simm.s32 $0x108;
	s8 =	sld [smem:$0x3FB0]  }
0x2e: {  	s3 =	simm.s32 @!p0 $0x1082;
	s9 =	sld [smem:$0x3FB1]  }
0x2f: {  	lr =	sadd.s32 s0, s3;
	s0 =	sld [smem:$0x3FA8]  }
0x30: {  	s3 =	sld [smem:$0x3FAB]  }
0x31: {  	[smem:$0x3FB4] =	sst s10  }
0x32: {  	s10 =	sld [smem:$0x3FB2];
	_ =	sdelay $0x3  }
0x33: {  	p0 =	seq.s32 s10, $0x1;
	s10 =	sld [smem:$0x3FB4];
	_ =	sdelay $0x3  }
0x34: {  	[smem:$0x3FB4] =	sst s10  }
0x35: {  	s10 =	sld [smem:$0x3FB3];
	_ =	sdelay $0x3  }
0x36: {  	p1 =	seq.s32 s10, $0x1;
	s10 =	sld [smem:$0x3FB4];
	_ =	sdelay $0x3  }
0x37: {  	[smem:$0x3FB4] =	sst s10  }
0x38: {  	s10 =	sld [smem:$0x3FB5]  }
0x39: {  	_ = 	snop;
	(pc) =	sbr.ind lr, $3  }
0x3a: {  	_ = 	snop  }
0x3b: {  	_ = 	snop  }
0x3c: {  	p2 =	seq.s32 s10, $0x1;
	s10 =	sld [smem:$0x3FB4]  }
0x3d: {  	_ =	shalt  }
0x3e: {  	_ =	shalt  }
0x3f: {  	_ =	shalt  }
0x40: {  	_ =	shalt  }
0x41: {  	_ =	shalt  }
0x42: {  	_ =	shalt  }
0x43: {  	_ =	shalt  }
0x44: {  	_ =	shalt  }
0x45: {  	_ =	shalt  }
0x46: {  	_ =	shalt  }
0x47: {  	_ =	shalt  }
0x48: {  	_ =	shalt  }
0x49: {  	_ =	shalt  }
0x4a: {  	_ =	shalt  }
0x4b: {  	_ =	shalt  }
0x4c: {  	_ =	shalt  }
0x4d: {  	_ =	shalt  }
0x4e: {  	_ =	shalt  }
0x4f: {  	_ =	shalt  }
0x50: {  	_ =	shalt  }
0x51: {  	_ =	shalt  }
0x52: {  	_ =	shalt  }
0x53: {  	_ =	shalt  }
0x54: {  	_ =	shalt  }
0x55: {  	_ =	shalt  }
0x56: {  	_ =	shalt  }
0x57: {  	_ =	shalt  }
0x58: {  	_ =	shalt  }
0x59: {  	_ =	shalt  }
0x5a: {  	_ =	shalt  }
0x5b: {  	_ =	shalt  }
0x5c: {  	_ =	shalt  }
0x5d: {  	_ =	shalt  }
0x5e: {  	_ =	shalt  }
0x5f: {  	_ =	shalt  }
0x60: {  	_ =	shalt  }
0x61: {  	_ =	shalt  }
0x62: {  	_ =	shalt  }
0x63: {  	_ =	shalt  }
0x64: {  	_ =	shalt  }
0x65: {  	_ =	shalt  }
0x66: {  	_ =	shalt  }
0x67: {  	_ =	shalt  }
0x68: {  	_ =	shalt  }
0x69: {  	_ =	shalt  }
0x6a: {  	_ =	shalt  }
0x6b: {  	_ =	shalt  }
0x6c: {  	_ =	shalt  }
0x6d: {  	_ =	shalt  }
0x6e: {  	_ =	shalt  }
0x6f: {  	_ =	shalt  }
0x70: {  	_ =	shalt  }
0x71: {  	_ =	shalt  }
0x72: {  	_ =	shalt  }
0x73: {  	_ =	shalt  }
0x74: {  	_ =	shalt  }
0x75: {  	_ =	shalt  }
0x76: {  	_ =	shalt  }
0x77: {  	_ =	shalt  }
0x78: {  	_ =	shalt  }
0x79: {  	_ =	shalt  }
0x7a: {  	_ =	shalt  }
0x7b: {  	_ =	shalt  }
0x7c: {  	_ =	shalt  }
0x7d: {  	_ =	shalt  }
0x7e: {  	_ =	shalt  }
0x7f: {  	_ =	shalt  }
0x80: {  	_ =	shalt  }
0x81: {  	_ =	shalt  }
0x82: {  	_ =	shalt  }
0x83: {  	_ =	shalt  }
0x84: {  	_ =	shalt  }
0x85: {  	_ =	shalt  }
0x86: {  	_ =	shalt  }
0x87: {  	_ =	shalt  }
.Lfunc_end0:
.L_simem_size_0:
called_computation.3_lowered:
.L_overlay_start_0:
0x88: {  	s2 =	sld [smem:$0x3FD9]  }
0x89: {  	s3 =	sld [smem:$0x3FFE];
	_ =	sdelay $0x1  }
0x8a: {  	s1 =	srdreg.scid  }
0x8b: {  	s0 =	sand.u32 $0x1, s1  }
0x8c: {  	s17 =	sshll.u32 s0, $0xA;
	s2 =	sadd.s32 s3, s2  }
0x8d: {  	s2 =	sadd.s32 s2, s17  }
0x8e: {  	[smem:$0x3FC0] =	sst s2  }
0x8f: {  	_ = 	snop  }
0x90: {  	s2 =	sld [smem:$0x3FC8]  }
0x91: {  	s18 =	sld [smem:$0x3FD0];
	(tm) =	ssettm $0x1  }
0x92: {  	s4 =	sld [smem:$0x3FFB];
	_ =	sdelay $0x3  }
0x93: {  	_ =	strace s4  }
0x94: {  	s4 =	sld [smem:$0x3FFC];
	_ =	sdelay $0x3  }
0x95: {  	_ =	strace s4  }
0x96: {  	s4 =	sld [smem:$0x3FFD];
	_ =	sdelay $0x3  }
0x97: {  	_ =	strace s4  }
0x98: {  	_ =	strace $0x8FFFFFFF  }
0x99: {  	s19 =	sld [smem:$0x3FDB];
	_ =	sdelay $0x1  }
0x9a: {  	s5 =	simm.s32 $_scs_section_size  }
0x9b: {  	s6 =	simm.s32 $_size__tile_overlayer_lowered;
	s7 =	simm.s32 $_tile_overlayer_lowered  }
0x9c: {  	s22 =	simm.s32 $0x1BFF;
	s21 =	sshll.u32 s7, $0x1;
	s4 =	sadd.s32 s5, s19  }
0x9d: {  	s8 =	simm.s32 $0x0;
	s20 =	sshll.u32 s6, $0x1;
	s6 =	sadd.s32 s21, s4  }
0x9e: {  	[timem:s8], [sflag:s22] =	dma.local [hbm:s6], s20  }
0x9f: {  	_ =	swait.ge [sflag:s22], s20  }
0xa0: {  	s5 =	ssub.s32 $0x0, s20;
	[sflag:s22] =	ssyncset.done $0x0  }
0xa1: {  	[sflag:s22] =	ssyncadd.s32 s5;
	_ =	sdelay $0x1  }
0xa2: {  	s23 =	simm.s32 $0x1B8B  }
0xa3: {  	_ =	swait.ge [sflag:s23], $0x1  }
0xa4: {  	[sflag:s23] =	ssyncset.done $0x0  }
0xa5: {  	s25 =	simm.s32 $0x1B8E;
	s24 =	sld [smem:$0x3FFE];
	[sflag:s23] =	ssyncadd.s32 $0xFFFFFFFF  }
0xa6: {  	s26 =	simm.s32 $execute0_lowered;
	[smem:$0x3FD2] =	sst s25  }
0xa7: {  	s6 =	sshll.u32 s26, $0x1;
	_ =	strace $0x8000004F;
	[dreg:$0x1] =	wrdreg $0xFFFFFFFF  }
0xa8: {  	s28 =	simm.s32 $_size_execute0_lowered;
	s4 =	sadd.s32 s4, s6;
	[dreg:$0x0] =	wrdreg $0x0  }
0xa9: {  	s6 =	sshll.u32 s28, $0x1;
	[dreg:$0x2] =	wrdreg s4  }
0xaa: {  	[dreg:$0x3] =	wrdreg s6  }
0xab: {  	[dreg:$0x4] =	wrdreg $0xC0  }
0xac: {  	_ =	task [dreg:s8], $0x5FFFF  }
0xad: {  	[dreg:$0x1] =	wrdreg $0xFFFFFFFF  }
0xae: {  	[dreg:$0x0] =	wrdreg $0x60  }
0xaf: {  	[dreg:$0x2] =	wrdreg s18  }
0xb0: {  	[dreg:$0x3] =	wrdreg s2  }
0xb1: {  	[dreg:$0x4] =	wrdreg s24  }
0xb2: {  	[dreg:$0x5] =	wrdreg $0x84000  }
0xb3: {  	[dreg:$0x6] =	wrdreg $0x9  }
0xb4: {  	_ =	task.clear_ibuf [dreg:s8], $0x7FFFF;
	_ =	strace $0x9000004F  }
0xb5: {  	s29 =	simm.s32 $0x9;
	_ =	strace $0x80000051  }
0xb6: {  	_ =	swait.ge [sflag:s29], $0x1  }
0xb7: {  	[sflag:s29] =	ssyncadd.s32 $0xFFFFFFFF  }
0xb8: {  	_ =	strace $0x90000051  }
0xb9: {  	_ =	sfence  }
0xba: {  	s30 =	sld [smem:$0x0];
	_ =	sdelay $0x2  }
0xbb: {  	s31 =	sshll.u32 s1, $0xD;
	s1 =	sshrl.u32 s1, $0x2  }
0xbc: {  	s3 =	sand.u32 $0x4000, s31;
	s1 =	sadd.s32 s1, s30  }
0xbd: {  	s0 =	sor.u32 s3, s0;
	s1 =	sshll.u32 s1, $0x11  }
0xbe: {  	s0 =	sor.u32 s1, s0  }
0xbf: {  	s0 =	sadd.s32 $0x8F2B, s0  }
0xc0: {  	[sflag:s0] =	ssyncadd.remote.s32 $0x1  }
0xc1: {  	_ =	sfence.sel $0xFFFF  }
0xc2: {  	[dreg:$0x0] =	wrdreg $0xFFFFFFFF;
	(pc) =	sbr.abs _section_cstart, $3  }
0xc3: {  	[dreg:$0x1] =	wrdreg $0xFFFFFFFF  }
0xc4: {  	_ =	task.clear_ibuf [dreg:s8], $0x2FFFF;
	_ =	strace $0x9FFFFFFF  }
0xc5: {  	(tm) =	ssettm $0x7FFFFFFF  }
tec
execute0_lowered:
.L_overlay_start_1:
0x0: {  	(tag) =	ssettag $0x1  }
0x1: {  	s1 =	rddreg [dreg:$0x0]  }
0x2: {  	s0 =	rddreg [dreg:$0x1]  }
0x3: {  	s3 =	rddreg [dreg:$0x2]  }
0x4: {  	s2 =	rddreg [dreg:$0x3];
	s4 =	simm.s32 $0x0  }
0x5: {  	s5 =	srdreg.scid;
	s15 =	stileid.u32;
	s28 =	simm.s32 $0x80  }
0x6: {  	s29 =	simm.s32 $0x400;
	s31 =	simm.s32 $0x4400;
	[smem:$0x7FF] =	sst s4  }
0x7: {  	s5 =	sand.u32 $0x1, s5;
	s6 =	sshll.u32 s15, $0x1;
	s16 =	sadd.s32 $0x53A00, s3  }
0x8: {  	s17 =	sadd.s32 $0x7AC00, s3;
	s10 =	smul.u32 $0x4E000, s15;
	s12 =	sadd.s32 $0x138000, s2  }
0x9: {  	s26 =	sadd.s32 $0x27000, s1;
	s30 =	smul.u32 $0x26, s15;
	p1 =	sne.s32 s15, $0xF  }
0xa: {  	p2 =	seq.s32 s15, $0xF;
	_ =	strace $0x80000050;
	[dreg:$0xf] =	wrdreg s26  }
0xb: {  	s7 =	ssub.s32 $0x2, s5;
	s6 =	sor.u32 s5, s6;
	[dreg:$0xa] =	wrdreg s16  }
0xc: {  	s13 =	smul.u32 $0x13, s5;
	[dreg:$0xb] =	wrdreg s17;
	s26 =	simm.s32 $0x280  }
0xd: {  	s24 =	sshrl.u32 s7, $0x1;
	s8 =	smul.u32 $0x13, s6;
	s9 =	smin.u32 s6, $0x11  }
0xe: {  	p0 =	slt.u32 s6, $0x11;
	s6 =	smul.u32 $0x2700, s15;
	s10 =	sshrl.u32 s10, $0x2  }
0xf: {  	[dreg:$0x8] =	wrdreg s26;
	s26 =	simm.s32 $0x2;
	s10 =	sadd.s32 s10, s2  }
0x10: {  	s3 =	ssub.s32 s7, s24;
	[dreg:$0xc] =	wrdreg s10;
	s25 =	sadd.s32 s1, s6  }
0x11: {  	s7 =	simm.s32 $0x50;
	s24 =	sadd.s32 s16, s6;
	[dreg:$0xd] =	wrdreg s25  }
0x12: {  	s8 =	sadd.s32 s9, s8;
	s6 =	sadd.s32 s17, s6;
	[dreg:$0x14] =	wrdreg s24  }
0x13: {  	s10 =	sshll.u32 s15, $0x6;
	s3 =	smax.u32 s3, $0x1;
	[dreg:$0x15] =	wrdreg s6  }
0x14: {  	s7 =	simm.s32 @!p0 $0x4C;
	s11 =	sor.u32 $0x1C03, s10;
	[dreg:$0x16] =	wrdreg s3  }
0x15: {  	p0 =	seq.s32 s5, $0x1;
	s19 =	sadd.s32 $0xFFFFFFFE, s7;
	[dreg:$0xe] =	wrdreg s11  }
0x16: {  	s8 =	sshll.u32 s8, $0x7;
	s21 =	sshrl.u32 s7, $0x2;
	[dreg:$0x5] =	wrdreg s19  }
0x17: {  	s22 =	sadd.s32 $0xFFFFFFFD, s7;
	s25 =	simm.s32 $0x180;
	[dreg:$0x13] =	wrdreg s21  }
0x18: {  	s3 =	simm.s32 $0x3;
	s6 =	simm.s32 $0x4;
	[dreg:$0x7] =	wrdreg s22  }
0x19: {  	s14 =	sadd.s32 s0, s8;
	s8 =	sadd.s32 s13, s30;
	[dreg:$0x6] =	wrdreg s25  }
0x1a: {  	s30 =	simm.s32 $0x380;
	s25 =	simm.s32 $0x100;
	s19 =	simm.s32 $0x0  }
.Ltmp0:
0x1b: {  	s18 =	sadd.s32 $0x20, s14;
	[dreg:$0x9] =	wrdreg s30;
	(pc) =	sbr.rel .LBB2_1-.Ltmp0, $4  }
0x1c: {  	s20 =	sadd.s32 $0x60, s14;
	s23 =	sadd.s32 s9, s8;
	[dreg:$0x10] =	wrdreg s18  }
0x1d: {  	s18 =	sadd.s32 $0x40, s14;
	[dreg:$0x12] =	wrdreg s20;
	s5 =	sshll.u32 s23, $0x7  }
0x1e: {  	[dreg:$0x11] =	wrdreg s18;
	s0 =	sadd.s32 s5, s0;
	s5 =	simm.s32 $0x1  }
0x1f: {  	s11 =	sadd.s32 $0x80, s0;
	s23 =	sadd.s32 $0xA0, s0;
	s24 =	sadd.s32 $0xC0, s0  }
.LBB2_6:
0x20: {  	s8 =	sadd.s32 $0x27000, s8;
	s9 =	sshrl.u32 s12, $0x3  }
0x21: {  	[hbm:s8], [sflag:s0] =	dma.local [spmem:s9], $0x100  }
0x22: {  	_ =	swait.ge [sflag:s6], $0x100  }
0x23: {  	[sflag:s6] =	ssyncset.done $0x0  }
0x24: {  	[sflag:s6] =	ssyncadd.s32 $0xFFFFFF00  }
.LBB2_7:
0x25: {  	s19 =	sadd.s32 $0x1, s19;
	s0 =	rddreg [dreg:$0x16]  }
0x26: {  	p3 =	sne.s32 s19, s0  }
.Ltmp1:
0x27: {  	_ = 	snop;
	(pc) =	sbr.rel @!p3 .LBB2_8-.Ltmp1, $1  }
0x28: {  	_ =	sdelay $0x3  }
.LBB2_1:
0x29: {  	s0 =	rddreg [dreg:$0xc]  }
0x2a: {  	s17 =	rddreg [dreg:$0xd]  }
0x2b: {  	s8 =	rddreg [dreg:$0xe];
	s20 =	sshrl.u32 s0, $0x3  }
0x2c: {  	[spmem:s20], [sflag:s8] =	dma.local [hbm:s17], $0x2700  }
0x2d: {  	s0 =	sshrl.u32 @!p1 s12, $0x3;
	s8 =	simm.s32 @!p1 $0x1FC4;
	s9 =	rddreg [dreg:$0xf]  }
0x2e: {  	[spmem:s0], [sflag:s8] =	dma.local @!p1 [hbm:s9], $0x100  }
0x2f: {  	s0 =	simm.s32 @!p1 $0x4  }
0x30: {  	_ =	swait.ge @!p1 [sflag:s0], $0x100  }
0x31: {  	[sflag:s0] =	ssyncset.done @!p1 $0x0  }
0x32: {  	[sflag:s0] =	ssyncadd.s32 @!p1 $0xFFFFFF00  }
0x33: {  	[tilespmem:s4], [sflag:$0x2] =	stream.linear.gather [hbm4b:s14+s4], $0x100, $0x38;
	[tilespmem:$0x1C400] =	vst v63  }
0x34: {  	s18 =	rddreg [dreg:$0x10]  }
0x35: {  	[tilespmem:s25], [sflag:$0x2] =	stream.linear.gather [hbm4b:s18+s4], $0x100, $0x38;
	[tilespmem:$0x1C400] =	vst v63  }
0x36: {  	_ =	swait.ge [sflag:s26], $0x100  }
0x37: {  	[sflag:s26] =	ssyncset.done $0x0  }
0x38: {  	[sflag:s26] =	ssyncadd.s32 $0xFFFFFF00  }
0x39: {  	[tilespmem:s29], [sflag:$0x1] =	stream.indirect.gather [hbm4b:s1+s28], $0x80, s4, s28, $0xb8;
	[tilespmem:$0x1C400] =	vst v63  }
0x3a: {  	s22 =	simm.s32 $0x200;
	s21 =	rddreg [dreg:$0x11]  }
0x3b: {  	[tilespmem:s22], [sflag:$0x2] =	stream.linear.gather [hbm4b:s21+s4], $0x100, $0x38;
	[tilespmem:$0x1C400] =	vst v63  }
0x3c: {  	_ =	swait.ge [sflag:s26], $0x100  }
0x3d: {  	[sflag:s26] =	ssyncset.done $0x0  }
0x3e: {  	[sflag:s26] =	ssyncadd.s32 $0xFFFFFF00  }
0x3f: {  	[tilespmem:s31], [sflag:$0x1] =	stream.indirect.gather [hbm4b:s1+s28], $0x80, s25, s28, $0xb8;
	[tilespmem:$0x1C400] =	vst v63  }
0x40: {  	s13 =	simm.s32 $0x300;
	s9 =	rddreg [dreg:$0x12]  }
0x41: {  	[tilespmem:s13], [sflag:$0x2] =	stream.linear.gather [hbm4b:s9+s4], $0x100, $0x38;
	[tilespmem:$0x1C400] =	vst v63  }
0x42: {  	_ =	swait.ge [sflag:s3], $0x2700  }
0x43: {  	[sflag:s3] =	ssyncset.done $0x0  }
0x44: {  	[sflag:s3] =	ssyncadd.s32 $0xFFFFD900  }
0x45: {  	[bflag:$0x0] =	sbarrier.arrive $0xFFFF  }
0x46: {  	_ =	swait.ge [sflag:s5], $0x4000  }
0x47: {  	[sflag:s5] =	ssyncset.done $0x0  }
0x48: {  	[sflag:s5] =	ssyncadd.s32 $0xFFFFC000  }
0x49: {  	[spmem:s2] =	stream.indirect.scatter.add.f32 [tilespmem:s29], [sflag:$0x4], $0x80, s28, s28, $0xb8;
	[tilespmem:$0x1C400] =	vst v63  }
0x4a: {  	_ =	swait.ge [sflag:s6], $0x4000  }
0x4b: {  	p4 =	sle.u32 s7, $0x4;
	[sflag:s6] =	ssyncset.done $0x0;
	s15 =	rddreg [dreg:$0x5]  }
0x4c: {  	s8 =	simm.s32 @!p4 $0x0;
	[sflag:s6] =	ssyncadd.s32 $0xFFFFC000;
	p3 =	sle.u32 s15, $0x0  }
0x4d: {  	[tilespmem:s8], [sflag:$0x2] =	stream.linear.gather @!p4 [hbm4b:s11+s8], $0x100, $0x38;
	[tilespmem:$0x1C400] =	vst v63  }
0x4e: {  	s0 =	simm.s32 @!p3 $0x2  }
0x4f: {  	_ =	swait.ge @!p3 [sflag:s0], $0x100  }
0x50: {  	s9 =	simm.s32 @!p3 $0x400;
	[sflag:s0] =	ssyncset.done @!p3 $0x0  }
0x51: {  	s13 =	simm.s32 @!p3 $0x200;
	[sflag:s0] =	ssyncadd.s32 @!p3 $0xFFFFFF00;
	s0 =	simm.s32 @!p3 $0x80  }
0x52: {  	[tilespmem:s9], [sflag:$0x1] =	stream.indirect.gather @!p3 [hbm4b:s1+s0], $0x80, s13, s0, $0xb8;
	[tilespmem:$0x1C400] =	vst v63  }
0x53: {  	_ =	swait.ge [sflag:s5], $0x4000  }
0x54: {  	[sflag:s5] =	ssyncset.done $0x0  }
0x55: {  	s16 =	rddreg [dreg:$0x6];
	[sflag:s5] =	ssyncadd.s32 $0xFFFFC000  }
0x56: {  	[spmem:s2] =	stream.indirect.scatter.add.f32 [tilespmem:s31], [sflag:$0x4], $0x80, s16, s28, $0xb8;
	[tilespmem:$0x1C400] =	vst v63  }
0x57: {  	p3 =	sle.u32 s7, $0x5;
	_ =	swait.ge [sflag:s6], $0x4000  }
0x58: {  	s9 =	simm.s32 @!p3 $0x0;
	[sflag:s6] =	ssyncset.done $0x0;
	s17 =	rddreg [dreg:$0x7]  }
0x59: {  	s13 =	simm.s32 @!p3 $0x100;
	[sflag:s6] =	ssyncadd.s32 $0xFFFFC000;
	p5 =	sle.u32 s17, $0x0  }
0x5a: {  	[tilespmem:s13], [sflag:$0x2] =	stream.linear.gather @!p3 [hbm4b:s23+s9], $0x100, $0x38;
	[tilespmem:$0x1C400] =	vst v63  }
0x5b: {  	s0 =	simm.s32 @!p5 $0x2  }
0x5c: {  	_ =	swait.ge @!p5 [sflag:s0], $0x100  }
0x5d: {  	s9 =	simm.s32 @!p5 $0x4400;
	[sflag:s0] =	ssyncset.done @!p5 $0x0  }
0x5e: {  	s15 =	simm.s32 @!p5 $0x300;
	[sflag:s0] =	ssyncadd.s32 @!p5 $0xFFFFFF00;
	s0 =	simm.s32 @!p5 $0x80  }
0x5f: {  	[tilespmem:s9], [sflag:$0x1] =	stream.indirect.gather @!p5 [hbm4b:s1+s0], $0x80, s15, s0, $0xb8;
	[tilespmem:$0x1C400] =	vst v63  }
0x60: {  	_ =	swait.ge [sflag:s5], $0x4000  }
0x61: {  	[sflag:s5] =	ssyncset.done $0x0  }
0x62: {  	s18 =	rddreg [dreg:$0x8];
	[sflag:s5] =	ssyncadd.s32 $0xFFFFC000  }
0x63: {  	[spmem:s2] =	stream.indirect.scatter.add.f32 [tilespmem:s29], [sflag:$0x4], $0x80, s18, s28, $0xb8;
	[tilespmem:$0x1C400] =	vst v63  }
0x64: {  	_ =	swait.ge [sflag:s6], $0x4000  }
0x65: {  	p5 =	sle.u32 s7, $0x6;
	s0 =	simm.s32 @!p4 $0x2;
	[sflag:s6] =	ssyncset.done $0x0  }
0x66: {  	s9 =	simm.s32 @!p5 $0x0;
	s15 =	simm.s32 @!p5 $0x200;
	[sflag:s6] =	ssyncadd.s32 $0xFFFFC000  }
0x67: {  	[tilespmem:s15], [sflag:$0x2] =	stream.linear.gather @!p5 [hbm4b:s24+s9], $0x100, $0x38;
	[tilespmem:$0x1C400] =	vst v63  }
0x68: {  	_ =	swait.ge @!p4 [sflag:s0], $0x100  }
0x69: {  	[sflag:s0] =	ssyncset.done @!p4 $0x0  }
0x6a: {  	s9 =	simm.s32 @!p4 $0x400;
	[sflag:s0] =	ssyncadd.s32 @!p4 $0xFFFFFF00;
	s0 =	simm.s32 @!p4 $0x80  }
0x6b: {  	[tilespmem:s9], [sflag:$0x1] =	stream.indirect.gather @!p4 [hbm4b:s1+s0], $0x80, s8, s0, $0xb8;
	[tilespmem:$0x1C400] =	vst v63  }
0x6c: {  	s17 =	simm.s32 @!p3 $0x4400;
	p5 =	sle.u32 s7, $0x7;
	_ =	swait.ge [sflag:s5], $0x4000  }
0x6d: {  	s15 =	simm.s32 @!p3 $0x2;
	[sflag:s5] =	ssyncset.done $0x0;
	s22 =	rddreg [dreg:$0x13]  }
0x6e: {  	s21 =	rddreg [dreg:$0x9];
	[sflag:s5] =	ssyncadd.s32 $0xFFFFC000;
	s30 =	sadd.s32 $0xFFFFFFFF, s22  }
0x6f: {  	[spmem:s2] =	stream.indirect.scatter.add.f32 [tilespmem:s31], [sflag:$0x4], $0x80, s21, s28, $0xb8;
	[tilespmem:$0x1C400] =	vst v63  }
0x70: {  	s16 =	simm.s32 @!p5 $0x0;
	p4 =	sne.s32 s30, $0x0;
	_ =	swait.ge [sflag:s6], $0x4000  }
.Ltmp2:
0x71: {  	s0 =	simm.s32 $0x4;
	[sflag:s6] =	ssyncset.done $0x0;
	(pc) =	sbr.rel @!p4 .LBB2_3-.Ltmp2, $4  }
0x72: {  	s8 =	simm.s32 @!p5 $0x300;
	s9 =	sadd.s32 @!p5 $0x40, s23;
	[sflag:s6] =	ssyncadd.s32 $0xFFFFC000  }
0x73: {  	[tilespmem:s8], [sflag:$0x2] =	stream.linear.gather @!p5 [hbm4b:s9+s16], $0x100, $0x38;
	[tilespmem:$0x1C400] =	vst v63  }
0x74: {  	s22 =	smov.u32 s11;
	s8 =	sadd.s32 $0x80, s23;
	_ =	swait.ge @!p3 [sflag:s15], $0x100  }
0x75: {  	s9 =	sadd.s32 $0x80, s24;
	s16 =	simm.s32 @!p3 $0x80;
	[sflag:s15] =	ssyncset.done @!p3 $0x0  }
.LBB2_2:
0x76: {  	[sflag:s15] =	ssyncadd.s32 @!p3 $0xFFFFFF00  }
0x77: {  	[tilespmem:s17], [sflag:$0x1] =	stream.indirect.gather @!p3 [hbm4b:s1+s16], $0x80, s13, s16, $0xb8;
	[tilespmem:$0x1C400] =	vst v63  }
0x78: {  	_ =	swait.ge [sflag:s5], $0x4000  }
0x79: {  	[sflag:s5] =	ssyncset.done $0x0  }
0x7a: {  	s22 =	sadd.s32 $0x80, s22;
	[sflag:s5] =	ssyncadd.s32 $0xFFFFC000  }
0x7b: {  	[spmem:s2] =	stream.indirect.scatter.add.f32 [tilespmem:s29], [sflag:$0x4], $0x80, s28, s28, $0xb8;
	[tilespmem:$0x1C400] =	vst v63  }
0x7c: {  	s15 =	smov.u32 s0;
	s0 =	sadd.s32 $0x4, s0;
	_ =	swait.ge [sflag:s6], $0x4000  }
0x7d: {  	p5 =	sge.u32 s0, s7;
	[sflag:s6] =	ssyncset.done $0x0;
	s21 =	rddreg [dreg:$0x5]  }
0x7e: {  	s16 =	simm.s32 @!p5 $0x0;
	[sflag:s6] =	ssyncadd.s32 $0xFFFFC000;
	p3 =	sge.u32 s15, s21  }
0x7f: {  	[tilespmem:s16], [sflag:$0x2] =	stream.linear.gather @!p5 [hbm4b:s22+s16], $0x100, $0x38;
	[tilespmem:$0x1C400] =	vst v63  }
0x80: {  	s13 =	simm.s32 @!p3 $0x2  }
0x81: {  	_ =	swait.ge @!p3 [sflag:s13], $0x100  }
0x82: {  	s17 =	simm.s32 @!p3 $0x400;
	[sflag:s13] =	ssyncset.done @!p3 $0x0  }
0x83: {  	s18 =	simm.s32 @!p3 $0x200;
	[sflag:s13] =	ssyncadd.s32 @!p3 $0xFFFFFF00;
	s13 =	simm.s32 @!p3 $0x80  }
0x84: {  	[tilespmem:s17], [sflag:$0x1] =	stream.indirect.gather @!p3 [hbm4b:s1+s13], $0x80, s18, s13, $0xb8;
	[tilespmem:$0x1C400] =	vst v63  }
0x85: {  	_ =	swait.ge [sflag:s5], $0x4000  }
0x86: {  	[sflag:s5] =	ssyncset.done $0x0  }
0x87: {  	s18 =	sadd.s32 $0x5, s15;
	s17 =	rddreg [dreg:$0x6];
	[sflag:s5] =	ssyncadd.s32 $0xFFFFC000  }
0x88: {  	[spmem:s2] =	stream.indirect.scatter.add.f32 [tilespmem:s31], [sflag:$0x4], $0x80, s17, s28, $0xb8;
	[tilespmem:$0x1C400] =	vst v63  }
0x89: {  	p3 =	sge.u32 s18, s7;
	_ =	swait.ge [sflag:s6], $0x4000  }
0x8a: {  	s18 =	simm.s32 @!p3 $0x0;
	[sflag:s6] =	ssyncset.done $0x0;
	s21 =	rddreg [dreg:$0x7]  }
0x8b: {  	s13 =	simm.s32 @!p3 $0x100;
	[sflag:s6] =	ssyncadd.s32 $0xFFFFC000;
	p6 =	sge.u32 s15, s21  }
0x8c: {  	[tilespmem:s13], [sflag:$0x2] =	stream.linear.gather @!p3 [hbm4b:s8+s18], $0x100, $0x38;
	[tilespmem:$0x1C400] =	vst v63  }
0x8d: {  	s17 =	simm.s32 @!p6 $0x2  }
0x8e: {  	_ =	swait.ge @!p6 [sflag:s17], $0x100  }
0x8f: {  	s18 =	simm.s32 @!p6 $0x4400;
	[sflag:s17] =	ssyncset.done @!p6 $0x0  }
0x90: {  	s21 =	simm.s32 @!p6 $0x300;
	[sflag:s17] =	ssyncadd.s32 @!p6 $0xFFFFFF00;
	s17 =	simm.s32 @!p6 $0x80  }
0x91: {  	[tilespmem:s18], [sflag:$0x1] =	stream.indirect.gather @!p6 [hbm4b:s1+s17], $0x80, s21, s17, $0xb8;
	[tilespmem:$0x1C400] =	vst v63  }
0x92: {  	_ =	swait.ge [sflag:s5], $0x4000  }
0x93: {  	[sflag:s5] =	ssyncset.done $0x0  }
0x94: {  	s21 =	rddreg [dreg:$0x8];
	[sflag:s5] =	ssyncadd.s32 $0xFFFFC000  }
0x95: {  	[spmem:s2] =	stream.indirect.scatter.add.f32 [tilespmem:s29], [sflag:$0x4], $0x80, s21, s28, $0xb8;
	[tilespmem:$0x1C400] =	vst v63  }
0x96: {  	s18 =	sadd.s32 $0x6, s15;
	_ =	swait.ge [sflag:s6], $0x4000  }
0x97: {  	s17 =	simm.s32 @!p5 $0x2;
	p6 =	sge.u32 s18, s7;
	[sflag:s6] =	ssyncset.done $0x0  }
0x98: {  	s18 =	simm.s32 @!p6 $0x0;
	s21 =	simm.s32 @!p6 $0x200;
	[sflag:s6] =	ssyncadd.s32 $0xFFFFC000  }
0x99: {  	[tilespmem:s21], [sflag:$0x2] =	stream.linear.gather @!p6 [hbm4b:s9+s18], $0x100, $0x38;
	[tilespmem:$0x1C400] =	vst v63  }
0x9a: {  	_ =	swait.ge @!p5 [sflag:s17], $0x100  }
0x9b: {  	[sflag:s17] =	ssyncset.done @!p5 $0x0  }
0x9c: {  	s18 =	simm.s32 @!p5 $0x400;
	[sflag:s17] =	ssyncadd.s32 @!p5 $0xFFFFFF00;
	s17 =	simm.s32 @!p5 $0x80  }
0x9d: {  	[tilespmem:s18], [sflag:$0x1] =	stream.indirect.gather @!p5 [hbm4b:s1+s17], $0x80, s16, s17, $0xb8;
	[tilespmem:$0x1C400] =	vst v63  }
0x9e: {  	s30 =	sadd.s32 $0xFFFFFFFF, s30;
	_ =	swait.ge [sflag:s5], $0x4000  }
0x9f: {  	p4 =	sne.s32 s30, $0x0;
	[sflag:s5] =	ssyncset.done $0x0  }
0xa0: {  	s15 =	sadd.s32 $0x7, s15;
	s21 =	rddreg [dreg:$0x9];
	[sflag:s5] =	ssyncadd.s32 $0xFFFFC000  }
0xa1: {  	[spmem:s2] =	stream.indirect.scatter.add.f32 [tilespmem:s31], [sflag:$0x4], $0x80, s21, s28, $0xb8;
	[tilespmem:$0x1C400] =	vst v63  }
0xa2: {  	p5 =	sge.u32 s15, s7;
	s15 =	simm.s32 @!p3 $0x2;
	_ =	swait.ge [sflag:s6], $0x4000  }
.Ltmp3:
0xa3: {  	s16 =	simm.s32 @!p5 $0x300;
	[sflag:s6] =	ssyncset.done $0x0;
	(pc) =	sbr.rel @p4 .LBB2_2-.Ltmp3, $4  }
0xa4: {  	s17 =	sadd.s32 @!p5 $0x40, s8;
	s18 =	simm.s32 @!p5 $0x0;
	[sflag:s6] =	ssyncadd.s32 $0xFFFFC000  }
0xa5: {  	[tilespmem:s16], [sflag:$0x2] =	stream.linear.gather @!p5 [hbm4b:s17+s18], $0x100, $0x38;
	[tilespmem:$0x1C400] =	vst v63  }
0xa6: {  	s9 =	sadd.s32 $0x80, s9;
	s8 =	sadd.s32 $0x80, s8;
	_ =	swait.ge @!p3 [sflag:s15], $0x100  }
0xa7: {  	s16 =	simm.s32 @!p3 $0x80;
	s17 =	simm.s32 @!p3 $0x4400;
	[sflag:s15] =	ssyncset.done @!p3 $0x0  }
.LBB2_3:
.Ltmp4:
0xa8: {  	(pc) =	sbr.rel @!p0 .LBB2_4-.Ltmp4, $4  }
0xa9: {  	[sflag:s15] =	ssyncadd.s32 @!p3 $0xFFFFFF00  }
0xaa: {  	[tilespmem:s17], [sflag:$0x1] =	stream.indirect.gather @!p3 [hbm4b:s1+s16], $0x80, s13, s16, $0xb8;
	[tilespmem:$0x1C400] =	vst v63  }
0xab: {  	[bflag:$0x0] =	sbarrier.arrive $0xFFFF  }
0xac: {  	s0 =	sor.u32 $0x1C04, s10  }
0xad: {  	s0 =	sor.u32 $0x1C04, s10;
	s8 =	rddreg [dreg:$0x15]  }
0xae: {  	[hbm:s8], [sflag:s0] =	dma.local [spmem:s20], $0x2700  }
.Ltmp5:
0xaf: {  	_ = 	snop;
	(pc) =	sbr.rel @p1 .LBB2_7-.Ltmp5, $4  }
.Ltmp6:
0xb0: {  	_ = 	snop;
	(pc) =	sbr.rel @!p1 .LBB2_6-.Ltmp6, $4  }
0xb1: {  	_ =	swait.ge [sflag:s6], $0x2700  }
0xb2: {  	[sflag:s6] =	ssyncset.done $0x0  }
0xb3: {  	s8 =	rddreg [dreg:$0xb];
	[sflag:s6] =	ssyncadd.s32 $0xFFFFD900  }
0xb4: {  	_ = 	snop  }
.LBB2_4:
0xb5: {  	s8 =	rddreg [dreg:$0x14]  }
0xb6: {  	[hbm:s8], [sflag:s0] =	dma.local [spmem:s20], $0x2700  }
.Ltmp7:
0xb7: {  	_ = 	snop;
	(pc) =	sbr.rel @p2 .LBB2_6-.Ltmp7, $4  }
.Ltmp8:
0xb8: {  	_ = 	snop;
	(pc) =	sbr.rel @!p2 .LBB2_7-.Ltmp8, $4  }
0xb9: {  	_ =	swait.ge [sflag:s6], $0x2700  }
0xba: {  	[sflag:s6] =	ssyncset.done $0x0  }
0xbb: {  	s8 =	rddreg [dreg:$0xa];
	[sflag:s6] =	ssyncadd.s32 $0xFFFFD900  }
0xbc: {  	_ = 	snop  }
.LBB2_8:
0xbd: {  	_ =	sfence.sel $0x180000  }
0xbe: {  	[bflag:$0x0] =	sbarrier.arrive $0xFFFF  }
0xbf: {  	_ =	strace $0x90000050  }
0xc0: {  	s0 =	stileid.u32;
	[bflag:$0x2] =	sbarrier.arrive $0xFFFF  }
0xc1: {  	p0 =	sne.s32 s0, $0x0;
	s0 =	rddreg [dreg:$0x4]  }
0xc2: {  	s0 =	sadd.s32 @!p0 $0x100000, s0  }
0xc3: {  	[sflag:s0] =	ssyncadd.tile.s32 @!p0 $0x1;
	_ =	shalt  }
.Lfunc_end2:
_tile_overlayer_lowered:
.L_overlay_start_2:
0xc4: {  	(tag) =	ssettag $0x2  }
0xc5: {  	s0 =	rddreg [dreg:$0x0];
	s2 =	stileid.u32  }
0xc6: {  	s1 =	rddreg [dreg:$0x1];
	p0 =	sne.s32 s2, $0x0  }
0xc7: {  	s3 =	rddreg [dreg:$0x2];
	[bflag:$0x3] =	sbarrier.arrive $0xFFFF;
	s2 =	simm.s32 @!p0 $0x1C04  }
0xc8: {  	[timem:s3], [sflag:s2] =	dma.local @!p0 [hbm:s0], s1  }
0xc9: {  	s0 =	simm.s32 @!p0 $0x4  }
0xca: {  	_ =	swait.ge @!p0 [sflag:s0], s1  }
0xcb: {  	s1 =	ssub.s32 @!p0 $0x0, s1;
	[sflag:s0] =	ssyncset.done @!p0 $0x0  }
0xcc: {  	[sflag:s0] =	ssyncadd.s32 @!p0 s1  }
0xcd: {  	[bflag:$0x3] =	sbarrier.arrive $0xFFFF  }
0xce: {  	_ =	shalt  }

</sc_bundles>
